<compile_context>
chip_gen: v7x
topology: tpu7x:2x2x1
jax: 0.10.2.dev20260603
libtpu: 0.0.44.dev20260713+nightly
codegen_flags: <defaults>
</compile_context>

<pallas_src>
import functools

import jax
import jax.numpy as jnp
from jax import lax
from jax.experimental import pallas as pl
from jax.experimental.pallas import tpu as pltpu
from jax.experimental.pallas import tpu_sc as plsc

C, H, W = 192, 384, 384
L = 16
NCHUNK = W // L
RBLK = 64
NBLK = H // RBLK
NWORK = 32



def _sc_body(cs, x_hbm, out_hbm, in0, in1, out0, out1, si0, si1, so0, so1):
    cpw = cs // NWORK
    nt = cpw * NBLK
    wid = lax.axis_index("s") * 2 + lax.axis_index("c")
    neg = jnp.full((L,), -jnp.inf, jnp.float32)
    idx15 = jnp.full((L,), L - 1, jnp.int32)

    def task_slice(t):
        ch = wid * cpw + t // NBLK
        row0 = ((NBLK - 1) - (t % NBLK)) * RBLK
        return ch, row0

    def start_in(t, buf, sem):
        ch, row0 = task_slice(t)
        pltpu.async_copy(x_hbm.at[ch, pl.ds(row0, RBLK), :], buf, sem)

    def wait_in(buf, sem):
        pltpu.make_async_copy(x_hbm.at[0, pl.ds(0, RBLK), :], buf, sem).wait()

    def start_out(t, buf, sem):
        ch, row0 = task_slice(t)
        pltpu.async_copy(buf, out_hbm.at[ch, pl.ds(row0, RBLK), :], sem)

    def wait_out(buf, sem):
        pltpu.make_async_copy(buf, out_hbm.at[0, pl.ds(0, RBLK), :], sem).wait()

    def splat15(v):
        return lax.gather(
            v,
            idx15[:, None],
            lax.GatherDimensionNumbers(
                offset_dims=(),
                collapsed_slice_dims=(0,),
                start_index_map=(0,),
            ),
            slice_sizes=(1,),
            mode=lax.GatherScatterMode.PROMISE_IN_BOUNDS,
        )

    def compute(t, in_v, out_v, colmax):
        fresh = (t % NBLK) == 0
        colmax = tuple(jnp.where(fresh, neg, cm) for cm in colmax)

        def row_body(i, colmax):
            r = RBLK - 1 - i
            new_cm = []
            carry = neg
            for c in range(NCHUNK - 1, -1, -1):
                y = in_v[r, pl.ds(c * L, L)]
                p = plsc.cummax(jnp.flip(y, 0))
                left = jnp.maximum(jnp.flip(p, 0), carry)
                carry = jnp.maximum(carry, splat15(p))
                cm = jnp.maximum(colmax[c], y)
                new_cm.append(cm)
                out_v[r, pl.ds(c * L, L)] = left + cm
            new_cm.reverse()
            return tuple(new_cm)

        return plsc.parallel_loop(0, RBLK, unroll=2, carry=colmax)(row_body)

    start_in(0, in0, si0)

    def pair_body(s, colmax):
        t0 = 2 * s
        t1 = t0 + 1
        start_in(t1, in1, si1)
        wait_in(in0, si0)

        @pl.when(s > 0)
        def _():
            wait_out(out0, so0)

        colmax = compute(t0, in0, out0, colmax)
        start_out(t0, out0, so0)

        @pl.when(t1 + 1 < nt)
        def _():
            start_in(t1 + 1, in0, si0)

        wait_in(in1, si1)

        @pl.when(s > 0)
        def _():
            wait_out(out1, so1)

        colmax = compute(t1, in1, out1, colmax)
        start_out(t1, out1, so1)
        return colmax

    lax.fori_loop(0, nt // 2, pair_body, (neg,) * NCHUNK)
    wait_out(out0, so0)
    wait_out(out1, so1)


@functools.cache
def _make_sc_kernel(cs):
    @functools.partial(
        pl.kernel,
        out_type=jax.ShapeDtypeStruct((cs, H, W), jnp.float32),
        mesh=plsc.VectorSubcoreMesh(core_axis_name="c", subcore_axis_name="s"),
        scratch_types=[
            pltpu.VMEM((RBLK, W), jnp.float32),
            pltpu.VMEM((RBLK, W), jnp.float32),
            pltpu.VMEM((RBLK, W), jnp.float32),
            pltpu.VMEM((RBLK, W), jnp.float32),
            pltpu.SemaphoreType.DMA,
            pltpu.SemaphoreType.DMA,
            pltpu.SemaphoreType.DMA,
            pltpu.SemaphoreType.DMA,
        ],
        compiler_params=pltpu.CompilerParams(
            use_tc_tiling_on_sc=True, needs_layout_passes=False
        ),
    )
    def sc_kernel(x_hbm, out_hbm, in0, in1, out0, out1, si0, si1, so0, so1):
        _sc_body(cs, x_hbm, out_hbm, in0, in1, out0, out1, si0, si1, so0, so1)

    return sc_kernel



TCB = 8


def _tc_block(x_ref, o_ref):
    v = x_ref[...]
    neg = -jnp.inf

    parts = []
    carry = None
    for g in range(W // 128 - 1, -1, -1):
        s = v[:, :, 128 * g:128 * (g + 1)]
        for d in (1, 2, 4, 8, 16, 32, 64):
            pad = jnp.full((TCB, H, d), neg, jnp.float32)
            s = jnp.maximum(s, jnp.concatenate([s[:, :, d:], pad], axis=2))
        if carry is not None:
            s = jnp.maximum(s, carry)
        carry = s[:, :, 0:1]
        parts.append(s)
    parts.reverse()
    left = jnp.concatenate(parts, axis=2)

    carry = None
    for k in range(H // 8 - 1, -1, -1):
        s = v[:, 8 * k:8 * k + 8, :]
        for d in (1, 2, 4):
            pad = jnp.full((TCB, d, W), neg, jnp.float32)
            s = jnp.maximum(s, jnp.concatenate([s[:, d:, :], pad], axis=1))
        if carry is not None:
            s = jnp.maximum(s, carry)
        carry = s[:, 0:1, :]
        o_ref[:, 8 * k:8 * k + 8, :] = s + left[:, 8 * k:8 * k + 8, :]


def _tc_kernel(x, c0):
    ct = x.shape[0] - c0
    return pl.pallas_call(
        _tc_block,
        out_shape=jax.ShapeDtypeStruct(x.shape, x.dtype),
        grid=(ct // TCB,),
        in_specs=[pl.BlockSpec((TCB, H, W), lambda i: (i + c0 // TCB, 0, 0))],
        out_specs=pl.BlockSpec((TCB, H, W), lambda i: (i + c0 // TCB, 0, 0)),
    )(x)



CS = 64


def kernel(x):
    if CS == 0:
        return _tc_kernel(x, 0)
    sc = _make_sc_kernel(CS)(x)
    if CS == C:
        return sc
    tc = _tc_kernel(x, CS)
    return lax.dynamic_update_slice(tc, sc, (0, 0, 0))

# --- scband reference (transcript-rebuilt; emitter-appended) ---
"""Pipeline reference for scband-top-left-corner-66623532695931 (READ-ONLY COPY).

The authoritative reference and input builder live on the scoring server;
editing this copy changes nothing except your own understanding.
"""

import jax, jax.numpy as jnp
import numpy as np


def setup_inputs(seed: int = 0) -> dict:
    key = jax.random.key(seed)
    x = jax.random.normal(key, (192, 384, 384), dtype=jnp.float32)
    return {"x": x}


def _reverse_cummax(x, axis):
    xm = jnp.moveaxis(x, axis, 0)

    def step(carry, v):
        c = jnp.maximum(carry, v)
        return c, c

    init = jnp.full(xm.shape[1:], -jnp.inf, dtype=x.dtype)
    _, ys = jax.lax.scan(step, init, xm, reverse=True)
    return jnp.moveaxis(ys, 0, axis)


def reference(x):
    # CornerNet-style top-left corner pooling.
    # left pool: propagate max from right to left along W (axis 2),
    #   i.e. x[i, j, k-1] = max(x[i, j, k-1], x[i, j, k], ..., x[i, j, W-1])
    #   == reverse cumulative max along axis 2.
    # top pool: propagate max from bottom to top along H (axis 1)
    #   == reverse cumulative max along axis 1.
    top = _reverse_cummax(x, axis=1)
    left = _reverse_cummax(x, axis=2)
    return top + left

if __name__ == "__main__":
    import jax
    _d = setup_inputs()
    print(jax.jit(kernel)(*tuple(_d.values())))

</pallas_src>

<mosaic_0001>
#map = affine_map<(d0, d1) -> (0, 0, 0)>
module attributes {stable_mosaic.version = 14 : i64} {
  func.func @sc_kernel(%arg0: i32, %arg1: i32, %arg2: memref<192x384x384xf32, #tpu.memory_space<hbm>>, %arg3: memref<64x384x384xf32, #tpu.memory_space<hbm>>, %arg4: memref<64x384xf32, #tpu.memory_space<vmem>>, %arg5: memref<64x384xf32, #tpu.memory_space<vmem>>, %arg6: memref<64x384xf32, #tpu.memory_space<vmem>>, %arg7: memref<64x384xf32, #tpu.memory_space<vmem>>, %arg8: memref<!tpu.dma_semaphore, #tpu.memory_space<semaphore_mem>>, %arg9: memref<!tpu.dma_semaphore, #tpu.memory_space<semaphore_mem>>, %arg10: memref<!tpu.dma_semaphore, #tpu.memory_space<semaphore_mem>>, %arg11: memref<!tpu.dma_semaphore, #tpu.memory_space<semaphore_mem>>) attributes {dimension_semantics = [#tpu.dimension_semantics<core_parallel>, #tpu.dimension_semantics<subcore_parallel>], iteration_bounds = array<i64: 2, 16>, scalar_prefetch = 0 : i64, scratch_operands = 8 : i64, tpu.core_type = #tpu.core_type<sc_vector_subcore>, window_params = [{transform_indices = #map}, {transform_indices = #map}]} {
    %mul3A = arith.constant 2 : i32
    %mul3A_0 = arith.muli %arg1, %mul3A : i32
    %add3A = arith.addi %mul3A_0, %arg0 : i32
    %broadcast_in_dim3A = arith.constant 0xFF800000 : f32
    %broadcast_in_dim3A_1 = vector.broadcast %broadcast_in_dim3A : f32 to vector<16xf32>
    %broadcast_in_dim3A_2 = arith.constant 15 : i32
    %broadcast_in_dim3A_3 = vector.broadcast %broadcast_in_dim3A_2 : i32 to vector<16xi32>
    %mul3A_4 = arith.constant 2 : i32
    %mul3A_5 = arith.muli %add3A, %mul3A_4 : i32
    %add3A_6 = arith.constant 0 : i32
    %add3A_7 = arith.addi %mul3A_5, %add3A_6 : i32
    %dma_start3A = arith.constant 320 : i32
    %dma_start3A_8 = arith.constant 0 : i32
    %dma_start3A_9 = tpu.memref_slice %arg2[%add3A_7, %dma_start3A, %dma_start3A_8] : memref<192x384x384xf32, #tpu.memory_space<hbm>> -> memref<1x64x384xf32, #tpu.memory_space<hbm>>
    %dma_start3A_10 = tpu.memref_squeeze %dma_start3A_9 : memref<1x64x384xf32, #tpu.memory_space<hbm>> -> memref<64x384xf32, #tpu.memory_space<hbm>>
    %dma_start3A_11 = arith.constant 320 : i32
    %dma_start3A_12 = arith.constant 0 : i32
    %dma_start3A_13 = tpu.memref_slice %arg2[%add3A_7, %dma_start3A_11, %dma_start3A_12] : memref<192x384x384xf32, #tpu.memory_space<hbm>> -> memref<1x64x384xf32, #tpu.memory_space<hbm>>
    %dma_start3A_14 = tpu.memref_squeeze %dma_start3A_13 : memref<1x64x384xf32, #tpu.memory_space<hbm>> -> memref<64x384xf32, #tpu.memory_space<hbm>>
    tpu.enqueue_dma source(%dma_start3A_14 : memref<64x384xf32, #tpu.memory_space<hbm>>) target(%arg4 : memref<64x384xf32, #tpu.memory_space<vmem>>) target_semaphore(%arg8 : memref<!tpu.dma_semaphore, #tpu.memory_space<semaphore_mem>>)
    %scan3A = arith.constant 0 : i32
    %scan3A_15 = arith.constant 6 : i32
    %scan3A_16 = arith.addi %scan3A, %scan3A_15 : i32
    %scan3A_17 = arith.constant 1 : i32
    %scan3A_18:24 = scf.for %scan3A_37 = %scan3A to %scan3A_16 step %scan3A_17 iter_args(%scan3A_38 = %broadcast_in_dim3A_1, %scan3A_39 = %broadcast_in_dim3A_1, %scan3A_40 = %broadcast_in_dim3A_1, %scan3A_41 = %broadcast_in_dim3A_1, %scan3A_42 = %broadcast_in_dim3A_1, %scan3A_43 = %broadcast_in_dim3A_1, %scan3A_44 = %broadcast_in_dim3A_1, %scan3A_45 = %broadcast_in_dim3A_1, %scan3A_46 = %broadcast_in_dim3A_1, %scan3A_47 = %broadcast_in_dim3A_1, %scan3A_48 = %broadcast_in_dim3A_1, %scan3A_49 = %broadcast_in_dim3A_1, %scan3A_50 = %broadcast_in_dim3A_1, %scan3A_51 = %broadcast_in_dim3A_1, %scan3A_52 = %broadcast_in_dim3A_1, %scan3A_53 = %broadcast_in_dim3A_1, %scan3A_54 = %broadcast_in_dim3A_1, %scan3A_55 = %broadcast_in_dim3A_1, %scan3A_56 = %broadcast_in_dim3A_1, %scan3A_57 = %broadcast_in_dim3A_1, %scan3A_58 = %broadcast_in_dim3A_1, %scan3A_59 = %broadcast_in_dim3A_1, %scan3A_60 = %broadcast_in_dim3A_1, %scan3A_61 = %broadcast_in_dim3A_1) -> (vector<16xf32>, vector<16xf32>, vector<16xf32>, vector<16xf32>, vector<16xf32>, vector<16xf32>, vector<16xf32>, vector<16xf32>, vector<16xf32>, vector<16xf32>, vector<16xf32>, vector<16xf32>, vector<16xf32>, vector<16xf32>, vector<16xf32>, vector<16xf32>, vector<16xf32>, vector<16xf32>, vector<16xf32>, vector<16xf32>, vector<16xf32>, vector<16xf32>, vector<16xf32>, vector<16xf32>)  : i32 {
      %mul3A_62 = arith.constant 2 : i32
      %mul3A_63 = arith.muli %mul3A_62, %scan3A_37 : i32
      %add3A_64 = arith.constant 1 : i32
      %add3A_65 = arith.addi %mul3A_63, %add3A_64 : i32
      %mul3A_66 = arith.constant 2 : i32
      %mul3A_67 = arith.muli %add3A, %mul3A_66 : i32
      %jit3A = arith.constant 6 : i32
      %div3A = arith.divsi %add3A_65, %jit3A : i32
      %sign3A = arith.constant 0 : i32
      %sign3A_68 = arith.cmpi sgt, %add3A_65, %sign3A : i32
      %sign3A_69 = arith.extui %sign3A_68 : i1 to i32
      %sign3A_70 = arith.constant 0 : i32
      %sign3A_71 = arith.cmpi slt, %add3A_65, %sign3A_70 : i32
      %sign3A_72 = arith.extui %sign3A_71 : i1 to i32
      %sign3A_73 = arith.subi %sign3A_69, %sign3A_72 : i32
      %sign3A_74 = arith.constant 0 : i32
      %sign3A_75 = arith.cmpi sgt, %jit3A, %sign3A_74 : i32
      %sign3A_76 = arith.extui %sign3A_75 : i1 to i32
      %sign3A_77 = arith.constant 0 : i32
      %sign3A_78 = arith.cmpi slt, %jit3A, %sign3A_77 : i32
      %sign3A_79 = arith.extui %sign3A_78 : i1 to i32
      %sign3A_80 = arith.subi %sign3A_76, %sign3A_79 : i32
      %ne3A = arith.cmpi ne, %sign3A_73, %sign3A_80 : i32
      %rem3A = arith.remsi %add3A_65, %jit3A : i32
      %ne3A_81 = arith.constant 0 : i32
      %ne3A_82 = arith.cmpi ne, %rem3A, %ne3A_81 : i32
      %and3A = arith.andi %ne3A, %ne3A_82 : i1
      %sub3A = arith.constant 1 : i32
      %sub3A_83 = arith.subi %div3A, %sub3A : i32
      %select_n3A = arith.select %and3A, %sub3A_83, %div3A : i32
      %add3A_84 = arith.addi %mul3A_67, %select_n3A : i32
      %jit3A_85 = arith.constant 6 : i32
      %eq3A = arith.constant 0 : i32
      %eq3A_86 = arith.cmpi eq, %jit3A_85, %eq3A : i32
      %jit3A_87 = arith.constant 1 : i32
      %select_n3A_88 = arith.select %eq3A_86, %jit3A_87, %jit3A_85 : i32
      %rem3A_89 = arith.remsi %add3A_65, %select_n3A_88 : i32
      %ne3A_90 = arith.constant 0 : i32
      %ne3A_91 = arith.cmpi ne, %rem3A_89, %ne3A_90 : i32
      %lt3A = arith.constant 0 : i32
      %lt3A_92 = arith.cmpi slt, %rem3A_89, %lt3A : i32
      %lt3A_93 = arith.constant 0 : i32
      %lt3A_94 = arith.cmpi slt, %select_n3A_88, %lt3A_93 : i32
      %ne3A_95 = arith.xori %lt3A_92, %lt3A_94 : i1
      %and3A_96 = arith.andi %ne3A_95, %ne3A_91 : i1
      %add3A_97 = arith.addi %rem3A_89, %select_n3A_88 : i32
      %select_n3A_98 = arith.select %and3A_96, %add3A_97, %rem3A_89 : i32
      %sub3A_99 = arith.constant 5 : i32
      %sub3A_100 = arith.subi %sub3A_99, %select_n3A_98 : i32
      %mul3A_101 = arith.constant 64 : i32
      %mul3A_102 = arith.muli %sub3A_100, %mul3A_101 : i32
      %dma_start3A_103 = arith.constant 0 : i32
      %dma_start3A_104 = tpu.memref_slice %arg2[%add3A_84, %mul3A_102, %dma_start3A_103] : memref<192x384x384xf32, #tpu.memory_space<hbm>> -> memref<1x64x384xf32, #tpu.memory_space<hbm>>
      %dma_start3A_105 = tpu.memref_squeeze %dma_start3A_104 : memref<1x64x384xf32, #tpu.memory_space<hbm>> -> memref<64x384xf32, #tpu.memory_space<hbm>>
      %dma_start3A_106 = arith.constant 0 : i32
      %dma_start3A_107 = tpu.memref_slice %arg2[%add3A_84, %mul3A_102, %dma_start3A_106] : memref<192x384x384xf32, #tpu.memory_space<hbm>> -> memref<1x64x384xf32, #tpu.memory_space<hbm>>
      %dma_start3A_108 = tpu.memref_squeeze %dma_start3A_107 : memref<1x64x384xf32, #tpu.memory_space<hbm>> -> memref<64x384xf32, #tpu.memory_space<hbm>>
      tpu.enqueue_dma source(%dma_start3A_108 : memref<64x384xf32, #tpu.memory_space<hbm>>) target(%arg5 : memref<64x384xf32, #tpu.memory_space<vmem>>) target_semaphore(%arg9 : memref<!tpu.dma_semaphore, #tpu.memory_space<semaphore_mem>>)
      %dma_wait3A_109 = arith.constant 0 : i32
      %dma_wait3A_110 = arith.constant 0 : i32
      %dma_wait3A_111 = arith.constant 0 : i32
      %dma_wait3A_112 = tpu.memref_slice %arg2[%dma_wait3A_109, %dma_wait3A_110, %dma_wait3A_111] : memref<192x384x384xf32, #tpu.memory_space<hbm>> -> memref<1x64x384xf32, #tpu.memory_space<hbm>>
      %dma_wait3A_113 = tpu.memref_squeeze %dma_wait3A_112 : memref<1x64x384xf32, #tpu.memory_space<hbm>> -> memref<64x384xf32, #tpu.memory_space<hbm>>
      %dma_wait3A_114 = arith.constant 0 : i32
      %dma_wait3A_115 = arith.constant 0 : i32
      %dma_wait3A_116 = tpu.memref_slice %arg2[%dma_wait3A_109, %dma_wait3A_114, %dma_wait3A_115] : memref<192x384x384xf32, #tpu.memory_space<hbm>> -> memref<1x64x384xf32, #tpu.memory_space<hbm>>
      %dma_wait3A_117 = tpu.memref_squeeze %dma_wait3A_116 : memref<1x64x384xf32, #tpu.memory_space<hbm>> -> memref<64x384xf32, #tpu.memory_space<hbm>>
      tpu.wait_dma2 semaphore(%arg8 : memref<!tpu.dma_semaphore, #tpu.memory_space<semaphore_mem>>) src(%dma_wait3A_117 : memref<64x384xf32, #tpu.memory_space<hbm>>) dst(%arg4 : memref<64x384xf32, #tpu.memory_space<vmem>>)
      %gt3A = arith.constant 0 : i32
      %gt3A_118 = arith.cmpi sgt, %scan3A_37, %gt3A : i32
      %convert_element_type3A = arith.extui %gt3A_118 : i1 to i32
      %cond3A = arith.constant 0 : i32
      %cond3A_119 = arith.cmpi ne, %convert_element_type3A, %cond3A : i32
      scf.if %cond3A_119 {
        %dma_wait3A_338 = arith.constant 0 : i32
        %dma_wait3A_339 = arith.constant 0 : i32
        %dma_wait3A_340 = arith.constant 0 : i32
        %dma_wait3A_341 = tpu.memref_slice %arg3[%dma_wait3A_338, %dma_wait3A_339, %dma_wait3A_340] : memref<64x384x384xf32, #tpu.memory_space<hbm>> -> memref<1x64x384xf32, #tpu.memory_space<hbm>>
        %dma_wait3A_342 = tpu.memref_squeeze %dma_wait3A_341 : memref<1x64x384xf32, #tpu.memory_space<hbm>> -> memref<64x384xf32, #tpu.memory_space<hbm>>
        %dma_wait3A_343 = arith.constant 0 : i32
        %dma_wait3A_344 = arith.constant 0 : i32
        %dma_wait3A_345 = tpu.memref_slice %arg3[%dma_wait3A_338, %dma_wait3A_343, %dma_wait3A_344] : memref<64x384x384xf32, #tpu.memory_space<hbm>> -> memref<1x64x384xf32, #tpu.memory_space<hbm>>
        %dma_wait3A_346 = tpu.memref_squeeze %dma_wait3A_345 : memref<1x64x384xf32, #tpu.memory_space<hbm>> -> memref<64x384xf32, #tpu.memory_space<hbm>>
        tpu.wait_dma2 semaphore(%arg10 : memref<!tpu.dma_semaphore, #tpu.memory_space<semaphore_mem>>) src(%arg6 : memref<64x384xf32, #tpu.memory_space<vmem>>) dst(%dma_wait3A_346 : memref<64x384xf32, #tpu.memory_space<hbm>>)
      } else {
      }
      %jit3A_120 = arith.constant 6 : i32
      %eq3A_121 = arith.constant 0 : i32
      %eq3A_122 = arith.cmpi eq, %jit3A_120, %eq3A_121 : i32
      %jit3A_123 = arith.constant 1 : i32
      %select_n3A_124 = arith.select %eq3A_122, %jit3A_123, %jit3A_120 : i32
      %rem3A_125 = arith.remsi %mul3A_63, %select_n3A_124 : i32
      %ne3A_126 = arith.constant 0 : i32
      %ne3A_127 = arith.cmpi ne, %rem3A_125, %ne3A_126 : i32
      %lt3A_128 = arith.constant 0 : i32
      %lt3A_129 = arith.cmpi slt, %rem3A_125, %lt3A_128 : i32
      %lt3A_130 = arith.constant 0 : i32
      %lt3A_131 = arith.cmpi slt, %select_n3A_124, %lt3A_130 : i32
      %ne3A_132 = arith.xori %lt3A_129, %lt3A_131 : i1
      %and3A_133 = arith.andi %ne3A_132, %ne3A_127 : i1
      %add3A_134 = arith.addi %rem3A_125, %select_n3A_124 : i32
      %select_n3A_135 = arith.select %and3A_133, %add3A_134, %rem3A_125 : i32
      %eq3A_136 = arith.constant 0 : i32
      %eq3A_137 = arith.cmpi eq, %select_n3A_135, %eq3A_136 : i32
      %select_n3A_138 = arith.select %eq3A_137, %broadcast_in_dim3A_1, %scan3A_38 : vector<16xf32>
      %select_n3A_139 = arith.select %eq3A_137, %broadcast_in_dim3A_1, %scan3A_39 : vector<16xf32>
      %select_n3A_140 = arith.select %eq3A_137, %broadcast_in_dim3A_1, %scan3A_40 : vector<16xf32>
      %select_n3A_141 = arith.select %eq3A_137, %broadcast_in_dim3A_1, %scan3A_41 : vector<16xf32>
      %select_n3A_142 = arith.select %eq3A_137, %broadcast_in_dim3A_1, %scan3A_42 : vector<16xf32>
      %select_n3A_143 = arith.select %eq3A_137, %broadcast_in_dim3A_1, %scan3A_43 : vector<16xf32>
      %select_n3A_144 = arith.select %eq3A_137, %broadcast_in_dim3A_1, %scan3A_44 : vector<16xf32>
      %select_n3A_145 = arith.select %eq3A_137, %broadcast_in_dim3A_1, %scan3A_45 : vector<16xf32>
      %select_n3A_146 = arith.select %eq3A_137, %broadcast_in_dim3A_1, %scan3A_46 : vector<16xf32>
      %select_n3A_147 = arith.select %eq3A_137, %broadcast_in_dim3A_1, %scan3A_47 : vector<16xf32>
      %select_n3A_148 = arith.select %eq3A_137, %broadcast_in_dim3A_1, %scan3A_48 : vector<16xf32>
      %select_n3A_149 = arith.select %eq3A_137, %broadcast_in_dim3A_1, %scan3A_49 : vector<16xf32>
      %select_n3A_150 = arith.select %eq3A_137, %broadcast_in_dim3A_1, %scan3A_50 : vector<16xf32>
      %select_n3A_151 = arith.select %eq3A_137, %broadcast_in_dim3A_1, %scan3A_51 : vector<16xf32>
      %select_n3A_152 = arith.select %eq3A_137, %broadcast_in_dim3A_1, %scan3A_52 : vector<16xf32>
      %select_n3A_153 = arith.select %eq3A_137, %broadcast_in_dim3A_1, %scan3A_53 : vector<16xf32>
      %select_n3A_154 = arith.select %eq3A_137, %broadcast_in_dim3A_1, %scan3A_54 : vector<16xf32>
      %select_n3A_155 = arith.select %eq3A_137, %broadcast_in_dim3A_1, %scan3A_55 : vector<16xf32>
      %select_n3A_156 = arith.select %eq3A_137, %broadcast_in_dim3A_1, %scan3A_56 : vector<16xf32>
      %select_n3A_157 = arith.select %eq3A_137, %broadcast_in_dim3A_1, %scan3A_57 : vector<16xf32>
      %select_n3A_158 = arith.select %eq3A_137, %broadcast_in_dim3A_1, %scan3A_58 : vector<16xf32>
      %select_n3A_159 = arith.select %eq3A_137, %broadcast_in_dim3A_1, %scan3A_59 : vector<16xf32>
      %select_n3A_160 = arith.select %eq3A_137, %broadcast_in_dim3A_1, %scan3A_60 : vector<16xf32>
      %select_n3A_161 = arith.select %eq3A_137, %broadcast_in_dim3A_1, %scan3A_61 : vector<16xf32>
      %parallel_loop3A = arith.constant 0 : i32
      %parallel_loop3A_162 = arith.constant 64 : i32
      %parallel_loop3A_163 = arith.constant 1 : i32
      %parallel_loop3A_164:24 = scf.for %parallel_loop3A_338 = %parallel_loop3A to %parallel_loop3A_162 step %parallel_loop3A_163 iter_args(%parallel_loop3A_339 = %select_n3A_138, %parallel_loop3A_340 = %select_n3A_139, %parallel_loop3A_341 = %select_n3A_140, %parallel_loop3A_342 = %select_n3A_141, %parallel_loop3A_343 = %select_n3A_142, %parallel_loop3A_344 = %select_n3A_143, %parallel_loop3A_345 = %select_n3A_144, %parallel_loop3A_346 = %select_n3A_145, %parallel_loop3A_347 = %select_n3A_146, %parallel_loop3A_348 = %select_n3A_147, %parallel_loop3A_349 = %select_n3A_148, %parallel_loop3A_350 = %select_n3A_149, %parallel_loop3A_351 = %select_n3A_150, %parallel_loop3A_352 = %select_n3A_151, %parallel_loop3A_353 = %select_n3A_152, %parallel_loop3A_354 = %select_n3A_153, %parallel_loop3A_355 = %select_n3A_154, %parallel_loop3A_356 = %select_n3A_155, %parallel_loop3A_357 = %select_n3A_156, %parallel_loop3A_358 = %select_n3A_157, %parallel_loop3A_359 = %select_n3A_158, %parallel_loop3A_360 = %select_n3A_159, %parallel_loop3A_361 = %select_n3A_160, %parallel_loop3A_362 = %select_n3A_161) -> (vector<16xf32>, vector<16xf32>, vector<16xf32>, vector<16xf32>, vector<16xf32>, vector<16xf32>, vector<16xf32>, vector<16xf32>, vector<16xf32>, vector<16xf32>, vector<16xf32>, vector<16xf32>, vector<16xf32>, vector<16xf32>, vector<16xf32>, vector<16xf32>, vector<16xf32>, vector<16xf32>, vector<16xf32>, vector<16xf32>, vector<16xf32>, vector<16xf32>, vector<16xf32>, vector<16xf32>)  : i32 {
        %parallel_loop3A_363 = arith.constant 63 : i32
        %parallel_loop3A_364 = arith.subi %parallel_loop3A_363, %parallel_loop3A_338 : i32
        %parallel_loop3A_365 = arith.index_cast %parallel_loop3A_364 : i32 to index
        %parallel_loop3A_366 = arith.constant 368 : index
        %parallel_loop3A_367 = tpu.vector_load %arg4[%parallel_loop3A_365, %parallel_loop3A_366] {strides = array<i32>} : memref<64x384xf32, #tpu.memory_space<vmem>>, vector<16xf32>,
        %parallel_loop3A_368 = arith.constant 15 : i32
        %parallel_loop3A_369 = vector.broadcast %parallel_loop3A_368 : i32 to vector<16xi32>
        %parallel_loop3A_370 = tpu.iota {dimensions = array<i32: 0>} : vector<16xi32>
        %parallel_loop3A_371 = arith.subi %parallel_loop3A_369, %parallel_loop3A_370 : vector<16xi32>
        %parallel_loop3A_372 = tpu.dynamic_gather %parallel_loop3A_367[%parallel_loop3A_371] in [0] : vector<16xf32>, vector<16xi32> -> vector<16xf32>
        %parallel_loop3A_373 = arith.constant true
        %parallel_loop3A_374 = vector.broadcast %parallel_loop3A_373 : i1 to vector<16xi1>
        %parallel_loop3A_375 = tpu.scan <max>, %parallel_loop3A_372 masked %parallel_loop3A_374 : vector<16xf32>, vector<16xi1> -> vector<16xf32>
        %parallel_loop3A_376 = arith.constant 15 : i32
        %parallel_loop3A_377 = vector.broadcast %parallel_loop3A_376 : i32 to vector<16xi32>
        %parallel_loop3A_378 = tpu.iota {dimensions = array<i32: 0>} : vector<16xi32>
        %parallel_loop3A_379 = arith.subi %parallel_loop3A_377, %parallel_loop3A_378 : vector<16xi32>
        %parallel_loop3A_380 = tpu.dynamic_gather %parallel_loop3A_375[%parallel_loop3A_379] in [0] : vector<16xf32>, vector<16xi32> -> vector<16xf32>
        %parallel_loop3A_381 = arith.maximumf %parallel_loop3A_380, %broadcast_in_dim3A_1 : vector<16xf32>
        %parallel_loop3A_382 = vector.shape_cast %broadcast_in_dim3A_3 : vector<16xi32> to vector<16x1xi32>
        %parallel_loop3A_383 = vector.shape_cast %parallel_loop3A_382 : vector<16x1xi32> to vector<16xi32>
        %parallel_loop3A_384 = tpu.dynamic_gather %parallel_loop3A_375[%parallel_loop3A_383] in [0] : vector<16xf32>, vector<16xi32> -> vector<16xf32>
        %parallel_loop3A_385 = arith.maximumf %broadcast_in_dim3A_1, %parallel_loop3A_384 : vector<16xf32>
        %parallel_loop3A_386 = arith.maximumf %parallel_loop3A_362, %parallel_loop3A_367 : vector<16xf32>
        %parallel_loop3A_387 = arith.addf %parallel_loop3A_381, %parallel_loop3A_386 : vector<16xf32>
        %parallel_loop3A_388 = arith.index_cast %parallel_loop3A_364 : i32 to index
        %parallel_loop3A_389 = arith.constant 368 : index
        %parallel_loop3A_390 = tpu.vector_load %arg6[%parallel_loop3A_388, %parallel_loop3A_389] {strides = array<i32>} : memref<64x384xf32, #tpu.memory_space<vmem>>, vector<16xf32>,
        tpu.vector_store %arg6[%parallel_loop3A_388, %parallel_loop3A_389], %parallel_loop3A_387 {strides = array<i32>} : memref<64x384xf32, #tpu.memory_space<vmem>>, vector<16xf32>,
        %parallel_loop3A_391 = arith.index_cast %parallel_loop3A_364 : i32 to index
        %parallel_loop3A_392 = arith.constant 352 : index
        %parallel_loop3A_393 = tpu.vector_load %arg4[%parallel_loop3A_391, %parallel_loop3A_392] {strides = array<i32>} : memref<64x384xf32, #tpu.memory_space<vmem>>, vector<16xf32>,
        %parallel_loop3A_394 = arith.constant 15 : i32
        %parallel_loop3A_395 = vector.broadcast %parallel_loop3A_394 : i32 to vector<16xi32>
        %parallel_loop3A_396 = tpu.iota {dimensions = array<i32: 0>} : vector<16xi32>
        %parallel_loop3A_397 = arith.subi %parallel_loop3A_395, %parallel_loop3A_396 : vector<16xi32>
        %parallel_loop3A_398 = tpu.dynamic_gather %parallel_loop3A_393[%parallel_loop3A_397] in [0] : vector<16xf32>, vector<16xi32> -> vector<16xf32>
        %parallel_loop3A_399 = arith.constant true
        %parallel_loop3A_400 = vector.broadcast %parallel_loop3A_399 : i1 to vector<16xi1>
        %parallel_loop3A_401 = tpu.scan <max>, %parallel_loop3A_398 masked %parallel_loop3A_400 : vector<16xf32>, vector<16xi1> -> vector<16xf32>
        %parallel_loop3A_402 = arith.constant 15 : i32
        %parallel_loop3A_403 = vector.broadcast %parallel_loop3A_402 : i32 to vector<16xi32>
        %parallel_loop3A_404 = tpu.iota {dimensions = array<i32: 0>} : vector<16xi32>
        %parallel_loop3A_405 = arith.subi %parallel_loop3A_403, %parallel_loop3A_404 : vector<16xi32>
        %parallel_loop3A_406 = tpu.dynamic_gather %parallel_loop3A_401[%parallel_loop3A_405] in [0] : vector<16xf32>, vector<16xi32> -> vector<16xf32>
        %parallel_loop3A_407 = arith.maximumf %parallel_loop3A_406, %parallel_loop3A_385 : vector<16xf32>
        %parallel_loop3A_408 = vector.shape_cast %broadcast_in_dim3A_3 : vector<16xi32> to vector<16x1xi32>
        %parallel_loop3A_409 = vector.shape_cast %parallel_loop3A_408 : vector<16x1xi32> to vector<16xi32>
        %parallel_loop3A_410 = tpu.dynamic_gather %parallel_loop3A_401[%parallel_loop3A_409] in [0] : vector<16xf32>, vector<16xi32> -> vector<16xf32>
        %parallel_loop3A_411 = arith.maximumf %parallel_loop3A_385, %parallel_loop3A_410 : vector<16xf32>
        %parallel_loop3A_412 = arith.maximumf %parallel_loop3A_361, %parallel_loop3A_393 : vector<16xf32>
        %parallel_loop3A_413 = arith.addf %parallel_loop3A_407, %parallel_loop3A_412 : vector<16xf32>
        %parallel_loop3A_414 = arith.index_cast %parallel_loop3A_364 : i32 to index
        %parallel_loop3A_415 = arith.constant 352 : index
        %parallel_loop3A_416 = tpu.vector_load %arg6[%parallel_loop3A_414, %parallel_loop3A_415] {strides = array<i32>} : memref<64x384xf32, #tpu.memory_space<vmem>>, vector<16xf32>,
        tpu.vector_store %arg6[%parallel_loop3A_414, %parallel_loop3A_415], %parallel_loop3A_413 {strides = array<i32>} : memref<64x384xf32, #tpu.memory_space<vmem>>, vector<16xf32>,
        %parallel_loop3A_417 = arith.index_cast %parallel_loop3A_364 : i32 to index
        %parallel_loop3A_418 = arith.constant 336 : index
        %parallel_loop3A_419 = tpu.vector_load %arg4[%parallel_loop3A_417, %parallel_loop3A_418] {strides = array<i32>} : memref<64x384xf32, #tpu.memory_space<vmem>>, vector<16xf32>,
        %parallel_loop3A_420 = arith.constant 15 : i32
        %parallel_loop3A_421 = vector.broadcast %parallel_loop3A_420 : i32 to vector<16xi32>
        %parallel_loop3A_422 = tpu.iota {dimensions = array<i32: 0>} : vector<16xi32>
        %parallel_loop3A_423 = arith.subi %parallel_loop3A_421, %parallel_loop3A_422 : vector<16xi32>
        %parallel_loop3A_424 = tpu.dynamic_gather %parallel_loop3A_419[%parallel_loop3A_423] in [0] : vector<16xf32>, vector<16xi32> -> vector<16xf32>
        %parallel_loop3A_425 = arith.constant true
        %parallel_loop3A_426 = vector.broadcast %parallel_loop3A_425 : i1 to vector<16xi1>
        %parallel_loop3A_427 = tpu.scan <max>, %parallel_loop3A_424 masked %parallel_loop3A_426 : vector<16xf32>, vector<16xi1> -> vector<16xf32>
        %parallel_loop3A_428 = arith.constant 15 : i32
        %parallel_loop3A_429 = vector.broadcast %parallel_loop3A_428 : i32 to vector<16xi32>
        %parallel_loop3A_430 = tpu.iota {dimensions = array<i32: 0>} : vector<16xi32>
        %parallel_loop3A_431 = arith.subi %parallel_loop3A_429, %parallel_loop3A_430 : vector<16xi32>
        %parallel_loop3A_432 = tpu.dynamic_gather %parallel_loop3A_427[%parallel_loop3A_431] in [0] : vector<16xf32>, vector<16xi32> -> vector<16xf32>
        %parallel_loop3A_433 = arith.maximumf %parallel_loop3A_432, %parallel_loop3A_411 : vector<16xf32>
        %parallel_loop3A_434 = vector.shape_cast %broadcast_in_dim3A_3 : vector<16xi32> to vector<16x1xi32>
        %parallel_loop3A_435 = vector.shape_cast %parallel_loop3A_434 : vector<16x1xi32> to vector<16xi32>
        %parallel_loop3A_436 = tpu.dynamic_gather %parallel_loop3A_427[%parallel_loop3A_435] in [0] : vector<16xf32>, vector<16xi32> -> vector<16xf32>
        %parallel_loop3A_437 = arith.maximumf %parallel_loop3A_411, %parallel_loop3A_436 : vector<16xf32>
        %parallel_loop3A_438 = arith.maximumf %parallel_loop3A_360, %parallel_loop3A_419 : vector<16xf32>
        %parallel_loop3A_439 = arith.addf %parallel_loop3A_433, %parallel_loop3A_438 : vector<16xf32>
        %parallel_loop3A_440 = arith.index_cast %parallel_loop3A_364 : i32 to index
        %parallel_loop3A_441 = arith.constant 336 : index
        %parallel_loop3A_442 = tpu.vector_load %arg6[%parallel_loop3A_440, %parallel_loop3A_441] {strides = array<i32>} : memref<64x384xf32, #tpu.memory_space<vmem>>, vector<16xf32>,
        tpu.vector_store %arg6[%parallel_loop3A_440, %parallel_loop3A_441], %parallel_loop3A_439 {strides = array<i32>} : memref<64x384xf32, #tpu.memory_space<vmem>>, vector<16xf32>,
        %parallel_loop3A_443 = arith.index_cast %parallel_loop3A_364 : i32 to index
        %parallel_loop3A_444 = arith.constant 320 : index
        %parallel_loop3A_445 = tpu.vector_load %arg4[%parallel_loop3A_443, %parallel_loop3A_444] {strides = array<i32>} : memref<64x384xf32, #tpu.memory_space<vmem>>, vector<16xf32>,
        %parallel_loop3A_446 = arith.constant 15 : i32
        %parallel_loop3A_447 = vector.broadcast %parallel_loop3A_446 : i32 to vector<16xi32>
        %parallel_loop3A_448 = tpu.iota {dimensions = array<i32: 0>} : vector<16xi32>
        %parallel_loop3A_449 = arith.subi %parallel_loop3A_447, %parallel_loop3A_448 : vector<16xi32>
        %parallel_loop3A_450 = tpu.dynamic_gather %parallel_loop3A_445[%parallel_loop3A_449] in [0] : vector<16xf32>, vector<16xi32> -> vector<16xf32>
        %parallel_loop3A_451 = arith.constant true
        %parallel_loop3A_452 = vector.broadcast %parallel_loop3A_451 : i1 to vector<16xi1>
        %parallel_loop3A_453 = tpu.scan <max>, %parallel_loop3A_450 masked %parallel_loop3A_452 : vector<16xf32>, vector<16xi1> -> vector<16xf32>
        %parallel_loop3A_454 = arith.constant 15 : i32
        %parallel_loop3A_455 = vector.broadcast %parallel_loop3A_454 : i32 to vector<16xi32>
        %parallel_loop3A_456 = tpu.iota {dimensions = array<i32: 0>} : vector<16xi32>
        %parallel_loop3A_457 = arith.subi %parallel_loop3A_455, %parallel_loop3A_456 : vector<16xi32>
        %parallel_loop3A_458 = tpu.dynamic_gather %parallel_loop3A_453[%parallel_loop3A_457] in [0] : vector<16xf32>, vector<16xi32> -> vector<16xf32>
        %parallel_loop3A_459 = arith.maximumf %parallel_loop3A_458, %parallel_loop3A_437 : vector<16xf32>
        %parallel_loop3A_460 = vector.shape_cast %broadcast_in_dim3A_3 : vector<16xi32> to vector<16x1xi32>
        %parallel_loop3A_461 = vector.shape_cast %parallel_loop3A_460 : vector<16x1xi32> to vector<16xi32>
        %parallel_loop3A_462 = tpu.dynamic_gather %parallel_loop3A_453[%parallel_loop3A_461] in [0] : vector<16xf32>, vector<16xi32> -> vector<16xf32>
        %parallel_loop3A_463 = arith.maximumf %parallel_loop3A_437, %parallel_loop3A_462 : vector<16xf32>
        %parallel_loop3A_464 = arith.maximumf %parallel_loop3A_359, %parallel_loop3A_445 : vector<16xf32>
        %parallel_loop3A_465 = arith.addf %parallel_loop3A_459, %parallel_loop3A_464 : vector<16xf32>
        %parallel_loop3A_466 = arith.index_cast %parallel_loop3A_364 : i32 to index
        %parallel_loop3A_467 = arith.constant 320 : index
        %parallel_loop3A_468 = tpu.vector_load %arg6[%parallel_loop3A_466, %parallel_loop3A_467] {strides = array<i32>} : memref<64x384xf32, #tpu.memory_space<vmem>>, vector<16xf32>,
        tpu.vector_store %arg6[%parallel_loop3A_466, %parallel_loop3A_467], %parallel_loop3A_465 {strides = array<i32>} : memref<64x384xf32, #tpu.memory_space<vmem>>, vector<16xf32>,
        %parallel_loop3A_469 = arith.index_cast %parallel_loop3A_364 : i32 to index
        %parallel_loop3A_470 = arith.constant 304 : index
        %parallel_loop3A_471 = tpu.vector_load %arg4[%parallel_loop3A_469, %parallel_loop3A_470] {strides = array<i32>} : memref<64x384xf32, #tpu.memory_space<vmem>>, vector<16xf32>,
        %parallel_loop3A_472 = arith.constant 15 : i32
        %parallel_loop3A_473 = vector.broadcast %parallel_loop3A_472 : i32 to vector<16xi32>
        %parallel_loop3A_474 = tpu.iota {dimensions = array<i32: 0>} : vector<16xi32>
        %parallel_loop3A_475 = arith.subi %parallel_loop3A_473, %parallel_loop3A_474 : vector<16xi32>
        %parallel_loop3A_476 = tpu.dynamic_gather %parallel_loop3A_471[%parallel_loop3A_475] in [0] : vector<16xf32>, vector<16xi32> -> vector<16xf32>
        %parallel_loop3A_477 = arith.constant true
        %parallel_loop3A_478 = vector.broadcast %parallel_loop3A_477 : i1 to vector<16xi1>
        %parallel_loop3A_479 = tpu.scan <max>, %parallel_loop3A_476 masked %parallel_loop3A_478 : vector<16xf32>, vector<16xi1> -> vector<16xf32>
        %parallel_loop3A_480 = arith.constant 15 : i32
        %parallel_loop3A_481 = vector.broadcast %parallel_loop3A_480 : i32 to vector<16xi32>
        %parallel_loop3A_482 = tpu.iota {dimensions = array<i32: 0>} : vector<16xi32>
        %parallel_loop3A_483 = arith.subi %parallel_loop3A_481, %parallel_loop3A_482 : vector<16xi32>
        %parallel_loop3A_484 = tpu.dynamic_gather %parallel_loop3A_479[%parallel_loop3A_483] in [0] : vector<16xf32>, vector<16xi32> -> vector<16xf32>
        %parallel_loop3A_485 = arith.maximumf %parallel_loop3A_484, %parallel_loop3A_463 : vector<16xf32>
        %parallel_loop3A_486 = vector.shape_cast %broadcast_in_dim3A_3 : vector<16xi32> to vector<16x1xi32>
        %parallel_loop3A_487 = vector.shape_cast %parallel_loop3A_486 : vector<16x1xi32> to vector<16xi32>
        %parallel_loop3A_488 = tpu.dynamic_gather %parallel_loop3A_479[%parallel_loop3A_487] in [0] : vector<16xf32>, vector<16xi32> -> vector<16xf32>
        %parallel_loop3A_489 = arith.maximumf %parallel_loop3A_463, %parallel_loop3A_488 : vector<16xf32>
        %parallel_loop3A_490 = arith.maximumf %parallel_loop3A_358, %parallel_loop3A_471 : vector<16xf32>
        %parallel_loop3A_491 = arith.addf %parallel_loop3A_485, %parallel_loop3A_490 : vector<16xf32>
        %parallel_loop3A_492 = arith.index_cast %parallel_loop3A_364 : i32 to index
        %parallel_loop3A_493 = arith.constant 304 : index
        %parallel_loop3A_494 = tpu.vector_load %arg6[%parallel_loop3A_492, %parallel_loop3A_493] {strides = array<i32>} : memref<64x384xf32, #tpu.memory_space<vmem>>, vector<16xf32>,
        tpu.vector_store %arg6[%parallel_loop3A_492, %parallel_loop3A_493], %parallel_loop3A_491 {strides = array<i32>} : memref<64x384xf32, #tpu.memory_space<vmem>>, vector<16xf32>,
        %parallel_loop3A_495 = arith.index_cast %parallel_loop3A_364 : i32 to index
        %parallel_loop3A_496 = arith.constant 288 : index
        %parallel_loop3A_497 = tpu.vector_load %arg4[%parallel_loop3A_495, %parallel_loop3A_496] {strides = array<i32>} : memref<64x384xf32, #tpu.memory_space<vmem>>, vector<16xf32>,
        %parallel_loop3A_498 = arith.constant 15 : i32
        %parallel_loop3A_499 = vector.broadcast %parallel_loop3A_498 : i32 to vector<16xi32>
        %parallel_loop3A_500 = tpu.iota {dimensions = array<i32: 0>} : vector<16xi32>
        %parallel_loop3A_501 = arith.subi %parallel_loop3A_499, %parallel_loop3A_500 : vector<16xi32>
        %parallel_loop3A_502 = tpu.dynamic_gather %parallel_loop3A_497[%parallel_loop3A_501] in [0] : vector<16xf32>, vector<16xi32> -> vector<16xf32>
        %parallel_loop3A_503 = arith.constant true
        %parallel_loop3A_504 = vector.broadcast %parallel_loop3A_503 : i1 to vector<16xi1>
        %parallel_loop3A_505 = tpu.scan <max>, %parallel_loop3A_502 masked %parallel_loop3A_504 : vector<16xf32>, vector<16xi1> -> vector<16xf32>
        %parallel_loop3A_506 = arith.constant 15 : i32
        %parallel_loop3A_507 = vector.broadcast %parallel_loop3A_506 : i32 to vector<16xi32>
        %parallel_loop3A_508 = tpu.iota {dimensions = array<i32: 0>} : vector<16xi32>
        %parallel_loop3A_509 = arith.subi %parallel_loop3A_507, %parallel_loop3A_508 : vector<16xi32>
        %parallel_loop3A_510 = tpu.dynamic_gather %parallel_loop3A_505[%parallel_loop3A_509] in [0] : vector<16xf32>, vector<16xi32> -> vector<16xf32>
        %parallel_loop3A_511 = arith.maximumf %parallel_loop3A_510, %parallel_loop3A_489 : vector<16xf32>
        %parallel_loop3A_512 = vector.shape_cast %broadcast_in_dim3A_3 : vector<16xi32> to vector<16x1xi32>
        %parallel_loop3A_513 = vector.shape_cast %parallel_loop3A_512 : vector<16x1xi32> to vector<16xi32>
        %parallel_loop3A_514 = tpu.dynamic_gather %parallel_loop3A_505[%parallel_loop3A_513] in [0] : vector<16xf32>, vector<16xi32> -> vector<16xf32>
        %parallel_loop3A_515 = arith.maximumf %parallel_loop3A_489, %parallel_loop3A_514 : vector<16xf32>
        %parallel_loop3A_516 = arith.maximumf %parallel_loop3A_357, %parallel_loop3A_497 : vector<16xf32>
        %parallel_loop3A_517 = arith.addf %parallel_loop3A_511, %parallel_loop3A_516 : vector<16xf32>
        %parallel_loop3A_518 = arith.index_cast %parallel_loop3A_364 : i32 to index
        %parallel_loop3A_519 = arith.constant 288 : index
        %parallel_loop3A_520 = tpu.vector_load %arg6[%parallel_loop3A_518, %parallel_loop3A_519] {strides = array<i32>} : memref<64x384xf32, #tpu.memory_space<vmem>>, vector<16xf32>,
        tpu.vector_store %arg6[%parallel_loop3A_518, %parallel_loop3A_519], %parallel_loop3A_517 {strides = array<i32>} : memref<64x384xf32, #tpu.memory_space<vmem>>, vector<16xf32>,
        %parallel_loop3A_521 = arith.index_cast %parallel_loop3A_364 : i32 to index
        %parallel_loop3A_522 = arith.constant 272 : index
        %parallel_loop3A_523 = tpu.vector_load %arg4[%parallel_loop3A_521, %parallel_loop3A_522] {strides = array<i32>} : memref<64x384xf32, #tpu.memory_space<vmem>>, vector<16xf32>,
        %parallel_loop3A_524 = arith.constant 15 : i32
        %parallel_loop3A_525 = vector.broadcast %parallel_loop3A_524 : i32 to vector<16xi32>
        %parallel_loop3A_526 = tpu.iota {dimensions = array<i32: 0>} : vector<16xi32>
        %parallel_loop3A_527 = arith.subi %parallel_loop3A_525, %parallel_loop3A_526 : vector<16xi32>
        %parallel_loop3A_528 = tpu.dynamic_gather %parallel_loop3A_523[%parallel_loop3A_527] in [0] : vector<16xf32>, vector<16xi32> -> vector<16xf32>
        %parallel_loop3A_529 = arith.constant true
        %parallel_loop3A_530 = vector.broadcast %parallel_loop3A_529 : i1 to vector<16xi1>
        %parallel_loop3A_531 = tpu.scan <max>, %parallel_loop3A_528 masked %parallel_loop3A_530 : vector<16xf32>, vector<16xi1> -> vector<16xf32>
        %parallel_loop3A_532 = arith.constant 15 : i32
        %parallel_loop3A_533 = vector.broadcast %parallel_loop3A_532 : i32 to vector<16xi32>
        %parallel_loop3A_534 = tpu.iota {dimensions = array<i32: 0>} : vector<16xi32>
        %parallel_loop3A_535 = arith.subi %parallel_loop3A_533, %parallel_loop3A_534 : vector<16xi32>
        %parallel_loop3A_536 = tpu.dynamic_gather %parallel_loop3A_531[%parallel_loop3A_535] in [0] : vector<16xf32>, vector<16xi32> -> vector<16xf32>
        %parallel_loop3A_537 = arith.maximumf %parallel_loop3A_536, %parallel_loop3A_515 : vector<16xf32>
        %parallel_loop3A_538 = vector.shape_cast %broadcast_in_dim3A_3 : vector<16xi32> to vector<16x1xi32>
        %parallel_loop3A_539 = vector.shape_cast %parallel_loop3A_538 : vector<16x1xi32> to vector<16xi32>
        %parallel_loop3A_540 = tpu.dynamic_gather %parallel_loop3A_531[%parallel_loop3A_539] in [0] : vector<16xf32>, vector<16xi32> -> vector<16xf32>
        %parallel_loop3A_541 = arith.maximumf %parallel_loop3A_515, %parallel_loop3A_540 : vector<16xf32>
        %parallel_loop3A_542 = arith.maximumf %parallel_loop3A_356, %parallel_loop3A_523 : vector<16xf32>
        %parallel_loop3A_543 = arith.addf %parallel_loop3A_537, %parallel_loop3A_542 : vector<16xf32>
        %parallel_loop3A_544 = arith.index_cast %parallel_loop3A_364 : i32 to index
        %parallel_loop3A_545 = arith.constant 272 : index
        %parallel_loop3A_546 = tpu.vector_load %arg6[%parallel_loop3A_544, %parallel_loop3A_545] {strides = array<i32>} : memref<64x384xf32, #tpu.memory_space<vmem>>, vector<16xf32>,
        tpu.vector_store %arg6[%parallel_loop3A_544, %parallel_loop3A_545], %parallel_loop3A_543 {strides = array<i32>} : memref<64x384xf32, #tpu.memory_space<vmem>>, vector<16xf32>,
        %parallel_loop3A_547 = arith.index_cast %parallel_loop3A_364 : i32 to index
        %parallel_loop3A_548 = arith.constant 256 : index
        %parallel_loop3A_549 = tpu.vector_load %arg4[%parallel_loop3A_547, %parallel_loop3A_548] {strides = array<i32>} : memref<64x384xf32, #tpu.memory_space<vmem>>, vector<16xf32>,
        %parallel_loop3A_550 = arith.constant 15 : i32
        %parallel_loop3A_551 = vector.broadcast %parallel_loop3A_550 : i32 to vector<16xi32>
        %parallel_loop3A_552 = tpu.iota {dimensions = array<i32: 0>} : vector<16xi32>
        %parallel_loop3A_553 = arith.subi %parallel_loop3A_551, %parallel_loop3A_552 : vector<16xi32>
        %parallel_loop3A_554 = tpu.dynamic_gather %parallel_loop3A_549[%parallel_loop3A_553] in [0] : vector<16xf32>, vector<16xi32> -> vector<16xf32>
        %parallel_loop3A_555 = arith.constant true
        %parallel_loop3A_556 = vector.broadcast %parallel_loop3A_555 : i1 to vector<16xi1>
        %parallel_loop3A_557 = tpu.scan <max>, %parallel_loop3A_554 masked %parallel_loop3A_556 : vector<16xf32>, vector<16xi1> -> vector<16xf32>
        %parallel_loop3A_558 = arith.constant 15 : i32
        %parallel_loop3A_559 = vector.broadcast %parallel_loop3A_558 : i32 to vector<16xi32>
        %parallel_loop3A_560 = tpu.iota {dimensions = array<i32: 0>} : vector<16xi32>
        %parallel_loop3A_561 = arith.subi %parallel_loop3A_559, %parallel_loop3A_560 : vector<16xi32>
        %parallel_loop3A_562 = tpu.dynamic_gather %parallel_loop3A_557[%parallel_loop3A_561] in [0] : vector<16xf32>, vector<16xi32> -> vector<16xf32>
        %parallel_loop3A_563 = arith.maximumf %parallel_loop3A_562, %parallel_loop3A_541 : vector<16xf32>
        %parallel_loop3A_564 = vector.shape_cast %broadcast_in_dim3A_3 : vector<16xi32> to vector<16x1xi32>
        %parallel_loop3A_565 = vector.shape_cast %parallel_loop3A_564 : vector<16x1xi32> to vector<16xi32>
        %parallel_loop3A_566 = tpu.dynamic_gather %parallel_loop3A_557[%parallel_loop3A_565] in [0] : vector<16xf32>, vector<16xi32> -> vector<16xf32>
        %parallel_loop3A_567 = arith.maximumf %parallel_loop3A_541, %parallel_loop3A_566 : vector<16xf32>
        %parallel_loop3A_568 = arith.maximumf %parallel_loop3A_355, %parallel_loop3A_549 : vector<16xf32>
        %parallel_loop3A_569 = arith.addf %parallel_loop3A_563, %parallel_loop3A_568 : vector<16xf32>
        %parallel_loop3A_570 = arith.index_cast %parallel_loop3A_364 : i32 to index
        %parallel_loop3A_571 = arith.constant 256 : index
        %parallel_loop3A_572 = tpu.vector_load %arg6[%parallel_loop3A_570, %parallel_loop3A_571] {strides = array<i32>} : memref<64x384xf32, #tpu.memory_space<vmem>>, vector<16xf32>,
        tpu.vector_store %arg6[%parallel_loop3A_570, %parallel_loop3A_571], %parallel_loop3A_569 {strides = array<i32>} : memref<64x384xf32, #tpu.memory_space<vmem>>, vector<16xf32>,
        %parallel_loop3A_573 = arith.index_cast %parallel_loop3A_364 : i32 to index
        %parallel_loop3A_574 = arith.constant 240 : index
        %parallel_loop3A_575 = tpu.vector_load %arg4[%parallel_loop3A_573, %parallel_loop3A_574] {strides = array<i32>} : memref<64x384xf32, #tpu.memory_space<vmem>>, vector<16xf32>,
        %parallel_loop3A_576 = arith.constant 15 : i32
        %parallel_loop3A_577 = vector.broadcast %parallel_loop3A_576 : i32 to vector<16xi32>
        %parallel_loop3A_578 = tpu.iota {dimensions = array<i32: 0>} : vector<16xi32>
        %parallel_loop3A_579 = arith.subi %parallel_loop3A_577, %parallel_loop3A_578 : vector<16xi32>
        %parallel_loop3A_580 = tpu.dynamic_gather %parallel_loop3A_575[%parallel_loop3A_579] in [0] : vector<16xf32>, vector<16xi32> -> vector<16xf32>
        %parallel_loop3A_581 = arith.constant true
        %parallel_loop3A_582 = vector.broadcast %parallel_loop3A_581 : i1 to vector<16xi1>
        %parallel_loop3A_583 = tpu.scan <max>, %parallel_loop3A_580 masked %parallel_loop3A_582 : vector<16xf32>, vector<16xi1> -> vector<16xf32>
        %parallel_loop3A_584 = arith.constant 15 : i32
        %parallel_loop3A_585 = vector.broadcast %parallel_loop3A_584 : i32 to vector<16xi32>
        %parallel_loop3A_586 = tpu.iota {dimensions = array<i32: 0>} : vector<16xi32>
        %parallel_loop3A_587 = arith.subi %parallel_loop3A_585, %parallel_loop3A_586 : vector<16xi32>
        %parallel_loop3A_588 = tpu.dynamic_gather %parallel_loop3A_583[%parallel_loop3A_587] in [0] : vector<16xf32>, vector<16xi32> -> vector<16xf32>
        %parallel_loop3A_589 = arith.maximumf %parallel_loop3A_588, %parallel_loop3A_567 : vector<16xf32>
        %parallel_loop3A_590 = vector.shape_cast %broadcast_in_dim3A_3 : vector<16xi32> to vector<16x1xi32>
        %parallel_loop3A_591 = vector.shape_cast %parallel_loop3A_590 : vector<16x1xi32> to vector<16xi32>
        %parallel_loop3A_592 = tpu.dynamic_gather %parallel_loop3A_583[%parallel_loop3A_591] in [0] : vector<16xf32>, vector<16xi32> -> vector<16xf32>
        %parallel_loop3A_593 = arith.maximumf %parallel_loop3A_567, %parallel_loop3A_592 : vector<16xf32>
        %parallel_loop3A_594 = arith.maximumf %parallel_loop3A_354, %parallel_loop3A_575 : vector<16xf32>
        %parallel_loop3A_595 = arith.addf %parallel_loop3A_589, %parallel_loop3A_594 : vector<16xf32>
        %parallel_loop3A_596 = arith.index_cast %parallel_loop3A_364 : i32 to index
        %parallel_loop3A_597 = arith.constant 240 : index
        %parallel_loop3A_598 = tpu.vector_load %arg6[%parallel_loop3A_596, %parallel_loop3A_597] {strides = array<i32>} : memref<64x384xf32, #tpu.memory_space<vmem>>, vector<16xf32>,
        tpu.vector_store %arg6[%parallel_loop3A_596, %parallel_loop3A_597], %parallel_loop3A_595 {strides = array<i32>} : memref<64x384xf32, #tpu.memory_space<vmem>>, vector<16xf32>,
        %parallel_loop3A_599 = arith.index_cast %parallel_loop3A_364 : i32 to index
        %parallel_loop3A_600 = arith.constant 224 : index
        %parallel_loop3A_601 = tpu.vector_load %arg4[%parallel_loop3A_599, %parallel_loop3A_600] {strides = array<i32>} : memref<64x384xf32, #tpu.memory_space<vmem>>, vector<16xf32>,
        %parallel_loop3A_602 = arith.constant 15 : i32
        %parallel_loop3A_603 = vector.broadcast %parallel_loop3A_602 : i32 to vector<16xi32>
        %parallel_loop3A_604 = tpu.iota {dimensions = array<i32: 0>} : vector<16xi32>
        %parallel_loop3A_605 = arith.subi %parallel_loop3A_603, %parallel_loop3A_604 : vector<16xi32>
        %parallel_loop3A_606 = tpu.dynamic_gather %parallel_loop3A_601[%parallel_loop3A_605] in [0] : vector<16xf32>, vector<16xi32> -> vector<16xf32>
        %parallel_loop3A_607 = arith.constant true
        %parallel_loop3A_608 = vector.broadcast %parallel_loop3A_607 : i1 to vector<16xi1>
        %parallel_loop3A_609 = tpu.scan <max>, %parallel_loop3A_606 masked %parallel_loop3A_608 : vector<16xf32>, vector<16xi1> -> vector<16xf32>
        %parallel_loop3A_610 = arith.constant 15 : i32
        %parallel_loop3A_611 = vector.broadcast %parallel_loop3A_610 : i32 to vector<16xi32>
        %parallel_loop3A_612 = tpu.iota {dimensions = array<i32: 0>} : vector<16xi32>
        %parallel_loop3A_613 = arith.subi %parallel_loop3A_611, %parallel_loop3A_612 : vector<16xi32>
        %parallel_loop3A_614 = tpu.dynamic_gather %parallel_loop3A_609[%parallel_loop3A_613] in [0] : vector<16xf32>, vector<16xi32> -> vector<16xf32>
        %parallel_loop3A_615 = arith.maximumf %parallel_loop3A_614, %parallel_loop3A_593 : vector<16xf32>
        %parallel_loop3A_616 = vector.shape_cast %broadcast_in_dim3A_3 : vector<16xi32> to vector<16x1xi32>
        %parallel_loop3A_617 = vector.shape_cast %parallel_loop3A_616 : vector<16x1xi32> to vector<16xi32>
        %parallel_loop3A_618 = tpu.dynamic_gather %parallel_loop3A_609[%parallel_loop3A_617] in [0] : vector<16xf32>, vector<16xi32> -> vector<16xf32>
        %parallel_loop3A_619 = arith.maximumf %parallel_loop3A_593, %parallel_loop3A_618 : vector<16xf32>
        %parallel_loop3A_620 = arith.maximumf %parallel_loop3A_353, %parallel_loop3A_601 : vector<16xf32>
        %parallel_loop3A_621 = arith.addf %parallel_loop3A_615, %parallel_loop3A_620 : vector<16xf32>
        %parallel_loop3A_622 = arith.index_cast %parallel_loop3A_364 : i32 to index
        %parallel_loop3A_623 = arith.constant 224 : index
        %parallel_loop3A_624 = tpu.vector_load %arg6[%parallel_loop3A_622, %parallel_loop3A_623] {strides = array<i32>} : memref<64x384xf32, #tpu.memory_space<vmem>>, vector<16xf32>,
        tpu.vector_store %arg6[%parallel_loop3A_622, %parallel_loop3A_623], %parallel_loop3A_621 {strides = array<i32>} : memref<64x384xf32, #tpu.memory_space<vmem>>, vector<16xf32>,
        %parallel_loop3A_625 = arith.index_cast %parallel_loop3A_364 : i32 to index
        %parallel_loop3A_626 = arith.constant 208 : index
        %parallel_loop3A_627 = tpu.vector_load %arg4[%parallel_loop3A_625, %parallel_loop3A_626] {strides = array<i32>} : memref<64x384xf32, #tpu.memory_space<vmem>>, vector<16xf32>,
        %parallel_loop3A_628 = arith.constant 15 : i32
        %parallel_loop3A_629 = vector.broadcast %parallel_loop3A_628 : i32 to vector<16xi32>
        %parallel_loop3A_630 = tpu.iota {dimensions = array<i32: 0>} : vector<16xi32>
        %parallel_loop3A_631 = arith.subi %parallel_loop3A_629, %parallel_loop3A_630 : vector<16xi32>
        %parallel_loop3A_632 = tpu.dynamic_gather %parallel_loop3A_627[%parallel_loop3A_631] in [0] : vector<16xf32>, vector<16xi32> -> vector<16xf32>
        %parallel_loop3A_633 = arith.constant true
        %parallel_loop3A_634 = vector.broadcast %parallel_loop3A_633 : i1 to vector<16xi1>
        %parallel_loop3A_635 = tpu.scan <max>, %parallel_loop3A_632 masked %parallel_loop3A_634 : vector<16xf32>, vector<16xi1> -> vector<16xf32>
        %parallel_loop3A_636 = arith.constant 15 : i32
        %parallel_loop3A_637 = vector.broadcast %parallel_loop3A_636 : i32 to vector<16xi32>
        %parallel_loop3A_638 = tpu.iota {dimensions = array<i32: 0>} : vector<16xi32>
        %parallel_loop3A_639 = arith.subi %parallel_loop3A_637, %parallel_loop3A_638 : vector<16xi32>
        %parallel_loop3A_640 = tpu.dynamic_gather %parallel_loop3A_635[%parallel_loop3A_639] in [0] : vector<16xf32>, vector<16xi32> -> vector<16xf32>
        %parallel_loop3A_641 = arith.maximumf %parallel_loop3A_640, %parallel_loop3A_619 : vector<16xf32>
        %parallel_loop3A_642 = vector.shape_cast %broadcast_in_dim3A_3 : vector<16xi32> to vector<16x1xi32>
        %parallel_loop3A_643 = vector.shape_cast %parallel_loop3A_642 : vector<16x1xi32> to vector<16xi32>
        %parallel_loop3A_644 = tpu.dynamic_gather %parallel_loop3A_635[%parallel_loop3A_643] in [0] : vector<16xf32>, vector<16xi32> -> vector<16xf32>
        %parallel_loop3A_645 = arith.maximumf %parallel_loop3A_619, %parallel_loop3A_644 : vector<16xf32>
        %parallel_loop3A_646 = arith.maximumf %parallel_loop3A_352, %parallel_loop3A_627 : vector<16xf32>
        %parallel_loop3A_647 = arith.addf %parallel_loop3A_641, %parallel_loop3A_646 : vector<16xf32>
        %parallel_loop3A_648 = arith.index_cast %parallel_loop3A_364 : i32 to index
        %parallel_loop3A_649 = arith.constant 208 : index
        %parallel_loop3A_650 = tpu.vector_load %arg6[%parallel_loop3A_648, %parallel_loop3A_649] {strides = array<i32>} : memref<64x384xf32, #tpu.memory_space<vmem>>, vector<16xf32>,
        tpu.vector_store %arg6[%parallel_loop3A_648, %parallel_loop3A_649], %parallel_loop3A_647 {strides = array<i32>} : memref<64x384xf32, #tpu.memory_space<vmem>>, vector<16xf32>,
        %parallel_loop3A_651 = arith.index_cast %parallel_loop3A_364 : i32 to index
        %parallel_loop3A_652 = arith.constant 192 : index
        %parallel_loop3A_653 = tpu.vector_load %arg4[%parallel_loop3A_651, %parallel_loop3A_652] {strides = array<i32>} : memref<64x384xf32, #tpu.memory_space<vmem>>, vector<16xf32>,
        %parallel_loop3A_654 = arith.constant 15 : i32
        %parallel_loop3A_655 = vector.broadcast %parallel_loop3A_654 : i32 to vector<16xi32>
        %parallel_loop3A_656 = tpu.iota {dimensions = array<i32: 0>} : vector<16xi32>
        %parallel_loop3A_657 = arith.subi %parallel_loop3A_655, %parallel_loop3A_656 : vector<16xi32>
        %parallel_loop3A_658 = tpu.dynamic_gather %parallel_loop3A_653[%parallel_loop3A_657] in [0] : vector<16xf32>, vector<16xi32> -> vector<16xf32>
        %parallel_loop3A_659 = arith.constant true
        %parallel_loop3A_660 = vector.broadcast %parallel_loop3A_659 : i1 to vector<16xi1>
        %parallel_loop3A_661 = tpu.scan <max>, %parallel_loop3A_658 masked %parallel_loop3A_660 : vector<16xf32>, vector<16xi1> -> vector<16xf32>
        %parallel_loop3A_662 = arith.constant 15 : i32
        %parallel_loop3A_663 = vector.broadcast %parallel_loop3A_662 : i32 to vector<16xi32>
        %parallel_loop3A_664 = tpu.iota {dimensions = array<i32: 0>} : vector<16xi32>
        %parallel_loop3A_665 = arith.subi %parallel_loop3A_663, %parallel_loop3A_664 : vector<16xi32>
        %parallel_loop3A_666 = tpu.dynamic_gather %parallel_loop3A_661[%parallel_loop3A_665] in [0] : vector<16xf32>, vector<16xi32> -> vector<16xf32>
        %parallel_loop3A_667 = arith.maximumf %parallel_loop3A_666, %parallel_loop3A_645 : vector<16xf32>
        %parallel_loop3A_668 = vector.shape_cast %broadcast_in_dim3A_3 : vector<16xi32> to vector<16x1xi32>
        %parallel_loop3A_669 = vector.shape_cast %parallel_loop3A_668 : vector<16x1xi32> to vector<16xi32>
        %parallel_loop3A_670 = tpu.dynamic_gather %parallel_loop3A_661[%parallel_loop3A_669] in [0] : vector<16xf32>, vector<16xi32> -> vector<16xf32>
        %parallel_loop3A_671 = arith.maximumf %parallel_loop3A_645, %parallel_loop3A_670 : vector<16xf32>
        %parallel_loop3A_672 = arith.maximumf %parallel_loop3A_351, %parallel_loop3A_653 : vector<16xf32>
        %parallel_loop3A_673 = arith.addf %parallel_loop3A_667, %parallel_loop3A_672 : vector<16xf32>
        %parallel_loop3A_674 = arith.index_cast %parallel_loop3A_364 : i32 to index
        %parallel_loop3A_675 = arith.constant 192 : index
        %parallel_loop3A_676 = tpu.vector_load %arg6[%parallel_loop3A_674, %parallel_loop3A_675] {strides = array<i32>} : memref<64x384xf32, #tpu.memory_space<vmem>>, vector<16xf32>,
        tpu.vector_store %arg6[%parallel_loop3A_674, %parallel_loop3A_675], %parallel_loop3A_673 {strides = array<i32>} : memref<64x384xf32, #tpu.memory_space<vmem>>, vector<16xf32>,
        %parallel_loop3A_677 = arith.index_cast %parallel_loop3A_364 : i32 to index
        %parallel_loop3A_678 = arith.constant 176 : index
        %parallel_loop3A_679 = tpu.vector_load %arg4[%parallel_loop3A_677, %parallel_loop3A_678] {strides = array<i32>} : memref<64x384xf32, #tpu.memory_space<vmem>>, vector<16xf32>,
        %parallel_loop3A_680 = arith.constant 15 : i32
        %parallel_loop3A_681 = vector.broadcast %parallel_loop3A_680 : i32 to vector<16xi32>
        %parallel_loop3A_682 = tpu.iota {dimensions = array<i32: 0>} : vector<16xi32>
        %parallel_loop3A_683 = arith.subi %parallel_loop3A_681, %parallel_loop3A_682 : vector<16xi32>
        %parallel_loop3A_684 = tpu.dynamic_gather %parallel_loop3A_679[%parallel_loop3A_683] in [0] : vector<16xf32>, vector<16xi32> -> vector<16xf32>
        %parallel_loop3A_685 = arith.constant true
        %parallel_loop3A_686 = vector.broadcast %parallel_loop3A_685 : i1 to vector<16xi1>
        %parallel_loop3A_687 = tpu.scan <max>, %parallel_loop3A_684 masked %parallel_loop3A_686 : vector<16xf32>, vector<16xi1> -> vector<16xf32>
        %parallel_loop3A_688 = arith.constant 15 : i32
        %parallel_loop3A_689 = vector.broadcast %parallel_loop3A_688 : i32 to vector<16xi32>
        %parallel_loop3A_690 = tpu.iota {dimensions = array<i32: 0>} : vector<16xi32>
        %parallel_loop3A_691 = arith.subi %parallel_loop3A_689, %parallel_loop3A_690 : vector<16xi32>
        %parallel_loop3A_692 = tpu.dynamic_gather %parallel_loop3A_687[%parallel_loop3A_691] in [0] : vector<16xf32>, vector<16xi32> -> vector<16xf32>
        %parallel_loop3A_693 = arith.maximumf %parallel_loop3A_692, %parallel_loop3A_671 : vector<16xf32>
        %parallel_loop3A_694 = vector.shape_cast %broadcast_in_dim3A_3 : vector<16xi32> to vector<16x1xi32>
        %parallel_loop3A_695 = vector.shape_cast %parallel_loop3A_694 : vector<16x1xi32> to vector<16xi32>
        %parallel_loop3A_696 = tpu.dynamic_gather %parallel_loop3A_687[%parallel_loop3A_695] in [0] : vector<16xf32>, vector<16xi32> -> vector<16xf32>
        %parallel_loop3A_697 = arith.maximumf %parallel_loop3A_671, %parallel_loop3A_696 : vector<16xf32>
        %parallel_loop3A_698 = arith.maximumf %parallel_loop3A_350, %parallel_loop3A_679 : vector<16xf32>
        %parallel_loop3A_699 = arith.addf %parallel_loop3A_693, %parallel_loop3A_698 : vector<16xf32>
        %parallel_loop3A_700 = arith.index_cast %parallel_loop3A_364 : i32 to index
        %parallel_loop3A_701 = arith.constant 176 : index
        %parallel_loop3A_702 = tpu.vector_load %arg6[%parallel_loop3A_700, %parallel_loop3A_701] {strides = array<i32>} : memref<64x384xf32, #tpu.memory_space<vmem>>, vector<16xf32>,
        tpu.vector_store %arg6[%parallel_loop3A_700, %parallel_loop3A_701], %parallel_loop3A_699 {strides = array<i32>} : memref<64x384xf32, #tpu.memory_space<vmem>>, vector<16xf32>,
        %parallel_loop3A_703 = arith.index_cast %parallel_loop3A_364 : i32 to index
        %parallel_loop3A_704 = arith.constant 160 : index
        %parallel_loop3A_705 = tpu.vector_load %arg4[%parallel_loop3A_703, %parallel_loop3A_704] {strides = array<i32>} : memref<64x384xf32, #tpu.memory_space<vmem>>, vector<16xf32>,
        %parallel_loop3A_706 = arith.constant 15 : i32
        %parallel_loop3A_707 = vector.broadcast %parallel_loop3A_706 : i32 to vector<16xi32>
        %parallel_loop3A_708 = tpu.iota {dimensions = array<i32: 0>} : vector<16xi32>
        %parallel_loop3A_709 = arith.subi %parallel_loop3A_707, %parallel_loop3A_708 : vector<16xi32>
        %parallel_loop3A_710 = tpu.dynamic_gather %parallel_loop3A_705[%parallel_loop3A_709] in [0] : vector<16xf32>, vector<16xi32> -> vector<16xf32>
        %parallel_loop3A_711 = arith.constant true
        %parallel_loop3A_712 = vector.broadcast %parallel_loop3A_711 : i1 to vector<16xi1>
        %parallel_loop3A_713 = tpu.scan <max>, %parallel_loop3A_710 masked %parallel_loop3A_712 : vector<16xf32>, vector<16xi1> -> vector<16xf32>
        %parallel_loop3A_714 = arith.constant 15 : i32
        %parallel_loop3A_715 = vector.broadcast %parallel_loop3A_714 : i32 to vector<16xi32>
        %parallel_loop3A_716 = tpu.iota {dimensions = array<i32: 0>} : vector<16xi32>
        %parallel_loop3A_717 = arith.subi %parallel_loop3A_715, %parallel_loop3A_716 : vector<16xi32>
        %parallel_loop3A_718 = tpu.dynamic_gather %parallel_loop3A_713[%parallel_loop3A_717] in [0] : vector<16xf32>, vector<16xi32> -> vector<16xf32>
        %parallel_loop3A_719 = arith.maximumf %parallel_loop3A_718, %parallel_loop3A_697 : vector<16xf32>
        %parallel_loop3A_720 = vector.shape_cast %broadcast_in_dim3A_3 : vector<16xi32> to vector<16x1xi32>
        %parallel_loop3A_721 = vector.shape_cast %parallel_loop3A_720 : vector<16x1xi32> to vector<16xi32>
        %parallel_loop3A_722 = tpu.dynamic_gather %parallel_loop3A_713[%parallel_loop3A_721] in [0] : vector<16xf32>, vector<16xi32> -> vector<16xf32>
        %parallel_loop3A_723 = arith.maximumf %parallel_loop3A_697, %parallel_loop3A_722 : vector<16xf32>
        %parallel_loop3A_724 = arith.maximumf %parallel_loop3A_349, %parallel_loop3A_705 : vector<16xf32>
        %parallel_loop3A_725 = arith.addf %parallel_loop3A_719, %parallel_loop3A_724 : vector<16xf32>
        %parallel_loop3A_726 = arith.index_cast %parallel_loop3A_364 : i32 to index
        %parallel_loop3A_727 = arith.constant 160 : index
        %parallel_loop3A_728 = tpu.vector_load %arg6[%parallel_loop3A_726, %parallel_loop3A_727] {strides = array<i32>} : memref<64x384xf32, #tpu.memory_space<vmem>>, vector<16xf32>,
        tpu.vector_store %arg6[%parallel_loop3A_726, %parallel_loop3A_727], %parallel_loop3A_725 {strides = array<i32>} : memref<64x384xf32, #tpu.memory_space<vmem>>, vector<16xf32>,
        %parallel_loop3A_729 = arith.index_cast %parallel_loop3A_364 : i32 to index
        %parallel_loop3A_730 = arith.constant 144 : index
        %parallel_loop3A_731 = tpu.vector_load %arg4[%parallel_loop3A_729, %parallel_loop3A_730] {strides = array<i32>} : memref<64x384xf32, #tpu.memory_space<vmem>>, vector<16xf32>,
        %parallel_loop3A_732 = arith.constant 15 : i32
        %parallel_loop3A_733 = vector.broadcast %parallel_loop3A_732 : i32 to vector<16xi32>
        %parallel_loop3A_734 = tpu.iota {dimensions = array<i32: 0>} : vector<16xi32>
        %parallel_loop3A_735 = arith.subi %parallel_loop3A_733, %parallel_loop3A_734 : vector<16xi32>
        %parallel_loop3A_736 = tpu.dynamic_gather %parallel_loop3A_731[%parallel_loop3A_735] in [0] : vector<16xf32>, vector<16xi32> -> vector<16xf32>
        %parallel_loop3A_737 = arith.constant true
        %parallel_loop3A_738 = vector.broadcast %parallel_loop3A_737 : i1 to vector<16xi1>
        %parallel_loop3A_739 = tpu.scan <max>, %parallel_loop3A_736 masked %parallel_loop3A_738 : vector<16xf32>, vector<16xi1> -> vector<16xf32>
        %parallel_loop3A_740 = arith.constant 15 : i32
        %parallel_loop3A_741 = vector.broadcast %parallel_loop3A_740 : i32 to vector<16xi32>
        %parallel_loop3A_742 = tpu.iota {dimensions = array<i32: 0>} : vector<16xi32>
        %parallel_loop3A_743 = arith.subi %parallel_loop3A_741, %parallel_loop3A_742 : vector<16xi32>
        %parallel_loop3A_744 = tpu.dynamic_gather %parallel_loop3A_739[%parallel_loop3A_743] in [0] : vector<16xf32>, vector<16xi32> -> vector<16xf32>
        %parallel_loop3A_745 = arith.maximumf %parallel_loop3A_744, %parallel_loop3A_723 : vector<16xf32>
        %parallel_loop3A_746 = vector.shape_cast %broadcast_in_dim3A_3 : vector<16xi32> to vector<16x1xi32>
        %parallel_loop3A_747 = vector.shape_cast %parallel_loop3A_746 : vector<16x1xi32> to vector<16xi32>
        %parallel_loop3A_748 = tpu.dynamic_gather %parallel_loop3A_739[%parallel_loop3A_747] in [0] : vector<16xf32>, vector<16xi32> -> vector<16xf32>
        %parallel_loop3A_749 = arith.maximumf %parallel_loop3A_723, %parallel_loop3A_748 : vector<16xf32>
        %parallel_loop3A_750 = arith.maximumf %parallel_loop3A_348, %parallel_loop3A_731 : vector<16xf32>
        %parallel_loop3A_751 = arith.addf %parallel_loop3A_745, %parallel_loop3A_750 : vector<16xf32>
        %parallel_loop3A_752 = arith.index_cast %parallel_loop3A_364 : i32 to index
        %parallel_loop3A_753 = arith.constant 144 : index
        %parallel_loop3A_754 = tpu.vector_load %arg6[%parallel_loop3A_752, %parallel_loop3A_753] {strides = array<i32>} : memref<64x384xf32, #tpu.memory_space<vmem>>, vector<16xf32>,
        tpu.vector_store %arg6[%parallel_loop3A_752, %parallel_loop3A_753], %parallel_loop3A_751 {strides = array<i32>} : memref<64x384xf32, #tpu.memory_space<vmem>>, vector<16xf32>,
        %parallel_loop3A_755 = arith.index_cast %parallel_loop3A_364 : i32 to index
        %parallel_loop3A_756 = arith.constant 128 : index
        %parallel_loop3A_757 = tpu.vector_load %arg4[%parallel_loop3A_755, %parallel_loop3A_756] {strides = array<i32>} : memref<64x384xf32, #tpu.memory_space<vmem>>, vector<16xf32>,
        %parallel_loop3A_758 = arith.constant 15 : i32
        %parallel_loop3A_759 = vector.broadcast %parallel_loop3A_758 : i32 to vector<16xi32>
        %parallel_loop3A_760 = tpu.iota {dimensions = array<i32: 0>} : vector<16xi32>
        %parallel_loop3A_761 = arith.subi %parallel_loop3A_759, %parallel_loop3A_760 : vector<16xi32>
        %parallel_loop3A_762 = tpu.dynamic_gather %parallel_loop3A_757[%parallel_loop3A_761] in [0] : vector<16xf32>, vector<16xi32> -> vector<16xf32>
        %parallel_loop3A_763 = arith.constant true
        %parallel_loop3A_764 = vector.broadcast %parallel_loop3A_763 : i1 to vector<16xi1>
        %parallel_loop3A_765 = tpu.scan <max>, %parallel_loop3A_762 masked %parallel_loop3A_764 : vector<16xf32>, vector<16xi1> -> vector<16xf32>
        %parallel_loop3A_766 = arith.constant 15 : i32
        %parallel_loop3A_767 = vector.broadcast %parallel_loop3A_766 : i32 to vector<16xi32>
        %parallel_loop3A_768 = tpu.iota {dimensions = array<i32: 0>} : vector<16xi32>
        %parallel_loop3A_769 = arith.subi %parallel_loop3A_767, %parallel_loop3A_768 : vector<16xi32>
        %parallel_loop3A_770 = tpu.dynamic_gather %parallel_loop3A_765[%parallel_loop3A_769] in [0] : vector<16xf32>, vector<16xi32> -> vector<16xf32>
        %parallel_loop3A_771 = arith.maximumf %parallel_loop3A_770, %parallel_loop3A_749 : vector<16xf32>
        %parallel_loop3A_772 = vector.shape_cast %broadcast_in_dim3A_3 : vector<16xi32> to vector<16x1xi32>
        %parallel_loop3A_773 = vector.shape_cast %parallel_loop3A_772 : vector<16x1xi32> to vector<16xi32>
        %parallel_loop3A_774 = tpu.dynamic_gather %parallel_loop3A_765[%parallel_loop3A_773] in [0] : vector<16xf32>, vector<16xi32> -> vector<16xf32>
        %parallel_loop3A_775 = arith.maximumf %parallel_loop3A_749, %parallel_loop3A_774 : vector<16xf32>
        %parallel_loop3A_776 = arith.maximumf %parallel_loop3A_347, %parallel_loop3A_757 : vector<16xf32>
        %parallel_loop3A_777 = arith.addf %parallel_loop3A_771, %parallel_loop3A_776 : vector<16xf32>
        %parallel_loop3A_778 = arith.index_cast %parallel_loop3A_364 : i32 to index
        %parallel_loop3A_779 = arith.constant 128 : index
        %parallel_loop3A_780 = tpu.vector_load %arg6[%parallel_loop3A_778, %parallel_loop3A_779] {strides = array<i32>} : memref<64x384xf32, #tpu.memory_space<vmem>>, vector<16xf32>,
        tpu.vector_store %arg6[%parallel_loop3A_778, %parallel_loop3A_779], %parallel_loop3A_777 {strides = array<i32>} : memref<64x384xf32, #tpu.memory_space<vmem>>, vector<16xf32>,
        %parallel_loop3A_781 = arith.index_cast %parallel_loop3A_364 : i32 to index
        %parallel_loop3A_782 = arith.constant 112 : index
        %parallel_loop3A_783 = tpu.vector_load %arg4[%parallel_loop3A_781, %parallel_loop3A_782] {strides = array<i32>} : memref<64x384xf32, #tpu.memory_space<vmem>>, vector<16xf32>,
        %parallel_loop3A_784 = arith.constant 15 : i32
        %parallel_loop3A_785 = vector.broadcast %parallel_loop3A_784 : i32 to vector<16xi32>
        %parallel_loop3A_786 = tpu.iota {dimensions = array<i32: 0>} : vector<16xi32>
        %parallel_loop3A_787 = arith.subi %parallel_loop3A_785, %parallel_loop3A_786 : vector<16xi32>
        %parallel_loop3A_788 = tpu.dynamic_gather %parallel_loop3A_783[%parallel_loop3A_787] in [0] : vector<16xf32>, vector<16xi32> -> vector<16xf32>
        %parallel_loop3A_789 = arith.constant true
        %parallel_loop3A_790 = vector.broadcast %parallel_loop3A_789 : i1 to vector<16xi1>
        %parallel_loop3A_791 = tpu.scan <max>, %parallel_loop3A_788 masked %parallel_loop3A_790 : vector<16xf32>, vector<16xi1> -> vector<16xf32>
        %parallel_loop3A_792 = arith.constant 15 : i32
        %parallel_loop3A_793 = vector.broadcast %parallel_loop3A_792 : i32 to vector<16xi32>
        %parallel_loop3A_794 = tpu.iota {dimensions = array<i32: 0>} : vector<16xi32>
        %parallel_loop3A_795 = arith.subi %parallel_loop3A_793, %parallel_loop3A_794 : vector<16xi32>
        %parallel_loop3A_796 = tpu.dynamic_gather %parallel_loop3A_791[%parallel_loop3A_795] in [0] : vector<16xf32>, vector<16xi32> -> vector<16xf32>
        %parallel_loop3A_797 = arith.maximumf %parallel_loop3A_796, %parallel_loop3A_775 : vector<16xf32>
        %parallel_loop3A_798 = vector.shape_cast %broadcast_in_dim3A_3 : vector<16xi32> to vector<16x1xi32>
        %parallel_loop3A_799 = vector.shape_cast %parallel_loop3A_798 : vector<16x1xi32> to vector<16xi32>
        %parallel_loop3A_800 = tpu.dynamic_gather %parallel_loop3A_791[%parallel_loop3A_799] in [0] : vector<16xf32>, vector<16xi32> -> vector<16xf32>
        %parallel_loop3A_801 = arith.maximumf %parallel_loop3A_775, %parallel_loop3A_800 : vector<16xf32>
        %parallel_loop3A_802 = arith.maximumf %parallel_loop3A_346, %parallel_loop3A_783 : vector<16xf32>
        %parallel_loop3A_803 = arith.addf %parallel_loop3A_797, %parallel_loop3A_802 : vector<16xf32>
        %parallel_loop3A_804 = arith.index_cast %parallel_loop3A_364 : i32 to index
        %parallel_loop3A_805 = arith.constant 112 : index
        %parallel_loop3A_806 = tpu.vector_load %arg6[%parallel_loop3A_804, %parallel_loop3A_805] {strides = array<i32>} : memref<64x384xf32, #tpu.memory_space<vmem>>, vector<16xf32>,
        tpu.vector_store %arg6[%parallel_loop3A_804, %parallel_loop3A_805], %parallel_loop3A_803 {strides = array<i32>} : memref<64x384xf32, #tpu.memory_space<vmem>>, vector<16xf32>,
        %parallel_loop3A_807 = arith.index_cast %parallel_loop3A_364 : i32 to index
        %parallel_loop3A_808 = arith.constant 96 : index
        %parallel_loop3A_809 = tpu.vector_load %arg4[%parallel_loop3A_807, %parallel_loop3A_808] {strides = array<i32>} : memref<64x384xf32, #tpu.memory_space<vmem>>, vector<16xf32>,
        %parallel_loop3A_810 = arith.constant 15 : i32
        %parallel_loop3A_811 = vector.broadcast %parallel_loop3A_810 : i32 to vector<16xi32>
        %parallel_loop3A_812 = tpu.iota {dimensions = array<i32: 0>} : vector<16xi32>
        %parallel_loop3A_813 = arith.subi %parallel_loop3A_811, %parallel_loop3A_812 : vector<16xi32>
        %parallel_loop3A_814 = tpu.dynamic_gather %parallel_loop3A_809[%parallel_loop3A_813] in [0] : vector<16xf32>, vector<16xi32> -> vector<16xf32>
        %parallel_loop3A_815 = arith.constant true
        %parallel_loop3A_816 = vector.broadcast %parallel_loop3A_815 : i1 to vector<16xi1>
        %parallel_loop3A_817 = tpu.scan <max>, %parallel_loop3A_814 masked %parallel_loop3A_816 : vector<16xf32>, vector<16xi1> -> vector<16xf32>
        %parallel_loop3A_818 = arith.constant 15 : i32
        %parallel_loop3A_819 = vector.broadcast %parallel_loop3A_818 : i32 to vector<16xi32>
        %parallel_loop3A_820 = tpu.iota {dimensions = array<i32: 0>} : vector<16xi32>
        %parallel_loop3A_821 = arith.subi %parallel_loop3A_819, %parallel_loop3A_820 : vector<16xi32>
        %parallel_loop3A_822 = tpu.dynamic_gather %parallel_loop3A_817[%parallel_loop3A_821] in [0] : vector<16xf32>, vector<16xi32> -> vector<16xf32>
        %parallel_loop3A_823 = arith.maximumf %parallel_loop3A_822, %parallel_loop3A_801 : vector<16xf32>
        %parallel_loop3A_824 = vector.shape_cast %broadcast_in_dim3A_3 : vector<16xi32> to vector<16x1xi32>
        %parallel_loop3A_825 = vector.shape_cast %parallel_loop3A_824 : vector<16x1xi32> to vector<16xi32>
        %parallel_loop3A_826 = tpu.dynamic_gather %parallel_loop3A_817[%parallel_loop3A_825] in [0] : vector<16xf32>, vector<16xi32> -> vector<16xf32>
        %parallel_loop3A_827 = arith.maximumf %parallel_loop3A_801, %parallel_loop3A_826 : vector<16xf32>
        %parallel_loop3A_828 = arith.maximumf %parallel_loop3A_345, %parallel_loop3A_809 : vector<16xf32>
        %parallel_loop3A_829 = arith.addf %parallel_loop3A_823, %parallel_loop3A_828 : vector<16xf32>
        %parallel_loop3A_830 = arith.index_cast %parallel_loop3A_364 : i32 to index
        %parallel_loop3A_831 = arith.constant 96 : index
        %parallel_loop3A_832 = tpu.vector_load %arg6[%parallel_loop3A_830, %parallel_loop3A_831] {strides = array<i32>} : memref<64x384xf32, #tpu.memory_space<vmem>>, vector<16xf32>,
        tpu.vector_store %arg6[%parallel_loop3A_830, %parallel_loop3A_831], %parallel_loop3A_829 {strides = array<i32>} : memref<64x384xf32, #tpu.memory_space<vmem>>, vector<16xf32>,
        %parallel_loop3A_833 = arith.index_cast %parallel_loop3A_364 : i32 to index
        %parallel_loop3A_834 = arith.constant 80 : index
        %parallel_loop3A_835 = tpu.vector_load %arg4[%parallel_loop3A_833, %parallel_loop3A_834] {strides = array<i32>} : memref<64x384xf32, #tpu.memory_space<vmem>>, vector<16xf32>,
        %parallel_loop3A_836 = arith.constant 15 : i32
        %parallel_loop3A_837 = vector.broadcast %parallel_loop3A_836 : i32 to vector<16xi32>
        %parallel_loop3A_838 = tpu.iota {dimensions = array<i32: 0>} : vector<16xi32>
        %parallel_loop3A_839 = arith.subi %parallel_loop3A_837, %parallel_loop3A_838 : vector<16xi32>
        %parallel_loop3A_840 = tpu.dynamic_gather %parallel_loop3A_835[%parallel_loop3A_839] in [0] : vector<16xf32>, vector<16xi32> -> vector<16xf32>
        %parallel_loop3A_841 = arith.constant true
        %parallel_loop3A_842 = vector.broadcast %parallel_loop3A_841 : i1 to vector<16xi1>
        %parallel_loop3A_843 = tpu.scan <max>, %parallel_loop3A_840 masked %parallel_loop3A_842 : vector<16xf32>, vector<16xi1> -> vector<16xf32>
        %parallel_loop3A_844 = arith.constant 15 : i32
        %parallel_loop3A_845 = vector.broadcast %parallel_loop3A_844 : i32 to vector<16xi32>
        %parallel_loop3A_846 = tpu.iota {dimensions = array<i32: 0>} : vector<16xi32>
        %parallel_loop3A_847 = arith.subi %parallel_loop3A_845, %parallel_loop3A_846 : vector<16xi32>
        %parallel_loop3A_848 = tpu.dynamic_gather %parallel_loop3A_843[%parallel_loop3A_847] in [0] : vector<16xf32>, vector<16xi32> -> vector<16xf32>
        %parallel_loop3A_849 = arith.maximumf %parallel_loop3A_848, %parallel_loop3A_827 : vector<16xf32>
        %parallel_loop3A_850 = vector.shape_cast %broadcast_in_dim3A_3 : vector<16xi32> to vector<16x1xi32>
        %parallel_loop3A_851 = vector.shape_cast %parallel_loop3A_850 : vector<16x1xi32> to vector<16xi32>
        %parallel_loop3A_852 = tpu.dynamic_gather %parallel_loop3A_843[%parallel_loop3A_851] in [0] : vector<16xf32>, vector<16xi32> -> vector<16xf32>
        %parallel_loop3A_853 = arith.maximumf %parallel_loop3A_827, %parallel_loop3A_852 : vector<16xf32>
        %parallel_loop3A_854 = arith.maximumf %parallel_loop3A_344, %parallel_loop3A_835 : vector<16xf32>
        %parallel_loop3A_855 = arith.addf %parallel_loop3A_849, %parallel_loop3A_854 : vector<16xf32>
        %parallel_loop3A_856 = arith.index_cast %parallel_loop3A_364 : i32 to index
        %parallel_loop3A_857 = arith.constant 80 : index
        %parallel_loop3A_858 = tpu.vector_load %arg6[%parallel_loop3A_856, %parallel_loop3A_857] {strides = array<i32>} : memref<64x384xf32, #tpu.memory_space<vmem>>, vector<16xf32>,
        tpu.vector_store %arg6[%parallel_loop3A_856, %parallel_loop3A_857], %parallel_loop3A_855 {strides = array<i32>} : memref<64x384xf32, #tpu.memory_space<vmem>>, vector<16xf32>,
        %parallel_loop3A_859 = arith.index_cast %parallel_loop3A_364 : i32 to index
        %parallel_loop3A_860 = arith.constant 64 : index
        %parallel_loop3A_861 = tpu.vector_load %arg4[%parallel_loop3A_859, %parallel_loop3A_860] {strides = array<i32>} : memref<64x384xf32, #tpu.memory_space<vmem>>, vector<16xf32>,
        %parallel_loop3A_862 = arith.constant 15 : i32
        %parallel_loop3A_863 = vector.broadcast %parallel_loop3A_862 : i32 to vector<16xi32>
        %parallel_loop3A_864 = tpu.iota {dimensions = array<i32: 0>} : vector<16xi32>
        %parallel_loop3A_865 = arith.subi %parallel_loop3A_863, %parallel_loop3A_864 : vector<16xi32>
        %parallel_loop3A_866 = tpu.dynamic_gather %parallel_loop3A_861[%parallel_loop3A_865] in [0] : vector<16xf32>, vector<16xi32> -> vector<16xf32>
        %parallel_loop3A_867 = arith.constant true
        %parallel_loop3A_868 = vector.broadcast %parallel_loop3A_867 : i1 to vector<16xi1>
        %parallel_loop3A_869 = tpu.scan <max>, %parallel_loop3A_866 masked %parallel_loop3A_868 : vector<16xf32>, vector<16xi1> -> vector<16xf32>
        %parallel_loop3A_870 = arith.constant 15 : i32
        %parallel_loop3A_871 = vector.broadcast %parallel_loop3A_870 : i32 to vector<16xi32>
        %parallel_loop3A_872 = tpu.iota {dimensions = array<i32: 0>} : vector<16xi32>
        %parallel_loop3A_873 = arith.subi %parallel_loop3A_871, %parallel_loop3A_872 : vector<16xi32>
        %parallel_loop3A_874 = tpu.dynamic_gather %parallel_loop3A_869[%parallel_loop3A_873] in [0] : vector<16xf32>, vector<16xi32> -> vector<16xf32>
        %parallel_loop3A_875 = arith.maximumf %parallel_loop3A_874, %parallel_loop3A_853 : vector<16xf32>
        %parallel_loop3A_876 = vector.shape_cast %broadcast_in_dim3A_3 : vector<16xi32> to vector<16x1xi32>
        %parallel_loop3A_877 = vector.shape_cast %parallel_loop3A_876 : vector<16x1xi32> to vector<16xi32>
        %parallel_loop3A_878 = tpu.dynamic_gather %parallel_loop3A_869[%parallel_loop3A_877] in [0] : vector<16xf32>, vector<16xi32> -> vector<16xf32>
        %parallel_loop3A_879 = arith.maximumf %parallel_loop3A_853, %parallel_loop3A_878 : vector<16xf32>
        %parallel_loop3A_880 = arith.maximumf %parallel_loop3A_343, %parallel_loop3A_861 : vector<16xf32>
        %parallel_loop3A_881 = arith.addf %parallel_loop3A_875, %parallel_loop3A_880 : vector<16xf32>
        %parallel_loop3A_882 = arith.index_cast %parallel_loop3A_364 : i32 to index
        %parallel_loop3A_883 = arith.constant 64 : index
        %parallel_loop3A_884 = tpu.vector_load %arg6[%parallel_loop3A_882, %parallel_loop3A_883] {strides = array<i32>} : memref<64x384xf32, #tpu.memory_space<vmem>>, vector<16xf32>,
        tpu.vector_store %arg6[%parallel_loop3A_882, %parallel_loop3A_883], %parallel_loop3A_881 {strides = array<i32>} : memref<64x384xf32, #tpu.memory_space<vmem>>, vector<16xf32>,
        %parallel_loop3A_885 = arith.index_cast %parallel_loop3A_364 : i32 to index
        %parallel_loop3A_886 = arith.constant 48 : index
        %parallel_loop3A_887 = tpu.vector_load %arg4[%parallel_loop3A_885, %parallel_loop3A_886] {strides = array<i32>} : memref<64x384xf32, #tpu.memory_space<vmem>>, vector<16xf32>,
        %parallel_loop3A_888 = arith.constant 15 : i32
        %parallel_loop3A_889 = vector.broadcast %parallel_loop3A_888 : i32 to vector<16xi32>
        %parallel_loop3A_890 = tpu.iota {dimensions = array<i32: 0>} : vector<16xi32>
        %parallel_loop3A_891 = arith.subi %parallel_loop3A_889, %parallel_loop3A_890 : vector<16xi32>
        %parallel_loop3A_892 = tpu.dynamic_gather %parallel_loop3A_887[%parallel_loop3A_891] in [0] : vector<16xf32>, vector<16xi32> -> vector<16xf32>
        %parallel_loop3A_893 = arith.constant true
        %parallel_loop3A_894 = vector.broadcast %parallel_loop3A_893 : i1 to vector<16xi1>
        %parallel_loop3A_895 = tpu.scan <max>, %parallel_loop3A_892 masked %parallel_loop3A_894 : vector<16xf32>, vector<16xi1> -> vector<16xf32>
        %parallel_loop3A_896 = arith.constant 15 : i32
        %parallel_loop3A_897 = vector.broadcast %parallel_loop3A_896 : i32 to vector<16xi32>
        %parallel_loop3A_898 = tpu.iota {dimensions = array<i32: 0>} : vector<16xi32>
        %parallel_loop3A_899 = arith.subi %parallel_loop3A_897, %parallel_loop3A_898 : vector<16xi32>
        %parallel_loop3A_900 = tpu.dynamic_gather %parallel_loop3A_895[%parallel_loop3A_899] in [0] : vector<16xf32>, vector<16xi32> -> vector<16xf32>
        %parallel_loop3A_901 = arith.maximumf %parallel_loop3A_900, %parallel_loop3A_879 : vector<16xf32>
        %parallel_loop3A_902 = vector.shape_cast %broadcast_in_dim3A_3 : vector<16xi32> to vector<16x1xi32>
        %parallel_loop3A_903 = vector.shape_cast %parallel_loop3A_902 : vector<16x1xi32> to vector<16xi32>
        %parallel_loop3A_904 = tpu.dynamic_gather %parallel_loop3A_895[%parallel_loop3A_903] in [0] : vector<16xf32>, vector<16xi32> -> vector<16xf32>
        %parallel_loop3A_905 = arith.maximumf %parallel_loop3A_879, %parallel_loop3A_904 : vector<16xf32>
        %parallel_loop3A_906 = arith.maximumf %parallel_loop3A_342, %parallel_loop3A_887 : vector<16xf32>
        %parallel_loop3A_907 = arith.addf %parallel_loop3A_901, %parallel_loop3A_906 : vector<16xf32>
        %parallel_loop3A_908 = arith.index_cast %parallel_loop3A_364 : i32 to index
        %parallel_loop3A_909 = arith.constant 48 : index
        %parallel_loop3A_910 = tpu.vector_load %arg6[%parallel_loop3A_908, %parallel_loop3A_909] {strides = array<i32>} : memref<64x384xf32, #tpu.memory_space<vmem>>, vector<16xf32>,
        tpu.vector_store %arg6[%parallel_loop3A_908, %parallel_loop3A_909], %parallel_loop3A_907 {strides = array<i32>} : memref<64x384xf32, #tpu.memory_space<vmem>>, vector<16xf32>,
        %parallel_loop3A_911 = arith.index_cast %parallel_loop3A_364 : i32 to index
        %parallel_loop3A_912 = arith.constant 32 : index
        %parallel_loop3A_913 = tpu.vector_load %arg4[%parallel_loop3A_911, %parallel_loop3A_912] {strides = array<i32>} : memref<64x384xf32, #tpu.memory_space<vmem>>, vector<16xf32>,
        %parallel_loop3A_914 = arith.constant 15 : i32
        %parallel_loop3A_915 = vector.broadcast %parallel_loop3A_914 : i32 to vector<16xi32>
        %parallel_loop3A_916 = tpu.iota {dimensions = array<i32: 0>} : vector<16xi32>
        %parallel_loop3A_917 = arith.subi %parallel_loop3A_915, %parallel_loop3A_916 : vector<16xi32>
        %parallel_loop3A_918 = tpu.dynamic_gather %parallel_loop3A_913[%parallel_loop3A_917] in [0] : vector<16xf32>, vector<16xi32> -> vector<16xf32>
        %parallel_loop3A_919 = arith.constant true
        %parallel_loop3A_920 = vector.broadcast %parallel_loop3A_919 : i1 to vector<16xi1>
        %parallel_loop3A_921 = tpu.scan <max>, %parallel_loop3A_918 masked %parallel_loop3A_920 : vector<16xf32>, vector<16xi1> -> vector<16xf32>
        %parallel_loop3A_922 = arith.constant 15 : i32
        %parallel_loop3A_923 = vector.broadcast %parallel_loop3A_922 : i32 to vector<16xi32>
        %parallel_loop3A_924 = tpu.iota {dimensions = array<i32: 0>} : vector<16xi32>
        %parallel_loop3A_925 = arith.subi %parallel_loop3A_923, %parallel_loop3A_924 : vector<16xi32>
        %parallel_loop3A_926 = tpu.dynamic_gather %parallel_loop3A_921[%parallel_loop3A_925] in [0] : vector<16xf32>, vector<16xi32> -> vector<16xf32>
        %parallel_loop3A_927 = arith.maximumf %parallel_loop3A_926, %parallel_loop3A_905 : vector<16xf32>
        %parallel_loop3A_928 = vector.shape_cast %broadcast_in_dim3A_3 : vector<16xi32> to vector<16x1xi32>
        %parallel_loop3A_929 = vector.shape_cast %parallel_loop3A_928 : vector<16x1xi32> to vector<16xi32>
        %parallel_loop3A_930 = tpu.dynamic_gather %parallel_loop3A_921[%parallel_loop3A_929] in [0] : vector<16xf32>, vector<16xi32> -> vector<16xf32>
        %parallel_loop3A_931 = arith.maximumf %parallel_loop3A_905, %parallel_loop3A_930 : vector<16xf32>
        %parallel_loop3A_932 = arith.maximumf %parallel_loop3A_341, %parallel_loop3A_913 : vector<16xf32>
        %parallel_loop3A_933 = arith.addf %parallel_loop3A_927, %parallel_loop3A_932 : vector<16xf32>
        %parallel_loop3A_934 = arith.index_cast %parallel_loop3A_364 : i32 to index
        %parallel_loop3A_935 = arith.constant 32 : index
        %parallel_loop3A_936 = tpu.vector_load %arg6[%parallel_loop3A_934, %parallel_loop3A_935] {strides = array<i32>} : memref<64x384xf32, #tpu.memory_space<vmem>>, vector<16xf32>,
        tpu.vector_store %arg6[%parallel_loop3A_934, %parallel_loop3A_935], %parallel_loop3A_933 {strides = array<i32>} : memref<64x384xf32, #tpu.memory_space<vmem>>, vector<16xf32>,
        %parallel_loop3A_937 = arith.index_cast %parallel_loop3A_364 : i32 to index
        %parallel_loop3A_938 = arith.constant 16 : index
        %parallel_loop3A_939 = tpu.vector_load %arg4[%parallel_loop3A_937, %parallel_loop3A_938] {strides = array<i32>} : memref<64x384xf32, #tpu.memory_space<vmem>>, vector<16xf32>,
        %parallel_loop3A_940 = arith.constant 15 : i32
        %parallel_loop3A_941 = vector.broadcast %parallel_loop3A_940 : i32 to vector<16xi32>
        %parallel_loop3A_942 = tpu.iota {dimensions = array<i32: 0>} : vector<16xi32>
        %parallel_loop3A_943 = arith.subi %parallel_loop3A_941, %parallel_loop3A_942 : vector<16xi32>
        %parallel_loop3A_944 = tpu.dynamic_gather %parallel_loop3A_939[%parallel_loop3A_943] in [0] : vector<16xf32>, vector<16xi32> -> vector<16xf32>
        %parallel_loop3A_945 = arith.constant true
        %parallel_loop3A_946 = vector.broadcast %parallel_loop3A_945 : i1 to vector<16xi1>
        %parallel_loop3A_947 = tpu.scan <max>, %parallel_loop3A_944 masked %parallel_loop3A_946 : vector<16xf32>, vector<16xi1> -> vector<16xf32>
        %parallel_loop3A_948 = arith.constant 15 : i32
        %parallel_loop3A_949 = vector.broadcast %parallel_loop3A_948 : i32 to vector<16xi32>
        %parallel_loop3A_950 = tpu.iota {dimensions = array<i32: 0>} : vector<16xi32>
        %parallel_loop3A_951 = arith.subi %parallel_loop3A_949, %parallel_loop3A_950 : vector<16xi32>
        %parallel_loop3A_952 = tpu.dynamic_gather %parallel_loop3A_947[%parallel_loop3A_951] in [0] : vector<16xf32>, vector<16xi32> -> vector<16xf32>
        %parallel_loop3A_953 = arith.maximumf %parallel_loop3A_952, %parallel_loop3A_931 : vector<16xf32>
        %parallel_loop3A_954 = vector.shape_cast %broadcast_in_dim3A_3 : vector<16xi32> to vector<16x1xi32>
        %parallel_loop3A_955 = vector.shape_cast %parallel_loop3A_954 : vector<16x1xi32> to vector<16xi32>
        %parallel_loop3A_956 = tpu.dynamic_gather %parallel_loop3A_947[%parallel_loop3A_955] in [0] : vector<16xf32>, vector<16xi32> -> vector<16xf32>
        %parallel_loop3A_957 = arith.maximumf %parallel_loop3A_931, %parallel_loop3A_956 : vector<16xf32>
        %parallel_loop3A_958 = arith.maximumf %parallel_loop3A_340, %parallel_loop3A_939 : vector<16xf32>
        %parallel_loop3A_959 = arith.addf %parallel_loop3A_953, %parallel_loop3A_958 : vector<16xf32>
        %parallel_loop3A_960 = arith.index_cast %parallel_loop3A_364 : i32 to index
        %parallel_loop3A_961 = arith.constant 16 : index
        %parallel_loop3A_962 = tpu.vector_load %arg6[%parallel_loop3A_960, %parallel_loop3A_961] {strides = array<i32>} : memref<64x384xf32, #tpu.memory_space<vmem>>, vector<16xf32>,
        tpu.vector_store %arg6[%parallel_loop3A_960, %parallel_loop3A_961], %parallel_loop3A_959 {strides = array<i32>} : memref<64x384xf32, #tpu.memory_space<vmem>>, vector<16xf32>,
        %parallel_loop3A_963 = arith.index_cast %parallel_loop3A_364 : i32 to index
        %parallel_loop3A_964 = arith.constant 0 : index
        %parallel_loop3A_965 = tpu.vector_load %arg4[%parallel_loop3A_963, %parallel_loop3A_964] {strides = array<i32>} : memref<64x384xf32, #tpu.memory_space<vmem>>, vector<16xf32>,
        %parallel_loop3A_966 = arith.constant 15 : i32
        %parallel_loop3A_967 = vector.broadcast %parallel_loop3A_966 : i32 to vector<16xi32>
        %parallel_loop3A_968 = tpu.iota {dimensions = array<i32: 0>} : vector<16xi32>
        %parallel_loop3A_969 = arith.subi %parallel_loop3A_967, %parallel_loop3A_968 : vector<16xi32>
        %parallel_loop3A_970 = tpu.dynamic_gather %parallel_loop3A_965[%parallel_loop3A_969] in [0] : vector<16xf32>, vector<16xi32> -> vector<16xf32>
        %parallel_loop3A_971 = arith.constant true
        %parallel_loop3A_972 = vector.broadcast %parallel_loop3A_971 : i1 to vector<16xi1>
        %parallel_loop3A_973 = tpu.scan <max>, %parallel_loop3A_970 masked %parallel_loop3A_972 : vector<16xf32>, vector<16xi1> -> vector<16xf32>
        %parallel_loop3A_974 = arith.constant 15 : i32
        %parallel_loop3A_975 = vector.broadcast %parallel_loop3A_974 : i32 to vector<16xi32>
        %parallel_loop3A_976 = tpu.iota {dimensions = array<i32: 0>} : vector<16xi32>
        %parallel_loop3A_977 = arith.subi %parallel_loop3A_975, %parallel_loop3A_976 : vector<16xi32>
        %parallel_loop3A_978 = tpu.dynamic_gather %parallel_loop3A_973[%parallel_loop3A_977] in [0] : vector<16xf32>, vector<16xi32> -> vector<16xf32>
        %parallel_loop3A_979 = arith.maximumf %parallel_loop3A_978, %parallel_loop3A_957 : vector<16xf32>
        %parallel_loop3A_980 = vector.shape_cast %broadcast_in_dim3A_3 : vector<16xi32> to vector<16x1xi32>
        %parallel_loop3A_981 = vector.shape_cast %parallel_loop3A_980 : vector<16x1xi32> to vector<16xi32>
        %parallel_loop3A_982 = tpu.dynamic_gather %parallel_loop3A_973[%parallel_loop3A_981] in [0] : vector<16xf32>, vector<16xi32> -> vector<16xf32>
        %parallel_loop3A_983 = arith.maximumf %parallel_loop3A_957, %parallel_loop3A_982 : vector<16xf32>
        %parallel_loop3A_984 = arith.maximumf %parallel_loop3A_339, %parallel_loop3A_965 : vector<16xf32>
        %parallel_loop3A_985 = arith.addf %parallel_loop3A_979, %parallel_loop3A_984 : vector<16xf32>
        %parallel_loop3A_986 = arith.index_cast %parallel_loop3A_364 : i32 to index
        %parallel_loop3A_987 = arith.constant 0 : index
        %parallel_loop3A_988 = tpu.vector_load %arg6[%parallel_loop3A_986, %parallel_loop3A_987] {strides = array<i32>} : memref<64x384xf32, #tpu.memory_space<vmem>>, vector<16xf32>,
        tpu.vector_store %arg6[%parallel_loop3A_986, %parallel_loop3A_987], %parallel_loop3A_985 {strides = array<i32>} : memref<64x384xf32, #tpu.memory_space<vmem>>, vector<16xf32>,
        scf.yield %parallel_loop3A_984, %parallel_loop3A_958, %parallel_loop3A_932, %parallel_loop3A_906, %parallel_loop3A_880, %parallel_loop3A_854, %parallel_loop3A_828, %parallel_loop3A_802, %parallel_loop3A_776, %parallel_loop3A_750, %parallel_loop3A_724, %parallel_loop3A_698, %parallel_loop3A_672, %parallel_loop3A_646, %parallel_loop3A_620, %parallel_loop3A_594, %parallel_loop3A_568, %parallel_loop3A_542, %parallel_loop3A_516, %parallel_loop3A_490, %parallel_loop3A_464, %parallel_loop3A_438, %parallel_loop3A_412, %parallel_loop3A_386 : vector<16xf32>, vector<16xf32>, vector<16xf32>, vector<16xf32>, vector<16xf32>, vector<16xf32>, vector<16xf32>, vector<16xf32>, vector<16xf32>, vector<16xf32>, vector<16xf32>, vector<16xf32>, vector<16xf32>, vector<16xf32>, vector<16xf32>, vector<16xf32>, vector<16xf32>, vector<16xf32>, vector<16xf32>, vector<16xf32>, vector<16xf32>, vector<16xf32>, vector<16xf32>, vector<16xf32>
      } {sc.loop_unroll_factor = 2 : i64, sc.parallel_access}
      %mul3A_165 = arith.constant 2 : i32
      %mul3A_166 = arith.muli %add3A, %mul3A_165 : i32
      %jit3A_167 = arith.constant 6 : i32
      %div3A_168 = arith.divsi %mul3A_63, %jit3A_167 : i32
      %sign3A_169 = arith.constant 0 : i32
      %sign3A_170 = arith.cmpi sgt, %mul3A_63, %sign3A_169 : i32
      %sign3A_171 = arith.extui %sign3A_170 : i1 to i32
      %sign3A_172 = arith.constant 0 : i32
      %sign3A_173 = arith.cmpi slt, %mul3A_63, %sign3A_172 : i32
      %sign3A_174 = arith.extui %sign3A_173 : i1 to i32
      %sign3A_175 = arith.subi %sign3A_171, %sign3A_174 : i32
      %sign3A_176 = arith.constant 0 : i32
      %sign3A_177 = arith.cmpi sgt, %jit3A_167, %sign3A_176 : i32
      %sign3A_178 = arith.extui %sign3A_177 : i1 to i32
      %sign3A_179 = arith.constant 0 : i32
      %sign3A_180 = arith.cmpi slt, %jit3A_167, %sign3A_179 : i32
      %sign3A_181 = arith.extui %sign3A_180 : i1 to i32
      %sign3A_182 = arith.subi %sign3A_178, %sign3A_181 : i32
      %ne3A_183 = arith.cmpi ne, %sign3A_175, %sign3A_182 : i32
      %rem3A_184 = arith.remsi %mul3A_63, %jit3A_167 : i32
      %ne3A_185 = arith.constant 0 : i32
      %ne3A_186 = arith.cmpi ne, %rem3A_184, %ne3A_185 : i32
      %and3A_187 = arith.andi %ne3A_183, %ne3A_186 : i1
      %sub3A_188 = arith.constant 1 : i32
      %sub3A_189 = arith.subi %div3A_168, %sub3A_188 : i32
      %select_n3A_190 = arith.select %and3A_187, %sub3A_189, %div3A_168 : i32
      %add3A_191 = arith.addi %mul3A_166, %select_n3A_190 : i32
      %jit3A_192 = arith.constant 6 : i32
      %eq3A_193 = arith.constant 0 : i32
      %eq3A_194 = arith.cmpi eq, %jit3A_192, %eq3A_193 : i32
      %jit3A_195 = arith.constant 1 : i32
      %select_n3A_196 = arith.select %eq3A_194, %jit3A_195, %jit3A_192 : i32
      %rem3A_197 = arith.remsi %mul3A_63, %select_n3A_196 : i32
      %ne3A_198 = arith.constant 0 : i32
      %ne3A_199 = arith.cmpi ne, %rem3A_197, %ne3A_198 : i32
      %lt3A_200 = arith.constant 0 : i32
      %lt3A_201 = arith.cmpi slt, %rem3A_197, %lt3A_200 : i32
      %lt3A_202 = arith.constant 0 : i32
      %lt3A_203 = arith.cmpi slt, %select_n3A_196, %lt3A_202 : i32
      %ne3A_204 = arith.xori %lt3A_201, %lt3A_203 : i1
      %and3A_205 = arith.andi %ne3A_204, %ne3A_199 : i1
      %add3A_206 = arith.addi %rem3A_197, %select_n3A_196 : i32
      %select_n3A_207 = arith.select %and3A_205, %add3A_206, %rem3A_197 : i32
      %sub3A_208 = arith.constant 5 : i32
      %sub3A_209 = arith.subi %sub3A_208, %select_n3A_207 : i32
      %mul3A_210 = arith.constant 64 : i32
      %mul3A_211 = arith.muli %sub3A_209, %mul3A_210 : i32
      %dma_start3A_212 = arith.constant 0 : i32
      %dma_start3A_213 = tpu.memref_slice %arg3[%add3A_191, %mul3A_211, %dma_start3A_212] : memref<64x384x384xf32, #tpu.memory_space<hbm>> -> memref<1x64x384xf32, #tpu.memory_space<hbm>>
      %dma_start3A_214 = tpu.memref_squeeze %dma_start3A_213 : memref<1x64x384xf32, #tpu.memory_space<hbm>> -> memref<64x384xf32, #tpu.memory_space<hbm>>
      %dma_start3A_215 = arith.constant 0 : i32
      %dma_start3A_216 = tpu.memref_slice %arg3[%add3A_191, %mul3A_211, %dma_start3A_215] : memref<64x384x384xf32, #tpu.memory_space<hbm>> -> memref<1x64x384xf32, #tpu.memory_space<hbm>>
      %dma_start3A_217 = tpu.memref_squeeze %dma_start3A_216 : memref<1x64x384xf32, #tpu.memory_space<hbm>> -> memref<64x384xf32, #tpu.memory_space<hbm>>
      tpu.enqueue_dma source(%arg6 : memref<64x384xf32, #tpu.memory_space<vmem>>) target(%dma_start3A_217 : memref<64x384xf32, #tpu.memory_space<hbm>>) target_semaphore(%arg10 : memref<!tpu.dma_semaphore, #tpu.memory_space<semaphore_mem>>)
      %add3A_218 = arith.constant 1 : i32
      %add3A_219 = arith.addi %add3A_65, %add3A_218 : i32
      %lt3A_220 = arith.constant 12 : i32
      %lt3A_221 = arith.cmpi slt, %add3A_219, %lt3A_220 : i32
      %convert_element_type3A_222 = arith.extui %lt3A_221 : i1 to i32
      %cond3A_223 = arith.constant 0 : i32
      %cond3A_224 = arith.cmpi ne, %convert_element_type3A_222, %cond3A_223 : i32
      scf.if %cond3A_224 {
        %add3A_338 = arith.constant 1 : i32
        %add3A_339 = arith.addi %add3A_65, %add3A_338 : i32
        %mul3A_340 = arith.constant 2 : i32
        %mul3A_341 = arith.muli %add3A, %mul3A_340 : i32
        %jit3A_342 = arith.constant 6 : i32
        %div3A_343 = arith.divsi %add3A_339, %jit3A_342 : i32
        %sign3A_344 = arith.constant 0 : i32
        %sign3A_345 = arith.cmpi sgt, %add3A_339, %sign3A_344 : i32
        %sign3A_346 = arith.extui %sign3A_345 : i1 to i32
        %sign3A_347 = arith.constant 0 : i32
        %sign3A_348 = arith.cmpi slt, %add3A_339, %sign3A_347 : i32
        %sign3A_349 = arith.extui %sign3A_348 : i1 to i32
        %sign3A_350 = arith.subi %sign3A_346, %sign3A_349 : i32
        %sign3A_351 = arith.constant 0 : i32
        %sign3A_352 = arith.cmpi sgt, %jit3A_342, %sign3A_351 : i32
        %sign3A_353 = arith.extui %sign3A_352 : i1 to i32
        %sign3A_354 = arith.constant 0 : i32
        %sign3A_355 = arith.cmpi slt, %jit3A_342, %sign3A_354 : i32
        %sign3A_356 = arith.extui %sign3A_355 : i1 to i32
        %sign3A_357 = arith.subi %sign3A_353, %sign3A_356 : i32
        %ne3A_358 = arith.cmpi ne, %sign3A_350, %sign3A_357 : i32
        %rem3A_359 = arith.remsi %add3A_339, %jit3A_342 : i32
        %ne3A_360 = arith.constant 0 : i32
        %ne3A_361 = arith.cmpi ne, %rem3A_359, %ne3A_360 : i32
        %and3A_362 = arith.andi %ne3A_358, %ne3A_361 : i1
        %sub3A_363 = arith.constant 1 : i32
        %sub3A_364 = arith.subi %div3A_343, %sub3A_363 : i32
        %select_n3A_365 = arith.select %and3A_362, %sub3A_364, %div3A_343 : i32
        %add3A_366 = arith.addi %mul3A_341, %select_n3A_365 : i32
        %jit3A_367 = arith.constant 6 : i32
        %eq3A_368 = arith.constant 0 : i32
        %eq3A_369 = arith.cmpi eq, %jit3A_367, %eq3A_368 : i32
        %jit3A_370 = arith.constant 1 : i32
        %select_n3A_371 = arith.select %eq3A_369, %jit3A_370, %jit3A_367 : i32
        %rem3A_372 = arith.remsi %add3A_339, %select_n3A_371 : i32
        %ne3A_373 = arith.constant 0 : i32
        %ne3A_374 = arith.cmpi ne, %rem3A_372, %ne3A_373 : i32
        %lt3A_375 = arith.constant 0 : i32
        %lt3A_376 = arith.cmpi slt, %rem3A_372, %lt3A_375 : i32
        %lt3A_377 = arith.constant 0 : i32
        %lt3A_378 = arith.cmpi slt, %select_n3A_371, %lt3A_377 : i32
        %ne3A_379 = arith.xori %lt3A_376, %lt3A_378 : i1
        %and3A_380 = arith.andi %ne3A_379, %ne3A_374 : i1
        %add3A_381 = arith.addi %rem3A_372, %select_n3A_371 : i32
        %select_n3A_382 = arith.select %and3A_380, %add3A_381, %rem3A_372 : i32
        %sub3A_383 = arith.constant 5 : i32
        %sub3A_384 = arith.subi %sub3A_383, %select_n3A_382 : i32
        %mul3A_385 = arith.constant 64 : i32
        %mul3A_386 = arith.muli %sub3A_384, %mul3A_385 : i32
        %dma_start3A_387 = arith.constant 0 : i32
        %dma_start3A_388 = tpu.memref_slice %arg2[%add3A_366, %mul3A_386, %dma_start3A_387] : memref<192x384x384xf32, #tpu.memory_space<hbm>> -> memref<1x64x384xf32, #tpu.memory_space<hbm>>
        %dma_start3A_389 = tpu.memref_squeeze %dma_start3A_388 : memref<1x64x384xf32, #tpu.memory_space<hbm>> -> memref<64x384xf32, #tpu.memory_space<hbm>>
        %dma_start3A_390 = arith.constant 0 : i32
        %dma_start3A_391 = tpu.memref_slice %arg2[%add3A_366, %mul3A_386, %dma_start3A_390] : memref<192x384x384xf32, #tpu.memory_space<hbm>> -> memref<1x64x384xf32, #tpu.memory_space<hbm>>
        %dma_start3A_392 = tpu.memref_squeeze %dma_start3A_391 : memref<1x64x384xf32, #tpu.memory_space<hbm>> -> memref<64x384xf32, #tpu.memory_space<hbm>>
        tpu.enqueue_dma source(%dma_start3A_392 : memref<64x384xf32, #tpu.memory_space<hbm>>) target(%arg4 : memref<64x384xf32, #tpu.memory_space<vmem>>) target_semaphore(%arg8 : memref<!tpu.dma_semaphore, #tpu.memory_space<semaphore_mem>>)
      } else {
      }
      %dma_wait3A_225 = arith.constant 0 : i32
      %dma_wait3A_226 = arith.constant 0 : i32
      %dma_wait3A_227 = arith.constant 0 : i32
      %dma_wait3A_228 = tpu.memref_slice %arg2[%dma_wait3A_225, %dma_wait3A_226, %dma_wait3A_227] : memref<192x384x384xf32, #tpu.memory_space<hbm>> -> memref<1x64x384xf32, #tpu.memory_space<hbm>>
      %dma_wait3A_229 = tpu.memref_squeeze %dma_wait3A_228 : memref<1x64x384xf32, #tpu.memory_space<hbm>> -> memref<64x384xf32, #tpu.memory_space<hbm>>
      %dma_wait3A_230 = arith.constant 0 : i32
      %dma_wait3A_231 = arith.constant 0 : i32
      %dma_wait3A_232 = tpu.memref_slice %arg2[%dma_wait3A_225, %dma_wait3A_230, %dma_wait3A_231] : memref<192x384x384xf32, #tpu.memory_space<hbm>> -> memref<1x64x384xf32, #tpu.memory_space<hbm>>
      %dma_wait3A_233 = tpu.memref_squeeze %dma_wait3A_232 : memref<1x64x384xf32, #tpu.memory_space<hbm>> -> memref<64x384xf32, #tpu.memory_space<hbm>>
      tpu.wait_dma2 semaphore(%arg9 : memref<!tpu.dma_semaphore, #tpu.memory_space<semaphore_mem>>) src(%dma_wait3A_233 : memref<64x384xf32, #tpu.memory_space<hbm>>) dst(%arg5 : memref<64x384xf32, #tpu.memory_space<vmem>>)
      %gt3A_234 = arith.constant 0 : i32
      %gt3A_235 = arith.cmpi sgt, %scan3A_37, %gt3A_234 : i32
      %convert_element_type3A_236 = arith.extui %gt3A_235 : i1 to i32
      %cond3A_237 = arith.constant 0 : i32
      %cond3A_238 = arith.cmpi ne, %convert_element_type3A_236, %cond3A_237 : i32
      scf.if %cond3A_238 {
        %dma_wait3A_338 = arith.constant 0 : i32
        %dma_wait3A_339 = arith.constant 0 : i32
        %dma_wait3A_340 = arith.constant 0 : i32
        %dma_wait3A_341 = tpu.memref_slice %arg3[%dma_wait3A_338, %dma_wait3A_339, %dma_wait3A_340] : memref<64x384x384xf32, #tpu.memory_space<hbm>> -> memref<1x64x384xf32, #tpu.memory_space<hbm>>
        %dma_wait3A_342 = tpu.memref_squeeze %dma_wait3A_341 : memref<1x64x384xf32, #tpu.memory_space<hbm>> -> memref<64x384xf32, #tpu.memory_space<hbm>>
        %dma_wait3A_343 = arith.constant 0 : i32
        %dma_wait3A_344 = arith.constant 0 : i32
        %dma_wait3A_345 = tpu.memref_slice %arg3[%dma_wait3A_338, %dma_wait3A_343, %dma_wait3A_344] : memref<64x384x384xf32, #tpu.memory_space<hbm>> -> memref<1x64x384xf32, #tpu.memory_space<hbm>>
        %dma_wait3A_346 = tpu.memref_squeeze %dma_wait3A_345 : memref<1x64x384xf32, #tpu.memory_space<hbm>> -> memref<64x384xf32, #tpu.memory_space<hbm>>
        tpu.wait_dma2 semaphore(%arg11 : memref<!tpu.dma_semaphore, #tpu.memory_space<semaphore_mem>>) src(%arg7 : memref<64x384xf32, #tpu.memory_space<vmem>>) dst(%dma_wait3A_346 : memref<64x384xf32, #tpu.memory_space<hbm>>)
      } else {
      }
      %jit3A_239 = arith.constant 6 : i32
      %eq3A_240 = arith.constant 0 : i32
      %eq3A_241 = arith.cmpi eq, %jit3A_239, %eq3A_240 : i32
      %jit3A_242 = arith.constant 1 : i32
      %select_n3A_243 = arith.select %eq3A_241, %jit3A_242, %jit3A_239 : i32
      %rem3A_244 = arith.remsi %add3A_65, %select_n3A_243 : i32
      %ne3A_245 = arith.constant 0 : i32
      %ne3A_246 = arith.cmpi ne, %rem3A_244, %ne3A_245 : i32
      %lt3A_247 = arith.constant 0 : i32
      %lt3A_248 = arith.cmpi slt, %rem3A_244, %lt3A_247 : i32
      %lt3A_249 = arith.constant 0 : i32
      %lt3A_250 = arith.cmpi slt, %select_n3A_243, %lt3A_249 : i32
      %ne3A_251 = arith.xori %lt3A_248, %lt3A_250 : i1
      %and3A_252 = arith.andi %ne3A_251, %ne3A_246 : i1
      %add3A_253 = arith.addi %rem3A_244, %select_n3A_243 : i32
      %select_n3A_254 = arith.select %and3A_252, %add3A_253, %rem3A_244 : i32
      %eq3A_255 = arith.constant 0 : i32
      %eq3A_256 = arith.cmpi eq, %select_n3A_254, %eq3A_255 : i32
      %select_n3A_257 = arith.select %eq3A_256, %broadcast_in_dim3A_1, %parallel_loop3A_164#0 : vector<16xf32>
      %select_n3A_258 = arith.select %eq3A_256, %broadcast_in_dim3A_1, %parallel_loop3A_164#1 : vector<16xf32>
      %select_n3A_259 = arith.select %eq3A_256, %broadcast_in_dim3A_1, %parallel_loop3A_164#2 : vector<16xf32>
      %select_n3A_260 = arith.select %eq3A_256, %broadcast_in_dim3A_1, %parallel_loop3A_164#3 : vector<16xf32>
      %select_n3A_261 = arith.select %eq3A_256, %broadcast_in_dim3A_1, %parallel_loop3A_164#4 : vector<16xf32>
      %select_n3A_262 = arith.select %eq3A_256, %broadcast_in_dim3A_1, %parallel_loop3A_164#5 : vector<16xf32>
      %select_n3A_263 = arith.select %eq3A_256, %broadcast_in_dim3A_1, %parallel_loop3A_164#6 : vector<16xf32>
      %select_n3A_264 = arith.select %eq3A_256, %broadcast_in_dim3A_1, %parallel_loop3A_164#7 : vector<16xf32>
      %select_n3A_265 = arith.select %eq3A_256, %broadcast_in_dim3A_1, %parallel_loop3A_164#8 : vector<16xf32>
      %select_n3A_266 = arith.select %eq3A_256, %broadcast_in_dim3A_1, %parallel_loop3A_164#9 : vector<16xf32>
      %select_n3A_267 = arith.select %eq3A_256, %broadcast_in_dim3A_1, %parallel_loop3A_164#10 : vector<16xf32>
      %select_n3A_268 = arith.select %eq3A_256, %broadcast_in_dim3A_1, %parallel_loop3A_164#11 : vector<16xf32>
      %select_n3A_269 = arith.select %eq3A_256, %broadcast_in_dim3A_1, %parallel_loop3A_164#12 : vector<16xf32>
      %select_n3A_270 = arith.select %eq3A_256, %broadcast_in_dim3A_1, %parallel_loop3A_164#13 : vector<16xf32>
      %select_n3A_271 = arith.select %eq3A_256, %broadcast_in_dim3A_1, %parallel_loop3A_164#14 : vector<16xf32>
      %select_n3A_272 = arith.select %eq3A_256, %broadcast_in_dim3A_1, %parallel_loop3A_164#15 : vector<16xf32>
      %select_n3A_273 = arith.select %eq3A_256, %broadcast_in_dim3A_1, %parallel_loop3A_164#16 : vector<16xf32>
      %select_n3A_274 = arith.select %eq3A_256, %broadcast_in_dim3A_1, %parallel_loop3A_164#17 : vector<16xf32>
      %select_n3A_275 = arith.select %eq3A_256, %broadcast_in_dim3A_1, %parallel_loop3A_164#18 : vector<16xf32>
      %select_n3A_276 = arith.select %eq3A_256, %broadcast_in_dim3A_1, %parallel_loop3A_164#19 : vector<16xf32>
      %select_n3A_277 = arith.select %eq3A_256, %broadcast_in_dim3A_1, %parallel_loop3A_164#20 : vector<16xf32>
      %select_n3A_278 = arith.select %eq3A_256, %broadcast_in_dim3A_1, %parallel_loop3A_164#21 : vector<16xf32>
      %select_n3A_279 = arith.select %eq3A_256, %broadcast_in_dim3A_1, %parallel_loop3A_164#22 : vector<16xf32>
      %select_n3A_280 = arith.select %eq3A_256, %broadcast_in_dim3A_1, %parallel_loop3A_164#23 : vector<16xf32>
      %parallel_loop3A_281 = arith.constant 0 : i32
      %parallel_loop3A_282 = arith.constant 64 : i32
      %parallel_loop3A_283 = arith.constant 1 : i32
      %parallel_loop3A_284:24 = scf.for %parallel_loop3A_338 = %parallel_loop3A_281 to %parallel_loop3A_282 step %parallel_loop3A_283 iter_args(%parallel_loop3A_339 = %select_n3A_257, %parallel_loop3A_340 = %select_n3A_258, %parallel_loop3A_341 = %select_n3A_259, %parallel_loop3A_342 = %select_n3A_260, %parallel_loop3A_343 = %select_n3A_261, %parallel_loop3A_344 = %select_n3A_262, %parallel_loop3A_345 = %select_n3A_263, %parallel_loop3A_346 = %select_n3A_264, %parallel_loop3A_347 = %select_n3A_265, %parallel_loop3A_348 = %select_n3A_266, %parallel_loop3A_349 = %select_n3A_267, %parallel_loop3A_350 = %select_n3A_268, %parallel_loop3A_351 = %select_n3A_269, %parallel_loop3A_352 = %select_n3A_270, %parallel_loop3A_353 = %select_n3A_271, %parallel_loop3A_354 = %select_n3A_272, %parallel_loop3A_355 = %select_n3A_273, %parallel_loop3A_356 = %select_n3A_274, %parallel_loop3A_357 = %select_n3A_275, %parallel_loop3A_358 = %select_n3A_276, %parallel_loop3A_359 = %select_n3A_277, %parallel_loop3A_360 = %select_n3A_278, %parallel_loop3A_361 = %select_n3A_279, %parallel_loop3A_362 = %select_n3A_280) -> (vector<16xf32>, vector<16xf32>, vector<16xf32>, vector<16xf32>, vector<16xf32>, vector<16xf32>, vector<16xf32>, vector<16xf32>, vector<16xf32>, vector<16xf32>, vector<16xf32>, vector<16xf32>, vector<16xf32>, vector<16xf32>, vector<16xf32>, vector<16xf32>, vector<16xf32>, vector<16xf32>, vector<16xf32>, vector<16xf32>, vector<16xf32>, vector<16xf32>, vector<16xf32>, vector<16xf32>)  : i32 {
        %parallel_loop3A_363 = arith.constant 63 : i32
        %parallel_loop3A_364 = arith.subi %parallel_loop3A_363, %parallel_loop3A_338 : i32
        %parallel_loop3A_365 = arith.index_cast %parallel_loop3A_364 : i32 to index
        %parallel_loop3A_366 = arith.constant 368 : index
        %parallel_loop3A_367 = tpu.vector_load %arg5[%parallel_loop3A_365, %parallel_loop3A_366] {strides = array<i32>} : memref<64x384xf32, #tpu.memory_space<vmem>>, vector<16xf32>,
        %parallel_loop3A_368 = arith.constant 15 : i32
        %parallel_loop3A_369 = vector.broadcast %parallel_loop3A_368 : i32 to vector<16xi32>
        %parallel_loop3A_370 = tpu.iota {dimensions = array<i32: 0>} : vector<16xi32>
        %parallel_loop3A_371 = arith.subi %parallel_loop3A_369, %parallel_loop3A_370 : vector<16xi32>
        %parallel_loop3A_372 = tpu.dynamic_gather %parallel_loop3A_367[%parallel_loop3A_371] in [0] : vector<16xf32>, vector<16xi32> -> vector<16xf32>
        %parallel_loop3A_373 = arith.constant true
        %parallel_loop3A_374 = vector.broadcast %parallel_loop3A_373 : i1 to vector<16xi1>
        %parallel_loop3A_375 = tpu.scan <max>, %parallel_loop3A_372 masked %parallel_loop3A_374 : vector<16xf32>, vector<16xi1> -> vector<16xf32>
        %parallel_loop3A_376 = arith.constant 15 : i32
        %parallel_loop3A_377 = vector.broadcast %parallel_loop3A_376 : i32 to vector<16xi32>
        %parallel_loop3A_378 = tpu.iota {dimensions = array<i32: 0>} : vector<16xi32>
        %parallel_loop3A_379 = arith.subi %parallel_loop3A_377, %parallel_loop3A_378 : vector<16xi32>
        %parallel_loop3A_380 = tpu.dynamic_gather %parallel_loop3A_375[%parallel_loop3A_379] in [0] : vector<16xf32>, vector<16xi32> -> vector<16xf32>
        %parallel_loop3A_381 = arith.maximumf %parallel_loop3A_380, %broadcast_in_dim3A_1 : vector<16xf32>
        %parallel_loop3A_382 = vector.shape_cast %broadcast_in_dim3A_3 : vector<16xi32> to vector<16x1xi32>
        %parallel_loop3A_383 = vector.shape_cast %parallel_loop3A_382 : vector<16x1xi32> to vector<16xi32>
        %parallel_loop3A_384 = tpu.dynamic_gather %parallel_loop3A_375[%parallel_loop3A_383] in [0] : vector<16xf32>, vector<16xi32> -> vector<16xf32>
        %parallel_loop3A_385 = arith.maximumf %broadcast_in_dim3A_1, %parallel_loop3A_384 : vector<16xf32>
        %parallel_loop3A_386 = arith.maximumf %parallel_loop3A_362, %parallel_loop3A_367 : vector<16xf32>
        %parallel_loop3A_387 = arith.addf %parallel_loop3A_381, %parallel_loop3A_386 : vector<16xf32>
        %parallel_loop3A_388 = arith.index_cast %parallel_loop3A_364 : i32 to index
        %parallel_loop3A_389 = arith.constant 368 : index
        %parallel_loop3A_390 = tpu.vector_load %arg7[%parallel_loop3A_388, %parallel_loop3A_389] {strides = array<i32>} : memref<64x384xf32, #tpu.memory_space<vmem>>, vector<16xf32>,
        tpu.vector_store %arg7[%parallel_loop3A_388, %parallel_loop3A_389], %parallel_loop3A_387 {strides = array<i32>} : memref<64x384xf32, #tpu.memory_space<vmem>>, vector<16xf32>,
        %parallel_loop3A_391 = arith.index_cast %parallel_loop3A_364 : i32 to index
        %parallel_loop3A_392 = arith.constant 352 : index
        %parallel_loop3A_393 = tpu.vector_load %arg5[%parallel_loop3A_391, %parallel_loop3A_392] {strides = array<i32>} : memref<64x384xf32, #tpu.memory_space<vmem>>, vector<16xf32>,
        %parallel_loop3A_394 = arith.constant 15 : i32
        %parallel_loop3A_395 = vector.broadcast %parallel_loop3A_394 : i32 to vector<16xi32>
        %parallel_loop3A_396 = tpu.iota {dimensions = array<i32: 0>} : vector<16xi32>
        %parallel_loop3A_397 = arith.subi %parallel_loop3A_395, %parallel_loop3A_396 : vector<16xi32>
        %parallel_loop3A_398 = tpu.dynamic_gather %parallel_loop3A_393[%parallel_loop3A_397] in [0] : vector<16xf32>, vector<16xi32> -> vector<16xf32>
        %parallel_loop3A_399 = arith.constant true
        %parallel_loop3A_400 = vector.broadcast %parallel_loop3A_399 : i1 to vector<16xi1>
        %parallel_loop3A_401 = tpu.scan <max>, %parallel_loop3A_398 masked %parallel_loop3A_400 : vector<16xf32>, vector<16xi1> -> vector<16xf32>
        %parallel_loop3A_402 = arith.constant 15 : i32
        %parallel_loop3A_403 = vector.broadcast %parallel_loop3A_402 : i32 to vector<16xi32>
        %parallel_loop3A_404 = tpu.iota {dimensions = array<i32: 0>} : vector<16xi32>
        %parallel_loop3A_405 = arith.subi %parallel_loop3A_403, %parallel_loop3A_404 : vector<16xi32>
        %parallel_loop3A_406 = tpu.dynamic_gather %parallel_loop3A_401[%parallel_loop3A_405] in [0] : vector<16xf32>, vector<16xi32> -> vector<16xf32>
        %parallel_loop3A_407 = arith.maximumf %parallel_loop3A_406, %parallel_loop3A_385 : vector<16xf32>
        %parallel_loop3A_408 = vector.shape_cast %broadcast_in_dim3A_3 : vector<16xi32> to vector<16x1xi32>
        %parallel_loop3A_409 = vector.shape_cast %parallel_loop3A_408 : vector<16x1xi32> to vector<16xi32>
        %parallel_loop3A_410 = tpu.dynamic_gather %parallel_loop3A_401[%parallel_loop3A_409] in [0] : vector<16xf32>, vector<16xi32> -> vector<16xf32>
        %parallel_loop3A_411 = arith.maximumf %parallel_loop3A_385, %parallel_loop3A_410 : vector<16xf32>
        %parallel_loop3A_412 = arith.maximumf %parallel_loop3A_361, %parallel_loop3A_393 : vector<16xf32>
        %parallel_loop3A_413 = arith.addf %parallel_loop3A_407, %parallel_loop3A_412 : vector<16xf32>
        %parallel_loop3A_414 = arith.index_cast %parallel_loop3A_364 : i32 to index
        %parallel_loop3A_415 = arith.constant 352 : index
        %parallel_loop3A_416 = tpu.vector_load %arg7[%parallel_loop3A_414, %parallel_loop3A_415] {strides = array<i32>} : memref<64x384xf32, #tpu.memory_space<vmem>>, vector<16xf32>,
        tpu.vector_store %arg7[%parallel_loop3A_414, %parallel_loop3A_415], %parallel_loop3A_413 {strides = array<i32>} : memref<64x384xf32, #tpu.memory_space<vmem>>, vector<16xf32>,
        %parallel_loop3A_417 = arith.index_cast %parallel_loop3A_364 : i32 to index
        %parallel_loop3A_418 = arith.constant 336 : index
        %parallel_loop3A_419 = tpu.vector_load %arg5[%parallel_loop3A_417, %parallel_loop3A_418] {strides = array<i32>} : memref<64x384xf32, #tpu.memory_space<vmem>>, vector<16xf32>,
        %parallel_loop3A_420 = arith.constant 15 : i32
        %parallel_loop3A_421 = vector.broadcast %parallel_loop3A_420 : i32 to vector<16xi32>
        %parallel_loop3A_422 = tpu.iota {dimensions = array<i32: 0>} : vector<16xi32>
        %parallel_loop3A_423 = arith.subi %parallel_loop3A_421, %parallel_loop3A_422 : vector<16xi32>
        %parallel_loop3A_424 = tpu.dynamic_gather %parallel_loop3A_419[%parallel_loop3A_423] in [0] : vector<16xf32>, vector<16xi32> -> vector<16xf32>
        %parallel_loop3A_425 = arith.constant true
        %parallel_loop3A_426 = vector.broadcast %parallel_loop3A_425 : i1 to vector<16xi1>
        %parallel_loop3A_427 = tpu.scan <max>, %parallel_loop3A_424 masked %parallel_loop3A_426 : vector<16xf32>, vector<16xi1> -> vector<16xf32>
        %parallel_loop3A_428 = arith.constant 15 : i32
        %parallel_loop3A_429 = vector.broadcast %parallel_loop3A_428 : i32 to vector<16xi32>
        %parallel_loop3A_430 = tpu.iota {dimensions = array<i32: 0>} : vector<16xi32>
        %parallel_loop3A_431 = arith.subi %parallel_loop3A_429, %parallel_loop3A_430 : vector<16xi32>
        %parallel_loop3A_432 = tpu.dynamic_gather %parallel_loop3A_427[%parallel_loop3A_431] in [0] : vector<16xf32>, vector<16xi32> -> vector<16xf32>
        %parallel_loop3A_433 = arith.maximumf %parallel_loop3A_432, %parallel_loop3A_411 : vector<16xf32>
        %parallel_loop3A_434 = vector.shape_cast %broadcast_in_dim3A_3 : vector<16xi32> to vector<16x1xi32>
        %parallel_loop3A_435 = vector.shape_cast %parallel_loop3A_434 : vector<16x1xi32> to vector<16xi32>
        %parallel_loop3A_436 = tpu.dynamic_gather %parallel_loop3A_427[%parallel_loop3A_435] in [0] : vector<16xf32>, vector<16xi32> -> vector<16xf32>
        %parallel_loop3A_437 = arith.maximumf %parallel_loop3A_411, %parallel_loop3A_436 : vector<16xf32>
        %parallel_loop3A_438 = arith.maximumf %parallel_loop3A_360, %parallel_loop3A_419 : vector<16xf32>
        %parallel_loop3A_439 = arith.addf %parallel_loop3A_433, %parallel_loop3A_438 : vector<16xf32>
        %parallel_loop3A_440 = arith.index_cast %parallel_loop3A_364 : i32 to index
        %parallel_loop3A_441 = arith.constant 336 : index
        %parallel_loop3A_442 = tpu.vector_load %arg7[%parallel_loop3A_440, %parallel_loop3A_441] {strides = array<i32>} : memref<64x384xf32, #tpu.memory_space<vmem>>, vector<16xf32>,
        tpu.vector_store %arg7[%parallel_loop3A_440, %parallel_loop3A_441], %parallel_loop3A_439 {strides = array<i32>} : memref<64x384xf32, #tpu.memory_space<vmem>>, vector<16xf32>,
        %parallel_loop3A_443 = arith.index_cast %parallel_loop3A_364 : i32 to index
        %parallel_loop3A_444 = arith.constant 320 : index
        %parallel_loop3A_445 = tpu.vector_load %arg5[%parallel_loop3A_443, %parallel_loop3A_444] {strides = array<i32>} : memref<64x384xf32, #tpu.memory_space<vmem>>, vector<16xf32>,
        %parallel_loop3A_446 = arith.constant 15 : i32
        %parallel_loop3A_447 = vector.broadcast %parallel_loop3A_446 : i32 to vector<16xi32>
        %parallel_loop3A_448 = tpu.iota {dimensions = array<i32: 0>} : vector<16xi32>
        %parallel_loop3A_449 = arith.subi %parallel_loop3A_447, %parallel_loop3A_448 : vector<16xi32>
        %parallel_loop3A_450 = tpu.dynamic_gather %parallel_loop3A_445[%parallel_loop3A_449] in [0] : vector<16xf32>, vector<16xi32> -> vector<16xf32>
        %parallel_loop3A_451 = arith.constant true
        %parallel_loop3A_452 = vector.broadcast %parallel_loop3A_451 : i1 to vector<16xi1>
        %parallel_loop3A_453 = tpu.scan <max>, %parallel_loop3A_450 masked %parallel_loop3A_452 : vector<16xf32>, vector<16xi1> -> vector<16xf32>
        %parallel_loop3A_454 = arith.constant 15 : i32
        %parallel_loop3A_455 = vector.broadcast %parallel_loop3A_454 : i32 to vector<16xi32>
        %parallel_loop3A_456 = tpu.iota {dimensions = array<i32: 0>} : vector<16xi32>
        %parallel_loop3A_457 = arith.subi %parallel_loop3A_455, %parallel_loop3A_456 : vector<16xi32>
        %parallel_loop3A_458 = tpu.dynamic_gather %parallel_loop3A_453[%parallel_loop3A_457] in [0] : vector<16xf32>, vector<16xi32> -> vector<16xf32>
        %parallel_loop3A_459 = arith.maximumf %parallel_loop3A_458, %parallel_loop3A_437 : vector<16xf32>
        %parallel_loop3A_460 = vector.shape_cast %broadcast_in_dim3A_3 : vector<16xi32> to vector<16x1xi32>
        %parallel_loop3A_461 = vector.shape_cast %parallel_loop3A_460 : vector<16x1xi32> to vector<16xi32>
        %parallel_loop3A_462 = tpu.dynamic_gather %parallel_loop3A_453[%parallel_loop3A_461] in [0] : vector<16xf32>, vector<16xi32> -> vector<16xf32>
        %parallel_loop3A_463 = arith.maximumf %parallel_loop3A_437, %parallel_loop3A_462 : vector<16xf32>
        %parallel_loop3A_464 = arith.maximumf %parallel_loop3A_359, %parallel_loop3A_445 : vector<16xf32>
        %parallel_loop3A_465 = arith.addf %parallel_loop3A_459, %parallel_loop3A_464 : vector<16xf32>
        %parallel_loop3A_466 = arith.index_cast %parallel_loop3A_364 : i32 to index
        %parallel_loop3A_467 = arith.constant 320 : index
        %parallel_loop3A_468 = tpu.vector_load %arg7[%parallel_loop3A_466, %parallel_loop3A_467] {strides = array<i32>} : memref<64x384xf32, #tpu.memory_space<vmem>>, vector<16xf32>,
        tpu.vector_store %arg7[%parallel_loop3A_466, %parallel_loop3A_467], %parallel_loop3A_465 {strides = array<i32>} : memref<64x384xf32, #tpu.memory_space<vmem>>, vector<16xf32>,
        %parallel_loop3A_469 = arith.index_cast %parallel_loop3A_364 : i32 to index
        %parallel_loop3A_470 = arith.constant 304 : index
        %parallel_loop3A_471 = tpu.vector_load %arg5[%parallel_loop3A_469, %parallel_loop3A_470] {strides = array<i32>} : memref<64x384xf32, #tpu.memory_space<vmem>>, vector<16xf32>,
        %parallel_loop3A_472 = arith.constant 15 : i32
        %parallel_loop3A_473 = vector.broadcast %parallel_loop3A_472 : i32 to vector<16xi32>
        %parallel_loop3A_474 = tpu.iota {dimensions = array<i32: 0>} : vector<16xi32>
        %parallel_loop3A_475 = arith.subi %parallel_loop3A_473, %parallel_loop3A_474 : vector<16xi32>
        %parallel_loop3A_476 = tpu.dynamic_gather %parallel_loop3A_471[%parallel_loop3A_475] in [0] : vector<16xf32>, vector<16xi32> -> vector<16xf32>
        %parallel_loop3A_477 = arith.constant true
        %parallel_loop3A_478 = vector.broadcast %parallel_loop3A_477 : i1 to vector<16xi1>
        %parallel_loop3A_479 = tpu.scan <max>, %parallel_loop3A_476 masked %parallel_loop3A_478 : vector<16xf32>, vector<16xi1> -> vector<16xf32>
        %parallel_loop3A_480 = arith.constant 15 : i32
        %parallel_loop3A_481 = vector.broadcast %parallel_loop3A_480 : i32 to vector<16xi32>
        %parallel_loop3A_482 = tpu.iota {dimensions = array<i32: 0>} : vector<16xi32>
        %parallel_loop3A_483 = arith.subi %parallel_loop3A_481, %parallel_loop3A_482 : vector<16xi32>
        %parallel_loop3A_484 = tpu.dynamic_gather %parallel_loop3A_479[%parallel_loop3A_483] in [0] : vector<16xf32>, vector<16xi32> -> vector<16xf32>
        %parallel_loop3A_485 = arith.maximumf %parallel_loop3A_484, %parallel_loop3A_463 : vector<16xf32>
        %parallel_loop3A_486 = vector.shape_cast %broadcast_in_dim3A_3 : vector<16xi32> to vector<16x1xi32>
        %parallel_loop3A_487 = vector.shape_cast %parallel_loop3A_486 : vector<16x1xi32> to vector<16xi32>
        %parallel_loop3A_488 = tpu.dynamic_gather %parallel_loop3A_479[%parallel_loop3A_487] in [0] : vector<16xf32>, vector<16xi32> -> vector<16xf32>
        %parallel_loop3A_489 = arith.maximumf %parallel_loop3A_463, %parallel_loop3A_488 : vector<16xf32>
        %parallel_loop3A_490 = arith.maximumf %parallel_loop3A_358, %parallel_loop3A_471 : vector<16xf32>
        %parallel_loop3A_491 = arith.addf %parallel_loop3A_485, %parallel_loop3A_490 : vector<16xf32>
        %parallel_loop3A_492 = arith.index_cast %parallel_loop3A_364 : i32 to index
        %parallel_loop3A_493 = arith.constant 304 : index
        %parallel_loop3A_494 = tpu.vector_load %arg7[%parallel_loop3A_492, %parallel_loop3A_493] {strides = array<i32>} : memref<64x384xf32, #tpu.memory_space<vmem>>, vector<16xf32>,
        tpu.vector_store %arg7[%parallel_loop3A_492, %parallel_loop3A_493], %parallel_loop3A_491 {strides = array<i32>} : memref<64x384xf32, #tpu.memory_space<vmem>>, vector<16xf32>,
        %parallel_loop3A_495 = arith.index_cast %parallel_loop3A_364 : i32 to index
        %parallel_loop3A_496 = arith.constant 288 : index
        %parallel_loop3A_497 = tpu.vector_load %arg5[%parallel_loop3A_495, %parallel_loop3A_496] {strides = array<i32>} : memref<64x384xf32, #tpu.memory_space<vmem>>, vector<16xf32>,
        %parallel_loop3A_498 = arith.constant 15 : i32
        %parallel_loop3A_499 = vector.broadcast %parallel_loop3A_498 : i32 to vector<16xi32>
        %parallel_loop3A_500 = tpu.iota {dimensions = array<i32: 0>} : vector<16xi32>
        %parallel_loop3A_501 = arith.subi %parallel_loop3A_499, %parallel_loop3A_500 : vector<16xi32>
        %parallel_loop3A_502 = tpu.dynamic_gather %parallel_loop3A_497[%parallel_loop3A_501] in [0] : vector<16xf32>, vector<16xi32> -> vector<16xf32>
        %parallel_loop3A_503 = arith.constant true
        %parallel_loop3A_504 = vector.broadcast %parallel_loop3A_503 : i1 to vector<16xi1>
        %parallel_loop3A_505 = tpu.scan <max>, %parallel_loop3A_502 masked %parallel_loop3A_504 : vector<16xf32>, vector<16xi1> -> vector<16xf32>
        %parallel_loop3A_506 = arith.constant 15 : i32
        %parallel_loop3A_507 = vector.broadcast %parallel_loop3A_506 : i32 to vector<16xi32>
        %parallel_loop3A_508 = tpu.iota {dimensions = array<i32: 0>} : vector<16xi32>
        %parallel_loop3A_509 = arith.subi %parallel_loop3A_507, %parallel_loop3A_508 : vector<16xi32>
        %parallel_loop3A_510 = tpu.dynamic_gather %parallel_loop3A_505[%parallel_loop3A_509] in [0] : vector<16xf32>, vector<16xi32> -> vector<16xf32>
        %parallel_loop3A_511 = arith.maximumf %parallel_loop3A_510, %parallel_loop3A_489 : vector<16xf32>
        %parallel_loop3A_512 = vector.shape_cast %broadcast_in_dim3A_3 : vector<16xi32> to vector<16x1xi32>
        %parallel_loop3A_513 = vector.shape_cast %parallel_loop3A_512 : vector<16x1xi32> to vector<16xi32>
        %parallel_loop3A_514 = tpu.dynamic_gather %parallel_loop3A_505[%parallel_loop3A_513] in [0] : vector<16xf32>, vector<16xi32> -> vector<16xf32>
        %parallel_loop3A_515 = arith.maximumf %parallel_loop3A_489, %parallel_loop3A_514 : vector<16xf32>
        %parallel_loop3A_516 = arith.maximumf %parallel_loop3A_357, %parallel_loop3A_497 : vector<16xf32>
        %parallel_loop3A_517 = arith.addf %parallel_loop3A_511, %parallel_loop3A_516 : vector<16xf32>
        %parallel_loop3A_518 = arith.index_cast %parallel_loop3A_364 : i32 to index
        %parallel_loop3A_519 = arith.constant 288 : index
        %parallel_loop3A_520 = tpu.vector_load %arg7[%parallel_loop3A_518, %parallel_loop3A_519] {strides = array<i32>} : memref<64x384xf32, #tpu.memory_space<vmem>>, vector<16xf32>,
        tpu.vector_store %arg7[%parallel_loop3A_518, %parallel_loop3A_519], %parallel_loop3A_517 {strides = array<i32>} : memref<64x384xf32, #tpu.memory_space<vmem>>, vector<16xf32>,
        %parallel_loop3A_521 = arith.index_cast %parallel_loop3A_364 : i32 to index
        %parallel_loop3A_522 = arith.constant 272 : index
        %parallel_loop3A_523 = tpu.vector_load %arg5[%parallel_loop3A_521, %parallel_loop3A_522] {strides = array<i32>} : memref<64x384xf32, #tpu.memory_space<vmem>>, vector<16xf32>,
        %parallel_loop3A_524 = arith.constant 15 : i32
        %parallel_loop3A_525 = vector.broadcast %parallel_loop3A_524 : i32 to vector<16xi32>
        %parallel_loop3A_526 = tpu.iota {dimensions = array<i32: 0>} : vector<16xi32>
        %parallel_loop3A_527 = arith.subi %parallel_loop3A_525, %parallel_loop3A_526 : vector<16xi32>
        %parallel_loop3A_528 = tpu.dynamic_gather %parallel_loop3A_523[%parallel_loop3A_527] in [0] : vector<16xf32>, vector<16xi32> -> vector<16xf32>
        %parallel_loop3A_529 = arith.constant true
        %parallel_loop3A_530 = vector.broadcast %parallel_loop3A_529 : i1 to vector<16xi1>
        %parallel_loop3A_531 = tpu.scan <max>, %parallel_loop3A_528 masked %parallel_loop3A_530 : vector<16xf32>, vector<16xi1> -> vector<16xf32>
        %parallel_loop3A_532 = arith.constant 15 : i32
        %parallel_loop3A_533 = vector.broadcast %parallel_loop3A_532 : i32 to vector<16xi32>
        %parallel_loop3A_534 = tpu.iota {dimensions = array<i32: 0>} : vector<16xi32>
        %parallel_loop3A_535 = arith.subi %parallel_loop3A_533, %parallel_loop3A_534 : vector<16xi32>
        %parallel_loop3A_536 = tpu.dynamic_gather %parallel_loop3A_531[%parallel_loop3A_535] in [0] : vector<16xf32>, vector<16xi32> -> vector<16xf32>
        %parallel_loop3A_537 = arith.maximumf %parallel_loop3A_536, %parallel_loop3A_515 : vector<16xf32>
        %parallel_loop3A_538 = vector.shape_cast %broadcast_in_dim3A_3 : vector<16xi32> to vector<16x1xi32>
        %parallel_loop3A_539 = vector.shape_cast %parallel_loop3A_538 : vector<16x1xi32> to vector<16xi32>
        %parallel_loop3A_540 = tpu.dynamic_gather %parallel_loop3A_531[%parallel_loop3A_539] in [0] : vector<16xf32>, vector<16xi32> -> vector<16xf32>
        %parallel_loop3A_541 = arith.maximumf %parallel_loop3A_515, %parallel_loop3A_540 : vector<16xf32>
        %parallel_loop3A_542 = arith.maximumf %parallel_loop3A_356, %parallel_loop3A_523 : vector<16xf32>
        %parallel_loop3A_543 = arith.addf %parallel_loop3A_537, %parallel_loop3A_542 : vector<16xf32>
        %parallel_loop3A_544 = arith.index_cast %parallel_loop3A_364 : i32 to index
        %parallel_loop3A_545 = arith.constant 272 : index
        %parallel_loop3A_546 = tpu.vector_load %arg7[%parallel_loop3A_544, %parallel_loop3A_545] {strides = array<i32>} : memref<64x384xf32, #tpu.memory_space<vmem>>, vector<16xf32>,
        tpu.vector_store %arg7[%parallel_loop3A_544, %parallel_loop3A_545], %parallel_loop3A_543 {strides = array<i32>} : memref<64x384xf32, #tpu.memory_space<vmem>>, vector<16xf32>,
        %parallel_loop3A_547 = arith.index_cast %parallel_loop3A_364 : i32 to index
        %parallel_loop3A_548 = arith.constant 256 : index
        %parallel_loop3A_549 = tpu.vector_load %arg5[%parallel_loop3A_547, %parallel_loop3A_548] {strides = array<i32>} : memref<64x384xf32, #tpu.memory_space<vmem>>, vector<16xf32>,
        %parallel_loop3A_550 = arith.constant 15 : i32
        %parallel_loop3A_551 = vector.broadcast %parallel_loop3A_550 : i32 to vector<16xi32>
        %parallel_loop3A_552 = tpu.iota {dimensions = array<i32: 0>} : vector<16xi32>
        %parallel_loop3A_553 = arith.subi %parallel_loop3A_551, %parallel_loop3A_552 : vector<16xi32>
        %parallel_loop3A_554 = tpu.dynamic_gather %parallel_loop3A_549[%parallel_loop3A_553] in [0] : vector<16xf32>, vector<16xi32> -> vector<16xf32>
        %parallel_loop3A_555 = arith.constant true
        %parallel_loop3A_556 = vector.broadcast %parallel_loop3A_555 : i1 to vector<16xi1>
        %parallel_loop3A_557 = tpu.scan <max>, %parallel_loop3A_554 masked %parallel_loop3A_556 : vector<16xf32>, vector<16xi1> -> vector<16xf32>
        %parallel_loop3A_558 = arith.constant 15 : i32
        %parallel_loop3A_559 = vector.broadcast %parallel_loop3A_558 : i32 to vector<16xi32>
        %parallel_loop3A_560 = tpu.iota {dimensions = array<i32: 0>} : vector<16xi32>
        %parallel_loop3A_561 = arith.subi %parallel_loop3A_559, %parallel_loop3A_560 : vector<16xi32>
        %parallel_loop3A_562 = tpu.dynamic_gather %parallel_loop3A_557[%parallel_loop3A_561] in [0] : vector<16xf32>, vector<16xi32> -> vector<16xf32>
        %parallel_loop3A_563 = arith.maximumf %parallel_loop3A_562, %parallel_loop3A_541 : vector<16xf32>
        %parallel_loop3A_564 = vector.shape_cast %broadcast_in_dim3A_3 : vector<16xi32> to vector<16x1xi32>
        %parallel_loop3A_565 = vector.shape_cast %parallel_loop3A_564 : vector<16x1xi32> to vector<16xi32>
        %parallel_loop3A_566 = tpu.dynamic_gather %parallel_loop3A_557[%parallel_loop3A_565] in [0] : vector<16xf32>, vector<16xi32> -> vector<16xf32>
        %parallel_loop3A_567 = arith.maximumf %parallel_loop3A_541, %parallel_loop3A_566 : vector<16xf32>
        %parallel_loop3A_568 = arith.maximumf %parallel_loop3A_355, %parallel_loop3A_549 : vector<16xf32>
        %parallel_loop3A_569 = arith.addf %parallel_loop3A_563, %parallel_loop3A_568 : vector<16xf32>
        %parallel_loop3A_570 = arith.index_cast %parallel_loop3A_364 : i32 to index
        %parallel_loop3A_571 = arith.constant 256 : index
        %parallel_loop3A_572 = tpu.vector_load %arg7[%parallel_loop3A_570, %parallel_loop3A_571] {strides = array<i32>} : memref<64x384xf32, #tpu.memory_space<vmem>>, vector<16xf32>,
        tpu.vector_store %arg7[%parallel_loop3A_570, %parallel_loop3A_571], %parallel_loop3A_569 {strides = array<i32>} : memref<64x384xf32, #tpu.memory_space<vmem>>, vector<16xf32>,
        %parallel_loop3A_573 = arith.index_cast %parallel_loop3A_364 : i32 to index
        %parallel_loop3A_574 = arith.constant 240 : index
        %parallel_loop3A_575 = tpu.vector_load %arg5[%parallel_loop3A_573, %parallel_loop3A_574] {strides = array<i32>} : memref<64x384xf32, #tpu.memory_space<vmem>>, vector<16xf32>,
        %parallel_loop3A_576 = arith.constant 15 : i32
        %parallel_loop3A_577 = vector.broadcast %parallel_loop3A_576 : i32 to vector<16xi32>
        %parallel_loop3A_578 = tpu.iota {dimensions = array<i32: 0>} : vector<16xi32>
        %parallel_loop3A_579 = arith.subi %parallel_loop3A_577, %parallel_loop3A_578 : vector<16xi32>
        %parallel_loop3A_580 = tpu.dynamic_gather %parallel_loop3A_575[%parallel_loop3A_579] in [0] : vector<16xf32>, vector<16xi32> -> vector<16xf32>
        %parallel_loop3A_581 = arith.constant true
        %parallel_loop3A_582 = vector.broadcast %parallel_loop3A_581 : i1 to vector<16xi1>
        %parallel_loop3A_583 = tpu.scan <max>, %parallel_loop3A_580 masked %parallel_loop3A_582 : vector<16xf32>, vector<16xi1> -> vector<16xf32>
        %parallel_loop3A_584 = arith.constant 15 : i32
        %parallel_loop3A_585 = vector.broadcast %parallel_loop3A_584 : i32 to vector<16xi32>
        %parallel_loop3A_586 = tpu.iota {dimensions = array<i32: 0>} : vector<16xi32>
        %parallel_loop3A_587 = arith.subi %parallel_loop3A_585, %parallel_loop3A_586 : vector<16xi32>
        %parallel_loop3A_588 = tpu.dynamic_gather %parallel_loop3A_583[%parallel_loop3A_587] in [0] : vector<16xf32>, vector<16xi32> -> vector<16xf32>
        %parallel_loop3A_589 = arith.maximumf %parallel_loop3A_588, %parallel_loop3A_567 : vector<16xf32>
        %parallel_loop3A_590 = vector.shape_cast %broadcast_in_dim3A_3 : vector<16xi32> to vector<16x1xi32>
        %parallel_loop3A_591 = vector.shape_cast %parallel_loop3A_590 : vector<16x1xi32> to vector<16xi32>
        %parallel_loop3A_592 = tpu.dynamic_gather %parallel_loop3A_583[%parallel_loop3A_591] in [0] : vector<16xf32>, vector<16xi32> -> vector<16xf32>
        %parallel_loop3A_593 = arith.maximumf %parallel_loop3A_567, %parallel_loop3A_592 : vector<16xf32>
        %parallel_loop3A_594 = arith.maximumf %parallel_loop3A_354, %parallel_loop3A_575 : vector<16xf32>
        %parallel_loop3A_595 = arith.addf %parallel_loop3A_589, %parallel_loop3A_594 : vector<16xf32>
        %parallel_loop3A_596 = arith.index_cast %parallel_loop3A_364 : i32 to index
        %parallel_loop3A_597 = arith.constant 240 : index
        %parallel_loop3A_598 = tpu.vector_load %arg7[%parallel_loop3A_596, %parallel_loop3A_597] {strides = array<i32>} : memref<64x384xf32, #tpu.memory_space<vmem>>, vector<16xf32>,
        tpu.vector_store %arg7[%parallel_loop3A_596, %parallel_loop3A_597], %parallel_loop3A_595 {strides = array<i32>} : memref<64x384xf32, #tpu.memory_space<vmem>>, vector<16xf32>,
        %parallel_loop3A_599 = arith.index_cast %parallel_loop3A_364 : i32 to index
        %parallel_loop3A_600 = arith.constant 224 : index
        %parallel_loop3A_601 = tpu.vector_load %arg5[%parallel_loop3A_599, %parallel_loop3A_600] {strides = array<i32>} : memref<64x384xf32, #tpu.memory_space<vmem>>, vector<16xf32>,
        %parallel_loop3A_602 = arith.constant 15 : i32
        %parallel_loop3A_603 = vector.broadcast %parallel_loop3A_602 : i32 to vector<16xi32>
        %parallel_loop3A_604 = tpu.iota {dimensions = array<i32: 0>} : vector<16xi32>
        %parallel_loop3A_605 = arith.subi %parallel_loop3A_603, %parallel_loop3A_604 : vector<16xi32>
        %parallel_loop3A_606 = tpu.dynamic_gather %parallel_loop3A_601[%parallel_loop3A_605] in [0] : vector<16xf32>, vector<16xi32> -> vector<16xf32>
        %parallel_loop3A_607 = arith.constant true
        %parallel_loop3A_608 = vector.broadcast %parallel_loop3A_607 : i1 to vector<16xi1>
        %parallel_loop3A_609 = tpu.scan <max>, %parallel_loop3A_606 masked %parallel_loop3A_608 : vector<16xf32>, vector<16xi1> -> vector<16xf32>
        %parallel_loop3A_610 = arith.constant 15 : i32
        %parallel_loop3A_611 = vector.broadcast %parallel_loop3A_610 : i32 to vector<16xi32>
        %parallel_loop3A_612 = tpu.iota {dimensions = array<i32: 0>} : vector<16xi32>
        %parallel_loop3A_613 = arith.subi %parallel_loop3A_611, %parallel_loop3A_612 : vector<16xi32>
        %parallel_loop3A_614 = tpu.dynamic_gather %parallel_loop3A_609[%parallel_loop3A_613] in [0] : vector<16xf32>, vector<16xi32> -> vector<16xf32>
        %parallel_loop3A_615 = arith.maximumf %parallel_loop3A_614, %parallel_loop3A_593 : vector<16xf32>
        %parallel_loop3A_616 = vector.shape_cast %broadcast_in_dim3A_3 : vector<16xi32> to vector<16x1xi32>
        %parallel_loop3A_617 = vector.shape_cast %parallel_loop3A_616 : vector<16x1xi32> to vector<16xi32>
        %parallel_loop3A_618 = tpu.dynamic_gather %parallel_loop3A_609[%parallel_loop3A_617] in [0] : vector<16xf32>, vector<16xi32> -> vector<16xf32>
        %parallel_loop3A_619 = arith.maximumf %parallel_loop3A_593, %parallel_loop3A_618 : vector<16xf32>
        %parallel_loop3A_620 = arith.maximumf %parallel_loop3A_353, %parallel_loop3A_601 : vector<16xf32>
        %parallel_loop3A_621 = arith.addf %parallel_loop3A_615, %parallel_loop3A_620 : vector<16xf32>
        %parallel_loop3A_622 = arith.index_cast %parallel_loop3A_364 : i32 to index
        %parallel_loop3A_623 = arith.constant 224 : index
        %parallel_loop3A_624 = tpu.vector_load %arg7[%parallel_loop3A_622, %parallel_loop3A_623] {strides = array<i32>} : memref<64x384xf32, #tpu.memory_space<vmem>>, vector<16xf32>,
        tpu.vector_store %arg7[%parallel_loop3A_622, %parallel_loop3A_623], %parallel_loop3A_621 {strides = array<i32>} : memref<64x384xf32, #tpu.memory_space<vmem>>, vector<16xf32>,
        %parallel_loop3A_625 = arith.index_cast %parallel_loop3A_364 : i32 to index
        %parallel_loop3A_626 = arith.constant 208 : index
        %parallel_loop3A_627 = tpu.vector_load %arg5[%parallel_loop3A_625, %parallel_loop3A_626] {strides = array<i32>} : memref<64x384xf32, #tpu.memory_space<vmem>>, vector<16xf32>,
        %parallel_loop3A_628 = arith.constant 15 : i32
        %parallel_loop3A_629 = vector.broadcast %parallel_loop3A_628 : i32 to vector<16xi32>
        %parallel_loop3A_630 = tpu.iota {dimensions = array<i32: 0>} : vector<16xi32>
        %parallel_loop3A_631 = arith.subi %parallel_loop3A_629, %parallel_loop3A_630 : vector<16xi32>
        %parallel_loop3A_632 = tpu.dynamic_gather %parallel_loop3A_627[%parallel_loop3A_631] in [0] : vector<16xf32>, vector<16xi32> -> vector<16xf32>
        %parallel_loop3A_633 = arith.constant true
        %parallel_loop3A_634 = vector.broadcast %parallel_loop3A_633 : i1 to vector<16xi1>
        %parallel_loop3A_635 = tpu.scan <max>, %parallel_loop3A_632 masked %parallel_loop3A_634 : vector<16xf32>, vector<16xi1> -> vector<16xf32>
        %parallel_loop3A_636 = arith.constant 15 : i32
        %parallel_loop3A_637 = vector.broadcast %parallel_loop3A_636 : i32 to vector<16xi32>
        %parallel_loop3A_638 = tpu.iota {dimensions = array<i32: 0>} : vector<16xi32>
        %parallel_loop3A_639 = arith.subi %parallel_loop3A_637, %parallel_loop3A_638 : vector<16xi32>
        %parallel_loop3A_640 = tpu.dynamic_gather %parallel_loop3A_635[%parallel_loop3A_639] in [0] : vector<16xf32>, vector<16xi32> -> vector<16xf32>
        %parallel_loop3A_641 = arith.maximumf %parallel_loop3A_640, %parallel_loop3A_619 : vector<16xf32>
        %parallel_loop3A_642 = vector.shape_cast %broadcast_in_dim3A_3 : vector<16xi32> to vector<16x1xi32>
        %parallel_loop3A_643 = vector.shape_cast %parallel_loop3A_642 : vector<16x1xi32> to vector<16xi32>
        %parallel_loop3A_644 = tpu.dynamic_gather %parallel_loop3A_635[%parallel_loop3A_643] in [0] : vector<16xf32>, vector<16xi32> -> vector<16xf32>
        %parallel_loop3A_645 = arith.maximumf %parallel_loop3A_619, %parallel_loop3A_644 : vector<16xf32>
        %parallel_loop3A_646 = arith.maximumf %parallel_loop3A_352, %parallel_loop3A_627 : vector<16xf32>
        %parallel_loop3A_647 = arith.addf %parallel_loop3A_641, %parallel_loop3A_646 : vector<16xf32>
        %parallel_loop3A_648 = arith.index_cast %parallel_loop3A_364 : i32 to index
        %parallel_loop3A_649 = arith.constant 208 : index
        %parallel_loop3A_650 = tpu.vector_load %arg7[%parallel_loop3A_648, %parallel_loop3A_649] {strides = array<i32>} : memref<64x384xf32, #tpu.memory_space<vmem>>, vector<16xf32>,
        tpu.vector_store %arg7[%parallel_loop3A_648, %parallel_loop3A_649], %parallel_loop3A_647 {strides = array<i32>} : memref<64x384xf32, #tpu.memory_space<vmem>>, vector<16xf32>,
        %parallel_loop3A_651 = arith.index_cast %parallel_loop3A_364 : i32 to index
        %parallel_loop3A_652 = arith.constant 192 : index
        %parallel_loop3A_653 = tpu.vector_load %arg5[%parallel_loop3A_651, %parallel_loop3A_652] {strides = array<i32>} : memref<64x384xf32, #tpu.memory_space<vmem>>, vector<16xf32>,
        %parallel_loop3A_654 = arith.constant 15 : i32
        %parallel_loop3A_655 = vector.broadcast %parallel_loop3A_654 : i32 to vector<16xi32>
        %parallel_loop3A_656 = tpu.iota {dimensions = array<i32: 0>} : vector<16xi32>
        %parallel_loop3A_657 = arith.subi %parallel_loop3A_655, %parallel_loop3A_656 : vector<16xi32>
        %parallel_loop3A_658 = tpu.dynamic_gather %parallel_loop3A_653[%parallel_loop3A_657] in [0] : vector<16xf32>, vector<16xi32> -> vector<16xf32>
        %parallel_loop3A_659 = arith.constant true
        %parallel_loop3A_660 = vector.broadcast %parallel_loop3A_659 : i1 to vector<16xi1>
        %parallel_loop3A_661 = tpu.scan <max>, %parallel_loop3A_658 masked %parallel_loop3A_660 : vector<16xf32>, vector<16xi1> -> vector<16xf32>
        %parallel_loop3A_662 = arith.constant 15 : i32
        %parallel_loop3A_663 = vector.broadcast %parallel_loop3A_662 : i32 to vector<16xi32>
        %parallel_loop3A_664 = tpu.iota {dimensions = array<i32: 0>} : vector<16xi32>
        %parallel_loop3A_665 = arith.subi %parallel_loop3A_663, %parallel_loop3A_664 : vector<16xi32>
        %parallel_loop3A_666 = tpu.dynamic_gather %parallel_loop3A_661[%parallel_loop3A_665] in [0] : vector<16xf32>, vector<16xi32> -> vector<16xf32>
        %parallel_loop3A_667 = arith.maximumf %parallel_loop3A_666, %parallel_loop3A_645 : vector<16xf32>
        %parallel_loop3A_668 = vector.shape_cast %broadcast_in_dim3A_3 : vector<16xi32> to vector<16x1xi32>
        %parallel_loop3A_669 = vector.shape_cast %parallel_loop3A_668 : vector<16x1xi32> to vector<16xi32>
        %parallel_loop3A_670 = tpu.dynamic_gather %parallel_loop3A_661[%parallel_loop3A_669] in [0] : vector<16xf32>, vector<16xi32> -> vector<16xf32>
        %parallel_loop3A_671 = arith.maximumf %parallel_loop3A_645, %parallel_loop3A_670 : vector<16xf32>
        %parallel_loop3A_672 = arith.maximumf %parallel_loop3A_351, %parallel_loop3A_653 : vector<16xf32>
        %parallel_loop3A_673 = arith.addf %parallel_loop3A_667, %parallel_loop3A_672 : vector<16xf32>
        %parallel_loop3A_674 = arith.index_cast %parallel_loop3A_364 : i32 to index
        %parallel_loop3A_675 = arith.constant 192 : index
        %parallel_loop3A_676 = tpu.vector_load %arg7[%parallel_loop3A_674, %parallel_loop3A_675] {strides = array<i32>} : memref<64x384xf32, #tpu.memory_space<vmem>>, vector<16xf32>,
        tpu.vector_store %arg7[%parallel_loop3A_674, %parallel_loop3A_675], %parallel_loop3A_673 {strides = array<i32>} : memref<64x384xf32, #tpu.memory_space<vmem>>, vector<16xf32>,
        %parallel_loop3A_677 = arith.index_cast %parallel_loop3A_364 : i32 to index
        %parallel_loop3A_678 = arith.constant 176 : index
        %parallel_loop3A_679 = tpu.vector_load %arg5[%parallel_loop3A_677, %parallel_loop3A_678] {strides = array<i32>} : memref<64x384xf32, #tpu.memory_space<vmem>>, vector<16xf32>,
        %parallel_loop3A_680 = arith.constant 15 : i32
        %parallel_loop3A_681 = vector.broadcast %parallel_loop3A_680 : i32 to vector<16xi32>
        %parallel_loop3A_682 = tpu.iota {dimensions = array<i32: 0>} : vector<16xi32>
        %parallel_loop3A_683 = arith.subi %parallel_loop3A_681, %parallel_loop3A_682 : vector<16xi32>
        %parallel_loop3A_684 = tpu.dynamic_gather %parallel_loop3A_679[%parallel_loop3A_683] in [0] : vector<16xf32>, vector<16xi32> -> vector<16xf32>
        %parallel_loop3A_685 = arith.constant true
        %parallel_loop3A_686 = vector.broadcast %parallel_loop3A_685 : i1 to vector<16xi1>
        %parallel_loop3A_687 = tpu.scan <max>, %parallel_loop3A_684 masked %parallel_loop3A_686 : vector<16xf32>, vector<16xi1> -> vector<16xf32>
        %parallel_loop3A_688 = arith.constant 15 : i32
        %parallel_loop3A_689 = vector.broadcast %parallel_loop3A_688 : i32 to vector<16xi32>
        %parallel_loop3A_690 = tpu.iota {dimensions = array<i32: 0>} : vector<16xi32>
        %parallel_loop3A_691 = arith.subi %parallel_loop3A_689, %parallel_loop3A_690 : vector<16xi32>
        %parallel_loop3A_692 = tpu.dynamic_gather %parallel_loop3A_687[%parallel_loop3A_691] in [0] : vector<16xf32>, vector<16xi32> -> vector<16xf32>
        %parallel_loop3A_693 = arith.maximumf %parallel_loop3A_692, %parallel_loop3A_671 : vector<16xf32>
        %parallel_loop3A_694 = vector.shape_cast %broadcast_in_dim3A_3 : vector<16xi32> to vector<16x1xi32>
        %parallel_loop3A_695 = vector.shape_cast %parallel_loop3A_694 : vector<16x1xi32> to vector<16xi32>
        %parallel_loop3A_696 = tpu.dynamic_gather %parallel_loop3A_687[%parallel_loop3A_695] in [0] : vector<16xf32>, vector<16xi32> -> vector<16xf32>
        %parallel_loop3A_697 = arith.maximumf %parallel_loop3A_671, %parallel_loop3A_696 : vector<16xf32>
        %parallel_loop3A_698 = arith.maximumf %parallel_loop3A_350, %parallel_loop3A_679 : vector<16xf32>
        %parallel_loop3A_699 = arith.addf %parallel_loop3A_693, %parallel_loop3A_698 : vector<16xf32>
        %parallel_loop3A_700 = arith.index_cast %parallel_loop3A_364 : i32 to index
        %parallel_loop3A_701 = arith.constant 176 : index
        %parallel_loop3A_702 = tpu.vector_load %arg7[%parallel_loop3A_700, %parallel_loop3A_701] {strides = array<i32>} : memref<64x384xf32, #tpu.memory_space<vmem>>, vector<16xf32>,
        tpu.vector_store %arg7[%parallel_loop3A_700, %parallel_loop3A_701], %parallel_loop3A_699 {strides = array<i32>} : memref<64x384xf32, #tpu.memory_space<vmem>>, vector<16xf32>,
        %parallel_loop3A_703 = arith.index_cast %parallel_loop3A_364 : i32 to index
        %parallel_loop3A_704 = arith.constant 160 : index
        %parallel_loop3A_705 = tpu.vector_load %arg5[%parallel_loop3A_703, %parallel_loop3A_704] {strides = array<i32>} : memref<64x384xf32, #tpu.memory_space<vmem>>, vector<16xf32>,
        %parallel_loop3A_706 = arith.constant 15 : i32
        %parallel_loop3A_707 = vector.broadcast %parallel_loop3A_706 : i32 to vector<16xi32>
        %parallel_loop3A_708 = tpu.iota {dimensions = array<i32: 0>} : vector<16xi32>
        %parallel_loop3A_709 = arith.subi %parallel_loop3A_707, %parallel_loop3A_708 : vector<16xi32>
        %parallel_loop3A_710 = tpu.dynamic_gather %parallel_loop3A_705[%parallel_loop3A_709] in [0] : vector<16xf32>, vector<16xi32> -> vector<16xf32>
        %parallel_loop3A_711 = arith.constant true
        %parallel_loop3A_712 = vector.broadcast %parallel_loop3A_711 : i1 to vector<16xi1>
        %parallel_loop3A_713 = tpu.scan <max>, %parallel_loop3A_710 masked %parallel_loop3A_712 : vector<16xf32>, vector<16xi1> -> vector<16xf32>
        %parallel_loop3A_714 = arith.constant 15 : i32
        %parallel_loop3A_715 = vector.broadcast %parallel_loop3A_714 : i32 to vector<16xi32>
        %parallel_loop3A_716 = tpu.iota {dimensions = array<i32: 0>} : vector<16xi32>
        %parallel_loop3A_717 = arith.subi %parallel_loop3A_715, %parallel_loop3A_716 : vector<16xi32>
        %parallel_loop3A_718 = tpu.dynamic_gather %parallel_loop3A_713[%parallel_loop3A_717] in [0] : vector<16xf32>, vector<16xi32> -> vector<16xf32>
        %parallel_loop3A_719 = arith.maximumf %parallel_loop3A_718, %parallel_loop3A_697 : vector<16xf32>
        %parallel_loop3A_720 = vector.shape_cast %broadcast_in_dim3A_3 : vector<16xi32> to vector<16x1xi32>
        %parallel_loop3A_721 = vector.shape_cast %parallel_loop3A_720 : vector<16x1xi32> to vector<16xi32>
        %parallel_loop3A_722 = tpu.dynamic_gather %parallel_loop3A_713[%parallel_loop3A_721] in [0] : vector<16xf32>, vector<16xi32> -> vector<16xf32>
        %parallel_loop3A_723 = arith.maximumf %parallel_loop3A_697, %parallel_loop3A_722 : vector<16xf32>
        %parallel_loop3A_724 = arith.maximumf %parallel_loop3A_349, %parallel_loop3A_705 : vector<16xf32>
        %parallel_loop3A_725 = arith.addf %parallel_loop3A_719, %parallel_loop3A_724 : vector<16xf32>
        %parallel_loop3A_726 = arith.index_cast %parallel_loop3A_364 : i32 to index
        %parallel_loop3A_727 = arith.constant 160 : index
        %parallel_loop3A_728 = tpu.vector_load %arg7[%parallel_loop3A_726, %parallel_loop3A_727] {strides = array<i32>} : memref<64x384xf32, #tpu.memory_space<vmem>>, vector<16xf32>,
        tpu.vector_store %arg7[%parallel_loop3A_726, %parallel_loop3A_727], %parallel_loop3A_725 {strides = array<i32>} : memref<64x384xf32, #tpu.memory_space<vmem>>, vector<16xf32>,
        %parallel_loop3A_729 = arith.index_cast %parallel_loop3A_364 : i32 to index
        %parallel_loop3A_730 = arith.constant 144 : index
        %parallel_loop3A_731 = tpu.vector_load %arg5[%parallel_loop3A_729, %parallel_loop3A_730] {strides = array<i32>} : memref<64x384xf32, #tpu.memory_space<vmem>>, vector<16xf32>,
        %parallel_loop3A_732 = arith.constant 15 : i32
        %parallel_loop3A_733 = vector.broadcast %parallel_loop3A_732 : i32 to vector<16xi32>
        %parallel_loop3A_734 = tpu.iota {dimensions = array<i32: 0>} : vector<16xi32>
        %parallel_loop3A_735 = arith.subi %parallel_loop3A_733, %parallel_loop3A_734 : vector<16xi32>
        %parallel_loop3A_736 = tpu.dynamic_gather %parallel_loop3A_731[%parallel_loop3A_735] in [0] : vector<16xf32>, vector<16xi32> -> vector<16xf32>
        %parallel_loop3A_737 = arith.constant true
        %parallel_loop3A_738 = vector.broadcast %parallel_loop3A_737 : i1 to vector<16xi1>
        %parallel_loop3A_739 = tpu.scan <max>, %parallel_loop3A_736 masked %parallel_loop3A_738 : vector<16xf32>, vector<16xi1> -> vector<16xf32>
        %parallel_loop3A_740 = arith.constant 15 : i32
        %parallel_loop3A_741 = vector.broadcast %parallel_loop3A_740 : i32 to vector<16xi32>
        %parallel_loop3A_742 = tpu.iota {dimensions = array<i32: 0>} : vector<16xi32>
        %parallel_loop3A_743 = arith.subi %parallel_loop3A_741, %parallel_loop3A_742 : vector<16xi32>
        %parallel_loop3A_744 = tpu.dynamic_gather %parallel_loop3A_739[%parallel_loop3A_743] in [0] : vector<16xf32>, vector<16xi32> -> vector<16xf32>
        %parallel_loop3A_745 = arith.maximumf %parallel_loop3A_744, %parallel_loop3A_723 : vector<16xf32>
        %parallel_loop3A_746 = vector.shape_cast %broadcast_in_dim3A_3 : vector<16xi32> to vector<16x1xi32>
        %parallel_loop3A_747 = vector.shape_cast %parallel_loop3A_746 : vector<16x1xi32> to vector<16xi32>
        %parallel_loop3A_748 = tpu.dynamic_gather %parallel_loop3A_739[%parallel_loop3A_747] in [0] : vector<16xf32>, vector<16xi32> -> vector<16xf32>
        %parallel_loop3A_749 = arith.maximumf %parallel_loop3A_723, %parallel_loop3A_748 : vector<16xf32>
        %parallel_loop3A_750 = arith.maximumf %parallel_loop3A_348, %parallel_loop3A_731 : vector<16xf32>
        %parallel_loop3A_751 = arith.addf %parallel_loop3A_745, %parallel_loop3A_750 : vector<16xf32>
        %parallel_loop3A_752 = arith.index_cast %parallel_loop3A_364 : i32 to index
        %parallel_loop3A_753 = arith.constant 144 : index
        %parallel_loop3A_754 = tpu.vector_load %arg7[%parallel_loop3A_752, %parallel_loop3A_753] {strides = array<i32>} : memref<64x384xf32, #tpu.memory_space<vmem>>, vector<16xf32>,
        tpu.vector_store %arg7[%parallel_loop3A_752, %parallel_loop3A_753], %parallel_loop3A_751 {strides = array<i32>} : memref<64x384xf32, #tpu.memory_space<vmem>>, vector<16xf32>,
        %parallel_loop3A_755 = arith.index_cast %parallel_loop3A_364 : i32 to index
        %parallel_loop3A_756 = arith.constant 128 : index
        %parallel_loop3A_757 = tpu.vector_load %arg5[%parallel_loop3A_755, %parallel_loop3A_756] {strides = array<i32>} : memref<64x384xf32, #tpu.memory_space<vmem>>, vector<16xf32>,
        %parallel_loop3A_758 = arith.constant 15 : i32
        %parallel_loop3A_759 = vector.broadcast %parallel_loop3A_758 : i32 to vector<16xi32>
        %parallel_loop3A_760 = tpu.iota {dimensions = array<i32: 0>} : vector<16xi32>
        %parallel_loop3A_761 = arith.subi %parallel_loop3A_759, %parallel_loop3A_760 : vector<16xi32>
        %parallel_loop3A_762 = tpu.dynamic_gather %parallel_loop3A_757[%parallel_loop3A_761] in [0] : vector<16xf32>, vector<16xi32> -> vector<16xf32>
        %parallel_loop3A_763 = arith.constant true
        %parallel_loop3A_764 = vector.broadcast %parallel_loop3A_763 : i1 to vector<16xi1>
        %parallel_loop3A_765 = tpu.scan <max>, %parallel_loop3A_762 masked %parallel_loop3A_764 : vector<16xf32>, vector<16xi1> -> vector<16xf32>
        %parallel_loop3A_766 = arith.constant 15 : i32
        %parallel_loop3A_767 = vector.broadcast %parallel_loop3A_766 : i32 to vector<16xi32>
        %parallel_loop3A_768 = tpu.iota {dimensions = array<i32: 0>} : vector<16xi32>
        %parallel_loop3A_769 = arith.subi %parallel_loop3A_767, %parallel_loop3A_768 : vector<16xi32>
        %parallel_loop3A_770 = tpu.dynamic_gather %parallel_loop3A_765[%parallel_loop3A_769] in [0] : vector<16xf32>, vector<16xi32> -> vector<16xf32>
        %parallel_loop3A_771 = arith.maximumf %parallel_loop3A_770, %parallel_loop3A_749 : vector<16xf32>
        %parallel_loop3A_772 = vector.shape_cast %broadcast_in_dim3A_3 : vector<16xi32> to vector<16x1xi32>
        %parallel_loop3A_773 = vector.shape_cast %parallel_loop3A_772 : vector<16x1xi32> to vector<16xi32>
        %parallel_loop3A_774 = tpu.dynamic_gather %parallel_loop3A_765[%parallel_loop3A_773] in [0] : vector<16xf32>, vector<16xi32> -> vector<16xf32>
        %parallel_loop3A_775 = arith.maximumf %parallel_loop3A_749, %parallel_loop3A_774 : vector<16xf32>
        %parallel_loop3A_776 = arith.maximumf %parallel_loop3A_347, %parallel_loop3A_757 : vector<16xf32>
        %parallel_loop3A_777 = arith.addf %parallel_loop3A_771, %parallel_loop3A_776 : vector<16xf32>
        %parallel_loop3A_778 = arith.index_cast %parallel_loop3A_364 : i32 to index
        %parallel_loop3A_779 = arith.constant 128 : index
        %parallel_loop3A_780 = tpu.vector_load %arg7[%parallel_loop3A_778, %parallel_loop3A_779] {strides = array<i32>} : memref<64x384xf32, #tpu.memory_space<vmem>>, vector<16xf32>,
        tpu.vector_store %arg7[%parallel_loop3A_778, %parallel_loop3A_779], %parallel_loop3A_777 {strides = array<i32>} : memref<64x384xf32, #tpu.memory_space<vmem>>, vector<16xf32>,
        %parallel_loop3A_781 = arith.index_cast %parallel_loop3A_364 : i32 to index
        %parallel_loop3A_782 = arith.constant 112 : index
        %parallel_loop3A_783 = tpu.vector_load %arg5[%parallel_loop3A_781, %parallel_loop3A_782] {strides = array<i32>} : memref<64x384xf32, #tpu.memory_space<vmem>>, vector<16xf32>,
        %parallel_loop3A_784 = arith.constant 15 : i32
        %parallel_loop3A_785 = vector.broadcast %parallel_loop3A_784 : i32 to vector<16xi32>
        %parallel_loop3A_786 = tpu.iota {dimensions = array<i32: 0>} : vector<16xi32>
        %parallel_loop3A_787 = arith.subi %parallel_loop3A_785, %parallel_loop3A_786 : vector<16xi32>
        %parallel_loop3A_788 = tpu.dynamic_gather %parallel_loop3A_783[%parallel_loop3A_787] in [0] : vector<16xf32>, vector<16xi32> -> vector<16xf32>
        %parallel_loop3A_789 = arith.constant true
        %parallel_loop3A_790 = vector.broadcast %parallel_loop3A_789 : i1 to vector<16xi1>
        %parallel_loop3A_791 = tpu.scan <max>, %parallel_loop3A_788 masked %parallel_loop3A_790 : vector<16xf32>, vector<16xi1> -> vector<16xf32>
        %parallel_loop3A_792 = arith.constant 15 : i32
        %parallel_loop3A_793 = vector.broadcast %parallel_loop3A_792 : i32 to vector<16xi32>
        %parallel_loop3A_794 = tpu.iota {dimensions = array<i32: 0>} : vector<16xi32>
        %parallel_loop3A_795 = arith.subi %parallel_loop3A_793, %parallel_loop3A_794 : vector<16xi32>
        %parallel_loop3A_796 = tpu.dynamic_gather %parallel_loop3A_791[%parallel_loop3A_795] in [0] : vector<16xf32>, vector<16xi32> -> vector<16xf32>
        %parallel_loop3A_797 = arith.maximumf %parallel_loop3A_796, %parallel_loop3A_775 : vector<16xf32>
        %parallel_loop3A_798 = vector.shape_cast %broadcast_in_dim3A_3 : vector<16xi32> to vector<16x1xi32>
        %parallel_loop3A_799 = vector.shape_cast %parallel_loop3A_798 : vector<16x1xi32> to vector<16xi32>
        %parallel_loop3A_800 = tpu.dynamic_gather %parallel_loop3A_791[%parallel_loop3A_799] in [0] : vector<16xf32>, vector<16xi32> -> vector<16xf32>
        %parallel_loop3A_801 = arith.maximumf %parallel_loop3A_775, %parallel_loop3A_800 : vector<16xf32>
        %parallel_loop3A_802 = arith.maximumf %parallel_loop3A_346, %parallel_loop3A_783 : vector<16xf32>
        %parallel_loop3A_803 = arith.addf %parallel_loop3A_797, %parallel_loop3A_802 : vector<16xf32>
        %parallel_loop3A_804 = arith.index_cast %parallel_loop3A_364 : i32 to index
        %parallel_loop3A_805 = arith.constant 112 : index
        %parallel_loop3A_806 = tpu.vector_load %arg7[%parallel_loop3A_804, %parallel_loop3A_805] {strides = array<i32>} : memref<64x384xf32, #tpu.memory_space<vmem>>, vector<16xf32>,
        tpu.vector_store %arg7[%parallel_loop3A_804, %parallel_loop3A_805], %parallel_loop3A_803 {strides = array<i32>} : memref<64x384xf32, #tpu.memory_space<vmem>>, vector<16xf32>,
        %parallel_loop3A_807 = arith.index_cast %parallel_loop3A_364 : i32 to index
        %parallel_loop3A_808 = arith.constant 96 : index
        %parallel_loop3A_809 = tpu.vector_load %arg5[%parallel_loop3A_807, %parallel_loop3A_808] {strides = array<i32>} : memref<64x384xf32, #tpu.memory_space<vmem>>, vector<16xf32>,
        %parallel_loop3A_810 = arith.constant 15 : i32
        %parallel_loop3A_811 = vector.broadcast %parallel_loop3A_810 : i32 to vector<16xi32>
        %parallel_loop3A_812 = tpu.iota {dimensions = array<i32: 0>} : vector<16xi32>
        %parallel_loop3A_813 = arith.subi %parallel_loop3A_811, %parallel_loop3A_812 : vector<16xi32>
        %parallel_loop3A_814 = tpu.dynamic_gather %parallel_loop3A_809[%parallel_loop3A_813] in [0] : vector<16xf32>, vector<16xi32> -> vector<16xf32>
        %parallel_loop3A_815 = arith.constant true
        %parallel_loop3A_816 = vector.broadcast %parallel_loop3A_815 : i1 to vector<16xi1>
        %parallel_loop3A_817 = tpu.scan <max>, %parallel_loop3A_814 masked %parallel_loop3A_816 : vector<16xf32>, vector<16xi1> -> vector<16xf32>
        %parallel_loop3A_818 = arith.constant 15 : i32
        %parallel_loop3A_819 = vector.broadcast %parallel_loop3A_818 : i32 to vector<16xi32>
        %parallel_loop3A_820 = tpu.iota {dimensions = array<i32: 0>} : vector<16xi32>
        %parallel_loop3A_821 = arith.subi %parallel_loop3A_819, %parallel_loop3A_820 : vector<16xi32>
        %parallel_loop3A_822 = tpu.dynamic_gather %parallel_loop3A_817[%parallel_loop3A_821] in [0] : vector<16xf32>, vector<16xi32> -> vector<16xf32>
        %parallel_loop3A_823 = arith.maximumf %parallel_loop3A_822, %parallel_loop3A_801 : vector<16xf32>
        %parallel_loop3A_824 = vector.shape_cast %broadcast_in_dim3A_3 : vector<16xi32> to vector<16x1xi32>
        %parallel_loop3A_825 = vector.shape_cast %parallel_loop3A_824 : vector<16x1xi32> to vector<16xi32>
        %parallel_loop3A_826 = tpu.dynamic_gather %parallel_loop3A_817[%parallel_loop3A_825] in [0] : vector<16xf32>, vector<16xi32> -> vector<16xf32>
        %parallel_loop3A_827 = arith.maximumf %parallel_loop3A_801, %parallel_loop3A_826 : vector<16xf32>
        %parallel_loop3A_828 = arith.maximumf %parallel_loop3A_345, %parallel_loop3A_809 : vector<16xf32>
        %parallel_loop3A_829 = arith.addf %parallel_loop3A_823, %parallel_loop3A_828 : vector<16xf32>
        %parallel_loop3A_830 = arith.index_cast %parallel_loop3A_364 : i32 to index
        %parallel_loop3A_831 = arith.constant 96 : index
        %parallel_loop3A_832 = tpu.vector_load %arg7[%parallel_loop3A_830, %parallel_loop3A_831] {strides = array<i32>} : memref<64x384xf32, #tpu.memory_space<vmem>>, vector<16xf32>,
        tpu.vector_store %arg7[%parallel_loop3A_830, %parallel_loop3A_831], %parallel_loop3A_829 {strides = array<i32>} : memref<64x384xf32, #tpu.memory_space<vmem>>, vector<16xf32>,
        %parallel_loop3A_833 = arith.index_cast %parallel_loop3A_364 : i32 to index
        %parallel_loop3A_834 = arith.constant 80 : index
        %parallel_loop3A_835 = tpu.vector_load %arg5[%parallel_loop3A_833, %parallel_loop3A_834] {strides = array<i32>} : memref<64x384xf32, #tpu.memory_space<vmem>>, vector<16xf32>,
        %parallel_loop3A_836 = arith.constant 15 : i32
        %parallel_loop3A_837 = vector.broadcast %parallel_loop3A_836 : i32 to vector<16xi32>
        %parallel_loop3A_838 = tpu.iota {dimensions = array<i32: 0>} : vector<16xi32>
        %parallel_loop3A_839 = arith.subi %parallel_loop3A_837, %parallel_loop3A_838 : vector<16xi32>
        %parallel_loop3A_840 = tpu.dynamic_gather %parallel_loop3A_835[%parallel_loop3A_839] in [0] : vector<16xf32>, vector<16xi32> -> vector<16xf32>
        %parallel_loop3A_841 = arith.constant true
        %parallel_loop3A_842 = vector.broadcast %parallel_loop3A_841 : i1 to vector<16xi1>
        %parallel_loop3A_843 = tpu.scan <max>, %parallel_loop3A_840 masked %parallel_loop3A_842 : vector<16xf32>, vector<16xi1> -> vector<16xf32>
        %parallel_loop3A_844 = arith.constant 15 : i32
        %parallel_loop3A_845 = vector.broadcast %parallel_loop3A_844 : i32 to vector<16xi32>
        %parallel_loop3A_846 = tpu.iota {dimensions = array<i32: 0>} : vector<16xi32>
        %parallel_loop3A_847 = arith.subi %parallel_loop3A_845, %parallel_loop3A_846 : vector<16xi32>
        %parallel_loop3A_848 = tpu.dynamic_gather %parallel_loop3A_843[%parallel_loop3A_847] in [0] : vector<16xf32>, vector<16xi32> -> vector<16xf32>
        %parallel_loop3A_849 = arith.maximumf %parallel_loop3A_848, %parallel_loop3A_827 : vector<16xf32>
        %parallel_loop3A_850 = vector.shape_cast %broadcast_in_dim3A_3 : vector<16xi32> to vector<16x1xi32>
        %parallel_loop3A_851 = vector.shape_cast %parallel_loop3A_850 : vector<16x1xi32> to vector<16xi32>
        %parallel_loop3A_852 = tpu.dynamic_gather %parallel_loop3A_843[%parallel_loop3A_851] in [0] : vector<16xf32>, vector<16xi32> -> vector<16xf32>
        %parallel_loop3A_853 = arith.maximumf %parallel_loop3A_827, %parallel_loop3A_852 : vector<16xf32>
        %parallel_loop3A_854 = arith.maximumf %parallel_loop3A_344, %parallel_loop3A_835 : vector<16xf32>
        %parallel_loop3A_855 = arith.addf %parallel_loop3A_849, %parallel_loop3A_854 : vector<16xf32>
        %parallel_loop3A_856 = arith.index_cast %parallel_loop3A_364 : i32 to index
        %parallel_loop3A_857 = arith.constant 80 : index
        %parallel_loop3A_858 = tpu.vector_load %arg7[%parallel_loop3A_856, %parallel_loop3A_857] {strides = array<i32>} : memref<64x384xf32, #tpu.memory_space<vmem>>, vector<16xf32>,
        tpu.vector_store %arg7[%parallel_loop3A_856, %parallel_loop3A_857], %parallel_loop3A_855 {strides = array<i32>} : memref<64x384xf32, #tpu.memory_space<vmem>>, vector<16xf32>,
        %parallel_loop3A_859 = arith.index_cast %parallel_loop3A_364 : i32 to index
        %parallel_loop3A_860 = arith.constant 64 : index
        %parallel_loop3A_861 = tpu.vector_load %arg5[%parallel_loop3A_859, %parallel_loop3A_860] {strides = array<i32>} : memref<64x384xf32, #tpu.memory_space<vmem>>, vector<16xf32>,
        %parallel_loop3A_862 = arith.constant 15 : i32
        %parallel_loop3A_863 = vector.broadcast %parallel_loop3A_862 : i32 to vector<16xi32>
        %parallel_loop3A_864 = tpu.iota {dimensions = array<i32: 0>} : vector<16xi32>
        %parallel_loop3A_865 = arith.subi %parallel_loop3A_863, %parallel_loop3A_864 : vector<16xi32>
        %parallel_loop3A_866 = tpu.dynamic_gather %parallel_loop3A_861[%parallel_loop3A_865] in [0] : vector<16xf32>, vector<16xi32> -> vector<16xf32>
        %parallel_loop3A_867 = arith.constant true
        %parallel_loop3A_868 = vector.broadcast %parallel_loop3A_867 : i1 to vector<16xi1>
        %parallel_loop3A_869 = tpu.scan <max>, %parallel_loop3A_866 masked %parallel_loop3A_868 : vector<16xf32>, vector<16xi1> -> vector<16xf32>
        %parallel_loop3A_870 = arith.constant 15 : i32
        %parallel_loop3A_871 = vector.broadcast %parallel_loop3A_870 : i32 to vector<16xi32>
        %parallel_loop3A_872 = tpu.iota {dimensions = array<i32: 0>} : vector<16xi32>
        %parallel_loop3A_873 = arith.subi %parallel_loop3A_871, %parallel_loop3A_872 : vector<16xi32>
        %parallel_loop3A_874 = tpu.dynamic_gather %parallel_loop3A_869[%parallel_loop3A_873] in [0] : vector<16xf32>, vector<16xi32> -> vector<16xf32>
        %parallel_loop3A_875 = arith.maximumf %parallel_loop3A_874, %parallel_loop3A_853 : vector<16xf32>
        %parallel_loop3A_876 = vector.shape_cast %broadcast_in_dim3A_3 : vector<16xi32> to vector<16x1xi32>
        %parallel_loop3A_877 = vector.shape_cast %parallel_loop3A_876 : vector<16x1xi32> to vector<16xi32>
        %parallel_loop3A_878 = tpu.dynamic_gather %parallel_loop3A_869[%parallel_loop3A_877] in [0] : vector<16xf32>, vector<16xi32> -> vector<16xf32>
        %parallel_loop3A_879 = arith.maximumf %parallel_loop3A_853, %parallel_loop3A_878 : vector<16xf32>
        %parallel_loop3A_880 = arith.maximumf %parallel_loop3A_343, %parallel_loop3A_861 : vector<16xf32>
        %parallel_loop3A_881 = arith.addf %parallel_loop3A_875, %parallel_loop3A_880 : vector<16xf32>
        %parallel_loop3A_882 = arith.index_cast %parallel_loop3A_364 : i32 to index
        %parallel_loop3A_883 = arith.constant 64 : index
        %parallel_loop3A_884 = tpu.vector_load %arg7[%parallel_loop3A_882, %parallel_loop3A_883] {strides = array<i32>} : memref<64x384xf32, #tpu.memory_space<vmem>>, vector<16xf32>,
        tpu.vector_store %arg7[%parallel_loop3A_882, %parallel_loop3A_883], %parallel_loop3A_881 {strides = array<i32>} : memref<64x384xf32, #tpu.memory_space<vmem>>, vector<16xf32>,
        %parallel_loop3A_885 = arith.index_cast %parallel_loop3A_364 : i32 to index
        %parallel_loop3A_886 = arith.constant 48 : index
        %parallel_loop3A_887 = tpu.vector_load %arg5[%parallel_loop3A_885, %parallel_loop3A_886] {strides = array<i32>} : memref<64x384xf32, #tpu.memory_space<vmem>>, vector<16xf32>,
        %parallel_loop3A_888 = arith.constant 15 : i32
        %parallel_loop3A_889 = vector.broadcast %parallel_loop3A_888 : i32 to vector<16xi32>
        %parallel_loop3A_890 = tpu.iota {dimensions = array<i32: 0>} : vector<16xi32>
        %parallel_loop3A_891 = arith.subi %parallel_loop3A_889, %parallel_loop3A_890 : vector<16xi32>
        %parallel_loop3A_892 = tpu.dynamic_gather %parallel_loop3A_887[%parallel_loop3A_891] in [0] : vector<16xf32>, vector<16xi32> -> vector<16xf32>
        %parallel_loop3A_893 = arith.constant true
        %parallel_loop3A_894 = vector.broadcast %parallel_loop3A_893 : i1 to vector<16xi1>
        %parallel_loop3A_895 = tpu.scan <max>, %parallel_loop3A_892 masked %parallel_loop3A_894 : vector<16xf32>, vector<16xi1> -> vector<16xf32>
        %parallel_loop3A_896 = arith.constant 15 : i32
        %parallel_loop3A_897 = vector.broadcast %parallel_loop3A_896 : i32 to vector<16xi32>
        %parallel_loop3A_898 = tpu.iota {dimensions = array<i32: 0>} : vector<16xi32>
        %parallel_loop3A_899 = arith.subi %parallel_loop3A_897, %parallel_loop3A_898 : vector<16xi32>
        %parallel_loop3A_900 = tpu.dynamic_gather %parallel_loop3A_895[%parallel_loop3A_899] in [0] : vector<16xf32>, vector<16xi32> -> vector<16xf32>
        %parallel_loop3A_901 = arith.maximumf %parallel_loop3A_900, %parallel_loop3A_879 : vector<16xf32>
        %parallel_loop3A_902 = vector.shape_cast %broadcast_in_dim3A_3 : vector<16xi32> to vector<16x1xi32>
        %parallel_loop3A_903 = vector.shape_cast %parallel_loop3A_902 : vector<16x1xi32> to vector<16xi32>
        %parallel_loop3A_904 = tpu.dynamic_gather %parallel_loop3A_895[%parallel_loop3A_903] in [0] : vector<16xf32>, vector<16xi32> -> vector<16xf32>
        %parallel_loop3A_905 = arith.maximumf %parallel_loop3A_879, %parallel_loop3A_904 : vector<16xf32>
        %parallel_loop3A_906 = arith.maximumf %parallel_loop3A_342, %parallel_loop3A_887 : vector<16xf32>
        %parallel_loop3A_907 = arith.addf %parallel_loop3A_901, %parallel_loop3A_906 : vector<16xf32>
        %parallel_loop3A_908 = arith.index_cast %parallel_loop3A_364 : i32 to index
        %parallel_loop3A_909 = arith.constant 48 : index
        %parallel_loop3A_910 = tpu.vector_load %arg7[%parallel_loop3A_908, %parallel_loop3A_909] {strides = array<i32>} : memref<64x384xf32, #tpu.memory_space<vmem>>, vector<16xf32>,
        tpu.vector_store %arg7[%parallel_loop3A_908, %parallel_loop3A_909], %parallel_loop3A_907 {strides = array<i32>} : memref<64x384xf32, #tpu.memory_space<vmem>>, vector<16xf32>,
        %parallel_loop3A_911 = arith.index_cast %parallel_loop3A_364 : i32 to index
        %parallel_loop3A_912 = arith.constant 32 : index
        %parallel_loop3A_913 = tpu.vector_load %arg5[%parallel_loop3A_911, %parallel_loop3A_912] {strides = array<i32>} : memref<64x384xf32, #tpu.memory_space<vmem>>, vector<16xf32>,
        %parallel_loop3A_914 = arith.constant 15 : i32
        %parallel_loop3A_915 = vector.broadcast %parallel_loop3A_914 : i32 to vector<16xi32>
        %parallel_loop3A_916 = tpu.iota {dimensions = array<i32: 0>} : vector<16xi32>
        %parallel_loop3A_917 = arith.subi %parallel_loop3A_915, %parallel_loop3A_916 : vector<16xi32>
        %parallel_loop3A_918 = tpu.dynamic_gather %parallel_loop3A_913[%parallel_loop3A_917] in [0] : vector<16xf32>, vector<16xi32> -> vector<16xf32>
        %parallel_loop3A_919 = arith.constant true
        %parallel_loop3A_920 = vector.broadcast %parallel_loop3A_919 : i1 to vector<16xi1>
        %parallel_loop3A_921 = tpu.scan <max>, %parallel_loop3A_918 masked %parallel_loop3A_920 : vector<16xf32>, vector<16xi1> -> vector<16xf32>
        %parallel_loop3A_922 = arith.constant 15 : i32
        %parallel_loop3A_923 = vector.broadcast %parallel_loop3A_922 : i32 to vector<16xi32>
        %parallel_loop3A_924 = tpu.iota {dimensions = array<i32: 0>} : vector<16xi32>
        %parallel_loop3A_925 = arith.subi %parallel_loop3A_923, %parallel_loop3A_924 : vector<16xi32>
        %parallel_loop3A_926 = tpu.dynamic_gather %parallel_loop3A_921[%parallel_loop3A_925] in [0] : vector<16xf32>, vector<16xi32> -> vector<16xf32>
        %parallel_loop3A_927 = arith.maximumf %parallel_loop3A_926, %parallel_loop3A_905 : vector<16xf32>
        %parallel_loop3A_928 = vector.shape_cast %broadcast_in_dim3A_3 : vector<16xi32> to vector<16x1xi32>
        %parallel_loop3A_929 = vector.shape_cast %parallel_loop3A_928 : vector<16x1xi32> to vector<16xi32>
        %parallel_loop3A_930 = tpu.dynamic_gather %parallel_loop3A_921[%parallel_loop3A_929] in [0] : vector<16xf32>, vector<16xi32> -> vector<16xf32>
        %parallel_loop3A_931 = arith.maximumf %parallel_loop3A_905, %parallel_loop3A_930 : vector<16xf32>
        %parallel_loop3A_932 = arith.maximumf %parallel_loop3A_341, %parallel_loop3A_913 : vector<16xf32>
        %parallel_loop3A_933 = arith.addf %parallel_loop3A_927, %parallel_loop3A_932 : vector<16xf32>
        %parallel_loop3A_934 = arith.index_cast %parallel_loop3A_364 : i32 to index
        %parallel_loop3A_935 = arith.constant 32 : index
        %parallel_loop3A_936 = tpu.vector_load %arg7[%parallel_loop3A_934, %parallel_loop3A_935] {strides = array<i32>} : memref<64x384xf32, #tpu.memory_space<vmem>>, vector<16xf32>,
        tpu.vector_store %arg7[%parallel_loop3A_934, %parallel_loop3A_935], %parallel_loop3A_933 {strides = array<i32>} : memref<64x384xf32, #tpu.memory_space<vmem>>, vector<16xf32>,
        %parallel_loop3A_937 = arith.index_cast %parallel_loop3A_364 : i32 to index
        %parallel_loop3A_938 = arith.constant 16 : index
        %parallel_loop3A_939 = tpu.vector_load %arg5[%parallel_loop3A_937, %parallel_loop3A_938] {strides = array<i32>} : memref<64x384xf32, #tpu.memory_space<vmem>>, vector<16xf32>,
        %parallel_loop3A_940 = arith.constant 15 : i32
        %parallel_loop3A_941 = vector.broadcast %parallel_loop3A_940 : i32 to vector<16xi32>
        %parallel_loop3A_942 = tpu.iota {dimensions = array<i32: 0>} : vector<16xi32>
        %parallel_loop3A_943 = arith.subi %parallel_loop3A_941, %parallel_loop3A_942 : vector<16xi32>
        %parallel_loop3A_944 = tpu.dynamic_gather %parallel_loop3A_939[%parallel_loop3A_943] in [0] : vector<16xf32>, vector<16xi32> -> vector<16xf32>
        %parallel_loop3A_945 = arith.constant true
        %parallel_loop3A_946 = vector.broadcast %parallel_loop3A_945 : i1 to vector<16xi1>
        %parallel_loop3A_947 = tpu.scan <max>, %parallel_loop3A_944 masked %parallel_loop3A_946 : vector<16xf32>, vector<16xi1> -> vector<16xf32>
        %parallel_loop3A_948 = arith.constant 15 : i32
        %parallel_loop3A_949 = vector.broadcast %parallel_loop3A_948 : i32 to vector<16xi32>
        %parallel_loop3A_950 = tpu.iota {dimensions = array<i32: 0>} : vector<16xi32>
        %parallel_loop3A_951 = arith.subi %parallel_loop3A_949, %parallel_loop3A_950 : vector<16xi32>
        %parallel_loop3A_952 = tpu.dynamic_gather %parallel_loop3A_947[%parallel_loop3A_951] in [0] : vector<16xf32>, vector<16xi32> -> vector<16xf32>
        %parallel_loop3A_953 = arith.maximumf %parallel_loop3A_952, %parallel_loop3A_931 : vector<16xf32>
        %parallel_loop3A_954 = vector.shape_cast %broadcast_in_dim3A_3 : vector<16xi32> to vector<16x1xi32>
        %parallel_loop3A_955 = vector.shape_cast %parallel_loop3A_954 : vector<16x1xi32> to vector<16xi32>
        %parallel_loop3A_956 = tpu.dynamic_gather %parallel_loop3A_947[%parallel_loop3A_955] in [0] : vector<16xf32>, vector<16xi32> -> vector<16xf32>
        %parallel_loop3A_957 = arith.maximumf %parallel_loop3A_931, %parallel_loop3A_956 : vector<16xf32>
        %parallel_loop3A_958 = arith.maximumf %parallel_loop3A_340, %parallel_loop3A_939 : vector<16xf32>
        %parallel_loop3A_959 = arith.addf %parallel_loop3A_953, %parallel_loop3A_958 : vector<16xf32>
        %parallel_loop3A_960 = arith.index_cast %parallel_loop3A_364 : i32 to index
        %parallel_loop3A_961 = arith.constant 16 : index
        %parallel_loop3A_962 = tpu.vector_load %arg7[%parallel_loop3A_960, %parallel_loop3A_961] {strides = array<i32>} : memref<64x384xf32, #tpu.memory_space<vmem>>, vector<16xf32>,
        tpu.vector_store %arg7[%parallel_loop3A_960, %parallel_loop3A_961], %parallel_loop3A_959 {strides = array<i32>} : memref<64x384xf32, #tpu.memory_space<vmem>>, vector<16xf32>,
        %parallel_loop3A_963 = arith.index_cast %parallel_loop3A_364 : i32 to index
        %parallel_loop3A_964 = arith.constant 0 : index
        %parallel_loop3A_965 = tpu.vector_load %arg5[%parallel_loop3A_963, %parallel_loop3A_964] {strides = array<i32>} : memref<64x384xf32, #tpu.memory_space<vmem>>, vector<16xf32>,
        %parallel_loop3A_966 = arith.constant 15 : i32
        %parallel_loop3A_967 = vector.broadcast %parallel_loop3A_966 : i32 to vector<16xi32>
        %parallel_loop3A_968 = tpu.iota {dimensions = array<i32: 0>} : vector<16xi32>
        %parallel_loop3A_969 = arith.subi %parallel_loop3A_967, %parallel_loop3A_968 : vector<16xi32>
        %parallel_loop3A_970 = tpu.dynamic_gather %parallel_loop3A_965[%parallel_loop3A_969] in [0] : vector<16xf32>, vector<16xi32> -> vector<16xf32>
        %parallel_loop3A_971 = arith.constant true
        %parallel_loop3A_972 = vector.broadcast %parallel_loop3A_971 : i1 to vector<16xi1>
        %parallel_loop3A_973 = tpu.scan <max>, %parallel_loop3A_970 masked %parallel_loop3A_972 : vector<16xf32>, vector<16xi1> -> vector<16xf32>
        %parallel_loop3A_974 = arith.constant 15 : i32
        %parallel_loop3A_975 = vector.broadcast %parallel_loop3A_974 : i32 to vector<16xi32>
        %parallel_loop3A_976 = tpu.iota {dimensions = array<i32: 0>} : vector<16xi32>
        %parallel_loop3A_977 = arith.subi %parallel_loop3A_975, %parallel_loop3A_976 : vector<16xi32>
        %parallel_loop3A_978 = tpu.dynamic_gather %parallel_loop3A_973[%parallel_loop3A_977] in [0] : vector<16xf32>, vector<16xi32> -> vector<16xf32>
        %parallel_loop3A_979 = arith.maximumf %parallel_loop3A_978, %parallel_loop3A_957 : vector<16xf32>
        %parallel_loop3A_980 = vector.shape_cast %broadcast_in_dim3A_3 : vector<16xi32> to vector<16x1xi32>
        %parallel_loop3A_981 = vector.shape_cast %parallel_loop3A_980 : vector<16x1xi32> to vector<16xi32>
        %parallel_loop3A_982 = tpu.dynamic_gather %parallel_loop3A_973[%parallel_loop3A_981] in [0] : vector<16xf32>, vector<16xi32> -> vector<16xf32>
        %parallel_loop3A_983 = arith.maximumf %parallel_loop3A_957, %parallel_loop3A_982 : vector<16xf32>
        %parallel_loop3A_984 = arith.maximumf %parallel_loop3A_339, %parallel_loop3A_965 : vector<16xf32>
        %parallel_loop3A_985 = arith.addf %parallel_loop3A_979, %parallel_loop3A_984 : vector<16xf32>
        %parallel_loop3A_986 = arith.index_cast %parallel_loop3A_364 : i32 to index
        %parallel_loop3A_987 = arith.constant 0 : index
        %parallel_loop3A_988 = tpu.vector_load %arg7[%parallel_loop3A_986, %parallel_loop3A_987] {strides = array<i32>} : memref<64x384xf32, #tpu.memory_space<vmem>>, vector<16xf32>,
        tpu.vector_store %arg7[%parallel_loop3A_986, %parallel_loop3A_987], %parallel_loop3A_985 {strides = array<i32>} : memref<64x384xf32, #tpu.memory_space<vmem>>, vector<16xf32>,
        scf.yield %parallel_loop3A_984, %parallel_loop3A_958, %parallel_loop3A_932, %parallel_loop3A_906, %parallel_loop3A_880, %parallel_loop3A_854, %parallel_loop3A_828, %parallel_loop3A_802, %parallel_loop3A_776, %parallel_loop3A_750, %parallel_loop3A_724, %parallel_loop3A_698, %parallel_loop3A_672, %parallel_loop3A_646, %parallel_loop3A_620, %parallel_loop3A_594, %parallel_loop3A_568, %parallel_loop3A_542, %parallel_loop3A_516, %parallel_loop3A_490, %parallel_loop3A_464, %parallel_loop3A_438, %parallel_loop3A_412, %parallel_loop3A_386 : vector<16xf32>, vector<16xf32>, vector<16xf32>, vector<16xf32>, vector<16xf32>, vector<16xf32>, vector<16xf32>, vector<16xf32>, vector<16xf32>, vector<16xf32>, vector<16xf32>, vector<16xf32>, vector<16xf32>, vector<16xf32>, vector<16xf32>, vector<16xf32>, vector<16xf32>, vector<16xf32>, vector<16xf32>, vector<16xf32>, vector<16xf32>, vector<16xf32>, vector<16xf32>, vector<16xf32>
      } {sc.loop_unroll_factor = 2 : i64, sc.parallel_access}
      %mul3A_285 = arith.constant 2 : i32
      %mul3A_286 = arith.muli %add3A, %mul3A_285 : i32
      %jit3A_287 = arith.constant 6 : i32
      %div3A_288 = arith.divsi %add3A_65, %jit3A_287 : i32
      %sign3A_289 = arith.constant 0 : i32
      %sign3A_290 = arith.cmpi sgt, %add3A_65, %sign3A_289 : i32
      %sign3A_291 = arith.extui %sign3A_290 : i1 to i32
      %sign3A_292 = arith.constant 0 : i32
      %sign3A_293 = arith.cmpi slt, %add3A_65, %sign3A_292 : i32
      %sign3A_294 = arith.extui %sign3A_293 : i1 to i32
      %sign3A_295 = arith.subi %sign3A_291, %sign3A_294 : i32
      %sign3A_296 = arith.constant 0 : i32
      %sign3A_297 = arith.cmpi sgt, %jit3A_287, %sign3A_296 : i32
      %sign3A_298 = arith.extui %sign3A_297 : i1 to i32
      %sign3A_299 = arith.constant 0 : i32
      %sign3A_300 = arith.cmpi slt, %jit3A_287, %sign3A_299 : i32
      %sign3A_301 = arith.extui %sign3A_300 : i1 to i32
      %sign3A_302 = arith.subi %sign3A_298, %sign3A_301 : i32
      %ne3A_303 = arith.cmpi ne, %sign3A_295, %sign3A_302 : i32
      %rem3A_304 = arith.remsi %add3A_65, %jit3A_287 : i32
      %ne3A_305 = arith.constant 0 : i32
      %ne3A_306 = arith.cmpi ne, %rem3A_304, %ne3A_305 : i32
      %and3A_307 = arith.andi %ne3A_303, %ne3A_306 : i1
      %sub3A_308 = arith.constant 1 : i32
      %sub3A_309 = arith.subi %div3A_288, %sub3A_308 : i32
      %select_n3A_310 = arith.select %and3A_307, %sub3A_309, %div3A_288 : i32
      %add3A_311 = arith.addi %mul3A_286, %select_n3A_310 : i32
      %jit3A_312 = arith.constant 6 : i32
      %eq3A_313 = arith.constant 0 : i32
      %eq3A_314 = arith.cmpi eq, %jit3A_312, %eq3A_313 : i32
      %jit3A_315 = arith.constant 1 : i32
      %select_n3A_316 = arith.select %eq3A_314, %jit3A_315, %jit3A_312 : i32
      %rem3A_317 = arith.remsi %add3A_65, %select_n3A_316 : i32
      %ne3A_318 = arith.constant 0 : i32
      %ne3A_319 = arith.cmpi ne, %rem3A_317, %ne3A_318 : i32
      %lt3A_320 = arith.constant 0 : i32
      %lt3A_321 = arith.cmpi slt, %rem3A_317, %lt3A_320 : i32
      %lt3A_322 = arith.constant 0 : i32
      %lt3A_323 = arith.cmpi slt, %select_n3A_316, %lt3A_322 : i32
      %ne3A_324 = arith.xori %lt3A_321, %lt3A_323 : i1
      %and3A_325 = arith.andi %ne3A_324, %ne3A_319 : i1
      %add3A_326 = arith.addi %rem3A_317, %select_n3A_316 : i32
      %select_n3A_327 = arith.select %and3A_325, %add3A_326, %rem3A_317 : i32
      %sub3A_328 = arith.constant 5 : i32
      %sub3A_329 = arith.subi %sub3A_328, %select_n3A_327 : i32
      %mul3A_330 = arith.constant 64 : i32
      %mul3A_331 = arith.muli %sub3A_329, %mul3A_330 : i32
      %dma_start3A_332 = arith.constant 0 : i32
      %dma_start3A_333 = tpu.memref_slice %arg3[%add3A_311, %mul3A_331, %dma_start3A_332] : memref<64x384x384xf32, #tpu.memory_space<hbm>> -> memref<1x64x384xf32, #tpu.memory_space<hbm>>
      %dma_start3A_334 = tpu.memref_squeeze %dma_start3A_333 : memref<1x64x384xf32, #tpu.memory_space<hbm>> -> memref<64x384xf32, #tpu.memory_space<hbm>>
      %dma_start3A_335 = arith.constant 0 : i32
      %dma_start3A_336 = tpu.memref_slice %arg3[%add3A_311, %mul3A_331, %dma_start3A_335] : memref<64x384x384xf32, #tpu.memory_space<hbm>> -> memref<1x64x384xf32, #tpu.memory_space<hbm>>
      %dma_start3A_337 = tpu.memref_squeeze %dma_start3A_336 : memref<1x64x384xf32, #tpu.memory_space<hbm>> -> memref<64x384xf32, #tpu.memory_space<hbm>>
      tpu.enqueue_dma source(%arg7 : memref<64x384xf32, #tpu.memory_space<vmem>>) target(%dma_start3A_337 : memref<64x384xf32, #tpu.memory_space<hbm>>) target_semaphore(%arg11 : memref<!tpu.dma_semaphore, #tpu.memory_space<semaphore_mem>>)
      scf.yield %parallel_loop3A_284#0, %parallel_loop3A_284#1, %parallel_loop3A_284#2, %parallel_loop3A_284#3, %parallel_loop3A_284#4, %parallel_loop3A_284#5, %parallel_loop3A_284#6, %parallel_loop3A_284#7, %parallel_loop3A_284#8, %parallel_loop3A_284#9, %parallel_loop3A_284#10, %parallel_loop3A_284#11, %parallel_loop3A_284#12, %parallel_loop3A_284#13, %parallel_loop3A_284#14, %parallel_loop3A_284#15, %parallel_loop3A_284#16, %parallel_loop3A_284#17, %parallel_loop3A_284#18, %parallel_loop3A_284#19, %parallel_loop3A_284#20, %parallel_loop3A_284#21, %parallel_loop3A_284#22, %parallel_loop3A_284#23 : vector<16xf32>, vector<16xf32>, vector<16xf32>, vector<16xf32>, vector<16xf32>, vector<16xf32>, vector<16xf32>, vector<16xf32>, vector<16xf32>, vector<16xf32>, vector<16xf32>, vector<16xf32>, vector<16xf32>, vector<16xf32>, vector<16xf32>, vector<16xf32>, vector<16xf32>, vector<16xf32>, vector<16xf32>, vector<16xf32>, vector<16xf32>, vector<16xf32>, vector<16xf32>, vector<16xf32>
    }
    %scan3A_19 = arith.constant 6 : i32
    %dma_wait3A = arith.constant 0 : i32
    %dma_wait3A_20 = arith.constant 0 : i32
    %dma_wait3A_21 = arith.constant 0 : i32
    %dma_wait3A_22 = tpu.memref_slice %arg3[%dma_wait3A, %dma_wait3A_20, %dma_wait3A_21] : memref<64x384x384xf32, #tpu.memory_space<hbm>> -> memref<1x64x384xf32, #tpu.memory_space<hbm>>
    %dma_wait3A_23 = tpu.memref_squeeze %dma_wait3A_22 : memref<1x64x384xf32, #tpu.memory_space<hbm>> -> memref<64x384xf32, #tpu.memory_space<hbm>>
    %dma_wait3A_24 = arith.constant 0 : i32
    %dma_wait3A_25 = arith.constant 0 : i32
    %dma_wait3A_26 = tpu.memref_slice %arg3[%dma_wait3A, %dma_wait3A_24, %dma_wait3A_25] : memref<64x384x384xf32, #tpu.memory_space<hbm>> -> memref<1x64x384xf32, #tpu.memory_space<hbm>>
    %dma_wait3A_27 = tpu.memref_squeeze %dma_wait3A_26 : memref<1x64x384xf32, #tpu.memory_space<hbm>> -> memref<64x384xf32, #tpu.memory_space<hbm>>
    tpu.wait_dma2 semaphore(%arg10 : memref<!tpu.dma_semaphore, #tpu.memory_space<semaphore_mem>>) src(%arg6 : memref<64x384xf32, #tpu.memory_space<vmem>>) dst(%dma_wait3A_27 : memref<64x384xf32, #tpu.memory_space<hbm>>)
    %dma_wait3A_28 = arith.constant 0 : i32
    %dma_wait3A_29 = arith.constant 0 : i32
    %dma_wait3A_30 = arith.constant 0 : i32
    %dma_wait3A_31 = tpu.memref_slice %arg3[%dma_wait3A_28, %dma_wait3A_29, %dma_wait3A_30] : memref<64x384x384xf32, #tpu.memory_space<hbm>> -> memref<1x64x384xf32, #tpu.memory_space<hbm>>
    %dma_wait3A_32 = tpu.memref_squeeze %dma_wait3A_31 : memref<1x64x384xf32, #tpu.memory_space<hbm>> -> memref<64x384xf32, #tpu.memory_space<hbm>>
    %dma_wait3A_33 = arith.constant 0 : i32
    %dma_wait3A_34 = arith.constant 0 : i32
    %dma_wait3A_35 = tpu.memref_slice %arg3[%dma_wait3A_28, %dma_wait3A_33, %dma_wait3A_34] : memref<64x384x384xf32, #tpu.memory_space<hbm>> -> memref<1x64x384xf32, #tpu.memory_space<hbm>>
    %dma_wait3A_36 = tpu.memref_squeeze %dma_wait3A_35 : memref<1x64x384xf32, #tpu.memory_space<hbm>> -> memref<64x384xf32, #tpu.memory_space<hbm>>
    tpu.wait_dma2 semaphore(%arg11 : memref<!tpu.dma_semaphore, #tpu.memory_space<semaphore_mem>>) src(%arg7 : memref<64x384xf32, #tpu.memory_space<vmem>>) dst(%dma_wait3A_36 : memref<64x384xf32, #tpu.memory_space<hbm>>)
    return
  }
}

module attributes {stable_mosaic.version = 14 : i64} {
  func.func @_tc_block(%arg0: i32, %arg1: memref<8x384x384xf32, #tpu.memory_space<vmem>>, %arg2: memref<8x384x384xf32, #tpu.memory_space<vmem>>) attributes {dimension_semantics = [#tpu.dimension_semantics<arbitrary>], iteration_bounds = array<i64: 16>, scalar_prefetch = 0 : i64, scratch_operands = 0 : i64, tpu.core_type = #tpu.core_type<tc>, window_params = [{transform_indices = @transform_0, window_bounds = array<i64: 8, 384, 384>}, {transform_indices = @transform_1, window_bounds = array<i64: 8, 384, 384>}]} {
    %get3A = arith.constant 0 : index
    %get3A_0 = arith.constant 0 : index
    %get3A_1 = arith.constant 0 : index
    %get3A_2 = vector.load %arg1[%get3A, %get3A_0, %get3A_1] : memref<8x384x384xf32, #tpu.memory_space<vmem>>, vector<8x384x384xf32>
    %slice3A = vector.extract_strided_slice %get3A_2 {offsets = [0, 0, 256], sizes = [8, 384, 128], strides = [1, 1, 1]} : vector<8x384x384xf32> to vector<8x384x128xf32>
    %broadcast_in_dim3A = arith.constant 0xFF800000 : f32
    %broadcast_in_dim3A_3 = vector.broadcast %broadcast_in_dim3A : f32 to vector<8x384x1xf32>
    %slice3A_4 = vector.extract_strided_slice %slice3A {offsets = [0, 0, 1], sizes = [8, 384, 127], strides = [1, 1, 1]} : vector<8x384x128xf32> to vector<8x384x127xf32>
    %concatenate3A = tpu.concatenate %slice3A_4, %broadcast_in_dim3A_3 in 2 : vector<8x384x127xf32>, vector<8x384x1xf32> -> vector<8x384x128xf32>
    %max3A = arith.maximumf %slice3A, %concatenate3A : vector<8x384x128xf32>
    %broadcast_in_dim3A_5 = arith.constant 0xFF800000 : f32
    %broadcast_in_dim3A_6 = vector.broadcast %broadcast_in_dim3A_5 : f32 to vector<8x384x2xf32>
    %slice3A_7 = vector.extract_strided_slice %max3A {offsets = [0, 0, 2], sizes = [8, 384, 126], strides = [1, 1, 1]} : vector<8x384x128xf32> to vector<8x384x126xf32>
    %concatenate3A_8 = tpu.concatenate %slice3A_7, %broadcast_in_dim3A_6 in 2 : vector<8x384x126xf32>, vector<8x384x2xf32> -> vector<8x384x128xf32>
    %max3A_9 = arith.maximumf %max3A, %concatenate3A_8 : vector<8x384x128xf32>
    %broadcast_in_dim3A_10 = arith.constant 0xFF800000 : f32
    %broadcast_in_dim3A_11 = vector.broadcast %broadcast_in_dim3A_10 : f32 to vector<8x384x4xf32>
    %slice3A_12 = vector.extract_strided_slice %max3A_9 {offsets = [0, 0, 4], sizes = [8, 384, 124], strides = [1, 1, 1]} : vector<8x384x128xf32> to vector<8x384x124xf32>
    %concatenate3A_13 = tpu.concatenate %slice3A_12, %broadcast_in_dim3A_11 in 2 : vector<8x384x124xf32>, vector<8x384x4xf32> -> vector<8x384x128xf32>
    %max3A_14 = arith.maximumf %max3A_9, %concatenate3A_13 : vector<8x384x128xf32>
    %broadcast_in_dim3A_15 = arith.constant 0xFF800000 : f32
    %broadcast_in_dim3A_16 = vector.broadcast %broadcast_in_dim3A_15 : f32 to vector<8x384x8xf32>
    %slice3A_17 = vector.extract_strided_slice %max3A_14 {offsets = [0, 0, 8], sizes = [8, 384, 120], strides = [1, 1, 1]} : vector<8x384x128xf32> to vector<8x384x120xf32>
    %concatenate3A_18 = tpu.concatenate %slice3A_17, %broadcast_in_dim3A_16 in 2 : vector<8x384x120xf32>, vector<8x384x8xf32> -> vector<8x384x128xf32>
    %max3A_19 = arith.maximumf %max3A_14, %concatenate3A_18 : vector<8x384x128xf32>
    %broadcast_in_dim3A_20 = arith.constant 0xFF800000 : f32
    %broadcast_in_dim3A_21 = vector.broadcast %broadcast_in_dim3A_20 : f32 to vector<8x384x16xf32>
    %slice3A_22 = vector.extract_strided_slice %max3A_19 {offsets = [0, 0, 16], sizes = [8, 384, 112], strides = [1, 1, 1]} : vector<8x384x128xf32> to vector<8x384x112xf32>
    %concatenate3A_23 = tpu.concatenate %slice3A_22, %broadcast_in_dim3A_21 in 2 : vector<8x384x112xf32>, vector<8x384x16xf32> -> vector<8x384x128xf32>
    %max3A_24 = arith.maximumf %max3A_19, %concatenate3A_23 : vector<8x384x128xf32>
    %broadcast_in_dim3A_25 = arith.constant 0xFF800000 : f32
    %broadcast_in_dim3A_26 = vector.broadcast %broadcast_in_dim3A_25 : f32 to vector<8x384x32xf32>
    %slice3A_27 = vector.extract_strided_slice %max3A_24 {offsets = [0, 0, 32], sizes = [8, 384, 96], strides = [1, 1, 1]} : vector<8x384x128xf32> to vector<8x384x96xf32>
    %concatenate3A_28 = tpu.concatenate %slice3A_27, %broadcast_in_dim3A_26 in 2 : vector<8x384x96xf32>, vector<8x384x32xf32> -> vector<8x384x128xf32>
    %max3A_29 = arith.maximumf %max3A_24, %concatenate3A_28 : vector<8x384x128xf32>
    %broadcast_in_dim3A_30 = arith.constant 0xFF800000 : f32
    %broadcast_in_dim3A_31 = vector.broadcast %broadcast_in_dim3A_30 : f32 to vector<8x384x64xf32>
    %slice3A_32 = vector.extract_strided_slice %max3A_29 {offsets = [0, 0, 64], sizes = [8, 384, 64], strides = [1, 1, 1]} : vector<8x384x128xf32> to vector<8x384x64xf32>
    %concatenate3A_33 = tpu.concatenate %slice3A_32, %broadcast_in_dim3A_31 in 2 : vector<8x384x64xf32>, vector<8x384x64xf32> -> vector<8x384x128xf32>
    %max3A_34 = arith.maximumf %max3A_29, %concatenate3A_33 : vector<8x384x128xf32>
    %slice3A_35 = vector.extract_strided_slice %max3A_34 {offsets = [0, 0, 0], sizes = [8, 384, 1], strides = [1, 1, 1]} : vector<8x384x128xf32> to vector<8x384x1xf32>
    %slice3A_36 = vector.extract_strided_slice %get3A_2 {offsets = [0, 0, 128], sizes = [8, 384, 128], strides = [1, 1, 1]} : vector<8x384x384xf32> to vector<8x384x128xf32>
    %broadcast_in_dim3A_37 = arith.constant 0xFF800000 : f32
    %broadcast_in_dim3A_38 = vector.broadcast %broadcast_in_dim3A_37 : f32 to vector<8x384x1xf32>
    %slice3A_39 = vector.extract_strided_slice %slice3A_36 {offsets = [0, 0, 1], sizes = [8, 384, 127], strides = [1, 1, 1]} : vector<8x384x128xf32> to vector<8x384x127xf32>
    %concatenate3A_40 = tpu.concatenate %slice3A_39, %broadcast_in_dim3A_38 in 2 : vector<8x384x127xf32>, vector<8x384x1xf32> -> vector<8x384x128xf32>
    %max3A_41 = arith.maximumf %slice3A_36, %concatenate3A_40 : vector<8x384x128xf32>
    %broadcast_in_dim3A_42 = arith.constant 0xFF800000 : f32
    %broadcast_in_dim3A_43 = vector.broadcast %broadcast_in_dim3A_42 : f32 to vector<8x384x2xf32>
    %slice3A_44 = vector.extract_strided_slice %max3A_41 {offsets = [0, 0, 2], sizes = [8, 384, 126], strides = [1, 1, 1]} : vector<8x384x128xf32> to vector<8x384x126xf32>
    %concatenate3A_45 = tpu.concatenate %slice3A_44, %broadcast_in_dim3A_43 in 2 : vector<8x384x126xf32>, vector<8x384x2xf32> -> vector<8x384x128xf32>
    %max3A_46 = arith.maximumf %max3A_41, %concatenate3A_45 : vector<8x384x128xf32>
    %broadcast_in_dim3A_47 = arith.constant 0xFF800000 : f32
    %broadcast_in_dim3A_48 = vector.broadcast %broadcast_in_dim3A_47 : f32 to vector<8x384x4xf32>
    %slice3A_49 = vector.extract_strided_slice %max3A_46 {offsets = [0, 0, 4], sizes = [8, 384, 124], strides = [1, 1, 1]} : vector<8x384x128xf32> to vector<8x384x124xf32>
    %concatenate3A_50 = tpu.concatenate %slice3A_49, %broadcast_in_dim3A_48 in 2 : vector<8x384x124xf32>, vector<8x384x4xf32> -> vector<8x384x128xf32>
    %max3A_51 = arith.maximumf %max3A_46, %concatenate3A_50 : vector<8x384x128xf32>
    %broadcast_in_dim3A_52 = arith.constant 0xFF800000 : f32
    %broadcast_in_dim3A_53 = vector.broadcast %broadcast_in_dim3A_52 : f32 to vector<8x384x8xf32>
    %slice3A_54 = vector.extract_strided_slice %max3A_51 {offsets = [0, 0, 8], sizes = [8, 384, 120], strides = [1, 1, 1]} : vector<8x384x128xf32> to vector<8x384x120xf32>
    %concatenate3A_55 = tpu.concatenate %slice3A_54, %broadcast_in_dim3A_53 in 2 : vector<8x384x120xf32>, vector<8x384x8xf32> -> vector<8x384x128xf32>
    %max3A_56 = arith.maximumf %max3A_51, %concatenate3A_55 : vector<8x384x128xf32>
    %broadcast_in_dim3A_57 = arith.constant 0xFF800000 : f32
    %broadcast_in_dim3A_58 = vector.broadcast %broadcast_in_dim3A_57 : f32 to vector<8x384x16xf32>
    %slice3A_59 = vector.extract_strided_slice %max3A_56 {offsets = [0, 0, 16], sizes = [8, 384, 112], strides = [1, 1, 1]} : vector<8x384x128xf32> to vector<8x384x112xf32>
    %concatenate3A_60 = tpu.concatenate %slice3A_59, %broadcast_in_dim3A_58 in 2 : vector<8x384x112xf32>, vector<8x384x16xf32> -> vector<8x384x128xf32>
    %max3A_61 = arith.maximumf %max3A_56, %concatenate3A_60 : vector<8x384x128xf32>
    %broadcast_in_dim3A_62 = arith.constant 0xFF800000 : f32
    %broadcast_in_dim3A_63 = vector.broadcast %broadcast_in_dim3A_62 : f32 to vector<8x384x32xf32>
    %slice3A_64 = vector.extract_strided_slice %max3A_61 {offsets = [0, 0, 32], sizes = [8, 384, 96], strides = [1, 1, 1]} : vector<8x384x128xf32> to vector<8x384x96xf32>
    %concatenate3A_65 = tpu.concatenate %slice3A_64, %broadcast_in_dim3A_63 in 2 : vector<8x384x96xf32>, vector<8x384x32xf32> -> vector<8x384x128xf32>
    %max3A_66 = arith.maximumf %max3A_61, %concatenate3A_65 : vector<8x384x128xf32>
    %broadcast_in_dim3A_67 = arith.constant 0xFF800000 : f32
    %broadcast_in_dim3A_68 = vector.broadcast %broadcast_in_dim3A_67 : f32 to vector<8x384x64xf32>
    %slice3A_69 = vector.extract_strided_slice %max3A_66 {offsets = [0, 0, 64], sizes = [8, 384, 64], strides = [1, 1, 1]} : vector<8x384x128xf32> to vector<8x384x64xf32>
    %concatenate3A_70 = tpu.concatenate %slice3A_69, %broadcast_in_dim3A_68 in 2 : vector<8x384x64xf32>, vector<8x384x64xf32> -> vector<8x384x128xf32>
    %max3A_71 = arith.maximumf %max3A_66, %concatenate3A_70 : vector<8x384x128xf32>
    %max3A_72 = vector.broadcast %slice3A_35 : vector<8x384x1xf32> to vector<8x384x128xf32>
    %max3A_73 = arith.maximumf %max3A_71, %max3A_72 : vector<8x384x128xf32>
    %slice3A_74 = vector.extract_strided_slice %max3A_73 {offsets = [0, 0, 0], sizes = [8, 384, 1], strides = [1, 1, 1]} : vector<8x384x128xf32> to vector<8x384x1xf32>
    %slice3A_75 = vector.extract_strided_slice %get3A_2 {offsets = [0, 0, 0], sizes = [8, 384, 128], strides = [1, 1, 1]} : vector<8x384x384xf32> to vector<8x384x128xf32>
    %broadcast_in_dim3A_76 = arith.constant 0xFF800000 : f32
    %broadcast_in_dim3A_77 = vector.broadcast %broadcast_in_dim3A_76 : f32 to vector<8x384x1xf32>
    %slice3A_78 = vector.extract_strided_slice %slice3A_75 {offsets = [0, 0, 1], sizes = [8, 384, 127], strides = [1, 1, 1]} : vector<8x384x128xf32> to vector<8x384x127xf32>
    %concatenate3A_79 = tpu.concatenate %slice3A_78, %broadcast_in_dim3A_77 in 2 : vector<8x384x127xf32>, vector<8x384x1xf32> -> vector<8x384x128xf32>
    %max3A_80 = arith.maximumf %slice3A_75, %concatenate3A_79 : vector<8x384x128xf32>
    %broadcast_in_dim3A_81 = arith.constant 0xFF800000 : f32
    %broadcast_in_dim3A_82 = vector.broadcast %broadcast_in_dim3A_81 : f32 to vector<8x384x2xf32>
    %slice3A_83 = vector.extract_strided_slice %max3A_80 {offsets = [0, 0, 2], sizes = [8, 384, 126], strides = [1, 1, 1]} : vector<8x384x128xf32> to vector<8x384x126xf32>
    %concatenate3A_84 = tpu.concatenate %slice3A_83, %broadcast_in_dim3A_82 in 2 : vector<8x384x126xf32>, vector<8x384x2xf32> -> vector<8x384x128xf32>
    %max3A_85 = arith.maximumf %max3A_80, %concatenate3A_84 : vector<8x384x128xf32>
    %broadcast_in_dim3A_86 = arith.constant 0xFF800000 : f32
    %broadcast_in_dim3A_87 = vector.broadcast %broadcast_in_dim3A_86 : f32 to vector<8x384x4xf32>
    %slice3A_88 = vector.extract_strided_slice %max3A_85 {offsets = [0, 0, 4], sizes = [8, 384, 124], strides = [1, 1, 1]} : vector<8x384x128xf32> to vector<8x384x124xf32>
    %concatenate3A_89 = tpu.concatenate %slice3A_88, %broadcast_in_dim3A_87 in 2 : vector<8x384x124xf32>, vector<8x384x4xf32> -> vector<8x384x128xf32>
    %max3A_90 = arith.maximumf %max3A_85, %concatenate3A_89 : vector<8x384x128xf32>
    %broadcast_in_dim3A_91 = arith.constant 0xFF800000 : f32
    %broadcast_in_dim3A_92 = vector.broadcast %broadcast_in_dim3A_91 : f32 to vector<8x384x8xf32>
    %slice3A_93 = vector.extract_strided_slice %max3A_90 {offsets = [0, 0, 8], sizes = [8, 384, 120], strides = [1, 1, 1]} : vector<8x384x128xf32> to vector<8x384x120xf32>
    %concatenate3A_94 = tpu.concatenate %slice3A_93, %broadcast_in_dim3A_92 in 2 : vector<8x384x120xf32>, vector<8x384x8xf32> -> vector<8x384x128xf32>
    %max3A_95 = arith.maximumf %max3A_90, %concatenate3A_94 : vector<8x384x128xf32>
    %broadcast_in_dim3A_96 = arith.constant 0xFF800000 : f32
    %broadcast_in_dim3A_97 = vector.broadcast %broadcast_in_dim3A_96 : f32 to vector<8x384x16xf32>
    %slice3A_98 = vector.extract_strided_slice %max3A_95 {offsets = [0, 0, 16], sizes = [8, 384, 112], strides = [1, 1, 1]} : vector<8x384x128xf32> to vector<8x384x112xf32>
    %concatenate3A_99 = tpu.concatenate %slice3A_98, %broadcast_in_dim3A_97 in 2 : vector<8x384x112xf32>, vector<8x384x16xf32> -> vector<8x384x128xf32>
    %max3A_100 = arith.maximumf %max3A_95, %concatenate3A_99 : vector<8x384x128xf32>
    %broadcast_in_dim3A_101 = arith.constant 0xFF800000 : f32
    %broadcast_in_dim3A_102 = vector.broadcast %broadcast_in_dim3A_101 : f32 to vector<8x384x32xf32>
    %slice3A_103 = vector.extract_strided_slice %max3A_100 {offsets = [0, 0, 32], sizes = [8, 384, 96], strides = [1, 1, 1]} : vector<8x384x128xf32> to vector<8x384x96xf32>
    %concatenate3A_104 = tpu.concatenate %slice3A_103, %broadcast_in_dim3A_102 in 2 : vector<8x384x96xf32>, vector<8x384x32xf32> -> vector<8x384x128xf32>
    %max3A_105 = arith.maximumf %max3A_100, %concatenate3A_104 : vector<8x384x128xf32>
    %broadcast_in_dim3A_106 = arith.constant 0xFF800000 : f32
    %broadcast_in_dim3A_107 = vector.broadcast %broadcast_in_dim3A_106 : f32 to vector<8x384x64xf32>
    %slice3A_108 = vector.extract_strided_slice %max3A_105 {offsets = [0, 0, 64], sizes = [8, 384, 64], strides = [1, 1, 1]} : vector<8x384x128xf32> to vector<8x384x64xf32>
    %concatenate3A_109 = tpu.concatenate %slice3A_108, %broadcast_in_dim3A_107 in 2 : vector<8x384x64xf32>, vector<8x384x64xf32> -> vector<8x384x128xf32>
    %max3A_110 = arith.maximumf %max3A_105, %concatenate3A_109 : vector<8x384x128xf32>
    %max3A_111 = vector.broadcast %slice3A_74 : vector<8x384x1xf32> to vector<8x384x128xf32>
    %max3A_112 = arith.maximumf %max3A_110, %max3A_111 : vector<8x384x128xf32>
    %concatenate3A_113 = tpu.concatenate %max3A_112, %max3A_73, %max3A_34 in 2 : vector<8x384x128xf32>, vector<8x384x128xf32>, vector<8x384x128xf32> -> vector<8x384x384xf32>
    %slice3A_114 = vector.extract_strided_slice %get3A_2 {offsets = [0, 376, 0], sizes = [8, 8, 384], strides = [1, 1, 1]} : vector<8x384x384xf32> to vector<8x8x384xf32>
    %broadcast_in_dim3A_115 = arith.constant 0xFF800000 : f32
    %broadcast_in_dim3A_116 = vector.broadcast %broadcast_in_dim3A_115 : f32 to vector<8x1x384xf32>
    %slice3A_117 = vector.extract_strided_slice %slice3A_114 {offsets = [0, 1, 0], sizes = [8, 7, 384], strides = [1, 1, 1]} : vector<8x8x384xf32> to vector<8x7x384xf32>
    %concatenate3A_118 = tpu.concatenate %slice3A_117, %broadcast_in_dim3A_116 in 1 : vector<8x7x384xf32>, vector<8x1x384xf32> -> vector<8x8x384xf32>
    %max3A_119 = arith.maximumf %slice3A_114, %concatenate3A_118 : vector<8x8x384xf32>
    %broadcast_in_dim3A_120 = arith.constant 0xFF800000 : f32
    %broadcast_in_dim3A_121 = vector.broadcast %broadcast_in_dim3A_120 : f32 to vector<8x2x384xf32>
    %slice3A_122 = vector.extract_strided_slice %max3A_119 {offsets = [0, 2, 0], sizes = [8, 6, 384], strides = [1, 1, 1]} : vector<8x8x384xf32> to vector<8x6x384xf32>
    %concatenate3A_123 = tpu.concatenate %slice3A_122, %broadcast_in_dim3A_121 in 1 : vector<8x6x384xf32>, vector<8x2x384xf32> -> vector<8x8x384xf32>
    %max3A_124 = arith.maximumf %max3A_119, %concatenate3A_123 : vector<8x8x384xf32>
    %broadcast_in_dim3A_125 = arith.constant 0xFF800000 : f32
    %broadcast_in_dim3A_126 = vector.broadcast %broadcast_in_dim3A_125 : f32 to vector<8x4x384xf32>
    %slice3A_127 = vector.extract_strided_slice %max3A_124 {offsets = [0, 4, 0], sizes = [8, 4, 384], strides = [1, 1, 1]} : vector<8x8x384xf32> to vector<8x4x384xf32>
    %concatenate3A_128 = tpu.concatenate %slice3A_127, %broadcast_in_dim3A_126 in 1 : vector<8x4x384xf32>, vector<8x4x384xf32> -> vector<8x8x384xf32>
    %max3A_129 = arith.maximumf %max3A_124, %concatenate3A_128 : vector<8x8x384xf32>
    %slice3A_130 = vector.extract_strided_slice %max3A_129 {offsets = [0, 0, 0], sizes = [8, 1, 384], strides = [1, 1, 1]} : vector<8x8x384xf32> to vector<8x1x384xf32>
    %slice3A_131 = vector.extract_strided_slice %concatenate3A_113 {offsets = [0, 376, 0], sizes = [8, 8, 384], strides = [1, 1, 1]} : vector<8x384x384xf32> to vector<8x8x384xf32>
    %add3A = arith.addf %max3A_129, %slice3A_131 : vector<8x8x384xf32>
    %swap3A = arith.constant 0 : index
    %swap3A_132 = arith.constant 376 : index
    %swap3A_133 = arith.constant 0 : index
    %swap3A_134 = vector.load %arg2[%swap3A, %swap3A_132, %swap3A_133] : memref<8x384x384xf32, #tpu.memory_space<vmem>>, vector<8x8x384xf32>
    tpu.vector_store %arg2[%swap3A, %swap3A_132, %swap3A_133], %add3A {strides = array<i32>} : memref<8x384x384xf32, #tpu.memory_space<vmem>>, vector<8x8x384xf32>,
    %slice3A_135 = vector.extract_strided_slice %get3A_2 {offsets = [0, 368, 0], sizes = [8, 8, 384], strides = [1, 1, 1]} : vector<8x384x384xf32> to vector<8x8x384xf32>
    %broadcast_in_dim3A_136 = arith.constant 0xFF800000 : f32
    %broadcast_in_dim3A_137 = vector.broadcast %broadcast_in_dim3A_136 : f32 to vector<8x1x384xf32>
    %slice3A_138 = vector.extract_strided_slice %slice3A_135 {offsets = [0, 1, 0], sizes = [8, 7, 384], strides = [1, 1, 1]} : vector<8x8x384xf32> to vector<8x7x384xf32>
    %concatenate3A_139 = tpu.concatenate %slice3A_138, %broadcast_in_dim3A_137 in 1 : vector<8x7x384xf32>, vector<8x1x384xf32> -> vector<8x8x384xf32>
    %max3A_140 = arith.maximumf %slice3A_135, %concatenate3A_139 : vector<8x8x384xf32>
    %broadcast_in_dim3A_141 = arith.constant 0xFF800000 : f32
    %broadcast_in_dim3A_142 = vector.broadcast %broadcast_in_dim3A_141 : f32 to vector<8x2x384xf32>
    %slice3A_143 = vector.extract_strided_slice %max3A_140 {offsets = [0, 2, 0], sizes = [8, 6, 384], strides = [1, 1, 1]} : vector<8x8x384xf32> to vector<8x6x384xf32>
    %concatenate3A_144 = tpu.concatenate %slice3A_143, %broadcast_in_dim3A_142 in 1 : vector<8x6x384xf32>, vector<8x2x384xf32> -> vector<8x8x384xf32>
    %max3A_145 = arith.maximumf %max3A_140, %concatenate3A_144 : vector<8x8x384xf32>
    %broadcast_in_dim3A_146 = arith.constant 0xFF800000 : f32
    %broadcast_in_dim3A_147 = vector.broadcast %broadcast_in_dim3A_146 : f32 to vector<8x4x384xf32>
    %slice3A_148 = vector.extract_strided_slice %max3A_145 {offsets = [0, 4, 0], sizes = [8, 4, 384], strides = [1, 1, 1]} : vector<8x8x384xf32> to vector<8x4x384xf32>
    %concatenate3A_149 = tpu.concatenate %slice3A_148, %broadcast_in_dim3A_147 in 1 : vector<8x4x384xf32>, vector<8x4x384xf32> -> vector<8x8x384xf32>
    %max3A_150 = arith.maximumf %max3A_145, %concatenate3A_149 : vector<8x8x384xf32>
    %max3A_151 = vector.broadcast %slice3A_130 : vector<8x1x384xf32> to vector<8x8x384xf32>
    %max3A_152 = arith.maximumf %max3A_150, %max3A_151 : vector<8x8x384xf32>
    %slice3A_153 = vector.extract_strided_slice %max3A_152 {offsets = [0, 0, 0], sizes = [8, 1, 384], strides = [1, 1, 1]} : vector<8x8x384xf32> to vector<8x1x384xf32>
    %slice3A_154 = vector.extract_strided_slice %concatenate3A_113 {offsets = [0, 368, 0], sizes = [8, 8, 384], strides = [1, 1, 1]} : vector<8x384x384xf32> to vector<8x8x384xf32>
    %add3A_155 = arith.addf %max3A_152, %slice3A_154 : vector<8x8x384xf32>
    %swap3A_156 = arith.constant 0 : index
    %swap3A_157 = arith.constant 368 : index
    %swap3A_158 = arith.constant 0 : index
    %swap3A_159 = vector.load %arg2[%swap3A_156, %swap3A_157, %swap3A_158] : memref<8x384x384xf32, #tpu.memory_space<vmem>>, vector<8x8x384xf32>
    tpu.vector_store %arg2[%swap3A_156, %swap3A_157, %swap3A_158], %add3A_155 {strides = array<i32>} : memref<8x384x384xf32, #tpu.memory_space<vmem>>, vector<8x8x384xf32>,
    %slice3A_160 = vector.extract_strided_slice %get3A_2 {offsets = [0, 360, 0], sizes = [8, 8, 384], strides = [1, 1, 1]} : vector<8x384x384xf32> to vector<8x8x384xf32>
    %broadcast_in_dim3A_161 = arith.constant 0xFF800000 : f32
    %broadcast_in_dim3A_162 = vector.broadcast %broadcast_in_dim3A_161 : f32 to vector<8x1x384xf32>
    %slice3A_163 = vector.extract_strided_slice %slice3A_160 {offsets = [0, 1, 0], sizes = [8, 7, 384], strides = [1, 1, 1]} : vector<8x8x384xf32> to vector<8x7x384xf32>
    %concatenate3A_164 = tpu.concatenate %slice3A_163, %broadcast_in_dim3A_162 in 1 : vector<8x7x384xf32>, vector<8x1x384xf32> -> vector<8x8x384xf32>
    %max3A_165 = arith.maximumf %slice3A_160, %concatenate3A_164 : vector<8x8x384xf32>
    %broadcast_in_dim3A_166 = arith.constant 0xFF800000 : f32
    %broadcast_in_dim3A_167 = vector.broadcast %broadcast_in_dim3A_166 : f32 to vector<8x2x384xf32>
    %slice3A_168 = vector.extract_strided_slice %max3A_165 {offsets = [0, 2, 0], sizes = [8, 6, 384], strides = [1, 1, 1]} : vector<8x8x384xf32> to vector<8x6x384xf32>
    %concatenate3A_169 = tpu.concatenate %slice3A_168, %broadcast_in_dim3A_167 in 1 : vector<8x6x384xf32>, vector<8x2x384xf32> -> vector<8x8x384xf32>
    %max3A_170 = arith.maximumf %max3A_165, %concatenate3A_169 : vector<8x8x384xf32>
    %broadcast_in_dim3A_171 = arith.constant 0xFF800000 : f32
    %broadcast_in_dim3A_172 = vector.broadcast %broadcast_in_dim3A_171 : f32 to vector<8x4x384xf32>
    %slice3A_173 = vector.extract_strided_slice %max3A_170 {offsets = [0, 4, 0], sizes = [8, 4, 384], strides = [1, 1, 1]} : vector<8x8x384xf32> to vector<8x4x384xf32>
    %concatenate3A_174 = tpu.concatenate %slice3A_173, %broadcast_in_dim3A_172 in 1 : vector<8x4x384xf32>, vector<8x4x384xf32> -> vector<8x8x384xf32>
    %max3A_175 = arith.maximumf %max3A_170, %concatenate3A_174 : vector<8x8x384xf32>
    %max3A_176 = vector.broadcast %slice3A_153 : vector<8x1x384xf32> to vector<8x8x384xf32>
    %max3A_177 = arith.maximumf %max3A_175, %max3A_176 : vector<8x8x384xf32>
    %slice3A_178 = vector.extract_strided_slice %max3A_177 {offsets = [0, 0, 0], sizes = [8, 1, 384], strides = [1, 1, 1]} : vector<8x8x384xf32> to vector<8x1x384xf32>
    %slice3A_179 = vector.extract_strided_slice %concatenate3A_113 {offsets = [0, 360, 0], sizes = [8, 8, 384], strides = [1, 1, 1]} : vector<8x384x384xf32> to vector<8x8x384xf32>
    %add3A_180 = arith.addf %max3A_177, %slice3A_179 : vector<8x8x384xf32>
    %swap3A_181 = arith.constant 0 : index
    %swap3A_182 = arith.constant 360 : index
    %swap3A_183 = arith.constant 0 : index
    %swap3A_184 = vector.load %arg2[%swap3A_181, %swap3A_182, %swap3A_183] : memref<8x384x384xf32, #tpu.memory_space<vmem>>, vector<8x8x384xf32>
    tpu.vector_store %arg2[%swap3A_181, %swap3A_182, %swap3A_183], %add3A_180 {strides = array<i32>} : memref<8x384x384xf32, #tpu.memory_space<vmem>>, vector<8x8x384xf32>,
    %slice3A_185 = vector.extract_strided_slice %get3A_2 {offsets = [0, 352, 0], sizes = [8, 8, 384], strides = [1, 1, 1]} : vector<8x384x384xf32> to vector<8x8x384xf32>
    %broadcast_in_dim3A_186 = arith.constant 0xFF800000 : f32
    %broadcast_in_dim3A_187 = vector.broadcast %broadcast_in_dim3A_186 : f32 to vector<8x1x384xf32>
    %slice3A_188 = vector.extract_strided_slice %slice3A_185 {offsets = [0, 1, 0], sizes = [8, 7, 384], strides = [1, 1, 1]} : vector<8x8x384xf32> to vector<8x7x384xf32>
    %concatenate3A_189 = tpu.concatenate %slice3A_188, %broadcast_in_dim3A_187 in 1 : vector<8x7x384xf32>, vector<8x1x384xf32> -> vector<8x8x384xf32>
    %max3A_190 = arith.maximumf %slice3A_185, %concatenate3A_189 : vector<8x8x384xf32>
    %broadcast_in_dim3A_191 = arith.constant 0xFF800000 : f32
    %broadcast_in_dim3A_192 = vector.broadcast %broadcast_in_dim3A_191 : f32 to vector<8x2x384xf32>
    %slice3A_193 = vector.extract_strided_slice %max3A_190 {offsets = [0, 2, 0], sizes = [8, 6, 384], strides = [1, 1, 1]} : vector<8x8x384xf32> to vector<8x6x384xf32>
    %concatenate3A_194 = tpu.concatenate %slice3A_193, %broadcast_in_dim3A_192 in 1 : vector<8x6x384xf32>, vector<8x2x384xf32> -> vector<8x8x384xf32>
    %max3A_195 = arith.maximumf %max3A_190, %concatenate3A_194 : vector<8x8x384xf32>
    %broadcast_in_dim3A_196 = arith.constant 0xFF800000 : f32
    %broadcast_in_dim3A_197 = vector.broadcast %broadcast_in_dim3A_196 : f32 to vector<8x4x384xf32>
    %slice3A_198 = vector.extract_strided_slice %max3A_195 {offsets = [0, 4, 0], sizes = [8, 4, 384], strides = [1, 1, 1]} : vector<8x8x384xf32> to vector<8x4x384xf32>
    %concatenate3A_199 = tpu.concatenate %slice3A_198, %broadcast_in_dim3A_197 in 1 : vector<8x4x384xf32>, vector<8x4x384xf32> -> vector<8x8x384xf32>
    %max3A_200 = arith.maximumf %max3A_195, %concatenate3A_199 : vector<8x8x384xf32>
    %max3A_201 = vector.broadcast %slice3A_178 : vector<8x1x384xf32> to vector<8x8x384xf32>
    %max3A_202 = arith.maximumf %max3A_200, %max3A_201 : vector<8x8x384xf32>
    %slice3A_203 = vector.extract_strided_slice %max3A_202 {offsets = [0, 0, 0], sizes = [8, 1, 384], strides = [1, 1, 1]} : vector<8x8x384xf32> to vector<8x1x384xf32>
    %slice3A_204 = vector.extract_strided_slice %concatenate3A_113 {offsets = [0, 352, 0], sizes = [8, 8, 384], strides = [1, 1, 1]} : vector<8x384x384xf32> to vector<8x8x384xf32>
    %add3A_205 = arith.addf %max3A_202, %slice3A_204 : vector<8x8x384xf32>
    %swap3A_206 = arith.constant 0 : index
    %swap3A_207 = arith.constant 352 : index
    %swap3A_208 = arith.constant 0 : index
    %swap3A_209 = vector.load %arg2[%swap3A_206, %swap3A_207, %swap3A_208] : memref<8x384x384xf32, #tpu.memory_space<vmem>>, vector<8x8x384xf32>
    tpu.vector_store %arg2[%swap3A_206, %swap3A_207, %swap3A_208], %add3A_205 {strides = array<i32>} : memref<8x384x384xf32, #tpu.memory_space<vmem>>, vector<8x8x384xf32>,
    %slice3A_210 = vector.extract_strided_slice %get3A_2 {offsets = [0, 344, 0], sizes = [8, 8, 384], strides = [1, 1, 1]} : vector<8x384x384xf32> to vector<8x8x384xf32>
    %broadcast_in_dim3A_211 = arith.constant 0xFF800000 : f32
    %broadcast_in_dim3A_212 = vector.broadcast %broadcast_in_dim3A_211 : f32 to vector<8x1x384xf32>
    %slice3A_213 = vector.extract_strided_slice %slice3A_210 {offsets = [0, 1, 0], sizes = [8, 7, 384], strides = [1, 1, 1]} : vector<8x8x384xf32> to vector<8x7x384xf32>
    %concatenate3A_214 = tpu.concatenate %slice3A_213, %broadcast_in_dim3A_212 in 1 : vector<8x7x384xf32>, vector<8x1x384xf32> -> vector<8x8x384xf32>
    %max3A_215 = arith.maximumf %slice3A_210, %concatenate3A_214 : vector<8x8x384xf32>
    %broadcast_in_dim3A_216 = arith.constant 0xFF800000 : f32
    %broadcast_in_dim3A_217 = vector.broadcast %broadcast_in_dim3A_216 : f32 to vector<8x2x384xf32>
    %slice3A_218 = vector.extract_strided_slice %max3A_215 {offsets = [0, 2, 0], sizes = [8, 6, 384], strides = [1, 1, 1]} : vector<8x8x384xf32> to vector<8x6x384xf32>
    %concatenate3A_219 = tpu.concatenate %slice3A_218, %broadcast_in_dim3A_217 in 1 : vector<8x6x384xf32>, vector<8x2x384xf32> -> vector<8x8x384xf32>
    %max3A_220 = arith.maximumf %max3A_215, %concatenate3A_219 : vector<8x8x384xf32>
    %broadcast_in_dim3A_221 = arith.constant 0xFF800000 : f32
    %broadcast_in_dim3A_222 = vector.broadcast %broadcast_in_dim3A_221 : f32 to vector<8x4x384xf32>
    %slice3A_223 = vector.extract_strided_slice %max3A_220 {offsets = [0, 4, 0], sizes = [8, 4, 384], strides = [1, 1, 1]} : vector<8x8x384xf32> to vector<8x4x384xf32>
    %concatenate3A_224 = tpu.concatenate %slice3A_223, %broadcast_in_dim3A_222 in 1 : vector<8x4x384xf32>, vector<8x4x384xf32> -> vector<8x8x384xf32>
    %max3A_225 = arith.maximumf %max3A_220, %concatenate3A_224 : vector<8x8x384xf32>
    %max3A_226 = vector.broadcast %slice3A_203 : vector<8x1x384xf32> to vector<8x8x384xf32>
    %max3A_227 = arith.maximumf %max3A_225, %max3A_226 : vector<8x8x384xf32>
    %slice3A_228 = vector.extract_strided_slice %max3A_227 {offsets = [0, 0, 0], sizes = [8, 1, 384], strides = [1, 1, 1]} : vector<8x8x384xf32> to vector<8x1x384xf32>
    %slice3A_229 = vector.extract_strided_slice %concatenate3A_113 {offsets = [0, 344, 0], sizes = [8, 8, 384], strides = [1, 1, 1]} : vector<8x384x384xf32> to vector<8x8x384xf32>
    %add3A_230 = arith.addf %max3A_227, %slice3A_229 : vector<8x8x384xf32>
    %swap3A_231 = arith.constant 0 : index
    %swap3A_232 = arith.constant 344 : index
    %swap3A_233 = arith.constant 0 : index
    %swap3A_234 = vector.load %arg2[%swap3A_231, %swap3A_232, %swap3A_233] : memref<8x384x384xf32, #tpu.memory_space<vmem>>, vector<8x8x384xf32>
    tpu.vector_store %arg2[%swap3A_231, %swap3A_232, %swap3A_233], %add3A_230 {strides = array<i32>} : memref<8x384x384xf32, #tpu.memory_space<vmem>>, vector<8x8x384xf32>,
    %slice3A_235 = vector.extract_strided_slice %get3A_2 {offsets = [0, 336, 0], sizes = [8, 8, 384], strides = [1, 1, 1]} : vector<8x384x384xf32> to vector<8x8x384xf32>
    %broadcast_in_dim3A_236 = arith.constant 0xFF800000 : f32
    %broadcast_in_dim3A_237 = vector.broadcast %broadcast_in_dim3A_236 : f32 to vector<8x1x384xf32>
    %slice3A_238 = vector.extract_strided_slice %slice3A_235 {offsets = [0, 1, 0], sizes = [8, 7, 384], strides = [1, 1, 1]} : vector<8x8x384xf32> to vector<8x7x384xf32>
    %concatenate3A_239 = tpu.concatenate %slice3A_238, %broadcast_in_dim3A_237 in 1 : vector<8x7x384xf32>, vector<8x1x384xf32> -> vector<8x8x384xf32>
    %max3A_240 = arith.maximumf %slice3A_235, %concatenate3A_239 : vector<8x8x384xf32>
    %broadcast_in_dim3A_241 = arith.constant 0xFF800000 : f32
    %broadcast_in_dim3A_242 = vector.broadcast %broadcast_in_dim3A_241 : f32 to vector<8x2x384xf32>
    %slice3A_243 = vector.extract_strided_slice %max3A_240 {offsets = [0, 2, 0], sizes = [8, 6, 384], strides = [1, 1, 1]} : vector<8x8x384xf32> to vector<8x6x384xf32>
    %concatenate3A_244 = tpu.concatenate %slice3A_243, %broadcast_in_dim3A_242 in 1 : vector<8x6x384xf32>, vector<8x2x384xf32> -> vector<8x8x384xf32>
    %max3A_245 = arith.maximumf %max3A_240, %concatenate3A_244 : vector<8x8x384xf32>
    %broadcast_in_dim3A_246 = arith.constant 0xFF800000 : f32
    %broadcast_in_dim3A_247 = vector.broadcast %broadcast_in_dim3A_246 : f32 to vector<8x4x384xf32>
    %slice3A_248 = vector.extract_strided_slice %max3A_245 {offsets = [0, 4, 0], sizes = [8, 4, 384], strides = [1, 1, 1]} : vector<8x8x384xf32> to vector<8x4x384xf32>
    %concatenate3A_249 = tpu.concatenate %slice3A_248, %broadcast_in_dim3A_247 in 1 : vector<8x4x384xf32>, vector<8x4x384xf32> -> vector<8x8x384xf32>
    %max3A_250 = arith.maximumf %max3A_245, %concatenate3A_249 : vector<8x8x384xf32>
    %max3A_251 = vector.broadcast %slice3A_228 : vector<8x1x384xf32> to vector<8x8x384xf32>
    %max3A_252 = arith.maximumf %max3A_250, %max3A_251 : vector<8x8x384xf32>
    %slice3A_253 = vector.extract_strided_slice %max3A_252 {offsets = [0, 0, 0], sizes = [8, 1, 384], strides = [1, 1, 1]} : vector<8x8x384xf32> to vector<8x1x384xf32>
    %slice3A_254 = vector.extract_strided_slice %concatenate3A_113 {offsets = [0, 336, 0], sizes = [8, 8, 384], strides = [1, 1, 1]} : vector<8x384x384xf32> to vector<8x8x384xf32>
    %add3A_255 = arith.addf %max3A_252, %slice3A_254 : vector<8x8x384xf32>
    %swap3A_256 = arith.constant 0 : index
    %swap3A_257 = arith.constant 336 : index
    %swap3A_258 = arith.constant 0 : index
    %swap3A_259 = vector.load %arg2[%swap3A_256, %swap3A_257, %swap3A_258] : memref<8x384x384xf32, #tpu.memory_space<vmem>>, vector<8x8x384xf32>
    tpu.vector_store %arg2[%swap3A_256, %swap3A_257, %swap3A_258], %add3A_255 {strides = array<i32>} : memref<8x384x384xf32, #tpu.memory_space<vmem>>, vector<8x8x384xf32>,
    %slice3A_260 = vector.extract_strided_slice %get3A_2 {offsets = [0, 328, 0], sizes = [8, 8, 384], strides = [1, 1, 1]} : vector<8x384x384xf32> to vector<8x8x384xf32>
    %broadcast_in_dim3A_261 = arith.constant 0xFF800000 : f32
    %broadcast_in_dim3A_262 = vector.broadcast %broadcast_in_dim3A_261 : f32 to vector<8x1x384xf32>
    %slice3A_263 = vector.extract_strided_slice %slice3A_260 {offsets = [0, 1, 0], sizes = [8, 7, 384], strides = [1, 1, 1]} : vector<8x8x384xf32> to vector<8x7x384xf32>
    %concatenate3A_264 = tpu.concatenate %slice3A_263, %broadcast_in_dim3A_262 in 1 : vector<8x7x384xf32>, vector<8x1x384xf32> -> vector<8x8x384xf32>
    %max3A_265 = arith.maximumf %slice3A_260, %concatenate3A_264 : vector<8x8x384xf32>
    %broadcast_in_dim3A_266 = arith.constant 0xFF800000 : f32
    %broadcast_in_dim3A_267 = vector.broadcast %broadcast_in_dim3A_266 : f32 to vector<8x2x384xf32>
    %slice3A_268 = vector.extract_strided_slice %max3A_265 {offsets = [0, 2, 0], sizes = [8, 6, 384], strides = [1, 1, 1]} : vector<8x8x384xf32> to vector<8x6x384xf32>
    %concatenate3A_269 = tpu.concatenate %slice3A_268, %broadcast_in_dim3A_267 in 1 : vector<8x6x384xf32>, vector<8x2x384xf32> -> vector<8x8x384xf32>
    %max3A_270 = arith.maximumf %max3A_265, %concatenate3A_269 : vector<8x8x384xf32>
    %broadcast_in_dim3A_271 = arith.constant 0xFF800000 : f32
    %broadcast_in_dim3A_272 = vector.broadcast %broadcast_in_dim3A_271 : f32 to vector<8x4x384xf32>
    %slice3A_273 = vector.extract_strided_slice %max3A_270 {offsets = [0, 4, 0], sizes = [8, 4, 384], strides = [1, 1, 1]} : vector<8x8x384xf32> to vector<8x4x384xf32>
    %concatenate3A_274 = tpu.concatenate %slice3A_273, %broadcast_in_dim3A_272 in 1 : vector<8x4x384xf32>, vector<8x4x384xf32> -> vector<8x8x384xf32>
    %max3A_275 = arith.maximumf %max3A_270, %concatenate3A_274 : vector<8x8x384xf32>
    %max3A_276 = vector.broadcast %slice3A_253 : vector<8x1x384xf32> to vector<8x8x384xf32>
    %max3A_277 = arith.maximumf %max3A_275, %max3A_276 : vector<8x8x384xf32>
    %slice3A_278 = vector.extract_strided_slice %max3A_277 {offsets = [0, 0, 0], sizes = [8, 1, 384], strides = [1, 1, 1]} : vector<8x8x384xf32> to vector<8x1x384xf32>
    %slice3A_279 = vector.extract_strided_slice %concatenate3A_113 {offsets = [0, 328, 0], sizes = [8, 8, 384], strides = [1, 1, 1]} : vector<8x384x384xf32> to vector<8x8x384xf32>
    %add3A_280 = arith.addf %max3A_277, %slice3A_279 : vector<8x8x384xf32>
    %swap3A_281 = arith.constant 0 : index
    %swap3A_282 = arith.constant 328 : index
    %swap3A_283 = arith.constant 0 : index
    %swap3A_284 = vector.load %arg2[%swap3A_281, %swap3A_282, %swap3A_283] : memref<8x384x384xf32, #tpu.memory_space<vmem>>, vector<8x8x384xf32>
    tpu.vector_store %arg2[%swap3A_281, %swap3A_282, %swap3A_283], %add3A_280 {strides = array<i32>} : memref<8x384x384xf32, #tpu.memory_space<vmem>>, vector<8x8x384xf32>,
    %slice3A_285 = vector.extract_strided_slice %get3A_2 {offsets = [0, 320, 0], sizes = [8, 8, 384], strides = [1, 1, 1]} : vector<8x384x384xf32> to vector<8x8x384xf32>
    %broadcast_in_dim3A_286 = arith.constant 0xFF800000 : f32
    %broadcast_in_dim3A_287 = vector.broadcast %broadcast_in_dim3A_286 : f32 to vector<8x1x384xf32>
    %slice3A_288 = vector.extract_strided_slice %slice3A_285 {offsets = [0, 1, 0], sizes = [8, 7, 384], strides = [1, 1, 1]} : vector<8x8x384xf32> to vector<8x7x384xf32>
    %concatenate3A_289 = tpu.concatenate %slice3A_288, %broadcast_in_dim3A_287 in 1 : vector<8x7x384xf32>, vector<8x1x384xf32> -> vector<8x8x384xf32>
    %max3A_290 = arith.maximumf %slice3A_285, %concatenate3A_289 : vector<8x8x384xf32>
    %broadcast_in_dim3A_291 = arith.constant 0xFF800000 : f32
    %broadcast_in_dim3A_292 = vector.broadcast %broadcast_in_dim3A_291 : f32 to vector<8x2x384xf32>
    %slice3A_293 = vector.extract_strided_slice %max3A_290 {offsets = [0, 2, 0], sizes = [8, 6, 384], strides = [1, 1, 1]} : vector<8x8x384xf32> to vector<8x6x384xf32>
    %concatenate3A_294 = tpu.concatenate %slice3A_293, %broadcast_in_dim3A_292 in 1 : vector<8x6x384xf32>, vector<8x2x384xf32> -> vector<8x8x384xf32>
    %max3A_295 = arith.maximumf %max3A_290, %concatenate3A_294 : vector<8x8x384xf32>
    %broadcast_in_dim3A_296 = arith.constant 0xFF800000 : f32
    %broadcast_in_dim3A_297 = vector.broadcast %broadcast_in_dim3A_296 : f32 to vector<8x4x384xf32>
    %slice3A_298 = vector.extract_strided_slice %max3A_295 {offsets = [0, 4, 0], sizes = [8, 4, 384], strides = [1, 1, 1]} : vector<8x8x384xf32> to vector<8x4x384xf32>
    %concatenate3A_299 = tpu.concatenate %slice3A_298, %broadcast_in_dim3A_297 in 1 : vector<8x4x384xf32>, vector<8x4x384xf32> -> vector<8x8x384xf32>
    %max3A_300 = arith.maximumf %max3A_295, %concatenate3A_299 : vector<8x8x384xf32>
    %max3A_301 = vector.broadcast %slice3A_278 : vector<8x1x384xf32> to vector<8x8x384xf32>
    %max3A_302 = arith.maximumf %max3A_300, %max3A_301 : vector<8x8x384xf32>
    %slice3A_303 = vector.extract_strided_slice %max3A_302 {offsets = [0, 0, 0], sizes = [8, 1, 384], strides = [1, 1, 1]} : vector<8x8x384xf32> to vector<8x1x384xf32>
    %slice3A_304 = vector.extract_strided_slice %concatenate3A_113 {offsets = [0, 320, 0], sizes = [8, 8, 384], strides = [1, 1, 1]} : vector<8x384x384xf32> to vector<8x8x384xf32>
    %add3A_305 = arith.addf %max3A_302, %slice3A_304 : vector<8x8x384xf32>
    %swap3A_306 = arith.constant 0 : index
    %swap3A_307 = arith.constant 320 : index
    %swap3A_308 = arith.constant 0 : index
    %swap3A_309 = vector.load %arg2[%swap3A_306, %swap3A_307, %swap3A_308] : memref<8x384x384xf32, #tpu.memory_space<vmem>>, vector<8x8x384xf32>
    tpu.vector_store %arg2[%swap3A_306, %swap3A_307, %swap3A_308], %add3A_305 {strides = array<i32>} : memref<8x384x384xf32, #tpu.memory_space<vmem>>, vector<8x8x384xf32>,
    %slice3A_310 = vector.extract_strided_slice %get3A_2 {offsets = [0, 312, 0], sizes = [8, 8, 384], strides = [1, 1, 1]} : vector<8x384x384xf32> to vector<8x8x384xf32>
    %broadcast_in_dim3A_311 = arith.constant 0xFF800000 : f32
    %broadcast_in_dim3A_312 = vector.broadcast %broadcast_in_dim3A_311 : f32 to vector<8x1x384xf32>
    %slice3A_313 = vector.extract_strided_slice %slice3A_310 {offsets = [0, 1, 0], sizes = [8, 7, 384], strides = [1, 1, 1]} : vector<8x8x384xf32> to vector<8x7x384xf32>
    %concatenate3A_314 = tpu.concatenate %slice3A_313, %broadcast_in_dim3A_312 in 1 : vector<8x7x384xf32>, vector<8x1x384xf32> -> vector<8x8x384xf32>
    %max3A_315 = arith.maximumf %slice3A_310, %concatenate3A_314 : vector<8x8x384xf32>
    %broadcast_in_dim3A_316 = arith.constant 0xFF800000 : f32
    %broadcast_in_dim3A_317 = vector.broadcast %broadcast_in_dim3A_316 : f32 to vector<8x2x384xf32>
    %slice3A_318 = vector.extract_strided_slice %max3A_315 {offsets = [0, 2, 0], sizes = [8, 6, 384], strides = [1, 1, 1]} : vector<8x8x384xf32> to vector<8x6x384xf32>
    %concatenate3A_319 = tpu.concatenate %slice3A_318, %broadcast_in_dim3A_317 in 1 : vector<8x6x384xf32>, vector<8x2x384xf32> -> vector<8x8x384xf32>
    %max3A_320 = arith.maximumf %max3A_315, %concatenate3A_319 : vector<8x8x384xf32>
    %broadcast_in_dim3A_321 = arith.constant 0xFF800000 : f32
    %broadcast_in_dim3A_322 = vector.broadcast %broadcast_in_dim3A_321 : f32 to vector<8x4x384xf32>
    %slice3A_323 = vector.extract_strided_slice %max3A_320 {offsets = [0, 4, 0], sizes = [8, 4, 384], strides = [1, 1, 1]} : vector<8x8x384xf32> to vector<8x4x384xf32>
    %concatenate3A_324 = tpu.concatenate %slice3A_323, %broadcast_in_dim3A_322 in 1 : vector<8x4x384xf32>, vector<8x4x384xf32> -> vector<8x8x384xf32>
    %max3A_325 = arith.maximumf %max3A_320, %concatenate3A_324 : vector<8x8x384xf32>
    %max3A_326 = vector.broadcast %slice3A_303 : vector<8x1x384xf32> to vector<8x8x384xf32>
    %max3A_327 = arith.maximumf %max3A_325, %max3A_326 : vector<8x8x384xf32>
    %slice3A_328 = vector.extract_strided_slice %max3A_327 {offsets = [0, 0, 0], sizes = [8, 1, 384], strides = [1, 1, 1]} : vector<8x8x384xf32> to vector<8x1x384xf32>
    %slice3A_329 = vector.extract_strided_slice %concatenate3A_113 {offsets = [0, 312, 0], sizes = [8, 8, 384], strides = [1, 1, 1]} : vector<8x384x384xf32> to vector<8x8x384xf32>
    %add3A_330 = arith.addf %max3A_327, %slice3A_329 : vector<8x8x384xf32>
    %swap3A_331 = arith.constant 0 : index
    %swap3A_332 = arith.constant 312 : index
    %swap3A_333 = arith.constant 0 : index
    %swap3A_334 = vector.load %arg2[%swap3A_331, %swap3A_332, %swap3A_333] : memref<8x384x384xf32, #tpu.memory_space<vmem>>, vector<8x8x384xf32>
    tpu.vector_store %arg2[%swap3A_331, %swap3A_332, %swap3A_333], %add3A_330 {strides = array<i32>} : memref<8x384x384xf32, #tpu.memory_space<vmem>>, vector<8x8x384xf32>,
    %slice3A_335 = vector.extract_strided_slice %get3A_2 {offsets = [0, 304, 0], sizes = [8, 8, 384], strides = [1, 1, 1]} : vector<8x384x384xf32> to vector<8x8x384xf32>
    %broadcast_in_dim3A_336 = arith.constant 0xFF800000 : f32
    %broadcast_in_dim3A_337 = vector.broadcast %broadcast_in_dim3A_336 : f32 to vector<8x1x384xf32>
    %slice3A_338 = vector.extract_strided_slice %slice3A_335 {offsets = [0, 1, 0], sizes = [8, 7, 384], strides = [1, 1, 1]} : vector<8x8x384xf32> to vector<8x7x384xf32>
    %concatenate3A_339 = tpu.concatenate %slice3A_338, %broadcast_in_dim3A_337 in 1 : vector<8x7x384xf32>, vector<8x1x384xf32> -> vector<8x8x384xf32>
    %max3A_340 = arith.maximumf %slice3A_335, %concatenate3A_339 : vector<8x8x384xf32>
    %broadcast_in_dim3A_341 = arith.constant 0xFF800000 : f32
    %broadcast_in_dim3A_342 = vector.broadcast %broadcast_in_dim3A_341 : f32 to vector<8x2x384xf32>
    %slice3A_343 = vector.extract_strided_slice %max3A_340 {offsets = [0, 2, 0], sizes = [8, 6, 384], strides = [1, 1, 1]} : vector<8x8x384xf32> to vector<8x6x384xf32>
    %concatenate3A_344 = tpu.concatenate %slice3A_343, %broadcast_in_dim3A_342 in 1 : vector<8x6x384xf32>, vector<8x2x384xf32> -> vector<8x8x384xf32>
    %max3A_345 = arith.maximumf %max3A_340, %concatenate3A_344 : vector<8x8x384xf32>
    %broadcast_in_dim3A_346 = arith.constant 0xFF800000 : f32
    %broadcast_in_dim3A_347 = vector.broadcast %broadcast_in_dim3A_346 : f32 to vector<8x4x384xf32>
    %slice3A_348 = vector.extract_strided_slice %max3A_345 {offsets = [0, 4, 0], sizes = [8, 4, 384], strides = [1, 1, 1]} : vector<8x8x384xf32> to vector<8x4x384xf32>
    %concatenate3A_349 = tpu.concatenate %slice3A_348, %broadcast_in_dim3A_347 in 1 : vector<8x4x384xf32>, vector<8x4x384xf32> -> vector<8x8x384xf32>
    %max3A_350 = arith.maximumf %max3A_345, %concatenate3A_349 : vector<8x8x384xf32>
    %max3A_351 = vector.broadcast %slice3A_328 : vector<8x1x384xf32> to vector<8x8x384xf32>
    %max3A_352 = arith.maximumf %max3A_350, %max3A_351 : vector<8x8x384xf32>
    %slice3A_353 = vector.extract_strided_slice %max3A_352 {offsets = [0, 0, 0], sizes = [8, 1, 384], strides = [1, 1, 1]} : vector<8x8x384xf32> to vector<8x1x384xf32>
    %slice3A_354 = vector.extract_strided_slice %concatenate3A_113 {offsets = [0, 304, 0], sizes = [8, 8, 384], strides = [1, 1, 1]} : vector<8x384x384xf32> to vector<8x8x384xf32>
    %add3A_355 = arith.addf %max3A_352, %slice3A_354 : vector<8x8x384xf32>
    %swap3A_356 = arith.constant 0 : index
    %swap3A_357 = arith.constant 304 : index
    %swap3A_358 = arith.constant 0 : index
    %swap3A_359 = vector.load %arg2[%swap3A_356, %swap3A_357, %swap3A_358] : memref<8x384x384xf32, #tpu.memory_space<vmem>>, vector<8x8x384xf32>
    tpu.vector_store %arg2[%swap3A_356, %swap3A_357, %swap3A_358], %add3A_355 {strides = array<i32>} : memref<8x384x384xf32, #tpu.memory_space<vmem>>, vector<8x8x384xf32>,
    %slice3A_360 = vector.extract_strided_slice %get3A_2 {offsets = [0, 296, 0], sizes = [8, 8, 384], strides = [1, 1, 1]} : vector<8x384x384xf32> to vector<8x8x384xf32>
    %broadcast_in_dim3A_361 = arith.constant 0xFF800000 : f32
    %broadcast_in_dim3A_362 = vector.broadcast %broadcast_in_dim3A_361 : f32 to vector<8x1x384xf32>
    %slice3A_363 = vector.extract_strided_slice %slice3A_360 {offsets = [0, 1, 0], sizes = [8, 7, 384], strides = [1, 1, 1]} : vector<8x8x384xf32> to vector<8x7x384xf32>
    %concatenate3A_364 = tpu.concatenate %slice3A_363, %broadcast_in_dim3A_362 in 1 : vector<8x7x384xf32>, vector<8x1x384xf32> -> vector<8x8x384xf32>
    %max3A_365 = arith.maximumf %slice3A_360, %concatenate3A_364 : vector<8x8x384xf32>
    %broadcast_in_dim3A_366 = arith.constant 0xFF800000 : f32
    %broadcast_in_dim3A_367 = vector.broadcast %broadcast_in_dim3A_366 : f32 to vector<8x2x384xf32>
    %slice3A_368 = vector.extract_strided_slice %max3A_365 {offsets = [0, 2, 0], sizes = [8, 6, 384], strides = [1, 1, 1]} : vector<8x8x384xf32> to vector<8x6x384xf32>
    %concatenate3A_369 = tpu.concatenate %slice3A_368, %broadcast_in_dim3A_367 in 1 : vector<8x6x384xf32>, vector<8x2x384xf32> -> vector<8x8x384xf32>
    %max3A_370 = arith.maximumf %max3A_365, %concatenate3A_369 : vector<8x8x384xf32>
    %broadcast_in_dim3A_371 = arith.constant 0xFF800000 : f32
    %broadcast_in_dim3A_372 = vector.broadcast %broadcast_in_dim3A_371 : f32 to vector<8x4x384xf32>
    %slice3A_373 = vector.extract_strided_slice %max3A_370 {offsets = [0, 4, 0], sizes = [8, 4, 384], strides = [1, 1, 1]} : vector<8x8x384xf32> to vector<8x4x384xf32>
    %concatenate3A_374 = tpu.concatenate %slice3A_373, %broadcast_in_dim3A_372 in 1 : vector<8x4x384xf32>, vector<8x4x384xf32> -> vector<8x8x384xf32>
    %max3A_375 = arith.maximumf %max3A_370, %concatenate3A_374 : vector<8x8x384xf32>
    %max3A_376 = vector.broadcast %slice3A_353 : vector<8x1x384xf32> to vector<8x8x384xf32>
    %max3A_377 = arith.maximumf %max3A_375, %max3A_376 : vector<8x8x384xf32>
    %slice3A_378 = vector.extract_strided_slice %max3A_377 {offsets = [0, 0, 0], sizes = [8, 1, 384], strides = [1, 1, 1]} : vector<8x8x384xf32> to vector<8x1x384xf32>
    %slice3A_379 = vector.extract_strided_slice %concatenate3A_113 {offsets = [0, 296, 0], sizes = [8, 8, 384], strides = [1, 1, 1]} : vector<8x384x384xf32> to vector<8x8x384xf32>
    %add3A_380 = arith.addf %max3A_377, %slice3A_379 : vector<8x8x384xf32>
    %swap3A_381 = arith.constant 0 : index
    %swap3A_382 = arith.constant 296 : index
    %swap3A_383 = arith.constant 0 : index
    %swap3A_384 = vector.load %arg2[%swap3A_381, %swap3A_382, %swap3A_383] : memref<8x384x384xf32, #tpu.memory_space<vmem>>, vector<8x8x384xf32>
    tpu.vector_store %arg2[%swap3A_381, %swap3A_382, %swap3A_383], %add3A_380 {strides = array<i32>} : memref<8x384x384xf32, #tpu.memory_space<vmem>>, vector<8x8x384xf32>,
    %slice3A_385 = vector.extract_strided_slice %get3A_2 {offsets = [0, 288, 0], sizes = [8, 8, 384], strides = [1, 1, 1]} : vector<8x384x384xf32> to vector<8x8x384xf32>
    %broadcast_in_dim3A_386 = arith.constant 0xFF800000 : f32
    %broadcast_in_dim3A_387 = vector.broadcast %broadcast_in_dim3A_386 : f32 to vector<8x1x384xf32>
    %slice3A_388 = vector.extract_strided_slice %slice3A_385 {offsets = [0, 1, 0], sizes = [8, 7, 384], strides = [1, 1, 1]} : vector<8x8x384xf32> to vector<8x7x384xf32>
    %concatenate3A_389 = tpu.concatenate %slice3A_388, %broadcast_in_dim3A_387 in 1 : vector<8x7x384xf32>, vector<8x1x384xf32> -> vector<8x8x384xf32>
    %max3A_390 = arith.maximumf %slice3A_385, %concatenate3A_389 : vector<8x8x384xf32>
    %broadcast_in_dim3A_391 = arith.constant 0xFF800000 : f32
    %broadcast_in_dim3A_392 = vector.broadcast %broadcast_in_dim3A_391 : f32 to vector<8x2x384xf32>
    %slice3A_393 = vector.extract_strided_slice %max3A_390 {offsets = [0, 2, 0], sizes = [8, 6, 384], strides = [1, 1, 1]} : vector<8x8x384xf32> to vector<8x6x384xf32>
    %concatenate3A_394 = tpu.concatenate %slice3A_393, %broadcast_in_dim3A_392 in 1 : vector<8x6x384xf32>, vector<8x2x384xf32> -> vector<8x8x384xf32>
    %max3A_395 = arith.maximumf %max3A_390, %concatenate3A_394 : vector<8x8x384xf32>
    %broadcast_in_dim3A_396 = arith.constant 0xFF800000 : f32
    %broadcast_in_dim3A_397 = vector.broadcast %broadcast_in_dim3A_396 : f32 to vector<8x4x384xf32>
    %slice3A_398 = vector.extract_strided_slice %max3A_395 {offsets = [0, 4, 0], sizes = [8, 4, 384], strides = [1, 1, 1]} : vector<8x8x384xf32> to vector<8x4x384xf32>
    %concatenate3A_399 = tpu.concatenate %slice3A_398, %broadcast_in_dim3A_397 in 1 : vector<8x4x384xf32>, vector<8x4x384xf32> -> vector<8x8x384xf32>
    %max3A_400 = arith.maximumf %max3A_395, %concatenate3A_399 : vector<8x8x384xf32>
    %max3A_401 = vector.broadcast %slice3A_378 : vector<8x1x384xf32> to vector<8x8x384xf32>
    %max3A_402 = arith.maximumf %max3A_400, %max3A_401 : vector<8x8x384xf32>
    %slice3A_403 = vector.extract_strided_slice %max3A_402 {offsets = [0, 0, 0], sizes = [8, 1, 384], strides = [1, 1, 1]} : vector<8x8x384xf32> to vector<8x1x384xf32>
    %slice3A_404 = vector.extract_strided_slice %concatenate3A_113 {offsets = [0, 288, 0], sizes = [8, 8, 384], strides = [1, 1, 1]} : vector<8x384x384xf32> to vector<8x8x384xf32>
    %add3A_405 = arith.addf %max3A_402, %slice3A_404 : vector<8x8x384xf32>
    %swap3A_406 = arith.constant 0 : index
    %swap3A_407 = arith.constant 288 : index
    %swap3A_408 = arith.constant 0 : index
    %swap3A_409 = vector.load %arg2[%swap3A_406, %swap3A_407, %swap3A_408] : memref<8x384x384xf32, #tpu.memory_space<vmem>>, vector<8x8x384xf32>
    tpu.vector_store %arg2[%swap3A_406, %swap3A_407, %swap3A_408], %add3A_405 {strides = array<i32>} : memref<8x384x384xf32, #tpu.memory_space<vmem>>, vector<8x8x384xf32>,
    %slice3A_410 = vector.extract_strided_slice %get3A_2 {offsets = [0, 280, 0], sizes = [8, 8, 384], strides = [1, 1, 1]} : vector<8x384x384xf32> to vector<8x8x384xf32>
    %broadcast_in_dim3A_411 = arith.constant 0xFF800000 : f32
    %broadcast_in_dim3A_412 = vector.broadcast %broadcast_in_dim3A_411 : f32 to vector<8x1x384xf32>
    %slice3A_413 = vector.extract_strided_slice %slice3A_410 {offsets = [0, 1, 0], sizes = [8, 7, 384], strides = [1, 1, 1]} : vector<8x8x384xf32> to vector<8x7x384xf32>
    %concatenate3A_414 = tpu.concatenate %slice3A_413, %broadcast_in_dim3A_412 in 1 : vector<8x7x384xf32>, vector<8x1x384xf32> -> vector<8x8x384xf32>
    %max3A_415 = arith.maximumf %slice3A_410, %concatenate3A_414 : vector<8x8x384xf32>
    %broadcast_in_dim3A_416 = arith.constant 0xFF800000 : f32
    %broadcast_in_dim3A_417 = vector.broadcast %broadcast_in_dim3A_416 : f32 to vector<8x2x384xf32>
    %slice3A_418 = vector.extract_strided_slice %max3A_415 {offsets = [0, 2, 0], sizes = [8, 6, 384], strides = [1, 1, 1]} : vector<8x8x384xf32> to vector<8x6x384xf32>
    %concatenate3A_419 = tpu.concatenate %slice3A_418, %broadcast_in_dim3A_417 in 1 : vector<8x6x384xf32>, vector<8x2x384xf32> -> vector<8x8x384xf32>
    %max3A_420 = arith.maximumf %max3A_415, %concatenate3A_419 : vector<8x8x384xf32>
    %broadcast_in_dim3A_421 = arith.constant 0xFF800000 : f32
    %broadcast_in_dim3A_422 = vector.broadcast %broadcast_in_dim3A_421 : f32 to vector<8x4x384xf32>
    %slice3A_423 = vector.extract_strided_slice %max3A_420 {offsets = [0, 4, 0], sizes = [8, 4, 384], strides = [1, 1, 1]} : vector<8x8x384xf32> to vector<8x4x384xf32>
    %concatenate3A_424 = tpu.concatenate %slice3A_423, %broadcast_in_dim3A_422 in 1 : vector<8x4x384xf32>, vector<8x4x384xf32> -> vector<8x8x384xf32>
    %max3A_425 = arith.maximumf %max3A_420, %concatenate3A_424 : vector<8x8x384xf32>
    %max3A_426 = vector.broadcast %slice3A_403 : vector<8x1x384xf32> to vector<8x8x384xf32>
    %max3A_427 = arith.maximumf %max3A_425, %max3A_426 : vector<8x8x384xf32>
    %slice3A_428 = vector.extract_strided_slice %max3A_427 {offsets = [0, 0, 0], sizes = [8, 1, 384], strides = [1, 1, 1]} : vector<8x8x384xf32> to vector<8x1x384xf32>
    %slice3A_429 = vector.extract_strided_slice %concatenate3A_113 {offsets = [0, 280, 0], sizes = [8, 8, 384], strides = [1, 1, 1]} : vector<8x384x384xf32> to vector<8x8x384xf32>
    %add3A_430 = arith.addf %max3A_427, %slice3A_429 : vector<8x8x384xf32>
    %swap3A_431 = arith.constant 0 : index
    %swap3A_432 = arith.constant 280 : index
    %swap3A_433 = arith.constant 0 : index
    %swap3A_434 = vector.load %arg2[%swap3A_431, %swap3A_432, %swap3A_433] : memref<8x384x384xf32, #tpu.memory_space<vmem>>, vector<8x8x384xf32>
    tpu.vector_store %arg2[%swap3A_431, %swap3A_432, %swap3A_433], %add3A_430 {strides = array<i32>} : memref<8x384x384xf32, #tpu.memory_space<vmem>>, vector<8x8x384xf32>,
    %slice3A_435 = vector.extract_strided_slice %get3A_2 {offsets = [0, 272, 0], sizes = [8, 8, 384], strides = [1, 1, 1]} : vector<8x384x384xf32> to vector<8x8x384xf32>
    %broadcast_in_dim3A_436 = arith.constant 0xFF800000 : f32
    %broadcast_in_dim3A_437 = vector.broadcast %broadcast_in_dim3A_436 : f32 to vector<8x1x384xf32>
    %slice3A_438 = vector.extract_strided_slice %slice3A_435 {offsets = [0, 1, 0], sizes = [8, 7, 384], strides = [1, 1, 1]} : vector<8x8x384xf32> to vector<8x7x384xf32>
    %concatenate3A_439 = tpu.concatenate %slice3A_438, %broadcast_in_dim3A_437 in 1 : vector<8x7x384xf32>, vector<8x1x384xf32> -> vector<8x8x384xf32>
    %max3A_440 = arith.maximumf %slice3A_435, %concatenate3A_439 : vector<8x8x384xf32>
    %broadcast_in_dim3A_441 = arith.constant 0xFF800000 : f32
    %broadcast_in_dim3A_442 = vector.broadcast %broadcast_in_dim3A_441 : f32 to vector<8x2x384xf32>
    %slice3A_443 = vector.extract_strided_slice %max3A_440 {offsets = [0, 2, 0], sizes = [8, 6, 384], strides = [1, 1, 1]} : vector<8x8x384xf32> to vector<8x6x384xf32>
    %concatenate3A_444 = tpu.concatenate %slice3A_443, %broadcast_in_dim3A_442 in 1 : vector<8x6x384xf32>, vector<8x2x384xf32> -> vector<8x8x384xf32>
    %max3A_445 = arith.maximumf %max3A_440, %concatenate3A_444 : vector<8x8x384xf32>
    %broadcast_in_dim3A_446 = arith.constant 0xFF800000 : f32
    %broadcast_in_dim3A_447 = vector.broadcast %broadcast_in_dim3A_446 : f32 to vector<8x4x384xf32>
    %slice3A_448 = vector.extract_strided_slice %max3A_445 {offsets = [0, 4, 0], sizes = [8, 4, 384], strides = [1, 1, 1]} : vector<8x8x384xf32> to vector<8x4x384xf32>
    %concatenate3A_449 = tpu.concatenate %slice3A_448, %broadcast_in_dim3A_447 in 1 : vector<8x4x384xf32>, vector<8x4x384xf32> -> vector<8x8x384xf32>
    %max3A_450 = arith.maximumf %max3A_445, %concatenate3A_449 : vector<8x8x384xf32>
    %max3A_451 = vector.broadcast %slice3A_428 : vector<8x1x384xf32> to vector<8x8x384xf32>
    %max3A_452 = arith.maximumf %max3A_450, %max3A_451 : vector<8x8x384xf32>
    %slice3A_453 = vector.extract_strided_slice %max3A_452 {offsets = [0, 0, 0], sizes = [8, 1, 384], strides = [1, 1, 1]} : vector<8x8x384xf32> to vector<8x1x384xf32>
    %slice3A_454 = vector.extract_strided_slice %concatenate3A_113 {offsets = [0, 272, 0], sizes = [8, 8, 384], strides = [1, 1, 1]} : vector<8x384x384xf32> to vector<8x8x384xf32>
    %add3A_455 = arith.addf %max3A_452, %slice3A_454 : vector<8x8x384xf32>
    %swap3A_456 = arith.constant 0 : index
    %swap3A_457 = arith.constant 272 : index
    %swap3A_458 = arith.constant 0 : index
    %swap3A_459 = vector.load %arg2[%swap3A_456, %swap3A_457, %swap3A_458] : memref<8x384x384xf32, #tpu.memory_space<vmem>>, vector<8x8x384xf32>
    tpu.vector_store %arg2[%swap3A_456, %swap3A_457, %swap3A_458], %add3A_455 {strides = array<i32>} : memref<8x384x384xf32, #tpu.memory_space<vmem>>, vector<8x8x384xf32>,
    %slice3A_460 = vector.extract_strided_slice %get3A_2 {offsets = [0, 264, 0], sizes = [8, 8, 384], strides = [1, 1, 1]} : vector<8x384x384xf32> to vector<8x8x384xf32>
    %broadcast_in_dim3A_461 = arith.constant 0xFF800000 : f32
    %broadcast_in_dim3A_462 = vector.broadcast %broadcast_in_dim3A_461 : f32 to vector<8x1x384xf32>
    %slice3A_463 = vector.extract_strided_slice %slice3A_460 {offsets = [0, 1, 0], sizes = [8, 7, 384], strides = [1, 1, 1]} : vector<8x8x384xf32> to vector<8x7x384xf32>
    %concatenate3A_464 = tpu.concatenate %slice3A_463, %broadcast_in_dim3A_462 in 1 : vector<8x7x384xf32>, vector<8x1x384xf32> -> vector<8x8x384xf32>
    %max3A_465 = arith.maximumf %slice3A_460, %concatenate3A_464 : vector<8x8x384xf32>
    %broadcast_in_dim3A_466 = arith.constant 0xFF800000 : f32
    %broadcast_in_dim3A_467 = vector.broadcast %broadcast_in_dim3A_466 : f32 to vector<8x2x384xf32>
    %slice3A_468 = vector.extract_strided_slice %max3A_465 {offsets = [0, 2, 0], sizes = [8, 6, 384], strides = [1, 1, 1]} : vector<8x8x384xf32> to vector<8x6x384xf32>
    %concatenate3A_469 = tpu.concatenate %slice3A_468, %broadcast_in_dim3A_467 in 1 : vector<8x6x384xf32>, vector<8x2x384xf32> -> vector<8x8x384xf32>
    %max3A_470 = arith.maximumf %max3A_465, %concatenate3A_469 : vector<8x8x384xf32>
    %broadcast_in_dim3A_471 = arith.constant 0xFF800000 : f32
    %broadcast_in_dim3A_472 = vector.broadcast %broadcast_in_dim3A_471 : f32 to vector<8x4x384xf32>
    %slice3A_473 = vector.extract_strided_slice %max3A_470 {offsets = [0, 4, 0], sizes = [8, 4, 384], strides = [1, 1, 1]} : vector<8x8x384xf32> to vector<8x4x384xf32>
    %concatenate3A_474 = tpu.concatenate %slice3A_473, %broadcast_in_dim3A_472 in 1 : vector<8x4x384xf32>, vector<8x4x384xf32> -> vector<8x8x384xf32>
    %max3A_475 = arith.maximumf %max3A_470, %concatenate3A_474 : vector<8x8x384xf32>
    %max3A_476 = vector.broadcast %slice3A_453 : vector<8x1x384xf32> to vector<8x8x384xf32>
    %max3A_477 = arith.maximumf %max3A_475, %max3A_476 : vector<8x8x384xf32>
    %slice3A_478 = vector.extract_strided_slice %max3A_477 {offsets = [0, 0, 0], sizes = [8, 1, 384], strides = [1, 1, 1]} : vector<8x8x384xf32> to vector<8x1x384xf32>
    %slice3A_479 = vector.extract_strided_slice %concatenate3A_113 {offsets = [0, 264, 0], sizes = [8, 8, 384], strides = [1, 1, 1]} : vector<8x384x384xf32> to vector<8x8x384xf32>
    %add3A_480 = arith.addf %max3A_477, %slice3A_479 : vector<8x8x384xf32>
    %swap3A_481 = arith.constant 0 : index
    %swap3A_482 = arith.constant 264 : index
    %swap3A_483 = arith.constant 0 : index
    %swap3A_484 = vector.load %arg2[%swap3A_481, %swap3A_482, %swap3A_483] : memref<8x384x384xf32, #tpu.memory_space<vmem>>, vector<8x8x384xf32>
    tpu.vector_store %arg2[%swap3A_481, %swap3A_482, %swap3A_483], %add3A_480 {strides = array<i32>} : memref<8x384x384xf32, #tpu.memory_space<vmem>>, vector<8x8x384xf32>,
    %slice3A_485 = vector.extract_strided_slice %get3A_2 {offsets = [0, 256, 0], sizes = [8, 8, 384], strides = [1, 1, 1]} : vector<8x384x384xf32> to vector<8x8x384xf32>
    %broadcast_in_dim3A_486 = arith.constant 0xFF800000 : f32
    %broadcast_in_dim3A_487 = vector.broadcast %broadcast_in_dim3A_486 : f32 to vector<8x1x384xf32>
    %slice3A_488 = vector.extract_strided_slice %slice3A_485 {offsets = [0, 1, 0], sizes = [8, 7, 384], strides = [1, 1, 1]} : vector<8x8x384xf32> to vector<8x7x384xf32>
    %concatenate3A_489 = tpu.concatenate %slice3A_488, %broadcast_in_dim3A_487 in 1 : vector<8x7x384xf32>, vector<8x1x384xf32> -> vector<8x8x384xf32>
    %max3A_490 = arith.maximumf %slice3A_485, %concatenate3A_489 : vector<8x8x384xf32>
    %broadcast_in_dim3A_491 = arith.constant 0xFF800000 : f32
    %broadcast_in_dim3A_492 = vector.broadcast %broadcast_in_dim3A_491 : f32 to vector<8x2x384xf32>
    %slice3A_493 = vector.extract_strided_slice %max3A_490 {offsets = [0, 2, 0], sizes = [8, 6, 384], strides = [1, 1, 1]} : vector<8x8x384xf32> to vector<8x6x384xf32>
    %concatenate3A_494 = tpu.concatenate %slice3A_493, %broadcast_in_dim3A_492 in 1 : vector<8x6x384xf32>, vector<8x2x384xf32> -> vector<8x8x384xf32>
    %max3A_495 = arith.maximumf %max3A_490, %concatenate3A_494 : vector<8x8x384xf32>
    %broadcast_in_dim3A_496 = arith.constant 0xFF800000 : f32
    %broadcast_in_dim3A_497 = vector.broadcast %broadcast_in_dim3A_496 : f32 to vector<8x4x384xf32>
    %slice3A_498 = vector.extract_strided_slice %max3A_495 {offsets = [0, 4, 0], sizes = [8, 4, 384], strides = [1, 1, 1]} : vector<8x8x384xf32> to vector<8x4x384xf32>
    %concatenate3A_499 = tpu.concatenate %slice3A_498, %broadcast_in_dim3A_497 in 1 : vector<8x4x384xf32>, vector<8x4x384xf32> -> vector<8x8x384xf32>
    %max3A_500 = arith.maximumf %max3A_495, %concatenate3A_499 : vector<8x8x384xf32>
    %max3A_501 = vector.broadcast %slice3A_478 : vector<8x1x384xf32> to vector<8x8x384xf32>
    %max3A_502 = arith.maximumf %max3A_500, %max3A_501 : vector<8x8x384xf32>
    %slice3A_503 = vector.extract_strided_slice %max3A_502 {offsets = [0, 0, 0], sizes = [8, 1, 384], strides = [1, 1, 1]} : vector<8x8x384xf32> to vector<8x1x384xf32>
    %slice3A_504 = vector.extract_strided_slice %concatenate3A_113 {offsets = [0, 256, 0], sizes = [8, 8, 384], strides = [1, 1, 1]} : vector<8x384x384xf32> to vector<8x8x384xf32>
    %add3A_505 = arith.addf %max3A_502, %slice3A_504 : vector<8x8x384xf32>
    %swap3A_506 = arith.constant 0 : index
    %swap3A_507 = arith.constant 256 : index
    %swap3A_508 = arith.constant 0 : index
    %swap3A_509 = vector.load %arg2[%swap3A_506, %swap3A_507, %swap3A_508] : memref<8x384x384xf32, #tpu.memory_space<vmem>>, vector<8x8x384xf32>
    tpu.vector_store %arg2[%swap3A_506, %swap3A_507, %swap3A_508], %add3A_505 {strides = array<i32>} : memref<8x384x384xf32, #tpu.memory_space<vmem>>, vector<8x8x384xf32>,
    %slice3A_510 = vector.extract_strided_slice %get3A_2 {offsets = [0, 248, 0], sizes = [8, 8, 384], strides = [1, 1, 1]} : vector<8x384x384xf32> to vector<8x8x384xf32>
    %broadcast_in_dim3A_511 = arith.constant 0xFF800000 : f32
    %broadcast_in_dim3A_512 = vector.broadcast %broadcast_in_dim3A_511 : f32 to vector<8x1x384xf32>
    %slice3A_513 = vector.extract_strided_slice %slice3A_510 {offsets = [0, 1, 0], sizes = [8, 7, 384], strides = [1, 1, 1]} : vector<8x8x384xf32> to vector<8x7x384xf32>
    %concatenate3A_514 = tpu.concatenate %slice3A_513, %broadcast_in_dim3A_512 in 1 : vector<8x7x384xf32>, vector<8x1x384xf32> -> vector<8x8x384xf32>
    %max3A_515 = arith.maximumf %slice3A_510, %concatenate3A_514 : vector<8x8x384xf32>
    %broadcast_in_dim3A_516 = arith.constant 0xFF800000 : f32
    %broadcast_in_dim3A_517 = vector.broadcast %broadcast_in_dim3A_516 : f32 to vector<8x2x384xf32>
    %slice3A_518 = vector.extract_strided_slice %max3A_515 {offsets = [0, 2, 0], sizes = [8, 6, 384], strides = [1, 1, 1]} : vector<8x8x384xf32> to vector<8x6x384xf32>
    %concatenate3A_519 = tpu.concatenate %slice3A_518, %broadcast_in_dim3A_517 in 1 : vector<8x6x384xf32>, vector<8x2x384xf32> -> vector<8x8x384xf32>
    %max3A_520 = arith.maximumf %max3A_515, %concatenate3A_519 : vector<8x8x384xf32>
    %broadcast_in_dim3A_521 = arith.constant 0xFF800000 : f32
    %broadcast_in_dim3A_522 = vector.broadcast %broadcast_in_dim3A_521 : f32 to vector<8x4x384xf32>
    %slice3A_523 = vector.extract_strided_slice %max3A_520 {offsets = [0, 4, 0], sizes = [8, 4, 384], strides = [1, 1, 1]} : vector<8x8x384xf32> to vector<8x4x384xf32>
    %concatenate3A_524 = tpu.concatenate %slice3A_523, %broadcast_in_dim3A_522 in 1 : vector<8x4x384xf32>, vector<8x4x384xf32> -> vector<8x8x384xf32>
    %max3A_525 = arith.maximumf %max3A_520, %concatenate3A_524 : vector<8x8x384xf32>
    %max3A_526 = vector.broadcast %slice3A_503 : vector<8x1x384xf32> to vector<8x8x384xf32>
    %max3A_527 = arith.maximumf %max3A_525, %max3A_526 : vector<8x8x384xf32>
    %slice3A_528 = vector.extract_strided_slice %max3A_527 {offsets = [0, 0, 0], sizes = [8, 1, 384], strides = [1, 1, 1]} : vector<8x8x384xf32> to vector<8x1x384xf32>
    %slice3A_529 = vector.extract_strided_slice %concatenate3A_113 {offsets = [0, 248, 0], sizes = [8, 8, 384], strides = [1, 1, 1]} : vector<8x384x384xf32> to vector<8x8x384xf32>
    %add3A_530 = arith.addf %max3A_527, %slice3A_529 : vector<8x8x384xf32>
    %swap3A_531 = arith.constant 0 : index
    %swap3A_532 = arith.constant 248 : index
    %swap3A_533 = arith.constant 0 : index
    %swap3A_534 = vector.load %arg2[%swap3A_531, %swap3A_532, %swap3A_533] : memref<8x384x384xf32, #tpu.memory_space<vmem>>, vector<8x8x384xf32>
    tpu.vector_store %arg2[%swap3A_531, %swap3A_532, %swap3A_533], %add3A_530 {strides = array<i32>} : memref<8x384x384xf32, #tpu.memory_space<vmem>>, vector<8x8x384xf32>,
    %slice3A_535 = vector.extract_strided_slice %get3A_2 {offsets = [0, 240, 0], sizes = [8, 8, 384], strides = [1, 1, 1]} : vector<8x384x384xf32> to vector<8x8x384xf32>
    %broadcast_in_dim3A_536 = arith.constant 0xFF800000 : f32
    %broadcast_in_dim3A_537 = vector.broadcast %broadcast_in_dim3A_536 : f32 to vector<8x1x384xf32>
    %slice3A_538 = vector.extract_strided_slice %slice3A_535 {offsets = [0, 1, 0], sizes = [8, 7, 384], strides = [1, 1, 1]} : vector<8x8x384xf32> to vector<8x7x384xf32>
    %concatenate3A_539 = tpu.concatenate %slice3A_538, %broadcast_in_dim3A_537 in 1 : vector<8x7x384xf32>, vector<8x1x384xf32> -> vector<8x8x384xf32>
    %max3A_540 = arith.maximumf %slice3A_535, %concatenate3A_539 : vector<8x8x384xf32>
    %broadcast_in_dim3A_541 = arith.constant 0xFF800000 : f32
    %broadcast_in_dim3A_542 = vector.broadcast %broadcast_in_dim3A_541 : f32 to vector<8x2x384xf32>
    %slice3A_543 = vector.extract_strided_slice %max3A_540 {offsets = [0, 2, 0], sizes = [8, 6, 384], strides = [1, 1, 1]} : vector<8x8x384xf32> to vector<8x6x384xf32>
    %concatenate3A_544 = tpu.concatenate %slice3A_543, %broadcast_in_dim3A_542 in 1 : vector<8x6x384xf32>, vector<8x2x384xf32> -> vector<8x8x384xf32>
    %max3A_545 = arith.maximumf %max3A_540, %concatenate3A_544 : vector<8x8x384xf32>
    %broadcast_in_dim3A_546 = arith.constant 0xFF800000 : f32
    %broadcast_in_dim3A_547 = vector.broadcast %broadcast_in_dim3A_546 : f32 to vector<8x4x384xf32>
    %slice3A_548 = vector.extract_strided_slice %max3A_545 {offsets = [0, 4, 0], sizes = [8, 4, 384], strides = [1, 1, 1]} : vector<8x8x384xf32> to vector<8x4x384xf32>
    %concatenate3A_549 = tpu.concatenate %slice3A_548, %broadcast_in_dim3A_547 in 1 : vector<8x4x384xf32>, vector<8x4x384xf32> -> vector<8x8x384xf32>
    %max3A_550 = arith.maximumf %max3A_545, %concatenate3A_549 : vector<8x8x384xf32>
    %max3A_551 = vector.broadcast %slice3A_528 : vector<8x1x384xf32> to vector<8x8x384xf32>
    %max3A_552 = arith.maximumf %max3A_550, %max3A_551 : vector<8x8x384xf32>
    %slice3A_553 = vector.extract_strided_slice %max3A_552 {offsets = [0, 0, 0], sizes = [8, 1, 384], strides = [1, 1, 1]} : vector<8x8x384xf32> to vector<8x1x384xf32>
    %slice3A_554 = vector.extract_strided_slice %concatenate3A_113 {offsets = [0, 240, 0], sizes = [8, 8, 384], strides = [1, 1, 1]} : vector<8x384x384xf32> to vector<8x8x384xf32>
    %add3A_555 = arith.addf %max3A_552, %slice3A_554 : vector<8x8x384xf32>
    %swap3A_556 = arith.constant 0 : index
    %swap3A_557 = arith.constant 240 : index
    %swap3A_558 = arith.constant 0 : index
    %swap3A_559 = vector.load %arg2[%swap3A_556, %swap3A_557, %swap3A_558] : memref<8x384x384xf32, #tpu.memory_space<vmem>>, vector<8x8x384xf32>
    tpu.vector_store %arg2[%swap3A_556, %swap3A_557, %swap3A_558], %add3A_555 {strides = array<i32>} : memref<8x384x384xf32, #tpu.memory_space<vmem>>, vector<8x8x384xf32>,
    %slice3A_560 = vector.extract_strided_slice %get3A_2 {offsets = [0, 232, 0], sizes = [8, 8, 384], strides = [1, 1, 1]} : vector<8x384x384xf32> to vector<8x8x384xf32>
    %broadcast_in_dim3A_561 = arith.constant 0xFF800000 : f32
    %broadcast_in_dim3A_562 = vector.broadcast %broadcast_in_dim3A_561 : f32 to vector<8x1x384xf32>
    %slice3A_563 = vector.extract_strided_slice %slice3A_560 {offsets = [0, 1, 0], sizes = [8, 7, 384], strides = [1, 1, 1]} : vector<8x8x384xf32> to vector<8x7x384xf32>
    %concatenate3A_564 = tpu.concatenate %slice3A_563, %broadcast_in_dim3A_562 in 1 : vector<8x7x384xf32>, vector<8x1x384xf32> -> vector<8x8x384xf32>
    %max3A_565 = arith.maximumf %slice3A_560, %concatenate3A_564 : vector<8x8x384xf32>
    %broadcast_in_dim3A_566 = arith.constant 0xFF800000 : f32
    %broadcast_in_dim3A_567 = vector.broadcast %broadcast_in_dim3A_566 : f32 to vector<8x2x384xf32>
    %slice3A_568 = vector.extract_strided_slice %max3A_565 {offsets = [0, 2, 0], sizes = [8, 6, 384], strides = [1, 1, 1]} : vector<8x8x384xf32> to vector<8x6x384xf32>
    %concatenate3A_569 = tpu.concatenate %slice3A_568, %broadcast_in_dim3A_567 in 1 : vector<8x6x384xf32>, vector<8x2x384xf32> -> vector<8x8x384xf32>
    %max3A_570 = arith.maximumf %max3A_565, %concatenate3A_569 : vector<8x8x384xf32>
    %broadcast_in_dim3A_571 = arith.constant 0xFF800000 : f32
    %broadcast_in_dim3A_572 = vector.broadcast %broadcast_in_dim3A_571 : f32 to vector<8x4x384xf32>
    %slice3A_573 = vector.extract_strided_slice %max3A_570 {offsets = [0, 4, 0], sizes = [8, 4, 384], strides = [1, 1, 1]} : vector<8x8x384xf32> to vector<8x4x384xf32>
    %concatenate3A_574 = tpu.concatenate %slice3A_573, %broadcast_in_dim3A_572 in 1 : vector<8x4x384xf32>, vector<8x4x384xf32> -> vector<8x8x384xf32>
    %max3A_575 = arith.maximumf %max3A_570, %concatenate3A_574 : vector<8x8x384xf32>
    %max3A_576 = vector.broadcast %slice3A_553 : vector<8x1x384xf32> to vector<8x8x384xf32>
    %max3A_577 = arith.maximumf %max3A_575, %max3A_576 : vector<8x8x384xf32>
    %slice3A_578 = vector.extract_strided_slice %max3A_577 {offsets = [0, 0, 0], sizes = [8, 1, 384], strides = [1, 1, 1]} : vector<8x8x384xf32> to vector<8x1x384xf32>
    %slice3A_579 = vector.extract_strided_slice %concatenate3A_113 {offsets = [0, 232, 0], sizes = [8, 8, 384], strides = [1, 1, 1]} : vector<8x384x384xf32> to vector<8x8x384xf32>
    %add3A_580 = arith.addf %max3A_577, %slice3A_579 : vector<8x8x384xf32>
    %swap3A_581 = arith.constant 0 : index
    %swap3A_582 = arith.constant 232 : index
    %swap3A_583 = arith.constant 0 : index
    %swap3A_584 = vector.load %arg2[%swap3A_581, %swap3A_582, %swap3A_583] : memref<8x384x384xf32, #tpu.memory_space<vmem>>, vector<8x8x384xf32>
    tpu.vector_store %arg2[%swap3A_581, %swap3A_582, %swap3A_583], %add3A_580 {strides = array<i32>} : memref<8x384x384xf32, #tpu.memory_space<vmem>>, vector<8x8x384xf32>,
    %slice3A_585 = vector.extract_strided_slice %get3A_2 {offsets = [0, 224, 0], sizes = [8, 8, 384], strides = [1, 1, 1]} : vector<8x384x384xf32> to vector<8x8x384xf32>
    %broadcast_in_dim3A_586 = arith.constant 0xFF800000 : f32
    %broadcast_in_dim3A_587 = vector.broadcast %broadcast_in_dim3A_586 : f32 to vector<8x1x384xf32>
    %slice3A_588 = vector.extract_strided_slice %slice3A_585 {offsets = [0, 1, 0], sizes = [8, 7, 384], strides = [1, 1, 1]} : vector<8x8x384xf32> to vector<8x7x384xf32>
    %concatenate3A_589 = tpu.concatenate %slice3A_588, %broadcast_in_dim3A_587 in 1 : vector<8x7x384xf32>, vector<8x1x384xf32> -> vector<8x8x384xf32>
    %max3A_590 = arith.maximumf %slice3A_585, %concatenate3A_589 : vector<8x8x384xf32>
    %broadcast_in_dim3A_591 = arith.constant 0xFF800000 : f32
    %broadcast_in_dim3A_592 = vector.broadcast %broadcast_in_dim3A_591 : f32 to vector<8x2x384xf32>
    %slice3A_593 = vector.extract_strided_slice %max3A_590 {offsets = [0, 2, 0], sizes = [8, 6, 384], strides = [1, 1, 1]} : vector<8x8x384xf32> to vector<8x6x384xf32>
    %concatenate3A_594 = tpu.concatenate %slice3A_593, %broadcast_in_dim3A_592 in 1 : vector<8x6x384xf32>, vector<8x2x384xf32> -> vector<8x8x384xf32>
    %max3A_595 = arith.maximumf %max3A_590, %concatenate3A_594 : vector<8x8x384xf32>
    %broadcast_in_dim3A_596 = arith.constant 0xFF800000 : f32
    %broadcast_in_dim3A_597 = vector.broadcast %broadcast_in_dim3A_596 : f32 to vector<8x4x384xf32>
    %slice3A_598 = vector.extract_strided_slice %max3A_595 {offsets = [0, 4, 0], sizes = [8, 4, 384], strides = [1, 1, 1]} : vector<8x8x384xf32> to vector<8x4x384xf32>
    %concatenate3A_599 = tpu.concatenate %slice3A_598, %broadcast_in_dim3A_597 in 1 : vector<8x4x384xf32>, vector<8x4x384xf32> -> vector<8x8x384xf32>
    %max3A_600 = arith.maximumf %max3A_595, %concatenate3A_599 : vector<8x8x384xf32>
    %max3A_601 = vector.broadcast %slice3A_578 : vector<8x1x384xf32> to vector<8x8x384xf32>
    %max3A_602 = arith.maximumf %max3A_600, %max3A_601 : vector<8x8x384xf32>
    %slice3A_603 = vector.extract_strided_slice %max3A_602 {offsets = [0, 0, 0], sizes = [8, 1, 384], strides = [1, 1, 1]} : vector<8x8x384xf32> to vector<8x1x384xf32>
    %slice3A_604 = vector.extract_strided_slice %concatenate3A_113 {offsets = [0, 224, 0], sizes = [8, 8, 384], strides = [1, 1, 1]} : vector<8x384x384xf32> to vector<8x8x384xf32>
    %add3A_605 = arith.addf %max3A_602, %slice3A_604 : vector<8x8x384xf32>
    %swap3A_606 = arith.constant 0 : index
    %swap3A_607 = arith.constant 224 : index
    %swap3A_608 = arith.constant 0 : index
    %swap3A_609 = vector.load %arg2[%swap3A_606, %swap3A_607, %swap3A_608] : memref<8x384x384xf32, #tpu.memory_space<vmem>>, vector<8x8x384xf32>
    tpu.vector_store %arg2[%swap3A_606, %swap3A_607, %swap3A_608], %add3A_605 {strides = array<i32>} : memref<8x384x384xf32, #tpu.memory_space<vmem>>, vector<8x8x384xf32>,
    %slice3A_610 = vector.extract_strided_slice %get3A_2 {offsets = [0, 216, 0], sizes = [8, 8, 384], strides = [1, 1, 1]} : vector<8x384x384xf32> to vector<8x8x384xf32>
    %broadcast_in_dim3A_611 = arith.constant 0xFF800000 : f32
    %broadcast_in_dim3A_612 = vector.broadcast %broadcast_in_dim3A_611 : f32 to vector<8x1x384xf32>
    %slice3A_613 = vector.extract_strided_slice %slice3A_610 {offsets = [0, 1, 0], sizes = [8, 7, 384], strides = [1, 1, 1]} : vector<8x8x384xf32> to vector<8x7x384xf32>
    %concatenate3A_614 = tpu.concatenate %slice3A_613, %broadcast_in_dim3A_612 in 1 : vector<8x7x384xf32>, vector<8x1x384xf32> -> vector<8x8x384xf32>
    %max3A_615 = arith.maximumf %slice3A_610, %concatenate3A_614 : vector<8x8x384xf32>
    %broadcast_in_dim3A_616 = arith.constant 0xFF800000 : f32
    %broadcast_in_dim3A_617 = vector.broadcast %broadcast_in_dim3A_616 : f32 to vector<8x2x384xf32>
    %slice3A_618 = vector.extract_strided_slice %max3A_615 {offsets = [0, 2, 0], sizes = [8, 6, 384], strides = [1, 1, 1]} : vector<8x8x384xf32> to vector<8x6x384xf32>
    %concatenate3A_619 = tpu.concatenate %slice3A_618, %broadcast_in_dim3A_617 in 1 : vector<8x6x384xf32>, vector<8x2x384xf32> -> vector<8x8x384xf32>
    %max3A_620 = arith.maximumf %max3A_615, %concatenate3A_619 : vector<8x8x384xf32>
    %broadcast_in_dim3A_621 = arith.constant 0xFF800000 : f32
    %broadcast_in_dim3A_622 = vector.broadcast %broadcast_in_dim3A_621 : f32 to vector<8x4x384xf32>
    %slice3A_623 = vector.extract_strided_slice %max3A_620 {offsets = [0, 4, 0], sizes = [8, 4, 384], strides = [1, 1, 1]} : vector<8x8x384xf32> to vector<8x4x384xf32>
    %concatenate3A_624 = tpu.concatenate %slice3A_623, %broadcast_in_dim3A_622 in 1 : vector<8x4x384xf32>, vector<8x4x384xf32> -> vector<8x8x384xf32>
    %max3A_625 = arith.maximumf %max3A_620, %concatenate3A_624 : vector<8x8x384xf32>
    %max3A_626 = vector.broadcast %slice3A_603 : vector<8x1x384xf32> to vector<8x8x384xf32>
    %max3A_627 = arith.maximumf %max3A_625, %max3A_626 : vector<8x8x384xf32>
    %slice3A_628 = vector.extract_strided_slice %max3A_627 {offsets = [0, 0, 0], sizes = [8, 1, 384], strides = [1, 1, 1]} : vector<8x8x384xf32> to vector<8x1x384xf32>
    %slice3A_629 = vector.extract_strided_slice %concatenate3A_113 {offsets = [0, 216, 0], sizes = [8, 8, 384], strides = [1, 1, 1]} : vector<8x384x384xf32> to vector<8x8x384xf32>
    %add3A_630 = arith.addf %max3A_627, %slice3A_629 : vector<8x8x384xf32>
    %swap3A_631 = arith.constant 0 : index
    %swap3A_632 = arith.constant 216 : index
    %swap3A_633 = arith.constant 0 : index
    %swap3A_634 = vector.load %arg2[%swap3A_631, %swap3A_632, %swap3A_633] : memref<8x384x384xf32, #tpu.memory_space<vmem>>, vector<8x8x384xf32>
    tpu.vector_store %arg2[%swap3A_631, %swap3A_632, %swap3A_633], %add3A_630 {strides = array<i32>} : memref<8x384x384xf32, #tpu.memory_space<vmem>>, vector<8x8x384xf32>,
    %slice3A_635 = vector.extract_strided_slice %get3A_2 {offsets = [0, 208, 0], sizes = [8, 8, 384], strides = [1, 1, 1]} : vector<8x384x384xf32> to vector<8x8x384xf32>
    %broadcast_in_dim3A_636 = arith.constant 0xFF800000 : f32
    %broadcast_in_dim3A_637 = vector.broadcast %broadcast_in_dim3A_636 : f32 to vector<8x1x384xf32>
    %slice3A_638 = vector.extract_strided_slice %slice3A_635 {offsets = [0, 1, 0], sizes = [8, 7, 384], strides = [1, 1, 1]} : vector<8x8x384xf32> to vector<8x7x384xf32>
    %concatenate3A_639 = tpu.concatenate %slice3A_638, %broadcast_in_dim3A_637 in 1 : vector<8x7x384xf32>, vector<8x1x384xf32> -> vector<8x8x384xf32>
    %max3A_640 = arith.maximumf %slice3A_635, %concatenate3A_639 : vector<8x8x384xf32>
    %broadcast_in_dim3A_641 = arith.constant 0xFF800000 : f32
    %broadcast_in_dim3A_642 = vector.broadcast %broadcast_in_dim3A_641 : f32 to vector<8x2x384xf32>
    %slice3A_643 = vector.extract_strided_slice %max3A_640 {offsets = [0, 2, 0], sizes = [8, 6, 384], strides = [1, 1, 1]} : vector<8x8x384xf32> to vector<8x6x384xf32>
    %concatenate3A_644 = tpu.concatenate %slice3A_643, %broadcast_in_dim3A_642 in 1 : vector<8x6x384xf32>, vector<8x2x384xf32> -> vector<8x8x384xf32>
    %max3A_645 = arith.maximumf %max3A_640, %concatenate3A_644 : vector<8x8x384xf32>
    %broadcast_in_dim3A_646 = arith.constant 0xFF800000 : f32
    %broadcast_in_dim3A_647 = vector.broadcast %broadcast_in_dim3A_646 : f32 to vector<8x4x384xf32>
    %slice3A_648 = vector.extract_strided_slice %max3A_645 {offsets = [0, 4, 0], sizes = [8, 4, 384], strides = [1, 1, 1]} : vector<8x8x384xf32> to vector<8x4x384xf32>
    %concatenate3A_649 = tpu.concatenate %slice3A_648, %broadcast_in_dim3A_647 in 1 : vector<8x4x384xf32>, vector<8x4x384xf32> -> vector<8x8x384xf32>
    %max3A_650 = arith.maximumf %max3A_645, %concatenate3A_649 : vector<8x8x384xf32>
    %max3A_651 = vector.broadcast %slice3A_628 : vector<8x1x384xf32> to vector<8x8x384xf32>
    %max3A_652 = arith.maximumf %max3A_650, %max3A_651 : vector<8x8x384xf32>
    %slice3A_653 = vector.extract_strided_slice %max3A_652 {offsets = [0, 0, 0], sizes = [8, 1, 384], strides = [1, 1, 1]} : vector<8x8x384xf32> to vector<8x1x384xf32>
    %slice3A_654 = vector.extract_strided_slice %concatenate3A_113 {offsets = [0, 208, 0], sizes = [8, 8, 384], strides = [1, 1, 1]} : vector<8x384x384xf32> to vector<8x8x384xf32>
    %add3A_655 = arith.addf %max3A_652, %slice3A_654 : vector<8x8x384xf32>
    %swap3A_656 = arith.constant 0 : index
    %swap3A_657 = arith.constant 208 : index
    %swap3A_658 = arith.constant 0 : index
    %swap3A_659 = vector.load %arg2[%swap3A_656, %swap3A_657, %swap3A_658] : memref<8x384x384xf32, #tpu.memory_space<vmem>>, vector<8x8x384xf32>
    tpu.vector_store %arg2[%swap3A_656, %swap3A_657, %swap3A_658], %add3A_655 {strides = array<i32>} : memref<8x384x384xf32, #tpu.memory_space<vmem>>, vector<8x8x384xf32>,
    %slice3A_660 = vector.extract_strided_slice %get3A_2 {offsets = [0, 200, 0], sizes = [8, 8, 384], strides = [1, 1, 1]} : vector<8x384x384xf32> to vector<8x8x384xf32>
    %broadcast_in_dim3A_661 = arith.constant 0xFF800000 : f32
    %broadcast_in_dim3A_662 = vector.broadcast %broadcast_in_dim3A_661 : f32 to vector<8x1x384xf32>
    %slice3A_663 = vector.extract_strided_slice %slice3A_660 {offsets = [0, 1, 0], sizes = [8, 7, 384], strides = [1, 1, 1]} : vector<8x8x384xf32> to vector<8x7x384xf32>
    %concatenate3A_664 = tpu.concatenate %slice3A_663, %broadcast_in_dim3A_662 in 1 : vector<8x7x384xf32>, vector<8x1x384xf32> -> vector<8x8x384xf32>
    %max3A_665 = arith.maximumf %slice3A_660, %concatenate3A_664 : vector<8x8x384xf32>
    %broadcast_in_dim3A_666 = arith.constant 0xFF800000 : f32
    %broadcast_in_dim3A_667 = vector.broadcast %broadcast_in_dim3A_666 : f32 to vector<8x2x384xf32>
    %slice3A_668 = vector.extract_strided_slice %max3A_665 {offsets = [0, 2, 0], sizes = [8, 6, 384], strides = [1, 1, 1]} : vector<8x8x384xf32> to vector<8x6x384xf32>
    %concatenate3A_669 = tpu.concatenate %slice3A_668, %broadcast_in_dim3A_667 in 1 : vector<8x6x384xf32>, vector<8x2x384xf32> -> vector<8x8x384xf32>
    %max3A_670 = arith.maximumf %max3A_665, %concatenate3A_669 : vector<8x8x384xf32>
    %broadcast_in_dim3A_671 = arith.constant 0xFF800000 : f32
    %broadcast_in_dim3A_672 = vector.broadcast %broadcast_in_dim3A_671 : f32 to vector<8x4x384xf32>
    %slice3A_673 = vector.extract_strided_slice %max3A_670 {offsets = [0, 4, 0], sizes = [8, 4, 384], strides = [1, 1, 1]} : vector<8x8x384xf32> to vector<8x4x384xf32>
    %concatenate3A_674 = tpu.concatenate %slice3A_673, %broadcast_in_dim3A_672 in 1 : vector<8x4x384xf32>, vector<8x4x384xf32> -> vector<8x8x384xf32>
    %max3A_675 = arith.maximumf %max3A_670, %concatenate3A_674 : vector<8x8x384xf32>
    %max3A_676 = vector.broadcast %slice3A_653 : vector<8x1x384xf32> to vector<8x8x384xf32>
    %max3A_677 = arith.maximumf %max3A_675, %max3A_676 : vector<8x8x384xf32>
    %slice3A_678 = vector.extract_strided_slice %max3A_677 {offsets = [0, 0, 0], sizes = [8, 1, 384], strides = [1, 1, 1]} : vector<8x8x384xf32> to vector<8x1x384xf32>
    %slice3A_679 = vector.extract_strided_slice %concatenate3A_113 {offsets = [0, 200, 0], sizes = [8, 8, 384], strides = [1, 1, 1]} : vector<8x384x384xf32> to vector<8x8x384xf32>
    %add3A_680 = arith.addf %max3A_677, %slice3A_679 : vector<8x8x384xf32>
    %swap3A_681 = arith.constant 0 : index
    %swap3A_682 = arith.constant 200 : index
    %swap3A_683 = arith.constant 0 : index
    %swap3A_684 = vector.load %arg2[%swap3A_681, %swap3A_682, %swap3A_683] : memref<8x384x384xf32, #tpu.memory_space<vmem>>, vector<8x8x384xf32>
    tpu.vector_store %arg2[%swap3A_681, %swap3A_682, %swap3A_683], %add3A_680 {strides = array<i32>} : memref<8x384x384xf32, #tpu.memory_space<vmem>>, vector<8x8x384xf32>,
    %slice3A_685 = vector.extract_strided_slice %get3A_2 {offsets = [0, 192, 0], sizes = [8, 8, 384], strides = [1, 1, 1]} : vector<8x384x384xf32> to vector<8x8x384xf32>
    %broadcast_in_dim3A_686 = arith.constant 0xFF800000 : f32
    %broadcast_in_dim3A_687 = vector.broadcast %broadcast_in_dim3A_686 : f32 to vector<8x1x384xf32>
    %slice3A_688 = vector.extract_strided_slice %slice3A_685 {offsets = [0, 1, 0], sizes = [8, 7, 384], strides = [1, 1, 1]} : vector<8x8x384xf32> to vector<8x7x384xf32>
    %concatenate3A_689 = tpu.concatenate %slice3A_688, %broadcast_in_dim3A_687 in 1 : vector<8x7x384xf32>, vector<8x1x384xf32> -> vector<8x8x384xf32>
    %max3A_690 = arith.maximumf %slice3A_685, %concatenate3A_689 : vector<8x8x384xf32>
    %broadcast_in_dim3A_691 = arith.constant 0xFF800000 : f32
    %broadcast_in_dim3A_692 = vector.broadcast %broadcast_in_dim3A_691 : f32 to vector<8x2x384xf32>
    %slice3A_693 = vector.extract_strided_slice %max3A_690 {offsets = [0, 2, 0], sizes = [8, 6, 384], strides = [1, 1, 1]} : vector<8x8x384xf32> to vector<8x6x384xf32>
    %concatenate3A_694 = tpu.concatenate %slice3A_693, %broadcast_in_dim3A_692 in 1 : vector<8x6x384xf32>, vector<8x2x384xf32> -> vector<8x8x384xf32>
    %max3A_695 = arith.maximumf %max3A_690, %concatenate3A_694 : vector<8x8x384xf32>
    %broadcast_in_dim3A_696 = arith.constant 0xFF800000 : f32
    %broadcast_in_dim3A_697 = vector.broadcast %broadcast_in_dim3A_696 : f32 to vector<8x4x384xf32>
    %slice3A_698 = vector.extract_strided_slice %max3A_695 {offsets = [0, 4, 0], sizes = [8, 4, 384], strides = [1, 1, 1]} : vector<8x8x384xf32> to vector<8x4x384xf32>
    %concatenate3A_699 = tpu.concatenate %slice3A_698, %broadcast_in_dim3A_697 in 1 : vector<8x4x384xf32>, vector<8x4x384xf32> -> vector<8x8x384xf32>
    %max3A_700 = arith.maximumf %max3A_695, %concatenate3A_699 : vector<8x8x384xf32>
    %max3A_701 = vector.broadcast %slice3A_678 : vector<8x1x384xf32> to vector<8x8x384xf32>
    %max3A_702 = arith.maximumf %max3A_700, %max3A_701 : vector<8x8x384xf32>
    %slice3A_703 = vector.extract_strided_slice %max3A_702 {offsets = [0, 0, 0], sizes = [8, 1, 384], strides = [1, 1, 1]} : vector<8x8x384xf32> to vector<8x1x384xf32>
    %slice3A_704 = vector.extract_strided_slice %concatenate3A_113 {offsets = [0, 192, 0], sizes = [8, 8, 384], strides = [1, 1, 1]} : vector<8x384x384xf32> to vector<8x8x384xf32>
    %add3A_705 = arith.addf %max3A_702, %slice3A_704 : vector<8x8x384xf32>
    %swap3A_706 = arith.constant 0 : index
    %swap3A_707 = arith.constant 192 : index
    %swap3A_708 = arith.constant 0 : index
    %swap3A_709 = vector.load %arg2[%swap3A_706, %swap3A_707, %swap3A_708] : memref<8x384x384xf32, #tpu.memory_space<vmem>>, vector<8x8x384xf32>
    tpu.vector_store %arg2[%swap3A_706, %swap3A_707, %swap3A_708], %add3A_705 {strides = array<i32>} : memref<8x384x384xf32, #tpu.memory_space<vmem>>, vector<8x8x384xf32>,
    %slice3A_710 = vector.extract_strided_slice %get3A_2 {offsets = [0, 184, 0], sizes = [8, 8, 384], strides = [1, 1, 1]} : vector<8x384x384xf32> to vector<8x8x384xf32>
    %broadcast_in_dim3A_711 = arith.constant 0xFF800000 : f32
    %broadcast_in_dim3A_712 = vector.broadcast %broadcast_in_dim3A_711 : f32 to vector<8x1x384xf32>
    %slice3A_713 = vector.extract_strided_slice %slice3A_710 {offsets = [0, 1, 0], sizes = [8, 7, 384], strides = [1, 1, 1]} : vector<8x8x384xf32> to vector<8x7x384xf32>
    %concatenate3A_714 = tpu.concatenate %slice3A_713, %broadcast_in_dim3A_712 in 1 : vector<8x7x384xf32>, vector<8x1x384xf32> -> vector<8x8x384xf32>
    %max3A_715 = arith.maximumf %slice3A_710, %concatenate3A_714 : vector<8x8x384xf32>
    %broadcast_in_dim3A_716 = arith.constant 0xFF800000 : f32
    %broadcast_in_dim3A_717 = vector.broadcast %broadcast_in_dim3A_716 : f32 to vector<8x2x384xf32>
    %slice3A_718 = vector.extract_strided_slice %max3A_715 {offsets = [0, 2, 0], sizes = [8, 6, 384], strides = [1, 1, 1]} : vector<8x8x384xf32> to vector<8x6x384xf32>
    %concatenate3A_719 = tpu.concatenate %slice3A_718, %broadcast_in_dim3A_717 in 1 : vector<8x6x384xf32>, vector<8x2x384xf32> -> vector<8x8x384xf32>
    %max3A_720 = arith.maximumf %max3A_715, %concatenate3A_719 : vector<8x8x384xf32>
    %broadcast_in_dim3A_721 = arith.constant 0xFF800000 : f32
    %broadcast_in_dim3A_722 = vector.broadcast %broadcast_in_dim3A_721 : f32 to vector<8x4x384xf32>
    %slice3A_723 = vector.extract_strided_slice %max3A_720 {offsets = [0, 4, 0], sizes = [8, 4, 384], strides = [1, 1, 1]} : vector<8x8x384xf32> to vector<8x4x384xf32>
    %concatenate3A_724 = tpu.concatenate %slice3A_723, %broadcast_in_dim3A_722 in 1 : vector<8x4x384xf32>, vector<8x4x384xf32> -> vector<8x8x384xf32>
    %max3A_725 = arith.maximumf %max3A_720, %concatenate3A_724 : vector<8x8x384xf32>
    %max3A_726 = vector.broadcast %slice3A_703 : vector<8x1x384xf32> to vector<8x8x384xf32>
    %max3A_727 = arith.maximumf %max3A_725, %max3A_726 : vector<8x8x384xf32>
    %slice3A_728 = vector.extract_strided_slice %max3A_727 {offsets = [0, 0, 0], sizes = [8, 1, 384], strides = [1, 1, 1]} : vector<8x8x384xf32> to vector<8x1x384xf32>
    %slice3A_729 = vector.extract_strided_slice %concatenate3A_113 {offsets = [0, 184, 0], sizes = [8, 8, 384], strides = [1, 1, 1]} : vector<8x384x384xf32> to vector<8x8x384xf32>
    %add3A_730 = arith.addf %max3A_727, %slice3A_729 : vector<8x8x384xf32>
    %swap3A_731 = arith.constant 0 : index
    %swap3A_732 = arith.constant 184 : index
    %swap3A_733 = arith.constant 0 : index
    %swap3A_734 = vector.load %arg2[%swap3A_731, %swap3A_732, %swap3A_733] : memref<8x384x384xf32, #tpu.memory_space<vmem>>, vector<8x8x384xf32>
    tpu.vector_store %arg2[%swap3A_731, %swap3A_732, %swap3A_733], %add3A_730 {strides = array<i32>} : memref<8x384x384xf32, #tpu.memory_space<vmem>>, vector<8x8x384xf32>,
    %slice3A_735 = vector.extract_strided_slice %get3A_2 {offsets = [0, 176, 0], sizes = [8, 8, 384], strides = [1, 1, 1]} : vector<8x384x384xf32> to vector<8x8x384xf32>
    %broadcast_in_dim3A_736 = arith.constant 0xFF800000 : f32
    %broadcast_in_dim3A_737 = vector.broadcast %broadcast_in_dim3A_736 : f32 to vector<8x1x384xf32>
    %slice3A_738 = vector.extract_strided_slice %slice3A_735 {offsets = [0, 1, 0], sizes = [8, 7, 384], strides = [1, 1, 1]} : vector<8x8x384xf32> to vector<8x7x384xf32>
    %concatenate3A_739 = tpu.concatenate %slice3A_738, %broadcast_in_dim3A_737 in 1 : vector<8x7x384xf32>, vector<8x1x384xf32> -> vector<8x8x384xf32>
    %max3A_740 = arith.maximumf %slice3A_735, %concatenate3A_739 : vector<8x8x384xf32>
    %broadcast_in_dim3A_741 = arith.constant 0xFF800000 : f32
    %broadcast_in_dim3A_742 = vector.broadcast %broadcast_in_dim3A_741 : f32 to vector<8x2x384xf32>
    %slice3A_743 = vector.extract_strided_slice %max3A_740 {offsets = [0, 2, 0], sizes = [8, 6, 384], strides = [1, 1, 1]} : vector<8x8x384xf32> to vector<8x6x384xf32>
    %concatenate3A_744 = tpu.concatenate %slice3A_743, %broadcast_in_dim3A_742 in 1 : vector<8x6x384xf32>, vector<8x2x384xf32> -> vector<8x8x384xf32>
    %max3A_745 = arith.maximumf %max3A_740, %concatenate3A_744 : vector<8x8x384xf32>
    %broadcast_in_dim3A_746 = arith.constant 0xFF800000 : f32
    %broadcast_in_dim3A_747 = vector.broadcast %broadcast_in_dim3A_746 : f32 to vector<8x4x384xf32>
    %slice3A_748 = vector.extract_strided_slice %max3A_745 {offsets = [0, 4, 0], sizes = [8, 4, 384], strides = [1, 1, 1]} : vector<8x8x384xf32> to vector<8x4x384xf32>
    %concatenate3A_749 = tpu.concatenate %slice3A_748, %broadcast_in_dim3A_747 in 1 : vector<8x4x384xf32>, vector<8x4x384xf32> -> vector<8x8x384xf32>
    %max3A_750 = arith.maximumf %max3A_745, %concatenate3A_749 : vector<8x8x384xf32>
    %max3A_751 = vector.broadcast %slice3A_728 : vector<8x1x384xf32> to vector<8x8x384xf32>
    %max3A_752 = arith.maximumf %max3A_750, %max3A_751 : vector<8x8x384xf32>
    %slice3A_753 = vector.extract_strided_slice %max3A_752 {offsets = [0, 0, 0], sizes = [8, 1, 384], strides = [1, 1, 1]} : vector<8x8x384xf32> to vector<8x1x384xf32>
    %slice3A_754 = vector.extract_strided_slice %concatenate3A_113 {offsets = [0, 176, 0], sizes = [8, 8, 384], strides = [1, 1, 1]} : vector<8x384x384xf32> to vector<8x8x384xf32>
    %add3A_755 = arith.addf %max3A_752, %slice3A_754 : vector<8x8x384xf32>
    %swap3A_756 = arith.constant 0 : index
    %swap3A_757 = arith.constant 176 : index
    %swap3A_758 = arith.constant 0 : index
    %swap3A_759 = vector.load %arg2[%swap3A_756, %swap3A_757, %swap3A_758] : memref<8x384x384xf32, #tpu.memory_space<vmem>>, vector<8x8x384xf32>
    tpu.vector_store %arg2[%swap3A_756, %swap3A_757, %swap3A_758], %add3A_755 {strides = array<i32>} : memref<8x384x384xf32, #tpu.memory_space<vmem>>, vector<8x8x384xf32>,
    %slice3A_760 = vector.extract_strided_slice %get3A_2 {offsets = [0, 168, 0], sizes = [8, 8, 384], strides = [1, 1, 1]} : vector<8x384x384xf32> to vector<8x8x384xf32>
    %broadcast_in_dim3A_761 = arith.constant 0xFF800000 : f32
    %broadcast_in_dim3A_762 = vector.broadcast %broadcast_in_dim3A_761 : f32 to vector<8x1x384xf32>
    %slice3A_763 = vector.extract_strided_slice %slice3A_760 {offsets = [0, 1, 0], sizes = [8, 7, 384], strides = [1, 1, 1]} : vector<8x8x384xf32> to vector<8x7x384xf32>
    %concatenate3A_764 = tpu.concatenate %slice3A_763, %broadcast_in_dim3A_762 in 1 : vector<8x7x384xf32>, vector<8x1x384xf32> -> vector<8x8x384xf32>
    %max3A_765 = arith.maximumf %slice3A_760, %concatenate3A_764 : vector<8x8x384xf32>
    %broadcast_in_dim3A_766 = arith.constant 0xFF800000 : f32
    %broadcast_in_dim3A_767 = vector.broadcast %broadcast_in_dim3A_766 : f32 to vector<8x2x384xf32>
    %slice3A_768 = vector.extract_strided_slice %max3A_765 {offsets = [0, 2, 0], sizes = [8, 6, 384], strides = [1, 1, 1]} : vector<8x8x384xf32> to vector<8x6x384xf32>
    %concatenate3A_769 = tpu.concatenate %slice3A_768, %broadcast_in_dim3A_767 in 1 : vector<8x6x384xf32>, vector<8x2x384xf32> -> vector<8x8x384xf32>
    %max3A_770 = arith.maximumf %max3A_765, %concatenate3A_769 : vector<8x8x384xf32>
    %broadcast_in_dim3A_771 = arith.constant 0xFF800000 : f32
    %broadcast_in_dim3A_772 = vector.broadcast %broadcast_in_dim3A_771 : f32 to vector<8x4x384xf32>
    %slice3A_773 = vector.extract_strided_slice %max3A_770 {offsets = [0, 4, 0], sizes = [8, 4, 384], strides = [1, 1, 1]} : vector<8x8x384xf32> to vector<8x4x384xf32>
    %concatenate3A_774 = tpu.concatenate %slice3A_773, %broadcast_in_dim3A_772 in 1 : vector<8x4x384xf32>, vector<8x4x384xf32> -> vector<8x8x384xf32>
    %max3A_775 = arith.maximumf %max3A_770, %concatenate3A_774 : vector<8x8x384xf32>
    %max3A_776 = vector.broadcast %slice3A_753 : vector<8x1x384xf32> to vector<8x8x384xf32>
    %max3A_777 = arith.maximumf %max3A_775, %max3A_776 : vector<8x8x384xf32>
    %slice3A_778 = vector.extract_strided_slice %max3A_777 {offsets = [0, 0, 0], sizes = [8, 1, 384], strides = [1, 1, 1]} : vector<8x8x384xf32> to vector<8x1x384xf32>
    %slice3A_779 = vector.extract_strided_slice %concatenate3A_113 {offsets = [0, 168, 0], sizes = [8, 8, 384], strides = [1, 1, 1]} : vector<8x384x384xf32> to vector<8x8x384xf32>
    %add3A_780 = arith.addf %max3A_777, %slice3A_779 : vector<8x8x384xf32>
    %swap3A_781 = arith.constant 0 : index
    %swap3A_782 = arith.constant 168 : index
    %swap3A_783 = arith.constant 0 : index
    %swap3A_784 = vector.load %arg2[%swap3A_781, %swap3A_782, %swap3A_783] : memref<8x384x384xf32, #tpu.memory_space<vmem>>, vector<8x8x384xf32>
    tpu.vector_store %arg2[%swap3A_781, %swap3A_782, %swap3A_783], %add3A_780 {strides = array<i32>} : memref<8x384x384xf32, #tpu.memory_space<vmem>>, vector<8x8x384xf32>,
    %slice3A_785 = vector.extract_strided_slice %get3A_2 {offsets = [0, 160, 0], sizes = [8, 8, 384], strides = [1, 1, 1]} : vector<8x384x384xf32> to vector<8x8x384xf32>
    %broadcast_in_dim3A_786 = arith.constant 0xFF800000 : f32
    %broadcast_in_dim3A_787 = vector.broadcast %broadcast_in_dim3A_786 : f32 to vector<8x1x384xf32>
    %slice3A_788 = vector.extract_strided_slice %slice3A_785 {offsets = [0, 1, 0], sizes = [8, 7, 384], strides = [1, 1, 1]} : vector<8x8x384xf32> to vector<8x7x384xf32>
    %concatenate3A_789 = tpu.concatenate %slice3A_788, %broadcast_in_dim3A_787 in 1 : vector<8x7x384xf32>, vector<8x1x384xf32> -> vector<8x8x384xf32>
    %max3A_790 = arith.maximumf %slice3A_785, %concatenate3A_789 : vector<8x8x384xf32>
    %broadcast_in_dim3A_791 = arith.constant 0xFF800000 : f32
    %broadcast_in_dim3A_792 = vector.broadcast %broadcast_in_dim3A_791 : f32 to vector<8x2x384xf32>
    %slice3A_793 = vector.extract_strided_slice %max3A_790 {offsets = [0, 2, 0], sizes = [8, 6, 384], strides = [1, 1, 1]} : vector<8x8x384xf32> to vector<8x6x384xf32>
    %concatenate3A_794 = tpu.concatenate %slice3A_793, %broadcast_in_dim3A_792 in 1 : vector<8x6x384xf32>, vector<8x2x384xf32> -> vector<8x8x384xf32>
    %max3A_795 = arith.maximumf %max3A_790, %concatenate3A_794 : vector<8x8x384xf32>
    %broadcast_in_dim3A_796 = arith.constant 0xFF800000 : f32
    %broadcast_in_dim3A_797 = vector.broadcast %broadcast_in_dim3A_796 : f32 to vector<8x4x384xf32>
    %slice3A_798 = vector.extract_strided_slice %max3A_795 {offsets = [0, 4, 0], sizes = [8, 4, 384], strides = [1, 1, 1]} : vector<8x8x384xf32> to vector<8x4x384xf32>
    %concatenate3A_799 = tpu.concatenate %slice3A_798, %broadcast_in_dim3A_797 in 1 : vector<8x4x384xf32>, vector<8x4x384xf32> -> vector<8x8x384xf32>
    %max3A_800 = arith.maximumf %max3A_795, %concatenate3A_799 : vector<8x8x384xf32>
    %max3A_801 = vector.broadcast %slice3A_778 : vector<8x1x384xf32> to vector<8x8x384xf32>
    %max3A_802 = arith.maximumf %max3A_800, %max3A_801 : vector<8x8x384xf32>
    %slice3A_803 = vector.extract_strided_slice %max3A_802 {offsets = [0, 0, 0], sizes = [8, 1, 384], strides = [1, 1, 1]} : vector<8x8x384xf32> to vector<8x1x384xf32>
    %slice3A_804 = vector.extract_strided_slice %concatenate3A_113 {offsets = [0, 160, 0], sizes = [8, 8, 384], strides = [1, 1, 1]} : vector<8x384x384xf32> to vector<8x8x384xf32>
    %add3A_805 = arith.addf %max3A_802, %slice3A_804 : vector<8x8x384xf32>
    %swap3A_806 = arith.constant 0 : index
    %swap3A_807 = arith.constant 160 : index
    %swap3A_808 = arith.constant 0 : index
    %swap3A_809 = vector.load %arg2[%swap3A_806, %swap3A_807, %swap3A_808] : memref<8x384x384xf32, #tpu.memory_space<vmem>>, vector<8x8x384xf32>
    tpu.vector_store %arg2[%swap3A_806, %swap3A_807, %swap3A_808], %add3A_805 {strides = array<i32>} : memref<8x384x384xf32, #tpu.memory_space<vmem>>, vector<8x8x384xf32>,
    %slice3A_810 = vector.extract_strided_slice %get3A_2 {offsets = [0, 152, 0], sizes = [8, 8, 384], strides = [1, 1, 1]} : vector<8x384x384xf32> to vector<8x8x384xf32>
    %broadcast_in_dim3A_811 = arith.constant 0xFF800000 : f32
    %broadcast_in_dim3A_812 = vector.broadcast %broadcast_in_dim3A_811 : f32 to vector<8x1x384xf32>
    %slice3A_813 = vector.extract_strided_slice %slice3A_810 {offsets = [0, 1, 0], sizes = [8, 7, 384], strides = [1, 1, 1]} : vector<8x8x384xf32> to vector<8x7x384xf32>
    %concatenate3A_814 = tpu.concatenate %slice3A_813, %broadcast_in_dim3A_812 in 1 : vector<8x7x384xf32>, vector<8x1x384xf32> -> vector<8x8x384xf32>
    %max3A_815 = arith.maximumf %slice3A_810, %concatenate3A_814 : vector<8x8x384xf32>
    %broadcast_in_dim3A_816 = arith.constant 0xFF800000 : f32
    %broadcast_in_dim3A_817 = vector.broadcast %broadcast_in_dim3A_816 : f32 to vector<8x2x384xf32>
    %slice3A_818 = vector.extract_strided_slice %max3A_815 {offsets = [0, 2, 0], sizes = [8, 6, 384], strides = [1, 1, 1]} : vector<8x8x384xf32> to vector<8x6x384xf32>
    %concatenate3A_819 = tpu.concatenate %slice3A_818, %broadcast_in_dim3A_817 in 1 : vector<8x6x384xf32>, vector<8x2x384xf32> -> vector<8x8x384xf32>
    %max3A_820 = arith.maximumf %max3A_815, %concatenate3A_819 : vector<8x8x384xf32>
    %broadcast_in_dim3A_821 = arith.constant 0xFF800000 : f32
    %broadcast_in_dim3A_822 = vector.broadcast %broadcast_in_dim3A_821 : f32 to vector<8x4x384xf32>
    %slice3A_823 = vector.extract_strided_slice %max3A_820 {offsets = [0, 4, 0], sizes = [8, 4, 384], strides = [1, 1, 1]} : vector<8x8x384xf32> to vector<8x4x384xf32>
    %concatenate3A_824 = tpu.concatenate %slice3A_823, %broadcast_in_dim3A_822 in 1 : vector<8x4x384xf32>, vector<8x4x384xf32> -> vector<8x8x384xf32>
    %max3A_825 = arith.maximumf %max3A_820, %concatenate3A_824 : vector<8x8x384xf32>
    %max3A_826 = vector.broadcast %slice3A_803 : vector<8x1x384xf32> to vector<8x8x384xf32>
    %max3A_827 = arith.maximumf %max3A_825, %max3A_826 : vector<8x8x384xf32>
    %slice3A_828 = vector.extract_strided_slice %max3A_827 {offsets = [0, 0, 0], sizes = [8, 1, 384], strides = [1, 1, 1]} : vector<8x8x384xf32> to vector<8x1x384xf32>
    %slice3A_829 = vector.extract_strided_slice %concatenate3A_113 {offsets = [0, 152, 0], sizes = [8, 8, 384], strides = [1, 1, 1]} : vector<8x384x384xf32> to vector<8x8x384xf32>
    %add3A_830 = arith.addf %max3A_827, %slice3A_829 : vector<8x8x384xf32>
    %swap3A_831 = arith.constant 0 : index
    %swap3A_832 = arith.constant 152 : index
    %swap3A_833 = arith.constant 0 : index
    %swap3A_834 = vector.load %arg2[%swap3A_831, %swap3A_832, %swap3A_833] : memref<8x384x384xf32, #tpu.memory_space<vmem>>, vector<8x8x384xf32>
    tpu.vector_store %arg2[%swap3A_831, %swap3A_832, %swap3A_833], %add3A_830 {strides = array<i32>} : memref<8x384x384xf32, #tpu.memory_space<vmem>>, vector<8x8x384xf32>,
    %slice3A_835 = vector.extract_strided_slice %get3A_2 {offsets = [0, 144, 0], sizes = [8, 8, 384], strides = [1, 1, 1]} : vector<8x384x384xf32> to vector<8x8x384xf32>
    %broadcast_in_dim3A_836 = arith.constant 0xFF800000 : f32
    %broadcast_in_dim3A_837 = vector.broadcast %broadcast_in_dim3A_836 : f32 to vector<8x1x384xf32>
    %slice3A_838 = vector.extract_strided_slice %slice3A_835 {offsets = [0, 1, 0], sizes = [8, 7, 384], strides = [1, 1, 1]} : vector<8x8x384xf32> to vector<8x7x384xf32>
    %concatenate3A_839 = tpu.concatenate %slice3A_838, %broadcast_in_dim3A_837 in 1 : vector<8x7x384xf32>, vector<8x1x384xf32> -> vector<8x8x384xf32>
    %max3A_840 = arith.maximumf %slice3A_835, %concatenate3A_839 : vector<8x8x384xf32>
    %broadcast_in_dim3A_841 = arith.constant 0xFF800000 : f32
    %broadcast_in_dim3A_842 = vector.broadcast %broadcast_in_dim3A_841 : f32 to vector<8x2x384xf32>
    %slice3A_843 = vector.extract_strided_slice %max3A_840 {offsets = [0, 2, 0], sizes = [8, 6, 384], strides = [1, 1, 1]} : vector<8x8x384xf32> to vector<8x6x384xf32>
    %concatenate3A_844 = tpu.concatenate %slice3A_843, %broadcast_in_dim3A_842 in 1 : vector<8x6x384xf32>, vector<8x2x384xf32> -> vector<8x8x384xf32>
    %max3A_845 = arith.maximumf %max3A_840, %concatenate3A_844 : vector<8x8x384xf32>
    %broadcast_in_dim3A_846 = arith.constant 0xFF800000 : f32
    %broadcast_in_dim3A_847 = vector.broadcast %broadcast_in_dim3A_846 : f32 to vector<8x4x384xf32>
    %slice3A_848 = vector.extract_strided_slice %max3A_845 {offsets = [0, 4, 0], sizes = [8, 4, 384], strides = [1, 1, 1]} : vector<8x8x384xf32> to vector<8x4x384xf32>
    %concatenate3A_849 = tpu.concatenate %slice3A_848, %broadcast_in_dim3A_847 in 1 : vector<8x4x384xf32>, vector<8x4x384xf32> -> vector<8x8x384xf32>
    %max3A_850 = arith.maximumf %max3A_845, %concatenate3A_849 : vector<8x8x384xf32>
    %max3A_851 = vector.broadcast %slice3A_828 : vector<8x1x384xf32> to vector<8x8x384xf32>
    %max3A_852 = arith.maximumf %max3A_850, %max3A_851 : vector<8x8x384xf32>
    %slice3A_853 = vector.extract_strided_slice %max3A_852 {offsets = [0, 0, 0], sizes = [8, 1, 384], strides = [1, 1, 1]} : vector<8x8x384xf32> to vector<8x1x384xf32>
    %slice3A_854 = vector.extract_strided_slice %concatenate3A_113 {offsets = [0, 144, 0], sizes = [8, 8, 384], strides = [1, 1, 1]} : vector<8x384x384xf32> to vector<8x8x384xf32>
    %add3A_855 = arith.addf %max3A_852, %slice3A_854 : vector<8x8x384xf32>
    %swap3A_856 = arith.constant 0 : index
    %swap3A_857 = arith.constant 144 : index
    %swap3A_858 = arith.constant 0 : index
    %swap3A_859 = vector.load %arg2[%swap3A_856, %swap3A_857, %swap3A_858] : memref<8x384x384xf32, #tpu.memory_space<vmem>>, vector<8x8x384xf32>
    tpu.vector_store %arg2[%swap3A_856, %swap3A_857, %swap3A_858], %add3A_855 {strides = array<i32>} : memref<8x384x384xf32, #tpu.memory_space<vmem>>, vector<8x8x384xf32>,
    %slice3A_860 = vector.extract_strided_slice %get3A_2 {offsets = [0, 136, 0], sizes = [8, 8, 384], strides = [1, 1, 1]} : vector<8x384x384xf32> to vector<8x8x384xf32>
    %broadcast_in_dim3A_861 = arith.constant 0xFF800000 : f32
    %broadcast_in_dim3A_862 = vector.broadcast %broadcast_in_dim3A_861 : f32 to vector<8x1x384xf32>
    %slice3A_863 = vector.extract_strided_slice %slice3A_860 {offsets = [0, 1, 0], sizes = [8, 7, 384], strides = [1, 1, 1]} : vector<8x8x384xf32> to vector<8x7x384xf32>
    %concatenate3A_864 = tpu.concatenate %slice3A_863, %broadcast_in_dim3A_862 in 1 : vector<8x7x384xf32>, vector<8x1x384xf32> -> vector<8x8x384xf32>
    %max3A_865 = arith.maximumf %slice3A_860, %concatenate3A_864 : vector<8x8x384xf32>
    %broadcast_in_dim3A_866 = arith.constant 0xFF800000 : f32
    %broadcast_in_dim3A_867 = vector.broadcast %broadcast_in_dim3A_866 : f32 to vector<8x2x384xf32>
    %slice3A_868 = vector.extract_strided_slice %max3A_865 {offsets = [0, 2, 0], sizes = [8, 6, 384], strides = [1, 1, 1]} : vector<8x8x384xf32> to vector<8x6x384xf32>
    %concatenate3A_869 = tpu.concatenate %slice3A_868, %broadcast_in_dim3A_867 in 1 : vector<8x6x384xf32>, vector<8x2x384xf32> -> vector<8x8x384xf32>
    %max3A_870 = arith.maximumf %max3A_865, %concatenate3A_869 : vector<8x8x384xf32>
    %broadcast_in_dim3A_871 = arith.constant 0xFF800000 : f32
    %broadcast_in_dim3A_872 = vector.broadcast %broadcast_in_dim3A_871 : f32 to vector<8x4x384xf32>
    %slice3A_873 = vector.extract_strided_slice %max3A_870 {offsets = [0, 4, 0], sizes = [8, 4, 384], strides = [1, 1, 1]} : vector<8x8x384xf32> to vector<8x4x384xf32>
    %concatenate3A_874 = tpu.concatenate %slice3A_873, %broadcast_in_dim3A_872 in 1 : vector<8x4x384xf32>, vector<8x4x384xf32> -> vector<8x8x384xf32>
    %max3A_875 = arith.maximumf %max3A_870, %concatenate3A_874 : vector<8x8x384xf32>
    %max3A_876 = vector.broadcast %slice3A_853 : vector<8x1x384xf32> to vector<8x8x384xf32>
    %max3A_877 = arith.maximumf %max3A_875, %max3A_876 : vector<8x8x384xf32>
    %slice3A_878 = vector.extract_strided_slice %max3A_877 {offsets = [0, 0, 0], sizes = [8, 1, 384], strides = [1, 1, 1]} : vector<8x8x384xf32> to vector<8x1x384xf32>
    %slice3A_879 = vector.extract_strided_slice %concatenate3A_113 {offsets = [0, 136, 0], sizes = [8, 8, 384], strides = [1, 1, 1]} : vector<8x384x384xf32> to vector<8x8x384xf32>
    %add3A_880 = arith.addf %max3A_877, %slice3A_879 : vector<8x8x384xf32>
    %swap3A_881 = arith.constant 0 : index
    %swap3A_882 = arith.constant 136 : index
    %swap3A_883 = arith.constant 0 : index
    %swap3A_884 = vector.load %arg2[%swap3A_881, %swap3A_882, %swap3A_883] : memref<8x384x384xf32, #tpu.memory_space<vmem>>, vector<8x8x384xf32>
    tpu.vector_store %arg2[%swap3A_881, %swap3A_882, %swap3A_883], %add3A_880 {strides = array<i32>} : memref<8x384x384xf32, #tpu.memory_space<vmem>>, vector<8x8x384xf32>,
    %slice3A_885 = vector.extract_strided_slice %get3A_2 {offsets = [0, 128, 0], sizes = [8, 8, 384], strides = [1, 1, 1]} : vector<8x384x384xf32> to vector<8x8x384xf32>
    %broadcast_in_dim3A_886 = arith.constant 0xFF800000 : f32
    %broadcast_in_dim3A_887 = vector.broadcast %broadcast_in_dim3A_886 : f32 to vector<8x1x384xf32>
    %slice3A_888 = vector.extract_strided_slice %slice3A_885 {offsets = [0, 1, 0], sizes = [8, 7, 384], strides = [1, 1, 1]} : vector<8x8x384xf32> to vector<8x7x384xf32>
    %concatenate3A_889 = tpu.concatenate %slice3A_888, %broadcast_in_dim3A_887 in 1 : vector<8x7x384xf32>, vector<8x1x384xf32> -> vector<8x8x384xf32>
    %max3A_890 = arith.maximumf %slice3A_885, %concatenate3A_889 : vector<8x8x384xf32>
    %broadcast_in_dim3A_891 = arith.constant 0xFF800000 : f32
    %broadcast_in_dim3A_892 = vector.broadcast %broadcast_in_dim3A_891 : f32 to vector<8x2x384xf32>
    %slice3A_893 = vector.extract_strided_slice %max3A_890 {offsets = [0, 2, 0], sizes = [8, 6, 384], strides = [1, 1, 1]} : vector<8x8x384xf32> to vector<8x6x384xf32>
    %concatenate3A_894 = tpu.concatenate %slice3A_893, %broadcast_in_dim3A_892 in 1 : vector<8x6x384xf32>, vector<8x2x384xf32> -> vector<8x8x384xf32>
    %max3A_895 = arith.maximumf %max3A_890, %concatenate3A_894 : vector<8x8x384xf32>
    %broadcast_in_dim3A_896 = arith.constant 0xFF800000 : f32
    %broadcast_in_dim3A_897 = vector.broadcast %broadcast_in_dim3A_896 : f32 to vector<8x4x384xf32>
    %slice3A_898 = vector.extract_strided_slice %max3A_895 {offsets = [0, 4, 0], sizes = [8, 4, 384], strides = [1, 1, 1]} : vector<8x8x384xf32> to vector<8x4x384xf32>
    %concatenate3A_899 = tpu.concatenate %slice3A_898, %broadcast_in_dim3A_897 in 1 : vector<8x4x384xf32>, vector<8x4x384xf32> -> vector<8x8x384xf32>
    %max3A_900 = arith.maximumf %max3A_895, %concatenate3A_899 : vector<8x8x384xf32>
    %max3A_901 = vector.broadcast %slice3A_878 : vector<8x1x384xf32> to vector<8x8x384xf32>
    %max3A_902 = arith.maximumf %max3A_900, %max3A_901 : vector<8x8x384xf32>
    %slice3A_903 = vector.extract_strided_slice %max3A_902 {offsets = [0, 0, 0], sizes = [8, 1, 384], strides = [1, 1, 1]} : vector<8x8x384xf32> to vector<8x1x384xf32>
    %slice3A_904 = vector.extract_strided_slice %concatenate3A_113 {offsets = [0, 128, 0], sizes = [8, 8, 384], strides = [1, 1, 1]} : vector<8x384x384xf32> to vector<8x8x384xf32>
    %add3A_905 = arith.addf %max3A_902, %slice3A_904 : vector<8x8x384xf32>
    %swap3A_906 = arith.constant 0 : index
    %swap3A_907 = arith.constant 128 : index
    %swap3A_908 = arith.constant 0 : index
    %swap3A_909 = vector.load %arg2[%swap3A_906, %swap3A_907, %swap3A_908] : memref<8x384x384xf32, #tpu.memory_space<vmem>>, vector<8x8x384xf32>
    tpu.vector_store %arg2[%swap3A_906, %swap3A_907, %swap3A_908], %add3A_905 {strides = array<i32>} : memref<8x384x384xf32, #tpu.memory_space<vmem>>, vector<8x8x384xf32>,
    %slice3A_910 = vector.extract_strided_slice %get3A_2 {offsets = [0, 120, 0], sizes = [8, 8, 384], strides = [1, 1, 1]} : vector<8x384x384xf32> to vector<8x8x384xf32>
    %broadcast_in_dim3A_911 = arith.constant 0xFF800000 : f32
    %broadcast_in_dim3A_912 = vector.broadcast %broadcast_in_dim3A_911 : f32 to vector<8x1x384xf32>
    %slice3A_913 = vector.extract_strided_slice %slice3A_910 {offsets = [0, 1, 0], sizes = [8, 7, 384], strides = [1, 1, 1]} : vector<8x8x384xf32> to vector<8x7x384xf32>
    %concatenate3A_914 = tpu.concatenate %slice3A_913, %broadcast_in_dim3A_912 in 1 : vector<8x7x384xf32>, vector<8x1x384xf32> -> vector<8x8x384xf32>
    %max3A_915 = arith.maximumf %slice3A_910, %concatenate3A_914 : vector<8x8x384xf32>
    %broadcast_in_dim3A_916 = arith.constant 0xFF800000 : f32
    %broadcast_in_dim3A_917 = vector.broadcast %broadcast_in_dim3A_916 : f32 to vector<8x2x384xf32>
    %slice3A_918 = vector.extract_strided_slice %max3A_915 {offsets = [0, 2, 0], sizes = [8, 6, 384], strides = [1, 1, 1]} : vector<8x8x384xf32> to vector<8x6x384xf32>
    %concatenate3A_919 = tpu.concatenate %slice3A_918, %broadcast_in_dim3A_917 in 1 : vector<8x6x384xf32>, vector<8x2x384xf32> -> vector<8x8x384xf32>
    %max3A_920 = arith.maximumf %max3A_915, %concatenate3A_919 : vector<8x8x384xf32>
    %broadcast_in_dim3A_921 = arith.constant 0xFF800000 : f32
    %broadcast_in_dim3A_922 = vector.broadcast %broadcast_in_dim3A_921 : f32 to vector<8x4x384xf32>
    %slice3A_923 = vector.extract_strided_slice %max3A_920 {offsets = [0, 4, 0], sizes = [8, 4, 384], strides = [1, 1, 1]} : vector<8x8x384xf32> to vector<8x4x384xf32>
    %concatenate3A_924 = tpu.concatenate %slice3A_923, %broadcast_in_dim3A_922 in 1 : vector<8x4x384xf32>, vector<8x4x384xf32> -> vector<8x8x384xf32>
    %max3A_925 = arith.maximumf %max3A_920, %concatenate3A_924 : vector<8x8x384xf32>
    %max3A_926 = vector.broadcast %slice3A_903 : vector<8x1x384xf32> to vector<8x8x384xf32>
    %max3A_927 = arith.maximumf %max3A_925, %max3A_926 : vector<8x8x384xf32>
    %slice3A_928 = vector.extract_strided_slice %max3A_927 {offsets = [0, 0, 0], sizes = [8, 1, 384], strides = [1, 1, 1]} : vector<8x8x384xf32> to vector<8x1x384xf32>
    %slice3A_929 = vector.extract_strided_slice %concatenate3A_113 {offsets = [0, 120, 0], sizes = [8, 8, 384], strides = [1, 1, 1]} : vector<8x384x384xf32> to vector<8x8x384xf32>
    %add3A_930 = arith.addf %max3A_927, %slice3A_929 : vector<8x8x384xf32>
    %swap3A_931 = arith.constant 0 : index
    %swap3A_932 = arith.constant 120 : index
    %swap3A_933 = arith.constant 0 : index
    %swap3A_934 = vector.load %arg2[%swap3A_931, %swap3A_932, %swap3A_933] : memref<8x384x384xf32, #tpu.memory_space<vmem>>, vector<8x8x384xf32>
    tpu.vector_store %arg2[%swap3A_931, %swap3A_932, %swap3A_933], %add3A_930 {strides = array<i32>} : memref<8x384x384xf32, #tpu.memory_space<vmem>>, vector<8x8x384xf32>,
    %slice3A_935 = vector.extract_strided_slice %get3A_2 {offsets = [0, 112, 0], sizes = [8, 8, 384], strides = [1, 1, 1]} : vector<8x384x384xf32> to vector<8x8x384xf32>
    %broadcast_in_dim3A_936 = arith.constant 0xFF800000 : f32
    %broadcast_in_dim3A_937 = vector.broadcast %broadcast_in_dim3A_936 : f32 to vector<8x1x384xf32>
    %slice3A_938 = vector.extract_strided_slice %slice3A_935 {offsets = [0, 1, 0], sizes = [8, 7, 384], strides = [1, 1, 1]} : vector<8x8x384xf32> to vector<8x7x384xf32>
    %concatenate3A_939 = tpu.concatenate %slice3A_938, %broadcast_in_dim3A_937 in 1 : vector<8x7x384xf32>, vector<8x1x384xf32> -> vector<8x8x384xf32>
    %max3A_940 = arith.maximumf %slice3A_935, %concatenate3A_939 : vector<8x8x384xf32>
    %broadcast_in_dim3A_941 = arith.constant 0xFF800000 : f32
    %broadcast_in_dim3A_942 = vector.broadcast %broadcast_in_dim3A_941 : f32 to vector<8x2x384xf32>
    %slice3A_943 = vector.extract_strided_slice %max3A_940 {offsets = [0, 2, 0], sizes = [8, 6, 384], strides = [1, 1, 1]} : vector<8x8x384xf32> to vector<8x6x384xf32>
    %concatenate3A_944 = tpu.concatenate %slice3A_943, %broadcast_in_dim3A_942 in 1 : vector<8x6x384xf32>, vector<8x2x384xf32> -> vector<8x8x384xf32>
    %max3A_945 = arith.maximumf %max3A_940, %concatenate3A_944 : vector<8x8x384xf32>
    %broadcast_in_dim3A_946 = arith.constant 0xFF800000 : f32
    %broadcast_in_dim3A_947 = vector.broadcast %broadcast_in_dim3A_946 : f32 to vector<8x4x384xf32>
    %slice3A_948 = vector.extract_strided_slice %max3A_945 {offsets = [0, 4, 0], sizes = [8, 4, 384], strides = [1, 1, 1]} : vector<8x8x384xf32> to vector<8x4x384xf32>
    %concatenate3A_949 = tpu.concatenate %slice3A_948, %broadcast_in_dim3A_947 in 1 : vector<8x4x384xf32>, vector<8x4x384xf32> -> vector<8x8x384xf32>
    %max3A_950 = arith.maximumf %max3A_945, %concatenate3A_949 : vector<8x8x384xf32>
    %max3A_951 = vector.broadcast %slice3A_928 : vector<8x1x384xf32> to vector<8x8x384xf32>
    %max3A_952 = arith.maximumf %max3A_950, %max3A_951 : vector<8x8x384xf32>
    %slice3A_953 = vector.extract_strided_slice %max3A_952 {offsets = [0, 0, 0], sizes = [8, 1, 384], strides = [1, 1, 1]} : vector<8x8x384xf32> to vector<8x1x384xf32>
    %slice3A_954 = vector.extract_strided_slice %concatenate3A_113 {offsets = [0, 112, 0], sizes = [8, 8, 384], strides = [1, 1, 1]} : vector<8x384x384xf32> to vector<8x8x384xf32>
    %add3A_955 = arith.addf %max3A_952, %slice3A_954 : vector<8x8x384xf32>
    %swap3A_956 = arith.constant 0 : index
    %swap3A_957 = arith.constant 112 : index
    %swap3A_958 = arith.constant 0 : index
    %swap3A_959 = vector.load %arg2[%swap3A_956, %swap3A_957, %swap3A_958] : memref<8x384x384xf32, #tpu.memory_space<vmem>>, vector<8x8x384xf32>
    tpu.vector_store %arg2[%swap3A_956, %swap3A_957, %swap3A_958], %add3A_955 {strides = array<i32>} : memref<8x384x384xf32, #tpu.memory_space<vmem>>, vector<8x8x384xf32>,
    %slice3A_960 = vector.extract_strided_slice %get3A_2 {offsets = [0, 104, 0], sizes = [8, 8, 384], strides = [1, 1, 1]} : vector<8x384x384xf32> to vector<8x8x384xf32>
    %broadcast_in_dim3A_961 = arith.constant 0xFF800000 : f32
    %broadcast_in_dim3A_962 = vector.broadcast %broadcast_in_dim3A_961 : f32 to vector<8x1x384xf32>
    %slice3A_963 = vector.extract_strided_slice %slice3A_960 {offsets = [0, 1, 0], sizes = [8, 7, 384], strides = [1, 1, 1]} : vector<8x8x384xf32> to vector<8x7x384xf32>
    %concatenate3A_964 = tpu.concatenate %slice3A_963, %broadcast_in_dim3A_962 in 1 : vector<8x7x384xf32>, vector<8x1x384xf32> -> vector<8x8x384xf32>
    %max3A_965 = arith.maximumf %slice3A_960, %concatenate3A_964 : vector<8x8x384xf32>
    %broadcast_in_dim3A_966 = arith.constant 0xFF800000 : f32
    %broadcast_in_dim3A_967 = vector.broadcast %broadcast_in_dim3A_966 : f32 to vector<8x2x384xf32>
    %slice3A_968 = vector.extract_strided_slice %max3A_965 {offsets = [0, 2, 0], sizes = [8, 6, 384], strides = [1, 1, 1]} : vector<8x8x384xf32> to vector<8x6x384xf32>
    %concatenate3A_969 = tpu.concatenate %slice3A_968, %broadcast_in_dim3A_967 in 1 : vector<8x6x384xf32>, vector<8x2x384xf32> -> vector<8x8x384xf32>
    %max3A_970 = arith.maximumf %max3A_965, %concatenate3A_969 : vector<8x8x384xf32>
    %broadcast_in_dim3A_971 = arith.constant 0xFF800000 : f32
    %broadcast_in_dim3A_972 = vector.broadcast %broadcast_in_dim3A_971 : f32 to vector<8x4x384xf32>
    %slice3A_973 = vector.extract_strided_slice %max3A_970 {offsets = [0, 4, 0], sizes = [8, 4, 384], strides = [1, 1, 1]} : vector<8x8x384xf32> to vector<8x4x384xf32>
    %concatenate3A_974 = tpu.concatenate %slice3A_973, %broadcast_in_dim3A_972 in 1 : vector<8x4x384xf32>, vector<8x4x384xf32> -> vector<8x8x384xf32>
    %max3A_975 = arith.maximumf %max3A_970, %concatenate3A_974 : vector<8x8x384xf32>
    %max3A_976 = vector.broadcast %slice3A_953 : vector<8x1x384xf32> to vector<8x8x384xf32>
    %max3A_977 = arith.maximumf %max3A_975, %max3A_976 : vector<8x8x384xf32>
    %slice3A_978 = vector.extract_strided_slice %max3A_977 {offsets = [0, 0, 0], sizes = [8, 1, 384], strides = [1, 1, 1]} : vector<8x8x384xf32> to vector<8x1x384xf32>
    %slice3A_979 = vector.extract_strided_slice %concatenate3A_113 {offsets = [0, 104, 0], sizes = [8, 8, 384], strides = [1, 1, 1]} : vector<8x384x384xf32> to vector<8x8x384xf32>
    %add3A_980 = arith.addf %max3A_977, %slice3A_979 : vector<8x8x384xf32>
    %swap3A_981 = arith.constant 0 : index
    %swap3A_982 = arith.constant 104 : index
    %swap3A_983 = arith.constant 0 : index
    %swap3A_984 = vector.load %arg2[%swap3A_981, %swap3A_982, %swap3A_983] : memref<8x384x384xf32, #tpu.memory_space<vmem>>, vector<8x8x384xf32>
    tpu.vector_store %arg2[%swap3A_981, %swap3A_982, %swap3A_983], %add3A_980 {strides = array<i32>} : memref<8x384x384xf32, #tpu.memory_space<vmem>>, vector<8x8x384xf32>,
    %slice3A_985 = vector.extract_strided_slice %get3A_2 {offsets = [0, 96, 0], sizes = [8, 8, 384], strides = [1, 1, 1]} : vector<8x384x384xf32> to vector<8x8x384xf32>
    %broadcast_in_dim3A_986 = arith.constant 0xFF800000 : f32
    %broadcast_in_dim3A_987 = vector.broadcast %broadcast_in_dim3A_986 : f32 to vector<8x1x384xf32>
    %slice3A_988 = vector.extract_strided_slice %slice3A_985 {offsets = [0, 1, 0], sizes = [8, 7, 384], strides = [1, 1, 1]} : vector<8x8x384xf32> to vector<8x7x384xf32>
    %concatenate3A_989 = tpu.concatenate %slice3A_988, %broadcast_in_dim3A_987 in 1 : vector<8x7x384xf32>, vector<8x1x384xf32> -> vector<8x8x384xf32>
    %max3A_990 = arith.maximumf %slice3A_985, %concatenate3A_989 : vector<8x8x384xf32>
    %broadcast_in_dim3A_991 = arith.constant 0xFF800000 : f32
    %broadcast_in_dim3A_992 = vector.broadcast %broadcast_in_dim3A_991 : f32 to vector<8x2x384xf32>
    %slice3A_993 = vector.extract_strided_slice %max3A_990 {offsets = [0, 2, 0], sizes = [8, 6, 384], strides = [1, 1, 1]} : vector<8x8x384xf32> to vector<8x6x384xf32>
    %concatenate3A_994 = tpu.concatenate %slice3A_993, %broadcast_in_dim3A_992 in 1 : vector<8x6x384xf32>, vector<8x2x384xf32> -> vector<8x8x384xf32>
    %max3A_995 = arith.maximumf %max3A_990, %concatenate3A_994 : vector<8x8x384xf32>
    %broadcast_in_dim3A_996 = arith.constant 0xFF800000 : f32
    %broadcast_in_dim3A_997 = vector.broadcast %broadcast_in_dim3A_996 : f32 to vector<8x4x384xf32>
    %slice3A_998 = vector.extract_strided_slice %max3A_995 {offsets = [0, 4, 0], sizes = [8, 4, 384], strides = [1, 1, 1]} : vector<8x8x384xf32> to vector<8x4x384xf32>
    %concatenate3A_999 = tpu.concatenate %slice3A_998, %broadcast_in_dim3A_997 in 1 : vector<8x4x384xf32>, vector<8x4x384xf32> -> vector<8x8x384xf32>
    %max3A_1000 = arith.maximumf %max3A_995, %concatenate3A_999 : vector<8x8x384xf32>
    %max3A_1001 = vector.broadcast %slice3A_978 : vector<8x1x384xf32> to vector<8x8x384xf32>
    %max3A_1002 = arith.maximumf %max3A_1000, %max3A_1001 : vector<8x8x384xf32>
    %slice3A_1003 = vector.extract_strided_slice %max3A_1002 {offsets = [0, 0, 0], sizes = [8, 1, 384], strides = [1, 1, 1]} : vector<8x8x384xf32> to vector<8x1x384xf32>
    %slice3A_1004 = vector.extract_strided_slice %concatenate3A_113 {offsets = [0, 96, 0], sizes = [8, 8, 384], strides = [1, 1, 1]} : vector<8x384x384xf32> to vector<8x8x384xf32>
    %add3A_1005 = arith.addf %max3A_1002, %slice3A_1004 : vector<8x8x384xf32>
    %swap3A_1006 = arith.constant 0 : index
    %swap3A_1007 = arith.constant 96 : index
    %swap3A_1008 = arith.constant 0 : index
    %swap3A_1009 = vector.load %arg2[%swap3A_1006, %swap3A_1007, %swap3A_1008] : memref<8x384x384xf32, #tpu.memory_space<vmem>>, vector<8x8x384xf32>
    tpu.vector_store %arg2[%swap3A_1006, %swap3A_1007, %swap3A_1008], %add3A_1005 {strides = array<i32>} : memref<8x384x384xf32, #tpu.memory_space<vmem>>, vector<8x8x384xf32>,
    %slice3A_1010 = vector.extract_strided_slice %get3A_2 {offsets = [0, 88, 0], sizes = [8, 8, 384], strides = [1, 1, 1]} : vector<8x384x384xf32> to vector<8x8x384xf32>
    %broadcast_in_dim3A_1011 = arith.constant 0xFF800000 : f32
    %broadcast_in_dim3A_1012 = vector.broadcast %broadcast_in_dim3A_1011 : f32 to vector<8x1x384xf32>
    %slice3A_1013 = vector.extract_strided_slice %slice3A_1010 {offsets = [0, 1, 0], sizes = [8, 7, 384], strides = [1, 1, 1]} : vector<8x8x384xf32> to vector<8x7x384xf32>
    %concatenate3A_1014 = tpu.concatenate %slice3A_1013, %broadcast_in_dim3A_1012 in 1 : vector<8x7x384xf32>, vector<8x1x384xf32> -> vector<8x8x384xf32>
    %max3A_1015 = arith.maximumf %slice3A_1010, %concatenate3A_1014 : vector<8x8x384xf32>
    %broadcast_in_dim3A_1016 = arith.constant 0xFF800000 : f32
    %broadcast_in_dim3A_1017 = vector.broadcast %broadcast_in_dim3A_1016 : f32 to vector<8x2x384xf32>
    %slice3A_1018 = vector.extract_strided_slice %max3A_1015 {offsets = [0, 2, 0], sizes = [8, 6, 384], strides = [1, 1, 1]} : vector<8x8x384xf32> to vector<8x6x384xf32>
    %concatenate3A_1019 = tpu.concatenate %slice3A_1018, %broadcast_in_dim3A_1017 in 1 : vector<8x6x384xf32>, vector<8x2x384xf32> -> vector<8x8x384xf32>
    %max3A_1020 = arith.maximumf %max3A_1015, %concatenate3A_1019 : vector<8x8x384xf32>
    %broadcast_in_dim3A_1021 = arith.constant 0xFF800000 : f32
    %broadcast_in_dim3A_1022 = vector.broadcast %broadcast_in_dim3A_1021 : f32 to vector<8x4x384xf32>
    %slice3A_1023 = vector.extract_strided_slice %max3A_1020 {offsets = [0, 4, 0], sizes = [8, 4, 384], strides = [1, 1, 1]} : vector<8x8x384xf32> to vector<8x4x384xf32>
    %concatenate3A_1024 = tpu.concatenate %slice3A_1023, %broadcast_in_dim3A_1022 in 1 : vector<8x4x384xf32>, vector<8x4x384xf32> -> vector<8x8x384xf32>
    %max3A_1025 = arith.maximumf %max3A_1020, %concatenate3A_1024 : vector<8x8x384xf32>
    %max3A_1026 = vector.broadcast %slice3A_1003 : vector<8x1x384xf32> to vector<8x8x384xf32>
    %max3A_1027 = arith.maximumf %max3A_1025, %max3A_1026 : vector<8x8x384xf32>
    %slice3A_1028 = vector.extract_strided_slice %max3A_1027 {offsets = [0, 0, 0], sizes = [8, 1, 384], strides = [1, 1, 1]} : vector<8x8x384xf32> to vector<8x1x384xf32>
    %slice3A_1029 = vector.extract_strided_slice %concatenate3A_113 {offsets = [0, 88, 0], sizes = [8, 8, 384], strides = [1, 1, 1]} : vector<8x384x384xf32> to vector<8x8x384xf32>
    %add3A_1030 = arith.addf %max3A_1027, %slice3A_1029 : vector<8x8x384xf32>
    %swap3A_1031 = arith.constant 0 : index
    %swap3A_1032 = arith.constant 88 : index
    %swap3A_1033 = arith.constant 0 : index
    %swap3A_1034 = vector.load %arg2[%swap3A_1031, %swap3A_1032, %swap3A_1033] : memref<8x384x384xf32, #tpu.memory_space<vmem>>, vector<8x8x384xf32>
    tpu.vector_store %arg2[%swap3A_1031, %swap3A_1032, %swap3A_1033], %add3A_1030 {strides = array<i32>} : memref<8x384x384xf32, #tpu.memory_space<vmem>>, vector<8x8x384xf32>,
    %slice3A_1035 = vector.extract_strided_slice %get3A_2 {offsets = [0, 80, 0], sizes = [8, 8, 384], strides = [1, 1, 1]} : vector<8x384x384xf32> to vector<8x8x384xf32>
    %broadcast_in_dim3A_1036 = arith.constant 0xFF800000 : f32
    %broadcast_in_dim3A_1037 = vector.broadcast %broadcast_in_dim3A_1036 : f32 to vector<8x1x384xf32>
    %slice3A_1038 = vector.extract_strided_slice %slice3A_1035 {offsets = [0, 1, 0], sizes = [8, 7, 384], strides = [1, 1, 1]} : vector<8x8x384xf32> to vector<8x7x384xf32>
    %concatenate3A_1039 = tpu.concatenate %slice3A_1038, %broadcast_in_dim3A_1037 in 1 : vector<8x7x384xf32>, vector<8x1x384xf32> -> vector<8x8x384xf32>
    %max3A_1040 = arith.maximumf %slice3A_1035, %concatenate3A_1039 : vector<8x8x384xf32>
    %broadcast_in_dim3A_1041 = arith.constant 0xFF800000 : f32
    %broadcast_in_dim3A_1042 = vector.broadcast %broadcast_in_dim3A_1041 : f32 to vector<8x2x384xf32>
    %slice3A_1043 = vector.extract_strided_slice %max3A_1040 {offsets = [0, 2, 0], sizes = [8, 6, 384], strides = [1, 1, 1]} : vector<8x8x384xf32> to vector<8x6x384xf32>
    %concatenate3A_1044 = tpu.concatenate %slice3A_1043, %broadcast_in_dim3A_1042 in 1 : vector<8x6x384xf32>, vector<8x2x384xf32> -> vector<8x8x384xf32>
    %max3A_1045 = arith.maximumf %max3A_1040, %concatenate3A_1044 : vector<8x8x384xf32>
    %broadcast_in_dim3A_1046 = arith.constant 0xFF800000 : f32
    %broadcast_in_dim3A_1047 = vector.broadcast %broadcast_in_dim3A_1046 : f32 to vector<8x4x384xf32>
    %slice3A_1048 = vector.extract_strided_slice %max3A_1045 {offsets = [0, 4, 0], sizes = [8, 4, 384], strides = [1, 1, 1]} : vector<8x8x384xf32> to vector<8x4x384xf32>
    %concatenate3A_1049 = tpu.concatenate %slice3A_1048, %broadcast_in_dim3A_1047 in 1 : vector<8x4x384xf32>, vector<8x4x384xf32> -> vector<8x8x384xf32>
    %max3A_1050 = arith.maximumf %max3A_1045, %concatenate3A_1049 : vector<8x8x384xf32>
    %max3A_1051 = vector.broadcast %slice3A_1028 : vector<8x1x384xf32> to vector<8x8x384xf32>
    %max3A_1052 = arith.maximumf %max3A_1050, %max3A_1051 : vector<8x8x384xf32>
    %slice3A_1053 = vector.extract_strided_slice %max3A_1052 {offsets = [0, 0, 0], sizes = [8, 1, 384], strides = [1, 1, 1]} : vector<8x8x384xf32> to vector<8x1x384xf32>
    %slice3A_1054 = vector.extract_strided_slice %concatenate3A_113 {offsets = [0, 80, 0], sizes = [8, 8, 384], strides = [1, 1, 1]} : vector<8x384x384xf32> to vector<8x8x384xf32>
    %add3A_1055 = arith.addf %max3A_1052, %slice3A_1054 : vector<8x8x384xf32>
    %swap3A_1056 = arith.constant 0 : index
    %swap3A_1057 = arith.constant 80 : index
    %swap3A_1058 = arith.constant 0 : index
    %swap3A_1059 = vector.load %arg2[%swap3A_1056, %swap3A_1057, %swap3A_1058] : memref<8x384x384xf32, #tpu.memory_space<vmem>>, vector<8x8x384xf32>
    tpu.vector_store %arg2[%swap3A_1056, %swap3A_1057, %swap3A_1058], %add3A_1055 {strides = array<i32>} : memref<8x384x384xf32, #tpu.memory_space<vmem>>, vector<8x8x384xf32>,
    %slice3A_1060 = vector.extract_strided_slice %get3A_2 {offsets = [0, 72, 0], sizes = [8, 8, 384], strides = [1, 1, 1]} : vector<8x384x384xf32> to vector<8x8x384xf32>
    %broadcast_in_dim3A_1061 = arith.constant 0xFF800000 : f32
    %broadcast_in_dim3A_1062 = vector.broadcast %broadcast_in_dim3A_1061 : f32 to vector<8x1x384xf32>
    %slice3A_1063 = vector.extract_strided_slice %slice3A_1060 {offsets = [0, 1, 0], sizes = [8, 7, 384], strides = [1, 1, 1]} : vector<8x8x384xf32> to vector<8x7x384xf32>
    %concatenate3A_1064 = tpu.concatenate %slice3A_1063, %broadcast_in_dim3A_1062 in 1 : vector<8x7x384xf32>, vector<8x1x384xf32> -> vector<8x8x384xf32>
    %max3A_1065 = arith.maximumf %slice3A_1060, %concatenate3A_1064 : vector<8x8x384xf32>
    %broadcast_in_dim3A_1066 = arith.constant 0xFF800000 : f32
    %broadcast_in_dim3A_1067 = vector.broadcast %broadcast_in_dim3A_1066 : f32 to vector<8x2x384xf32>
    %slice3A_1068 = vector.extract_strided_slice %max3A_1065 {offsets = [0, 2, 0], sizes = [8, 6, 384], strides = [1, 1, 1]} : vector<8x8x384xf32> to vector<8x6x384xf32>
    %concatenate3A_1069 = tpu.concatenate %slice3A_1068, %broadcast_in_dim3A_1067 in 1 : vector<8x6x384xf32>, vector<8x2x384xf32> -> vector<8x8x384xf32>
    %max3A_1070 = arith.maximumf %max3A_1065, %concatenate3A_1069 : vector<8x8x384xf32>
    %broadcast_in_dim3A_1071 = arith.constant 0xFF800000 : f32
    %broadcast_in_dim3A_1072 = vector.broadcast %broadcast_in_dim3A_1071 : f32 to vector<8x4x384xf32>
    %slice3A_1073 = vector.extract_strided_slice %max3A_1070 {offsets = [0, 4, 0], sizes = [8, 4, 384], strides = [1, 1, 1]} : vector<8x8x384xf32> to vector<8x4x384xf32>
    %concatenate3A_1074 = tpu.concatenate %slice3A_1073, %broadcast_in_dim3A_1072 in 1 : vector<8x4x384xf32>, vector<8x4x384xf32> -> vector<8x8x384xf32>
    %max3A_1075 = arith.maximumf %max3A_1070, %concatenate3A_1074 : vector<8x8x384xf32>
    %max3A_1076 = vector.broadcast %slice3A_1053 : vector<8x1x384xf32> to vector<8x8x384xf32>
    %max3A_1077 = arith.maximumf %max3A_1075, %max3A_1076 : vector<8x8x384xf32>
    %slice3A_1078 = vector.extract_strided_slice %max3A_1077 {offsets = [0, 0, 0], sizes = [8, 1, 384], strides = [1, 1, 1]} : vector<8x8x384xf32> to vector<8x1x384xf32>
    %slice3A_1079 = vector.extract_strided_slice %concatenate3A_113 {offsets = [0, 72, 0], sizes = [8, 8, 384], strides = [1, 1, 1]} : vector<8x384x384xf32> to vector<8x8x384xf32>
    %add3A_1080 = arith.addf %max3A_1077, %slice3A_1079 : vector<8x8x384xf32>
    %swap3A_1081 = arith.constant 0 : index
    %swap3A_1082 = arith.constant 72 : index
    %swap3A_1083 = arith.constant 0 : index
    %swap3A_1084 = vector.load %arg2[%swap3A_1081, %swap3A_1082, %swap3A_1083] : memref<8x384x384xf32, #tpu.memory_space<vmem>>, vector<8x8x384xf32>
    tpu.vector_store %arg2[%swap3A_1081, %swap3A_1082, %swap3A_1083], %add3A_1080 {strides = array<i32>} : memref<8x384x384xf32, #tpu.memory_space<vmem>>, vector<8x8x384xf32>,
    %slice3A_1085 = vector.extract_strided_slice %get3A_2 {offsets = [0, 64, 0], sizes = [8, 8, 384], strides = [1, 1, 1]} : vector<8x384x384xf32> to vector<8x8x384xf32>
    %broadcast_in_dim3A_1086 = arith.constant 0xFF800000 : f32
    %broadcast_in_dim3A_1087 = vector.broadcast %broadcast_in_dim3A_1086 : f32 to vector<8x1x384xf32>
    %slice3A_1088 = vector.extract_strided_slice %slice3A_1085 {offsets = [0, 1, 0], sizes = [8, 7, 384], strides = [1, 1, 1]} : vector<8x8x384xf32> to vector<8x7x384xf32>
    %concatenate3A_1089 = tpu.concatenate %slice3A_1088, %broadcast_in_dim3A_1087 in 1 : vector<8x7x384xf32>, vector<8x1x384xf32> -> vector<8x8x384xf32>
    %max3A_1090 = arith.maximumf %slice3A_1085, %concatenate3A_1089 : vector<8x8x384xf32>
    %broadcast_in_dim3A_1091 = arith.constant 0xFF800000 : f32
    %broadcast_in_dim3A_1092 = vector.broadcast %broadcast_in_dim3A_1091 : f32 to vector<8x2x384xf32>
    %slice3A_1093 = vector.extract_strided_slice %max3A_1090 {offsets = [0, 2, 0], sizes = [8, 6, 384], strides = [1, 1, 1]} : vector<8x8x384xf32> to vector<8x6x384xf32>
    %concatenate3A_1094 = tpu.concatenate %slice3A_1093, %broadcast_in_dim3A_1092 in 1 : vector<8x6x384xf32>, vector<8x2x384xf32> -> vector<8x8x384xf32>
    %max3A_1095 = arith.maximumf %max3A_1090, %concatenate3A_1094 : vector<8x8x384xf32>
    %broadcast_in_dim3A_1096 = arith.constant 0xFF800000 : f32
    %broadcast_in_dim3A_1097 = vector.broadcast %broadcast_in_dim3A_1096 : f32 to vector<8x4x384xf32>
    %slice3A_1098 = vector.extract_strided_slice %max3A_1095 {offsets = [0, 4, 0], sizes = [8, 4, 384], strides = [1, 1, 1]} : vector<8x8x384xf32> to vector<8x4x384xf32>
    %concatenate3A_1099 = tpu.concatenate %slice3A_1098, %broadcast_in_dim3A_1097 in 1 : vector<8x4x384xf32>, vector<8x4x384xf32> -> vector<8x8x384xf32>
    %max3A_1100 = arith.maximumf %max3A_1095, %concatenate3A_1099 : vector<8x8x384xf32>
    %max3A_1101 = vector.broadcast %slice3A_1078 : vector<8x1x384xf32> to vector<8x8x384xf32>
    %max3A_1102 = arith.maximumf %max3A_1100, %max3A_1101 : vector<8x8x384xf32>
    %slice3A_1103 = vector.extract_strided_slice %max3A_1102 {offsets = [0, 0, 0], sizes = [8, 1, 384], strides = [1, 1, 1]} : vector<8x8x384xf32> to vector<8x1x384xf32>
    %slice3A_1104 = vector.extract_strided_slice %concatenate3A_113 {offsets = [0, 64, 0], sizes = [8, 8, 384], strides = [1, 1, 1]} : vector<8x384x384xf32> to vector<8x8x384xf32>
    %add3A_1105 = arith.addf %max3A_1102, %slice3A_1104 : vector<8x8x384xf32>
    %swap3A_1106 = arith.constant 0 : index
    %swap3A_1107 = arith.constant 64 : index
    %swap3A_1108 = arith.constant 0 : index
    %swap3A_1109 = vector.load %arg2[%swap3A_1106, %swap3A_1107, %swap3A_1108] : memref<8x384x384xf32, #tpu.memory_space<vmem>>, vector<8x8x384xf32>
    tpu.vector_store %arg2[%swap3A_1106, %swap3A_1107, %swap3A_1108], %add3A_1105 {strides = array<i32>} : memref<8x384x384xf32, #tpu.memory_space<vmem>>, vector<8x8x384xf32>,
    %slice3A_1110 = vector.extract_strided_slice %get3A_2 {offsets = [0, 56, 0], sizes = [8, 8, 384], strides = [1, 1, 1]} : vector<8x384x384xf32> to vector<8x8x384xf32>
    %broadcast_in_dim3A_1111 = arith.constant 0xFF800000 : f32
    %broadcast_in_dim3A_1112 = vector.broadcast %broadcast_in_dim3A_1111 : f32 to vector<8x1x384xf32>
    %slice3A_1113 = vector.extract_strided_slice %slice3A_1110 {offsets = [0, 1, 0], sizes = [8, 7, 384], strides = [1, 1, 1]} : vector<8x8x384xf32> to vector<8x7x384xf32>
    %concatenate3A_1114 = tpu.concatenate %slice3A_1113, %broadcast_in_dim3A_1112 in 1 : vector<8x7x384xf32>, vector<8x1x384xf32> -> vector<8x8x384xf32>
    %max3A_1115 = arith.maximumf %slice3A_1110, %concatenate3A_1114 : vector<8x8x384xf32>
    %broadcast_in_dim3A_1116 = arith.constant 0xFF800000 : f32
    %broadcast_in_dim3A_1117 = vector.broadcast %broadcast_in_dim3A_1116 : f32 to vector<8x2x384xf32>
    %slice3A_1118 = vector.extract_strided_slice %max3A_1115 {offsets = [0, 2, 0], sizes = [8, 6, 384], strides = [1, 1, 1]} : vector<8x8x384xf32> to vector<8x6x384xf32>
    %concatenate3A_1119 = tpu.concatenate %slice3A_1118, %broadcast_in_dim3A_1117 in 1 : vector<8x6x384xf32>, vector<8x2x384xf32> -> vector<8x8x384xf32>
    %max3A_1120 = arith.maximumf %max3A_1115, %concatenate3A_1119 : vector<8x8x384xf32>
    %broadcast_in_dim3A_1121 = arith.constant 0xFF800000 : f32
    %broadcast_in_dim3A_1122 = vector.broadcast %broadcast_in_dim3A_1121 : f32 to vector<8x4x384xf32>
    %slice3A_1123 = vector.extract_strided_slice %max3A_1120 {offsets = [0, 4, 0], sizes = [8, 4, 384], strides = [1, 1, 1]} : vector<8x8x384xf32> to vector<8x4x384xf32>
    %concatenate3A_1124 = tpu.concatenate %slice3A_1123, %broadcast_in_dim3A_1122 in 1 : vector<8x4x384xf32>, vector<8x4x384xf32> -> vector<8x8x384xf32>
    %max3A_1125 = arith.maximumf %max3A_1120, %concatenate3A_1124 : vector<8x8x384xf32>
    %max3A_1126 = vector.broadcast %slice3A_1103 : vector<8x1x384xf32> to vector<8x8x384xf32>
    %max3A_1127 = arith.maximumf %max3A_1125, %max3A_1126 : vector<8x8x384xf32>
    %slice3A_1128 = vector.extract_strided_slice %max3A_1127 {offsets = [0, 0, 0], sizes = [8, 1, 384], strides = [1, 1, 1]} : vector<8x8x384xf32> to vector<8x1x384xf32>
    %slice3A_1129 = vector.extract_strided_slice %concatenate3A_113 {offsets = [0, 56, 0], sizes = [8, 8, 384], strides = [1, 1, 1]} : vector<8x384x384xf32> to vector<8x8x384xf32>
    %add3A_1130 = arith.addf %max3A_1127, %slice3A_1129 : vector<8x8x384xf32>
    %swap3A_1131 = arith.constant 0 : index
    %swap3A_1132 = arith.constant 56 : index
    %swap3A_1133 = arith.constant 0 : index
    %swap3A_1134 = vector.load %arg2[%swap3A_1131, %swap3A_1132, %swap3A_1133] : memref<8x384x384xf32, #tpu.memory_space<vmem>>, vector<8x8x384xf32>
    tpu.vector_store %arg2[%swap3A_1131, %swap3A_1132, %swap3A_1133], %add3A_1130 {strides = array<i32>} : memref<8x384x384xf32, #tpu.memory_space<vmem>>, vector<8x8x384xf32>,
    %slice3A_1135 = vector.extract_strided_slice %get3A_2 {offsets = [0, 48, 0], sizes = [8, 8, 384], strides = [1, 1, 1]} : vector<8x384x384xf32> to vector<8x8x384xf32>
    %broadcast_in_dim3A_1136 = arith.constant 0xFF800000 : f32
    %broadcast_in_dim3A_1137 = vector.broadcast %broadcast_in_dim3A_1136 : f32 to vector<8x1x384xf32>
    %slice3A_1138 = vector.extract_strided_slice %slice3A_1135 {offsets = [0, 1, 0], sizes = [8, 7, 384], strides = [1, 1, 1]} : vector<8x8x384xf32> to vector<8x7x384xf32>
    %concatenate3A_1139 = tpu.concatenate %slice3A_1138, %broadcast_in_dim3A_1137 in 1 : vector<8x7x384xf32>, vector<8x1x384xf32> -> vector<8x8x384xf32>
    %max3A_1140 = arith.maximumf %slice3A_1135, %concatenate3A_1139 : vector<8x8x384xf32>
    %broadcast_in_dim3A_1141 = arith.constant 0xFF800000 : f32
    %broadcast_in_dim3A_1142 = vector.broadcast %broadcast_in_dim3A_1141 : f32 to vector<8x2x384xf32>
    %slice3A_1143 = vector.extract_strided_slice %max3A_1140 {offsets = [0, 2, 0], sizes = [8, 6, 384], strides = [1, 1, 1]} : vector<8x8x384xf32> to vector<8x6x384xf32>
    %concatenate3A_1144 = tpu.concatenate %slice3A_1143, %broadcast_in_dim3A_1142 in 1 : vector<8x6x384xf32>, vector<8x2x384xf32> -> vector<8x8x384xf32>
    %max3A_1145 = arith.maximumf %max3A_1140, %concatenate3A_1144 : vector<8x8x384xf32>
    %broadcast_in_dim3A_1146 = arith.constant 0xFF800000 : f32
    %broadcast_in_dim3A_1147 = vector.broadcast %broadcast_in_dim3A_1146 : f32 to vector<8x4x384xf32>
    %slice3A_1148 = vector.extract_strided_slice %max3A_1145 {offsets = [0, 4, 0], sizes = [8, 4, 384], strides = [1, 1, 1]} : vector<8x8x384xf32> to vector<8x4x384xf32>
    %concatenate3A_1149 = tpu.concatenate %slice3A_1148, %broadcast_in_dim3A_1147 in 1 : vector<8x4x384xf32>, vector<8x4x384xf32> -> vector<8x8x384xf32>
    %max3A_1150 = arith.maximumf %max3A_1145, %concatenate3A_1149 : vector<8x8x384xf32>
    %max3A_1151 = vector.broadcast %slice3A_1128 : vector<8x1x384xf32> to vector<8x8x384xf32>
    %max3A_1152 = arith.maximumf %max3A_1150, %max3A_1151 : vector<8x8x384xf32>
    %slice3A_1153 = vector.extract_strided_slice %max3A_1152 {offsets = [0, 0, 0], sizes = [8, 1, 384], strides = [1, 1, 1]} : vector<8x8x384xf32> to vector<8x1x384xf32>
    %slice3A_1154 = vector.extract_strided_slice %concatenate3A_113 {offsets = [0, 48, 0], sizes = [8, 8, 384], strides = [1, 1, 1]} : vector<8x384x384xf32> to vector<8x8x384xf32>
    %add3A_1155 = arith.addf %max3A_1152, %slice3A_1154 : vector<8x8x384xf32>
    %swap3A_1156 = arith.constant 0 : index
    %swap3A_1157 = arith.constant 48 : index
    %swap3A_1158 = arith.constant 0 : index
    %swap3A_1159 = vector.load %arg2[%swap3A_1156, %swap3A_1157, %swap3A_1158] : memref<8x384x384xf32, #tpu.memory_space<vmem>>, vector<8x8x384xf32>
    tpu.vector_store %arg2[%swap3A_1156, %swap3A_1157, %swap3A_1158], %add3A_1155 {strides = array<i32>} : memref<8x384x384xf32, #tpu.memory_space<vmem>>, vector<8x8x384xf32>,
    %slice3A_1160 = vector.extract_strided_slice %get3A_2 {offsets = [0, 40, 0], sizes = [8, 8, 384], strides = [1, 1, 1]} : vector<8x384x384xf32> to vector<8x8x384xf32>
    %broadcast_in_dim3A_1161 = arith.constant 0xFF800000 : f32
    %broadcast_in_dim3A_1162 = vector.broadcast %broadcast_in_dim3A_1161 : f32 to vector<8x1x384xf32>
    %slice3A_1163 = vector.extract_strided_slice %slice3A_1160 {offsets = [0, 1, 0], sizes = [8, 7, 384], strides = [1, 1, 1]} : vector<8x8x384xf32> to vector<8x7x384xf32>
    %concatenate3A_1164 = tpu.concatenate %slice3A_1163, %broadcast_in_dim3A_1162 in 1 : vector<8x7x384xf32>, vector<8x1x384xf32> -> vector<8x8x384xf32>
    %max3A_1165 = arith.maximumf %slice3A_1160, %concatenate3A_1164 : vector<8x8x384xf32>
    %broadcast_in_dim3A_1166 = arith.constant 0xFF800000 : f32
    %broadcast_in_dim3A_1167 = vector.broadcast %broadcast_in_dim3A_1166 : f32 to vector<8x2x384xf32>
    %slice3A_1168 = vector.extract_strided_slice %max3A_1165 {offsets = [0, 2, 0], sizes = [8, 6, 384], strides = [1, 1, 1]} : vector<8x8x384xf32> to vector<8x6x384xf32>
    %concatenate3A_1169 = tpu.concatenate %slice3A_1168, %broadcast_in_dim3A_1167 in 1 : vector<8x6x384xf32>, vector<8x2x384xf32> -> vector<8x8x384xf32>
    %max3A_1170 = arith.maximumf %max3A_1165, %concatenate3A_1169 : vector<8x8x384xf32>
    %broadcast_in_dim3A_1171 = arith.constant 0xFF800000 : f32
    %broadcast_in_dim3A_1172 = vector.broadcast %broadcast_in_dim3A_1171 : f32 to vector<8x4x384xf32>
    %slice3A_1173 = vector.extract_strided_slice %max3A_1170 {offsets = [0, 4, 0], sizes = [8, 4, 384], strides = [1, 1, 1]} : vector<8x8x384xf32> to vector<8x4x384xf32>
    %concatenate3A_1174 = tpu.concatenate %slice3A_1173, %broadcast_in_dim3A_1172 in 1 : vector<8x4x384xf32>, vector<8x4x384xf32> -> vector<8x8x384xf32>
    %max3A_1175 = arith.maximumf %max3A_1170, %concatenate3A_1174 : vector<8x8x384xf32>
    %max3A_1176 = vector.broadcast %slice3A_1153 : vector<8x1x384xf32> to vector<8x8x384xf32>
    %max3A_1177 = arith.maximumf %max3A_1175, %max3A_1176 : vector<8x8x384xf32>
    %slice3A_1178 = vector.extract_strided_slice %max3A_1177 {offsets = [0, 0, 0], sizes = [8, 1, 384], strides = [1, 1, 1]} : vector<8x8x384xf32> to vector<8x1x384xf32>
    %slice3A_1179 = vector.extract_strided_slice %concatenate3A_113 {offsets = [0, 40, 0], sizes = [8, 8, 384], strides = [1, 1, 1]} : vector<8x384x384xf32> to vector<8x8x384xf32>
    %add3A_1180 = arith.addf %max3A_1177, %slice3A_1179 : vector<8x8x384xf32>
    %swap3A_1181 = arith.constant 0 : index
    %swap3A_1182 = arith.constant 40 : index
    %swap3A_1183 = arith.constant 0 : index
    %swap3A_1184 = vector.load %arg2[%swap3A_1181, %swap3A_1182, %swap3A_1183] : memref<8x384x384xf32, #tpu.memory_space<vmem>>, vector<8x8x384xf32>
    tpu.vector_store %arg2[%swap3A_1181, %swap3A_1182, %swap3A_1183], %add3A_1180 {strides = array<i32>} : memref<8x384x384xf32, #tpu.memory_space<vmem>>, vector<8x8x384xf32>,
    %slice3A_1185 = vector.extract_strided_slice %get3A_2 {offsets = [0, 32, 0], sizes = [8, 8, 384], strides = [1, 1, 1]} : vector<8x384x384xf32> to vector<8x8x384xf32>
    %broadcast_in_dim3A_1186 = arith.constant 0xFF800000 : f32
    %broadcast_in_dim3A_1187 = vector.broadcast %broadcast_in_dim3A_1186 : f32 to vector<8x1x384xf32>
    %slice3A_1188 = vector.extract_strided_slice %slice3A_1185 {offsets = [0, 1, 0], sizes = [8, 7, 384], strides = [1, 1, 1]} : vector<8x8x384xf32> to vector<8x7x384xf32>
    %concatenate3A_1189 = tpu.concatenate %slice3A_1188, %broadcast_in_dim3A_1187 in 1 : vector<8x7x384xf32>, vector<8x1x384xf32> -> vector<8x8x384xf32>
    %max3A_1190 = arith.maximumf %slice3A_1185, %concatenate3A_1189 : vector<8x8x384xf32>
    %broadcast_in_dim3A_1191 = arith.constant 0xFF800000 : f32
    %broadcast_in_dim3A_1192 = vector.broadcast %broadcast_in_dim3A_1191 : f32 to vector<8x2x384xf32>
    %slice3A_1193 = vector.extract_strided_slice %max3A_1190 {offsets = [0, 2, 0], sizes = [8, 6, 384], strides = [1, 1, 1]} : vector<8x8x384xf32> to vector<8x6x384xf32>
    %concatenate3A_1194 = tpu.concatenate %slice3A_1193, %broadcast_in_dim3A_1192 in 1 : vector<8x6x384xf32>, vector<8x2x384xf32> -> vector<8x8x384xf32>
    %max3A_1195 = arith.maximumf %max3A_1190, %concatenate3A_1194 : vector<8x8x384xf32>
    %broadcast_in_dim3A_1196 = arith.constant 0xFF800000 : f32
    %broadcast_in_dim3A_1197 = vector.broadcast %broadcast_in_dim3A_1196 : f32 to vector<8x4x384xf32>
    %slice3A_1198 = vector.extract_strided_slice %max3A_1195 {offsets = [0, 4, 0], sizes = [8, 4, 384], strides = [1, 1, 1]} : vector<8x8x384xf32> to vector<8x4x384xf32>
    %concatenate3A_1199 = tpu.concatenate %slice3A_1198, %broadcast_in_dim3A_1197 in 1 : vector<8x4x384xf32>, vector<8x4x384xf32> -> vector<8x8x384xf32>
    %max3A_1200 = arith.maximumf %max3A_1195, %concatenate3A_1199 : vector<8x8x384xf32>
    %max3A_1201 = vector.broadcast %slice3A_1178 : vector<8x1x384xf32> to vector<8x8x384xf32>
    %max3A_1202 = arith.maximumf %max3A_1200, %max3A_1201 : vector<8x8x384xf32>
    %slice3A_1203 = vector.extract_strided_slice %max3A_1202 {offsets = [0, 0, 0], sizes = [8, 1, 384], strides = [1, 1, 1]} : vector<8x8x384xf32> to vector<8x1x384xf32>
    %slice3A_1204 = vector.extract_strided_slice %concatenate3A_113 {offsets = [0, 32, 0], sizes = [8, 8, 384], strides = [1, 1, 1]} : vector<8x384x384xf32> to vector<8x8x384xf32>
    %add3A_1205 = arith.addf %max3A_1202, %slice3A_1204 : vector<8x8x384xf32>
    %swap3A_1206 = arith.constant 0 : index
    %swap3A_1207 = arith.constant 32 : index
    %swap3A_1208 = arith.constant 0 : index
    %swap3A_1209 = vector.load %arg2[%swap3A_1206, %swap3A_1207, %swap3A_1208] : memref<8x384x384xf32, #tpu.memory_space<vmem>>, vector<8x8x384xf32>
    tpu.vector_store %arg2[%swap3A_1206, %swap3A_1207, %swap3A_1208], %add3A_1205 {strides = array<i32>} : memref<8x384x384xf32, #tpu.memory_space<vmem>>, vector<8x8x384xf32>,
    %slice3A_1210 = vector.extract_strided_slice %get3A_2 {offsets = [0, 24, 0], sizes = [8, 8, 384], strides = [1, 1, 1]} : vector<8x384x384xf32> to vector<8x8x384xf32>
    %broadcast_in_dim3A_1211 = arith.constant 0xFF800000 : f32
    %broadcast_in_dim3A_1212 = vector.broadcast %broadcast_in_dim3A_1211 : f32 to vector<8x1x384xf32>
    %slice3A_1213 = vector.extract_strided_slice %slice3A_1210 {offsets = [0, 1, 0], sizes = [8, 7, 384], strides = [1, 1, 1]} : vector<8x8x384xf32> to vector<8x7x384xf32>
    %concatenate3A_1214 = tpu.concatenate %slice3A_1213, %broadcast_in_dim3A_1212 in 1 : vector<8x7x384xf32>, vector<8x1x384xf32> -> vector<8x8x384xf32>
    %max3A_1215 = arith.maximumf %slice3A_1210, %concatenate3A_1214 : vector<8x8x384xf32>
    %broadcast_in_dim3A_1216 = arith.constant 0xFF800000 : f32
    %broadcast_in_dim3A_1217 = vector.broadcast %broadcast_in_dim3A_1216 : f32 to vector<8x2x384xf32>
    %slice3A_1218 = vector.extract_strided_slice %max3A_1215 {offsets = [0, 2, 0], sizes = [8, 6, 384], strides = [1, 1, 1]} : vector<8x8x384xf32> to vector<8x6x384xf32>
    %concatenate3A_1219 = tpu.concatenate %slice3A_1218, %broadcast_in_dim3A_1217 in 1 : vector<8x6x384xf32>, vector<8x2x384xf32> -> vector<8x8x384xf32>
    %max3A_1220 = arith.maximumf %max3A_1215, %concatenate3A_1219 : vector<8x8x384xf32>
    %broadcast_in_dim3A_1221 = arith.constant 0xFF800000 : f32
    %broadcast_in_dim3A_1222 = vector.broadcast %broadcast_in_dim3A_1221 : f32 to vector<8x4x384xf32>
    %slice3A_1223 = vector.extract_strided_slice %max3A_1220 {offsets = [0, 4, 0], sizes = [8, 4, 384], strides = [1, 1, 1]} : vector<8x8x384xf32> to vector<8x4x384xf32>
    %concatenate3A_1224 = tpu.concatenate %slice3A_1223, %broadcast_in_dim3A_1222 in 1 : vector<8x4x384xf32>, vector<8x4x384xf32> -> vector<8x8x384xf32>
    %max3A_1225 = arith.maximumf %max3A_1220, %concatenate3A_1224 : vector<8x8x384xf32>
    %max3A_1226 = vector.broadcast %slice3A_1203 : vector<8x1x384xf32> to vector<8x8x384xf32>
    %max3A_1227 = arith.maximumf %max3A_1225, %max3A_1226 : vector<8x8x384xf32>
    %slice3A_1228 = vector.extract_strided_slice %max3A_1227 {offsets = [0, 0, 0], sizes = [8, 1, 384], strides = [1, 1, 1]} : vector<8x8x384xf32> to vector<8x1x384xf32>
    %slice3A_1229 = vector.extract_strided_slice %concatenate3A_113 {offsets = [0, 24, 0], sizes = [8, 8, 384], strides = [1, 1, 1]} : vector<8x384x384xf32> to vector<8x8x384xf32>
    %add3A_1230 = arith.addf %max3A_1227, %slice3A_1229 : vector<8x8x384xf32>
    %swap3A_1231 = arith.constant 0 : index
    %swap3A_1232 = arith.constant 24 : index
    %swap3A_1233 = arith.constant 0 : index
    %swap3A_1234 = vector.load %arg2[%swap3A_1231, %swap3A_1232, %swap3A_1233] : memref<8x384x384xf32, #tpu.memory_space<vmem>>, vector<8x8x384xf32>
    tpu.vector_store %arg2[%swap3A_1231, %swap3A_1232, %swap3A_1233], %add3A_1230 {strides = array<i32>} : memref<8x384x384xf32, #tpu.memory_space<vmem>>, vector<8x8x384xf32>,
    %slice3A_1235 = vector.extract_strided_slice %get3A_2 {offsets = [0, 16, 0], sizes = [8, 8, 384], strides = [1, 1, 1]} : vector<8x384x384xf32> to vector<8x8x384xf32>
    %broadcast_in_dim3A_1236 = arith.constant 0xFF800000 : f32
    %broadcast_in_dim3A_1237 = vector.broadcast %broadcast_in_dim3A_1236 : f32 to vector<8x1x384xf32>
    %slice3A_1238 = vector.extract_strided_slice %slice3A_1235 {offsets = [0, 1, 0], sizes = [8, 7, 384], strides = [1, 1, 1]} : vector<8x8x384xf32> to vector<8x7x384xf32>
    %concatenate3A_1239 = tpu.concatenate %slice3A_1238, %broadcast_in_dim3A_1237 in 1 : vector<8x7x384xf32>, vector<8x1x384xf32> -> vector<8x8x384xf32>
    %max3A_1240 = arith.maximumf %slice3A_1235, %concatenate3A_1239 : vector<8x8x384xf32>
    %broadcast_in_dim3A_1241 = arith.constant 0xFF800000 : f32
    %broadcast_in_dim3A_1242 = vector.broadcast %broadcast_in_dim3A_1241 : f32 to vector<8x2x384xf32>
    %slice3A_1243 = vector.extract_strided_slice %max3A_1240 {offsets = [0, 2, 0], sizes = [8, 6, 384], strides = [1, 1, 1]} : vector<8x8x384xf32> to vector<8x6x384xf32>
    %concatenate3A_1244 = tpu.concatenate %slice3A_1243, %broadcast_in_dim3A_1242 in 1 : vector<8x6x384xf32>, vector<8x2x384xf32> -> vector<8x8x384xf32>
    %max3A_1245 = arith.maximumf %max3A_1240, %concatenate3A_1244 : vector<8x8x384xf32>
    %broadcast_in_dim3A_1246 = arith.constant 0xFF800000 : f32
    %broadcast_in_dim3A_1247 = vector.broadcast %broadcast_in_dim3A_1246 : f32 to vector<8x4x384xf32>
    %slice3A_1248 = vector.extract_strided_slice %max3A_1245 {offsets = [0, 4, 0], sizes = [8, 4, 384], strides = [1, 1, 1]} : vector<8x8x384xf32> to vector<8x4x384xf32>
    %concatenate3A_1249 = tpu.concatenate %slice3A_1248, %broadcast_in_dim3A_1247 in 1 : vector<8x4x384xf32>, vector<8x4x384xf32> -> vector<8x8x384xf32>
    %max3A_1250 = arith.maximumf %max3A_1245, %concatenate3A_1249 : vector<8x8x384xf32>
    %max3A_1251 = vector.broadcast %slice3A_1228 : vector<8x1x384xf32> to vector<8x8x384xf32>
    %max3A_1252 = arith.maximumf %max3A_1250, %max3A_1251 : vector<8x8x384xf32>
    %slice3A_1253 = vector.extract_strided_slice %max3A_1252 {offsets = [0, 0, 0], sizes = [8, 1, 384], strides = [1, 1, 1]} : vector<8x8x384xf32> to vector<8x1x384xf32>
    %slice3A_1254 = vector.extract_strided_slice %concatenate3A_113 {offsets = [0, 16, 0], sizes = [8, 8, 384], strides = [1, 1, 1]} : vector<8x384x384xf32> to vector<8x8x384xf32>
    %add3A_1255 = arith.addf %max3A_1252, %slice3A_1254 : vector<8x8x384xf32>
    %swap3A_1256 = arith.constant 0 : index
    %swap3A_1257 = arith.constant 16 : index
    %swap3A_1258 = arith.constant 0 : index
    %swap3A_1259 = vector.load %arg2[%swap3A_1256, %swap3A_1257, %swap3A_1258] : memref<8x384x384xf32, #tpu.memory_space<vmem>>, vector<8x8x384xf32>
    tpu.vector_store %arg2[%swap3A_1256, %swap3A_1257, %swap3A_1258], %add3A_1255 {strides = array<i32>} : memref<8x384x384xf32, #tpu.memory_space<vmem>>, vector<8x8x384xf32>,
    %slice3A_1260 = vector.extract_strided_slice %get3A_2 {offsets = [0, 8, 0], sizes = [8, 8, 384], strides = [1, 1, 1]} : vector<8x384x384xf32> to vector<8x8x384xf32>
    %broadcast_in_dim3A_1261 = arith.constant 0xFF800000 : f32
    %broadcast_in_dim3A_1262 = vector.broadcast %broadcast_in_dim3A_1261 : f32 to vector<8x1x384xf32>
    %slice3A_1263 = vector.extract_strided_slice %slice3A_1260 {offsets = [0, 1, 0], sizes = [8, 7, 384], strides = [1, 1, 1]} : vector<8x8x384xf32> to vector<8x7x384xf32>
    %concatenate3A_1264 = tpu.concatenate %slice3A_1263, %broadcast_in_dim3A_1262 in 1 : vector<8x7x384xf32>, vector<8x1x384xf32> -> vector<8x8x384xf32>
    %max3A_1265 = arith.maximumf %slice3A_1260, %concatenate3A_1264 : vector<8x8x384xf32>
    %broadcast_in_dim3A_1266 = arith.constant 0xFF800000 : f32
    %broadcast_in_dim3A_1267 = vector.broadcast %broadcast_in_dim3A_1266 : f32 to vector<8x2x384xf32>
    %slice3A_1268 = vector.extract_strided_slice %max3A_1265 {offsets = [0, 2, 0], sizes = [8, 6, 384], strides = [1, 1, 1]} : vector<8x8x384xf32> to vector<8x6x384xf32>
    %concatenate3A_1269 = tpu.concatenate %slice3A_1268, %broadcast_in_dim3A_1267 in 1 : vector<8x6x384xf32>, vector<8x2x384xf32> -> vector<8x8x384xf32>
    %max3A_1270 = arith.maximumf %max3A_1265, %concatenate3A_1269 : vector<8x8x384xf32>
    %broadcast_in_dim3A_1271 = arith.constant 0xFF800000 : f32
    %broadcast_in_dim3A_1272 = vector.broadcast %broadcast_in_dim3A_1271 : f32 to vector<8x4x384xf32>
    %slice3A_1273 = vector.extract_strided_slice %max3A_1270 {offsets = [0, 4, 0], sizes = [8, 4, 384], strides = [1, 1, 1]} : vector<8x8x384xf32> to vector<8x4x384xf32>
    %concatenate3A_1274 = tpu.concatenate %slice3A_1273, %broadcast_in_dim3A_1272 in 1 : vector<8x4x384xf32>, vector<8x4x384xf32> -> vector<8x8x384xf32>
    %max3A_1275 = arith.maximumf %max3A_1270, %concatenate3A_1274 : vector<8x8x384xf32>
    %max3A_1276 = vector.broadcast %slice3A_1253 : vector<8x1x384xf32> to vector<8x8x384xf32>
    %max3A_1277 = arith.maximumf %max3A_1275, %max3A_1276 : vector<8x8x384xf32>
    %slice3A_1278 = vector.extract_strided_slice %max3A_1277 {offsets = [0, 0, 0], sizes = [8, 1, 384], strides = [1, 1, 1]} : vector<8x8x384xf32> to vector<8x1x384xf32>
    %slice3A_1279 = vector.extract_strided_slice %concatenate3A_113 {offsets = [0, 8, 0], sizes = [8, 8, 384], strides = [1, 1, 1]} : vector<8x384x384xf32> to vector<8x8x384xf32>
    %add3A_1280 = arith.addf %max3A_1277, %slice3A_1279 : vector<8x8x384xf32>
    %swap3A_1281 = arith.constant 0 : index
    %swap3A_1282 = arith.constant 8 : index
    %swap3A_1283 = arith.constant 0 : index
    %swap3A_1284 = vector.load %arg2[%swap3A_1281, %swap3A_1282, %swap3A_1283] : memref<8x384x384xf32, #tpu.memory_space<vmem>>, vector<8x8x384xf32>
    tpu.vector_store %arg2[%swap3A_1281, %swap3A_1282, %swap3A_1283], %add3A_1280 {strides = array<i32>} : memref<8x384x384xf32, #tpu.memory_space<vmem>>, vector<8x8x384xf32>,
    %slice3A_1285 = vector.extract_strided_slice %get3A_2 {offsets = [0, 0, 0], sizes = [8, 8, 384], strides = [1, 1, 1]} : vector<8x384x384xf32> to vector<8x8x384xf32>
    %broadcast_in_dim3A_1286 = arith.constant 0xFF800000 : f32
    %broadcast_in_dim3A_1287 = vector.broadcast %broadcast_in_dim3A_1286 : f32 to vector<8x1x384xf32>
    %slice3A_1288 = vector.extract_strided_slice %slice3A_1285 {offsets = [0, 1, 0], sizes = [8, 7, 384], strides = [1, 1, 1]} : vector<8x8x384xf32> to vector<8x7x384xf32>
    %concatenate3A_1289 = tpu.concatenate %slice3A_1288, %broadcast_in_dim3A_1287 in 1 : vector<8x7x384xf32>, vector<8x1x384xf32> -> vector<8x8x384xf32>
    %max3A_1290 = arith.maximumf %slice3A_1285, %concatenate3A_1289 : vector<8x8x384xf32>
    %broadcast_in_dim3A_1291 = arith.constant 0xFF800000 : f32
    %broadcast_in_dim3A_1292 = vector.broadcast %broadcast_in_dim3A_1291 : f32 to vector<8x2x384xf32>
    %slice3A_1293 = vector.extract_strided_slice %max3A_1290 {offsets = [0, 2, 0], sizes = [8, 6, 384], strides = [1, 1, 1]} : vector<8x8x384xf32> to vector<8x6x384xf32>
    %concatenate3A_1294 = tpu.concatenate %slice3A_1293, %broadcast_in_dim3A_1292 in 1 : vector<8x6x384xf32>, vector<8x2x384xf32> -> vector<8x8x384xf32>
    %max3A_1295 = arith.maximumf %max3A_1290, %concatenate3A_1294 : vector<8x8x384xf32>
    %broadcast_in_dim3A_1296 = arith.constant 0xFF800000 : f32
    %broadcast_in_dim3A_1297 = vector.broadcast %broadcast_in_dim3A_1296 : f32 to vector<8x4x384xf32>
    %slice3A_1298 = vector.extract_strided_slice %max3A_1295 {offsets = [0, 4, 0], sizes = [8, 4, 384], strides = [1, 1, 1]} : vector<8x8x384xf32> to vector<8x4x384xf32>
    %concatenate3A_1299 = tpu.concatenate %slice3A_1298, %broadcast_in_dim3A_1297 in 1 : vector<8x4x384xf32>, vector<8x4x384xf32> -> vector<8x8x384xf32>
    %max3A_1300 = arith.maximumf %max3A_1295, %concatenate3A_1299 : vector<8x8x384xf32>
    %max3A_1301 = vector.broadcast %slice3A_1278 : vector<8x1x384xf32> to vector<8x8x384xf32>
    %max3A_1302 = arith.maximumf %max3A_1300, %max3A_1301 : vector<8x8x384xf32>
    %slice3A_1303 = vector.extract_strided_slice %concatenate3A_113 {offsets = [0, 0, 0], sizes = [8, 8, 384], strides = [1, 1, 1]} : vector<8x384x384xf32> to vector<8x8x384xf32>
    %add3A_1304 = arith.addf %max3A_1302, %slice3A_1303 : vector<8x8x384xf32>
    %swap3A_1305 = arith.constant 0 : index
    %swap3A_1306 = arith.constant 0 : index
    %swap3A_1307 = arith.constant 0 : index
    %swap3A_1308 = vector.load %arg2[%swap3A_1305, %swap3A_1306, %swap3A_1307] : memref<8x384x384xf32, #tpu.memory_space<vmem>>, vector<8x8x384xf32>
    tpu.vector_store %arg2[%swap3A_1305, %swap3A_1306, %swap3A_1307], %add3A_1304 {strides = array<i32>} : memref<8x384x384xf32, #tpu.memory_space<vmem>>, vector<8x8x384xf32>,
    return
  }
  func.func @transform_0(%arg0: i32) -> (i32, i32, i32) {
    %add3A = arith.constant 8 : i32
    %add3A_0 = arith.addi %arg0, %add3A : i32
    %c0_i32 = arith.constant 0 : i32
    %c0_i32_1 = arith.constant 0 : i32
    %c0_i32_2 = arith.constant 0 : i32
    return %add3A_0, %c0_i32, %c0_i32_1 : i32, i32, i32
  }
  func.func @transform_1(%arg0: i32) -> (i32, i32, i32) {
    %add3A = arith.constant 8 : i32
    %add3A_0 = arith.addi %arg0, %add3A : i32
    %c0_i32 = arith.constant 0 : i32
    %c0_i32_1 = arith.constant 0 : i32
    %c0_i32_2 = arith.constant 0 : i32
    return %add3A_0, %c0_i32, %c0_i32_1 : i32, i32, i32
  }
}

</mosaic_0001>

<sc_bundles>
// kernel: kernel.4.cloned.1.call-start
scs
__scs_entry_jumppad:
0x0: {  	(pc) =	sbr.rel $0x88, $3  }
0x1: {  	(tag) =	ssettag $0x0;
	lr =	simm.s32 $0x1  }
0x2: {  	[smem:$0x3FA0] =	sst lr;
	_ =	strace $0xD0000000  }
0x3: {  	_ = 	snop  }
0x4: {  	_ = 	snop  }
0x5: {  	_ = 	snop  }
0x6: {  	_ = 	snop  }
0x7: {  	_ = 	snop  }
__scs_overlays_trampoline_lowered:
0x8: {  	[smem:$0x3FAF] =	sst s0  }
0x9: {  	[smem:$0x3FB0] =	sst s1  }
0xa: {  	[smem:$0x3FB1] =	sst s2  }
0xb: {  	[smem:$0x3FB2] =	sst s3  }
0xc: {  	[smem:$0x3FB3] =	sst s4  }
0xd: {  	[smem:$0x3FB4] =	sst s5  }
0xe: {  	[smem:$0x3FB5] =	sst s6  }
0xf: {  	[smem:$0x3FB6] =	sst s7  }
0x10: {  	[smem:$0x3FB7] =	sst s8  }
0x11: {  	[smem:$0x3FB8] =	sst s9;
	s0 =	simm.s32 @!p0 $0x0  }
0x12: {  	s1 =	sld [smem:$0x3F9E];
	s0 =	simm.s32 @p0 $0x1  }
0x13: {  	[smem:$0x3FB9] =	sst s0;
	s0 =	simm.s32 @!p1 $0x0  }
0x14: {  	s2 =	sld [smem:$0x3F9D];
	s0 =	simm.s32 @p1 $0x1  }
0x15: {  	[smem:$0x3FBA] =	sst s0;
	s0 =	simm.s32 @!p2 $0x0  }
0x16: {  	s3 =	sld [smem:$0x3FDB];
	s0 =	simm.s32 @p2 $0x1  }
0x17: {  	s4 =	simm.s32 $0x1BF5;
	[smem:$0x3FBC] =	sst s0  }
0x18: {  	s0 =	sld [smem:$0x3F9F];
	_ =	swait.ge [sflag:s4], $0x0  }
0x19: {  	s7 =	sld [smem:$0x3FA0]  }
0x1a: {  	s8 =	sadd.s32 $0xFFFFE003, lr  }
0x1b: {  	s9 =	sadd.s32 $0xFFFFFEF7, lr;
	s5 =	simm.s32 $0xFFFFFFFF;
	p2 =	slt.u32 s8, $0xFFFFF086  }
0x1c: {  	p1 =	slt.u32 s9, $0xF7A;
	s5 =	simm.s32 @!p2 $0x0  }
0x1d: {  	s5 =	simm.s32 @p1 $0x1;
	p0 =	seq.s32 s7, s2  }
0x1e: {  	s7 =	smul.u32 @!p0 $0xF7A, s2;
	p2 =	seq.s32 @!p0 s5, $0x0  }
0x1f: {  	s9 =	smul.u32 $0xF7A, s1;
	s8 =	simm.s32 @!p0 $0x1BF5;
	p2 =	por !p2, p0  }
0x20: {  	[sflag:s8] =	ssyncset.s32 @!p0 $0xFFFFF086;
	s6 =	sadd.s32 @!p0 s3, s7;
	s7 =	simm.s32 @!p0 $0x108  }
0x21: {  	s3 =	sadd.s32 s3, s9;
	s6 =	sadd.s32 @!p0 $0x88, s6;
	s7 =	simm.s32 @p2 $0x1082  }
0x22: {  	[simem:s7], [sflag:s8] =	dma.local @!p0 [hbm:s6], $0xF7A  }
0x23: {  	s9 =	sor.u32 $0xD0000000, s2;
	s6 =	simm.s32 $0x108;
	_ =	swait.ge @!p0 [sflag:s8], $0x0  }
0x24: {  	s3 =	sadd.s32 $0x88, s3;
	s6 =	simm.s32 @!p1 $0x1082;
	[sflag:s4] =	ssyncset.s32 $0xFFFFF086  }
0x25: {  	[simem:s6], [sflag:s4] =	dma.local [hbm:s3], $0xF7A  }
0x26: {  	[smem:$0x3FA0] =	sst s1;
	(tag) =	ssettag s2;
	_ =	strace s9  }
0x27: {  	s1 =	sld [smem:$0x3FB0]  }
0x28: {  	s2 =	sld [smem:$0x3FB1]  }
0x29: {  	s4 =	sld [smem:$0x3FB3]  }
0x2a: {  	p0 =	seq.s32 s5, $0x0;
	s5 =	sld [smem:$0x3FB4]  }
0x2b: {  	s6 =	sld [smem:$0x3FB5]  }
0x2c: {  	s7 =	sld [smem:$0x3FB6]  }
0x2d: {  	s3 =	simm.s32 $0x108;
	s8 =	sld [smem:$0x3FB7]  }
0x2e: {  	s3 =	simm.s32 @!p0 $0x1082;
	s9 =	sld [smem:$0x3FB8]  }
0x2f: {  	lr =	sadd.s32 s0, s3;
	s0 =	sld [smem:$0x3FAF]  }
0x30: {  	s3 =	sld [smem:$0x3FB2]  }
0x31: {  	[smem:$0x3FBB] =	sst s10  }
0x32: {  	s10 =	sld [smem:$0x3FB9];
	_ =	sdelay $0x3  }
0x33: {  	p0 =	seq.s32 s10, $0x1;
	s10 =	sld [smem:$0x3FBB];
	_ =	sdelay $0x3  }
0x34: {  	[smem:$0x3FBB] =	sst s10  }
0x35: {  	s10 =	sld [smem:$0x3FBA];
	_ =	sdelay $0x3  }
0x36: {  	p1 =	seq.s32 s10, $0x1;
	s10 =	sld [smem:$0x3FBB];
	_ =	sdelay $0x3  }
0x37: {  	[smem:$0x3FBB] =	sst s10  }
0x38: {  	s10 =	sld [smem:$0x3FBC]  }
0x39: {  	_ = 	snop;
	(pc) =	sbr.ind lr, $3  }
0x3a: {  	_ = 	snop  }
0x3b: {  	_ = 	snop  }
0x3c: {  	p2 =	seq.s32 s10, $0x1;
	s10 =	sld [smem:$0x3FBB]  }
0x3d: {  	_ =	shalt  }
0x3e: {  	_ =	shalt  }
0x3f: {  	_ =	shalt  }
0x40: {  	_ =	shalt  }
0x41: {  	_ =	shalt  }
0x42: {  	_ =	shalt  }
0x43: {  	_ =	shalt  }
0x44: {  	_ =	shalt  }
0x45: {  	_ =	shalt  }
0x46: {  	_ =	shalt  }
0x47: {  	_ =	shalt  }
0x48: {  	_ =	shalt  }
0x49: {  	_ =	shalt  }
0x4a: {  	_ =	shalt  }
0x4b: {  	_ =	shalt  }
0x4c: {  	_ =	shalt  }
0x4d: {  	_ =	shalt  }
0x4e: {  	_ =	shalt  }
0x4f: {  	_ =	shalt  }
0x50: {  	_ =	shalt  }
0x51: {  	_ =	shalt  }
0x52: {  	_ =	shalt  }
0x53: {  	_ =	shalt  }
0x54: {  	_ =	shalt  }
0x55: {  	_ =	shalt  }
0x56: {  	_ =	shalt  }
0x57: {  	_ =	shalt  }
0x58: {  	_ =	shalt  }
0x59: {  	_ =	shalt  }
0x5a: {  	_ =	shalt  }
0x5b: {  	_ =	shalt  }
0x5c: {  	_ =	shalt  }
0x5d: {  	_ =	shalt  }
0x5e: {  	_ =	shalt  }
0x5f: {  	_ =	shalt  }
0x60: {  	_ =	shalt  }
0x61: {  	_ =	shalt  }
0x62: {  	_ =	shalt  }
0x63: {  	_ =	shalt  }
0x64: {  	_ =	shalt  }
0x65: {  	_ =	shalt  }
0x66: {  	_ =	shalt  }
0x67: {  	_ =	shalt  }
0x68: {  	_ =	shalt  }
0x69: {  	_ =	shalt  }
0x6a: {  	_ =	shalt  }
0x6b: {  	_ =	shalt  }
0x6c: {  	_ =	shalt  }
0x6d: {  	_ =	shalt  }
0x6e: {  	_ =	shalt  }
0x6f: {  	_ =	shalt  }
0x70: {  	_ =	shalt  }
0x71: {  	_ =	shalt  }
0x72: {  	_ =	shalt  }
0x73: {  	_ =	shalt  }
0x74: {  	_ =	shalt  }
0x75: {  	_ =	shalt  }
0x76: {  	_ =	shalt  }
0x77: {  	_ =	shalt  }
0x78: {  	_ =	shalt  }
0x79: {  	_ =	shalt  }
0x7a: {  	_ =	shalt  }
0x7b: {  	_ =	shalt  }
0x7c: {  	_ =	shalt  }
0x7d: {  	_ =	shalt  }
0x7e: {  	_ =	shalt  }
0x7f: {  	_ =	shalt  }
0x80: {  	_ =	shalt  }
0x81: {  	_ =	shalt  }
0x82: {  	_ =	shalt  }
0x83: {  	_ =	shalt  }
0x84: {  	_ =	shalt  }
0x85: {  	_ =	shalt  }
0x86: {  	_ =	shalt  }
0x87: {  	_ =	shalt  }
.Lfunc_end0:
.L_simem_size_0:
called_computation_lowered:
.L_overlay_start_0:
0x88: {  	s2 =	sld [smem:$0x3FD9]  }
0x89: {  	s3 =	sld [smem:$0x3FFE];
	_ =	sdelay $0x1  }
0x8a: {  	s1 =	srdreg.scid  }
0x8b: {  	s0 =	sand.u32 $0x1, s1  }
0x8c: {  	s17 =	sshll.u32 s0, $0xA;
	s2 =	sadd.s32 s3, s2  }
0x8d: {  	s2 =	sadd.s32 s2, s17  }
0x8e: {  	[smem:$0x3FC7] =	sst s2  }
0x8f: {  	_ = 	snop  }
0x90: {  	s2 =	sld [smem:$0x3FC9];
	(tm) =	ssettm $0x1  }
0x91: {  	s18 =	sld [smem:$0x3FFB];
	_ =	sdelay $0x3  }
0x92: {  	_ =	strace s18  }
0x93: {  	s3 =	sld [smem:$0x3FFC];
	_ =	sdelay $0x3  }
0x94: {  	_ =	strace s3  }
0x95: {  	s3 =	sld [smem:$0x3FFD];
	_ =	sdelay $0x3  }
0x96: {  	_ =	strace s3  }
0x97: {  	_ =	strace $0x8FFFFFFF  }
0x98: {  	s19 =	sld [smem:$0x3FDB];
	_ =	sdelay $0x1  }
0x99: {  	s4 =	simm.s32 $_scs_section_size  }
0x9a: {  	s5 =	simm.s32 $_size__tile_overlayer_lowered;
	s6 =	simm.s32 $_tile_overlayer_lowered  }
0x9b: {  	s22 =	simm.s32 $0x1BFF;
	s21 =	sshll.u32 s6, $0x1;
	s3 =	sadd.s32 s4, s19  }
0x9c: {  	s7 =	simm.s32 $0x0;
	s20 =	sshll.u32 s5, $0x1;
	s5 =	sadd.s32 s21, s3  }
0x9d: {  	[timem:s7], [sflag:s22] =	dma.local [hbm:s5], s20  }
0x9e: {  	_ =	swait.ge [sflag:s22], s20  }
0x9f: {  	s4 =	ssub.s32 $0x0, s20;
	[sflag:s22] =	ssyncset.done $0x0  }
0xa0: {  	[sflag:s22] =	ssyncadd.s32 s4;
	_ =	sdelay $0x1  }
0xa1: {  	s23 =	simm.s32 $0x1B8B  }
0xa2: {  	_ =	swait.ge [sflag:s23], $0x1  }
0xa3: {  	[sflag:s23] =	ssyncset.done $0x0  }
0xa4: {  	s25 =	simm.s32 $0x1B8E;
	s24 =	sld [smem:$0x3FFE];
	[sflag:s23] =	ssyncadd.s32 $0xFFFFFFFF  }
0xa5: {  	s26 =	simm.s32 $execute0_lowered;
	[smem:$0x3FD2] =	sst s25  }
0xa6: {  	s5 =	sshll.u32 s26, $0x1;
	_ =	strace $0x80000046;
	[dreg:$0x1] =	wrdreg $0xFFFFFFFF  }
0xa7: {  	s28 =	simm.s32 $_size_execute0_lowered;
	s3 =	sadd.s32 s3, s5;
	[dreg:$0x0] =	wrdreg $0x0  }
0xa8: {  	s5 =	sshll.u32 s28, $0x1;
	[dreg:$0x2] =	wrdreg s3  }
0xa9: {  	[dreg:$0x3] =	wrdreg s5  }
0xaa: {  	[dreg:$0x4] =	wrdreg $0xC0  }
0xab: {  	_ =	task [dreg:s7], $0x5FFFF  }
0xac: {  	[dreg:$0x1] =	wrdreg $0xFFFFFFFF  }
0xad: {  	[dreg:$0x0] =	wrdreg $0x60  }
0xae: {  	[dreg:$0x2] =	wrdreg s2  }
0xaf: {  	[dreg:$0x3] =	wrdreg s24  }
0xb0: {  	[dreg:$0x4] =	wrdreg $0x9  }
0xb1: {  	_ =	task.clear_ibuf [dreg:s7], $0x5FFFF;
	_ =	strace $0x90000046  }
0xb2: {  	s29 =	simm.s32 $0x9;
	_ =	strace $0x80000048  }
0xb3: {  	_ =	swait.ge [sflag:s29], $0x1  }
0xb4: {  	[sflag:s29] =	ssyncadd.s32 $0xFFFFFFFF  }
0xb5: {  	_ =	strace $0x90000048  }
0xb6: {  	_ =	sfence  }
0xb7: {  	s30 =	sld [smem:$0x0];
	_ =	sdelay $0x2  }
0xb8: {  	s31 =	sshll.u32 s1, $0xD;
	s1 =	sshrl.u32 s1, $0x2  }
0xb9: {  	s3 =	sand.u32 $0x4000, s31;
	s1 =	sadd.s32 s1, s30  }
0xba: {  	s0 =	sor.u32 s3, s0;
	s1 =	sshll.u32 s1, $0x11  }
0xbb: {  	s0 =	sor.u32 s1, s0  }
0xbc: {  	s0 =	sadd.s32 $0x8F2B, s0  }
0xbd: {  	[sflag:s0] =	ssyncadd.remote.s32 $0x1  }
0xbe: {  	_ =	sfence.sel $0xFFFF  }
0xbf: {  	[dreg:$0x0] =	wrdreg $0xFFFFFFFF;
	(pc) =	sbr.abs _section_cstart, $3  }
0xc0: {  	[dreg:$0x1] =	wrdreg $0xFFFFFFFF  }
0xc1: {  	_ =	task.clear_ibuf [dreg:s7], $0x2FFFF;
	_ =	strace $0x9FFFFFFF  }
0xc2: {  	(tm) =	ssettm $0x7FFFFFFF  }
0xc3: {  	_ =	shalt  }
tec
execute0_lowered:
.L_overlay_start_1:
0x0: {  	(tag) =	ssettag $0x1  }
0x1: {  	s1 =	srdreg.scid;
	s2 =	rddreg [dreg:$0x0]  }
0x2: {  	s0 =	stileid.u32;
	s6 =	rddreg [dreg:$0x1];
	s4 =	simm.s32 $0x0  }
0x3: {  	s10 =	simm.s32 $0xC000;
	s11 =	simm.s32 $0x2;
	s5 =	sand.u32 $0x1, s1  }
0x4: {  	s12 =	simm.s32 $0x4;
	s29 =	sshll.u32 s0, $0x2;
	s3 =	sshll.u32 s5, $0x1  }
0x5: {  	s13 =	simm.s32 $0x12000;
	s14 =	simm.s32 $0x3;
	s3 =	sor.u32 s3, s29  }
0x6: {  	s15 =	simm.s32 $0x0;
	[smem:$0x7FF] =	sst s4;
	s7 =	smul.u32 $0x24000, s3  }
0x7: {  	v0 =	vlaneseq.u32;
	s1 =	rddreg [dreg:$0x2];
	s8 =	ssub.s32 $0x2, s5;
	_ =	strace $0x80000047  }
0x8: {  	v0 =	vmul.u32 $0xFFFFFFFF, v0;
	s5 =	sadd.s32 $0x400, s6;
	s31 =	sshrl.u32 s8, $0x1;
	s30 =	sshrl.u32 s7, $0x3  }
0x9: {  	s7 =	ssub.s32 s8, s31;
	s8 =	simm.s32 $0x1;
	s9 =	sadd.s32 s2, s30  }
0xa: {  	v49 =	vimm.s32 $0xF;
	v0 =	vadd.s32 $0xF, v0;
	s7 =	smax.u32 s7, $0x1;
	s6 =	sadd.s32 $0x3C00, s9;
	s9 =	simm.s32 $0x6000  }
.LBB2_1:
0xb: {  	v1 =	vimm.f32 $-Inf;
	v38 =	vimm.f32 $-Inf;
	v19 =	vimm.f32 $-Inf  }
0xc: {  	v41 =	vimm.f32 $-Inf;
	v40 =	vimm.f32 $-Inf;
	v43 =	vimm.f32 $-Inf  }
0xd: {  	v10 =	vimm.f32 $-Inf;
	v33 =	vimm.f32 $-Inf;
	v42 =	vimm.f32 $-Inf  }
0xe: {  	v28 =	vimm.f32 $-Inf;
	v31 =	vimm.f32 $-Inf;
	v37 =	vimm.f32 $-Inf  }
0xf: {  	v27 =	vimm.f32 $-Inf;
	v29 =	vimm.f32 $-Inf;
	v34 =	vimm.f32 $-Inf  }
0x10: {  	v12 =	vimm.f32 $-Inf;
	v30 =	vimm.f32 $-Inf;
	v36 =	vimm.f32 $-Inf  }
0x11: {  	[tilespmem:s4], [sflag:$0x1] =	stream.linear.gather [hbm4b:s6+s4], $0x6000, $0x38;
	v32 =	vimm.f32 $-Inf;
	v24 =	vimm.f32 $-Inf;
	v35 =	vimm.f32 $-Inf;
	[tilespmem:$0x18000] =	vst v63  }
0x12: {  	v22 =	vimm.f32 $-Inf;
	v23 =	vimm.f32 $-Inf;
	v39 =	vimm.f32 $-Inf;
	s16 =	simm.s32 $0x0  }
.LBB2_2:
0x13: {  	s18 =	sshll.u32 s16, $0x1  }
0x14: {  	s17 =	sshllo.u32 s16, $0x1;
	p1 =	slt.u32 s16, $0x3;
	s19 =	sadd.s32 $0xFFFFFFFB, s18  }
0x15: {  	p0 =	sgt.u32 s16, $0x2;
	s20 =	simm.s32 $0x1;
	s19 =	smov.u32 @p1 s17  }
0x16: {  	s20 =	simm.s32 @!p0 $0x0;
	s17 =	sshll.u32 s19, $0x6  }
0x17: {  	s28 =	sor.u32 s20, s3;
	s17 =	ssub.s32 $0x140, s17  }
0x18: {  	s19 =	smul.u32 $0x24000, s28;
	s17 =	sshrl.u32 s17, $0x3  }
0x19: {  	s17 =	smul.u32 $0xC00, s17;
	_ =	sdelay $0x1  }
0x1a: {  	s17 =	sadd.s32 s19, s17  }
0x1b: {  	s17 =	sshrl.u32 s17, $0x3  }
0x1c: {  	s29 =	sadd.s32 s2, s17  }
0x1d: {  	[tilespmem:s9], [sflag:$0x2] =	stream.linear.gather [hbm4b:s29+s4], $0x6000, $0x38;
	[tilespmem:$0x18000] =	vst v63  }
0x1e: {  	_ =	swait.ge [sflag:s8], $0x6000  }
0x1f: {  	p0 =	seq.s32 s16, $0x0;
	[sflag:s8] =	ssyncset.done $0x0  }
0x20: {  	s21 =	simm.s32 $0x7;
	s20 =	simm.s32 @!p0 $0x3;
	[sflag:s8] =	ssyncadd.s32 $0xFFFFA000  }
0x21: {  	s23 =	simm.s32 $0x1F00;
	s21 =	smul.u32 $0xC00, s21;
	_ =	swait.ge @!p0 [sflag:s20], $0x6000  }
0x22: {  	s22 =	sand.u32 $0x300, s23;
	[sflag:s20] =	ssyncset.done @!p0 $0x0  }
0x23: {  	[sflag:s20] =	ssyncadd.s32 @!p0 $0xFFFFA000;
	s20 =	sor.u32 s22, s21  }
0x24: {  	v2 =	vld [tilespmem:s20+$0x0];
	_ =	sdelay $0x4  }
0x25: {  	[tilespmem:$0x1FA80] =	vst v2  }
0x26: {  	v3 =	vld [tilespmem:s20+$0x10];
	_ =	sdelay $0x4  }
0x27: {  	[tilespmem:$0x1FA50] =	vst v3  }
0x28: {  	v4 =	vld [tilespmem:s20+$0x20];
	_ =	sdelay $0x4  }
0x29: {  	[tilespmem:$0x1FA20] =	vst v4  }
0x2a: {  	v5 =	vld [tilespmem:s20+$0x30];
	_ =	sdelay $0x4  }
0x2b: {  	[tilespmem:$0x1FB10] =	vst v5  }
0x2c: {  	v7 =	vld [tilespmem:s20+$0x40];
	_ =	sdelay $0x4  }
0x2d: {  	[tilespmem:$0x1FAE0] =	vst v7  }
0x2e: {  	v11 =	vld [tilespmem:s20+$0x50];
	_ =	sdelay $0x4  }
0x2f: {  	[tilespmem:$0x1FAB0] =	vst v11  }
0x30: {  	v6 =	vld [tilespmem:s20+$0x60];
	_ =	sdelay $0x4  }
0x31: {  	[tilespmem:$0x1FBA0] =	vst v6  }
0x32: {  	v9 =	vld [tilespmem:s20+$0x70];
	_ =	sdelay $0x4  }
0x33: {  	[tilespmem:$0x1FB70] =	vst v9  }
0x34: {  	v15 =	vld [tilespmem:s20+$0x400];
	_ =	sdelay $0x4  }
0x35: {  	[tilespmem:$0x1FB40] =	vst v15  }
0x36: {  	v8 =	vld [tilespmem:s20+$0x410];
	_ =	sdelay $0x4  }
0x37: {  	[tilespmem:$0x1FCA0] =	vst v8  }
0x38: {  	v13 =	vld [tilespmem:s20+$0x420];
	_ =	sdelay $0x4  }
0x39: {  	[tilespmem:$0x1FC40] =	vst v13  }
0x3a: {  	v17 =	vld [tilespmem:s20+$0x430];
	_ =	sdelay $0x4  }
0x3b: {  	[tilespmem:$0x1FBE0] =	vst v17  }
0x3c: {  	v14 =	vld [tilespmem:s20+$0x440];
	_ =	sdelay $0x4  }
0x3d: {  	[tilespmem:$0x1FD70] =	vst v14  }
0x3e: {  	v16 =	vld [tilespmem:s20+$0x450];
	_ =	sdelay $0x4  }
0x3f: {  	[tilespmem:$0x1FD20] =	vst v16  }
0x40: {  	v18 =	vld [tilespmem:s20+$0x460];
	_ =	sdelay $0x2  }
0x41: {  	v2 =	vperm.xlane v2, v0  }
0x42: {  	v3 =	vperm.xlane v3, v0  }
0x43: {  	(xrf0) =	vmax.scan.msk.f32 $0xffff, v2;
	v4 =	vperm.xlane v4, v0;
	[tilespmem:$0x1FCE0] =	vst v18  }
0x44: {  	(xrf0) =	vmax.scan.msk.f32 $0xffff, v3;
	v2 =	vperm.xlane v5, v0;
	v21 =	vld [tilespmem:s20+$0x470]  }
0x45: {  	(xrf0) =	vmax.scan.msk.f32 $0xffff, v4;
	v3 =	vperm.xlane v7, v0  }
0x46: {  	s30 =	simm.s32 $0x7;
	(xrf0) =	vmax.scan.msk.f32 $0xffff, v2;
	v4 =	vperm.xlane v11, v0  }
0x47: {  	s31 =	simm.s32 $0x1F80;
	s21 =	smul.u32 $0xC00, s30;
	(xrf0) =	vmax.scan.msk.f32 $0xffff, v3;
	v2 =	vperm.xlane v6, v0;
	v6 =	vperm.xlane v9, v0  }
0x48: {  	s22 =	sand.u32 $0x380, s31;
	(xrf0) =	vmax.scan.msk.f32 $0xffff, v4;
	v7 =	vperm.xlane v15, v0  }
0x49: {  	s21 =	sor.u32 s22, s21;
	(xrf0) =	vmax.scan.msk.f32 $0xffff, v2;
	v2 =	vperm.xlane v8, v0;
	[tilespmem:$0x1FE50] =	vst v21  }
0x4a: {  	v5, _, _ =	vpop (xrf0);
	v3 =	vld [tilespmem:s21+$0x0]  }
0x4b: {  	(xrf0) =	vmax.scan.msk.f32 $0xffff, v6;
	v6, _, _ =	vpop (xrf0);
	v4 =	vld [tilespmem:s21+$0x10]  }
0x4c: {  	(xrf0) =	vmax.scan.msk.f32 $0xffff, v7;
	v7, _, _ =	vpop (xrf0);
	v9 =	vld [tilespmem:s21+$0x30];
	[tilespmem:$0x1FA00] =	vst v6  }
0x4d: {  	(xrf0) =	vmax.scan.msk.f32 $0xffff, v2;
	v2, _, _ =	vpop (xrf0);
	v11 =	vld [tilespmem:s21+$0x40];
	[tilespmem:$0x1F9F0] =	vst v7  }
0x4e: {  	v6 =	vperm.xlane v13, v0;
	v7 =	vld [tilespmem:s21+$0x60];
	[tilespmem:$0x1F9E0] =	vst v2;
	v2 =	vperm.xlane v14, v0  }
0x4f: {  	v8 =	vperm.xlane v17, v0  }
0x50: {  	v63, _, _ =	vpop (xrf0);
	(xrf0) =	vmax.scan.msk.f32 $0xffff, v6  }
0x51: {  	s22 =	sadd.s32 $0xFFFFFFFA, s18;
	v61, _, _ =	vpop (xrf0);
	v13 =	vld [tilespmem:s21+$0x70];
	(xrf0) =	vmax.scan.msk.f32 $0xffff, v8  }
0x52: {  	s22 =	smov.u32 @p1 s18;
	v14 =	vld [tilespmem:s21+$0x410];
	(xrf0) =	vmax.scan.msk.f32 $0xffff, v2;
	v2, _, _ =	vpop (xrf0)  }
0x53: {  	p1 =	seq.s32 s22, $0x0;
	v15 =	vperm.xlane v16, v0;
	v16 =	vld [tilespmem:s21+$0x420];
	[tilespmem:$0x1F9D0] =	vst v2  }
0x54: {  	v20 =	vperm.xlane v21, v0;
	v21 =	vpsel p1, $0xFF800000, v35;
	v8 =	vperm.xlane v18, v0;
	v17 =	vld [tilespmem:s21+$0x440]  }
0x55: {  	v24 =	vpsel p1, $0xFF800000, v24;
	(xrf0) =	vmax.scan.msk.f32 $0xffff, v15;
	v6 =	vmax.f32 v21, v9;
	v56, _, _ =	vpop (xrf0);
	v15 =	vld [tilespmem:s21+$0x450]  }
0x56: {  	v18 =	vpsel p1, $0xFF800000, v23;
	(xrf0) =	vmax.scan.msk.f32 $0xffff, v8;
	v2 =	vpsel p1, $0xFF800000, v22;
	v22 =	vperm.xlane v3, v0;
	v54, _, _ =	vpop (xrf0);
	v23 =	vld [tilespmem:s21+$0x470]  }
0x57: {  	v25 =	vperm.xlane v4, v0;
	v21 =	vmax.f32 v24, v11;
	(xrf0) =	vmax.scan.msk.f32 $0xffff, v20;
	v20 =	vld [tilespmem:s21+$0x800];
	[tilespmem:$0x1FB00] =	vst v6;
	v46, _, _ =	vpop (xrf0)  }
0x58: {  	v4 =	vmax.f32 v18, v4;
	(xrf0) =	vmax.scan.msk.f32 $0xffff, v22;
	v22 =	vperm.xlane v9, v0;
	v9 =	vld [tilespmem:s21+$0x820];
	[tilespmem:$0x1FAD0] =	vst v21;
	v6, _, _ =	vpop (xrf0)  }
0x59: {  	v26 =	vpsel p1, $0xFF800000, v36;
	[tilespmem:$0x1FA40] =	vst v4;
	v35, _, _ =	vpop (xrf0)  }
0x5a: {  	v21 =	vmax.f32 v26, v7;
	[tilespmem:$0x1FF30] =	vst v35  }
0x5b: {  	v18 =	vpsel p1, $0xFF800000, v30;
	v11 =	vperm.xlane v11, v0;
	(xrf0) =	vmax.scan.msk.f32 $0xffff, v25;
	v30, _, _ =	vpop (xrf0);
	v4 =	vld [tilespmem:s21+$0x830];
	[tilespmem:$0x1FB90] =	vst v21  }
0x5c: {  	v18 =	vmax.f32 v18, v13;
	v7 =	vperm.xlane v7, v0;
	(xrf0) =	vmax.scan.msk.f32 $0xffff, v22;
	[tilespmem:$0x1FF20] =	vst v30  }
0x5d: {  	v13 =	vperm.xlane v13, v0;
	(xrf0) =	vmax.scan.msk.f32 $0xffff, v11;
	v11 =	vpsel p1, $0xFF800000, v34;
	v26, _, _ =	vpop (xrf0);
	v21 =	vld [tilespmem:s21+$0x850];
	[tilespmem:$0x1FB60] =	vst v18  }
0x5e: {  	(xrf0) =	vmax.scan.msk.f32 $0xffff, v7;
	v11 =	vmax.f32 v11, v14;
	[tilespmem:$0x1FEE0] =	vst v26  }
0x5f: {  	v7 =	vpsel p1, $0xFF800000, v29;
	v45, _, _ =	vpop (xrf0);
	(xrf0) =	vmax.scan.msk.f32 $0xffff, v13;
	v18 =	vld [tilespmem:s21+$0x870];
	[tilespmem:$0x1FC90] =	vst v11  }
0x60: {  	v13 =	vpsel p1, $0xFF800000, v37;
	v7 =	vmax.f32 v7, v16;
	v11 =	vperm.xlane v14, v0;
	[tilespmem:$0x1FED0] =	vst v45  }
0x61: {  	v59, _, _ =	vpop (xrf0);
	v13 =	vmax.f32 v13, v17;
	v14 =	vld [tilespmem:s21+$0x860];
	[tilespmem:$0x1FC30] =	vst v7  }
0x62: {  	v7 =	vperm.xlane v16, v0;
	[tilespmem:$0x1FE90] =	vst v59;
	(xrf0) =	vmax.scan.msk.f32 $0xffff, v11;
	v11 =	vpsel p1, $0xFF800000, v31  }
0x63: {  	v16 =	vld [tilespmem:s21+$0x840];
	[tilespmem:$0x1FD40] =	vst v13;
	v13 =	vperm.xlane v17, v0;
	v11 =	vmax.f32 v11, v15  }
0x64: {  	v17, _, _ =	vpop (xrf0);
	v22 =	vld [tilespmem:s21+$0x810];
	(xrf0) =	vmax.scan.msk.f32 $0xffff, v7;
	v7 =	vpsel p1, $0xFF800000, v42;
	[tilespmem:$0x1FD10] =	vst v11;
	v11 =	vperm.xlane v15, v0  }
0x65: {  	v34, _, _ =	vpop (xrf0);
	(xrf0) =	vmax.scan.msk.f32 $0xffff, v13;
	v13 =	vpsel p1, $0xFF800000, v33;
	v7 =	vmax.f32 v7, v23  }
0x66: {  	v29, _, _ =	vpop (xrf0);
	v25 =	vld [tilespmem:s21+$0x460];
	[tilespmem:$0x1FE40] =	vst v7;
	v13 =	vmax.f32 v13, v20;
	(xrf0) =	vmax.scan.msk.f32 $0xffff, v11;
	v11 =	vpsel p1, $0xFF800000, v43  }
0x67: {  	v7 =	vperm.xlane v23, v0;
	v23 =	vld [tilespmem:s21+$0x430];
	[tilespmem:$0x1FE00] =	vst v13;
	v11 =	vmax.f32 v11, v9  }
0x68: {  	v13 =	vperm.xlane v20, v0;
	v20 =	vld [tilespmem:s21+$0x400];
	[tilespmem:$0x1FEF0] =	vst v11  }
0x69: {  	v62 =	vld [tilespmem:s20+$0x870];
	_ =	sdelay $0x1  }
0x6a: {  	v31, _, _ =	vpop (xrf0);
	(xrf0) =	vmax.scan.msk.f32 $0xffff, v7;
	v7 =	vpsel p1, $0xFF800000, v40  }
0x6b: {  	v7 =	vmax.f32 v7, v4  }
0x6c: {  	[tilespmem:$0x1FEA0] =	vst v7  }
0x6d: {  	[tilespmem:$0x1FF40] =	vst v62  }
0x6e: {  	v47 =	vld [tilespmem:s20+$0x860]  }
0x6f: {  	v9 =	vperm.xlane v9, v0  }
0x70: {  	(xrf0) =	vmax.scan.msk.f32 $0xffff, v13;
	v11 =	vpsel p1, $0xFF800000, v41  }
0x71: {  	v8 =	vpsel p1, $0xFF800000, v32;
	v32, _, _ =	vpop (xrf0);
	(xrf0) =	vmax.scan.msk.f32 $0xffff, v9;
	v9 =	vmax.f32 v11, v21  }
0x72: {  	[tilespmem:$0x1FF80] =	vst v9  }
0x73: {  	[tilespmem:$0x1FF60] =	vst v47  }
0x74: {  	v9 =	vperm.xlane v21, v0;
	v21 =	vld [tilespmem:s20+$0x850]  }
0x75: {  	v40, _, _ =	vpop (xrf0);
	v4 =	vperm.xlane v4, v0;
	v7 =	vpsel p1, $0xFF800000, v38  }
0x76: {  	v24, _, _ =	vpop (xrf0);
	v7 =	vmax.f32 v7, v18  }
0x77: {  	(xrf0) =	vmax.scan.msk.f32 $0xffff, v4;
	v4 =	vpsel p1, $0xFF800000, v19;
	v19, _, _ =	vpop (xrf0);
	[tilespmem:$0x1FDD0] =	vst v7  }
0x78: {  	[tilespmem:$0x1FD90] =	vst v19  }
0x79: {  	v4 =	vmax.f32 v4, v14;
	[tilespmem:$0x1FF90] =	vst v21  }
0x7a: {  	v42, _, _ =	vpop (xrf0);
	v11 =	vld [tilespmem:s21+$0x50];
	[tilespmem:$0x1FC20] =	vst v4  }
0x7b: {  	[tilespmem:$0x1FD60] =	vst v42  }
0x7c: {  	v4 =	vld [tilespmem:s20+$0x840];
	_ =	sdelay $0x2  }
0x7d: {  	v13 =	vperm.xlane v14, v0;
	v14 =	vpsel p1, $0xFF800000, v27;
	v27, _, _ =	vpop (xrf0)  }
0x7e: {  	[tilespmem:$0x1FD50] =	vst v27  }
0x7f: {  	[tilespmem:$0x1FE80] =	vst v4  }
0x80: {  	(xrf0) =	vmax.scan.msk.f32 $0xffff, v9;
	v9 =	vpsel p1, $0xFF800000, v12;
	v12 =	vld [tilespmem:s20+$0x830];
	_ =	sdelay $0x2  }
0x81: {  	v33, _, _ =	vpop (xrf0);
	v7 =	vperm.xlane v18, v0  }
0x82: {  	[tilespmem:$0x1FD00] =	vst v33  }
0x83: {  	(xrf0) =	vmax.scan.msk.f32 $0xffff, v7;
	[tilespmem:$0x1FEB0] =	vst v12  }
0x84: {  	(xrf0) =	vmax.scan.msk.f32 $0xffff, v13;
	v13 =	vpsel p1, $0xFF800000, v10;
	v10 =	vld [tilespmem:s20+$0x820]  }
0x85: {  	v7 =	vperm.xlane v62, v0;
	_ =	sdelay $0x3  }
0x86: {  	v50 =	vperm.xlane v5, v0;
	v18 =	vpsel p1, $0xFF800000, v1;
	(xrf0) =	vmax.scan.msk.f32 $0xffff, v7;
	v7, _, _ =	vpop (xrf0);
	[tilespmem:$0x1FF00] =	vst v10  }
0x87: {  	v44 =	vperm.xlane v17, v0;
	v5 =	vperm.xlane v47, v0;
	v1 =	vmax.f32 v18, v16;
	v17 =	vld [tilespmem:s21+$0x20];
	[tilespmem:$0x1FCC0] =	vst v7  }
0x88: {  	v21 =	vperm.xlane v21, v0;
	[tilespmem:$0x1FE70] =	vst v1;
	v1 =	vmax.f32 v13, v22  }
0x89: {  	(xrf0) =	vmax.scan.msk.f32 $0xffff, v5;
	v5 =	vperm.xlane v16, v0;
	[tilespmem:$0x1FDA0] =	vst v1  }
0x8a: {  	v15 =	vpsel p1, $0xFF800000, v28;
	v48, _, _ =	vpop (xrf0);
	(xrf0) =	vmax.scan.msk.f32 $0xffff, v21;
	v16 =	vperm.xlane v4, v0;
	v28 =	vld [tilespmem:s20+$0x810]  }
0x8b: {  	v57 =	vmax.f32 v14, v23;
	v62, _, _ =	vpop (xrf0);
	(xrf0) =	vmax.scan.msk.f32 $0xffff, v5;
	v14 =	vperm.xlane v12, v0  }
0x8c: {  	v52 =	vmax.f32 v9, v20;
	v53, _, _ =	vpop (xrf0);
	(xrf0) =	vmax.scan.msk.f32 $0xffff, v16;
	v9 =	vperm.xlane v10, v0  }
0x8d: {  	v4, _, _ =	vpop (xrf0);
	(xrf0) =	vmax.scan.msk.f32 $0xffff, v14;
	v13 =	vperm.xlane v22, v0;
	v1 =	vmax.f32 v15, v25;
	[tilespmem:$0x1FC70] =	vst v48  }
0x8e: {  	v41 =	vmax.f32 v8, v11;
	v47, _, _ =	vpop (xrf0);
	(xrf0) =	vmax.scan.msk.f32 $0xffff, v9;
	[tilespmem:$0x1FCD0] =	vst v1;
	v1 =	vperm.xlane v11, v0  }
0x8f: {  	v10, _, _ =	vpop (xrf0);
	(xrf0) =	vmax.scan.msk.f32 $0xffff, v13;
	v11 =	vpsel p1, $0xFF800000, v39;
	v13 =	vperm.xlane v47, v49;
	[tilespmem:$0x1FDB0] =	vst v28  }
0x90: {  	v38 =	vmax.f32 v2, v17;
	v2 =	vperm.xlane v4, v49;
	v9 =	vperm.xlane v28, v0;
	v15 =	vld [tilespmem:s20+$0x800]  }
0x91: {  	v37 =	vmax.f32 v11, v3;
	[tilespmem:$0x1FFB0] =	vst v4  }
0x92: {  	v12, _, _ =	vpop (xrf0);
	v11 =	vperm.xlane v53, v49;
	[tilespmem:$0x1F870] =	vst v2;
	v4 =	vmax.f32 v2, v13;
	v2 =	vperm.xlane v10, v49  }
0x93: {  	v13 =	vperm.xlane v12, v49;
	[tilespmem:$0x1F880] =	vst v4  }
0x94: {  	(xrf0) =	vmax.scan.msk.f32 $0xffff, v9;
	v4 =	vmax.f32 v4, v11;
	[tilespmem:$0x1F890] =	vst v2;
	v9, _, _ =	vpop (xrf0)  }
0x95: {  	v2 =	vmax.f32 v2, v13;
	[tilespmem:$0x1F8B0] =	vst v4;
	v55, _, _ =	vpop (xrf0);
	v3 =	vperm.xlane v15, v0  }
0x96: {  	v5 =	vperm.xlane v25, v0;
	[tilespmem:$0x1F8A0] =	vst v2;
	v11 =	vperm.xlane v55, v49  }
0x97: {  	[tilespmem:$0x1FDF0] =	vst v9;
	(xrf0) =	vmax.scan.msk.f32 $0xffff, v3;
	v3 =	vperm.xlane v9, v49;
	v9, _, _ =	vpop (xrf0)  }
0x98: {  	v4 =	vmax.f32 v4, v11;
	(xrf0) =	vmax.scan.msk.f32 $0xffff, v5;
	v5 =	vperm.xlane v62, v49;
	v13 =	vperm.xlane v9, v49;
	v58, _, _ =	vpop (xrf0)  }
0x99: {  	v43 =	vperm.xlane v42, v49;
	[tilespmem:$0x1F8C0] =	vst v4;
	v2 =	vmax.f32 v2, v3;
	v3 =	vperm.xlane v48, v49;
	v51, _, _ =	vpop (xrf0)  }
0x9a: {  	v4 =	vmax.f32 v4, v5;
	[tilespmem:$0x1F8D0] =	vst v2;
	v2 =	vmax.f32 v2, v13;
	v5 =	vperm.xlane v58, v49;
	v28, _, _ =	vpop (xrf0)  }
0x9b: {  	[tilespmem:$0x1F8E0] =	vst v4;
	v4 =	vmax.f32 v4, v3;
	v3 =	vperm.xlane v51, v49;
	v11 =	vperm.xlane v28, v49  }
0x9c: {  	v18 =	vperm.xlane v23, v0;
	v8 =	vperm.xlane v20, v0;
	[tilespmem:$0x1F8F0] =	vst v2;
	v2 =	vmax.f32 v2, v5  }
0x9d: {  	v60, _, _ =	vpop (xrf0);
	v5 =	vperm.xlane v7, v49;
	[tilespmem:$0x1F900] =	vst v2;
	v2 =	vmax.f32 v2, v3;
	v3 =	vmax.f32 v4, v11  }
0x9e: {  	v36 =	vperm.xlane v17, v0;
	(xrf0) =	vmax.scan.msk.f32 $0xffff, v18;
	v17 =	vperm.xlane v60, v49;
	[tilespmem:$0x1F920] =	vst v3  }
0x9f: {  	v42 =	vperm.xlane v46, v49;
	v18 =	vperm.xlane v33, v49;
	v48, _, _ =	vpop (xrf0);
	v3 =	vmax.f32 v3, v5;
	[tilespmem:$0x1F930] =	vst v2  }
0xa0: {  	(xrf0) =	vmax.scan.msk.f32 $0xffff, v8;
	v2 =	vmax.f32 v2, v17;
	v5 =	vperm.xlane v48, v49;
	v25, _, _ =	vpop (xrf0);
	[tilespmem:$0x1F940] =	vst v3  }
0xa1: {  	v17 =	vperm.xlane v59, v49;
	v3 =	vmax.f32 v3, v18;
	v21 =	vperm.xlane v25, v49;
	[tilespmem:$0x1F950] =	vst v2  }
0xa2: {  	v39 =	vperm.xlane v35, v49;
	v2 =	vmax.f32 v2, v5;
	v5 =	vperm.xlane v45, v49;
	[tilespmem:$0x1F960] =	vst v3  }
0xa3: {  	v8 =	vperm.xlane v27, v49;
	v3 =	vmax.f32 v3, v21;
	[tilespmem:$0x1F970] =	vst v2;
	v2 =	vmax.f32 v2, v17  }
0xa4: {  	v45, _, _ =	vpop (xrf0);
	(xrf0) =	vmax.scan.msk.f32 $0xffff, v1;
	[tilespmem:$0x1F990] =	vst v2;
	v2 =	vmax.f32 v2, v5;
	v5 =	vperm.xlane v26, v49  }
0xa5: {  	[tilespmem:$0x1F980] =	vst v3;
	v3 =	vmax.f32 v3, v8;
	v8 =	vperm.xlane v30, v49;
	v59 =	vperm.xlane v45, v49  }
0xa6: {  	v35 =	vperm.xlane v19, v49;
	v27 =	vmax.f32 v3, v43;
	v18, _, _ =	vpop (xrf0);
	v1 =	vmax.f32 v2, v5  }
0xa7: {  	v5 =	vmax.f32 v27, v59;
	v43 =	vperm.xlane v18, v49;
	v59 =	vmax.f32 v1, v8  }
0xa8: {  	[tilespmem:$0x1FFD0] =	vst v10;
	v21 =	vld [tilespmem:$0x1F9D0];
	v8 =	vperm.xlane v24, v49;
	v33 =	vmax.f32 v59, v39;
	v39 =	vperm.xlane v6, v49  }
0xa9: {  	v22 =	vmovc v54;
	[tilespmem:$0x1FDE0] =	vst v12;
	v12 =	vld [tilespmem:$0x1F9E0];
	(xrf0) =	vmax.scan.msk.f32 $0xffff, v36;
	v36 =	vperm.xlane v54, v49;
	v35 =	vmax.f32 v5, v35  }
0xaa: {  	[tilespmem:$0x1FE10] =	vst v15;
	v19 =	vmax.f32 v35, v8;
	v8 =	vmax.f32 v33, v39;
	v39 =	vperm.xlane v40, v49  }
0xab: {  	[tilespmem:$0x1FE30] =	vst v9;
	v54 =	vperm.xlane v32, v49;
	v30 =	vmax.f32 v19, v43;
	v43, _, _ =	vpop (xrf0);
	v42 =	vmax.f32 v8, v42  }
0xac: {  	[tilespmem:$0x1F9C0] =	vst v1;
	v1 =	vperm.xlane v43, v49;
	v16 =	vmax.f32 v30, v39;
	v39 =	vperm.xlane v56, v49  }
0xad: {  	[tilespmem:$0x1F910] =	vst v4;
	v11 =	vld [tilespmem:$0x1F9F0];
	v36 =	vmax.f32 v42, v36;
	v15 =	vmax.f32 v16, v54;
	v54 =	vperm.xlane v21, v49  }
0xae: {  	v9 =	vperm.xlane v12, v49;
	v4 =	vperm.xlane v61, v49;
	[tilespmem:$0x1F9A0] =	vst v3;
	v3 =	vld [tilespmem:$0x1FA00];
	v39 =	vmax.f32 v36, v39  }
0xaf: {  	[tilespmem:$0x1F9B0] =	vst v2;
	v2 =	vperm.xlane v31, v49;
	v10 =	vmax.f32 v15, v1;
	v20 =	vmax.f32 v39, v54  }
0xb0: {  	v54 =	vperm.xlane v29, v49;
	v1, _, _ =	vpop (xrf0);
	v17 =	vmax.f32 v20, v4;
	v4 =	vperm.xlane v63, v49  }
0xb1: {  	v7 =	vperm.xlane v34, v49;
	v26 =	vmovc v6;
	v6 =	vmax.f32 v10, v2;
	v2 =	vperm.xlane v1, v49  }
0xb2: {  	v23 =	vmovc v46;
	v46 =	vmax.f32 v6, v54;
	v14 =	vmax.f32 v17, v4;
	v4 =	vperm.xlane v11, v49  }
0xb3: {  	v2 =	vmax.f32 v46, v2;
	v13 =	vmax.f32 v14, v9;
	v9 =	vperm.xlane v3, v49  }
0xb4: {  	v1 =	vperm.xlane v1, v0;
	v7 =	vmax.f32 v2, v7;
	v4 =	vmax.f32 v13, v4  }
0xb5: {  	v44 =	vmax.f32 v44, v7;
	v7 =	vmax.f32 v4, v9;
	v9 =	vperm.xlane v34, v0  }
0xb6: {  	v54 =	vmax.f32 v1, v46;
	v1 =	vperm.xlane v40, v0  }
0xb7: {  	v34 =	vmax.f32 v50, v7;
	v50 =	vmax.f32 v9, v2;
	v2 =	vperm.xlane v43, v0  }
0xb8: {  	v29 =	vperm.xlane v29, v0;
	v30 =	vmax.f32 v1, v30  }
0xb9: {  	v1 =	vperm.xlane v24, v0;
	v43 =	vmax.f32 v2, v15;
	v2 =	vperm.xlane v18, v0  }
0xba: {  	v29 =	vmax.f32 v29, v6;
	v6 =	vperm.xlane v31, v0  }
0xbb: {  	v31 =	vmax.f32 v2, v19;
	v19 =	vmax.f32 v1, v35;
	v1 =	vperm.xlane v63, v0;
	_ =	sdelay $0x1  }
0xbc: {  	v63 =	vmax.f32 v1, v17;
	v1 =	vld [tilespmem:$0x1FA20]  }
0xbd: {  	v2 =	vperm.xlane v56, v0;
	_ =	sdelay $0x1  }
0xbe: {  	v7 =	vperm.xlane v32, v0;
	v32 =	vmax.f32 v2, v36;
	v2 =	vperm.xlane v11, v0;
	_ =	sdelay $0x1  }
0xbf: {  	v56 =	vmax.f32 v2, v13;
	v2 =	vld [tilespmem:$0x1FA40];
	v1 =	vmax.f32 v38, v1  }
0xc0: {  	[tilespmem:$0x1FA30] =	vst v1;
	v1 =	vld [tilespmem:$0x1FA50];
	_ =	sdelay $0x4  }
0xc1: {  	v1 =	vmax.f32 v2, v1  }
0xc2: {  	[tilespmem:$0x1FA60] =	vst v1;
	v1 =	vld [tilespmem:$0x1FA80];
	_ =	sdelay $0x4  }
0xc3: {  	v1 =	vmax.f32 v37, v1  }
0xc4: {  	[tilespmem:$0x1FA90] =	vst v1;
	v1 =	vld [tilespmem:$0x1FAB0];
	_ =	sdelay $0x4  }
0xc5: {  	v2 =	vld [tilespmem:$0x1FAD0];
	v1 =	vmax.f32 v41, v1  }
0xc6: {  	[tilespmem:$0x1FAC0] =	vst v1;
	v1 =	vld [tilespmem:$0x1FAE0];
	_ =	sdelay $0x4  }
0xc7: {  	v1 =	vmax.f32 v2, v1;
	v2 =	vld [tilespmem:$0x1FB00]  }
0xc8: {  	[tilespmem:$0x1FAF0] =	vst v1;
	v1 =	vld [tilespmem:$0x1FB10];
	_ =	sdelay $0x4  }
0xc9: {  	v1 =	vmax.f32 v2, v1  }
0xca: {  	[tilespmem:$0x1FB20] =	vst v1;
	v1 =	vld [tilespmem:$0x1FB40];
	_ =	sdelay $0x4  }
0xcb: {  	v2 =	vld [tilespmem:$0x1FB60];
	v1 =	vmax.f32 v52, v1  }
0xcc: {  	[tilespmem:$0x1FB50] =	vst v1;
	v1 =	vld [tilespmem:$0x1FB70];
	_ =	sdelay $0x4  }
0xcd: {  	v1 =	vmax.f32 v2, v1;
	v2 =	vld [tilespmem:$0x1FB90]  }
0xce: {  	[tilespmem:$0x1FB80] =	vst v1;
	v1 =	vld [tilespmem:$0x1FBA0];
	_ =	sdelay $0x4  }
0xcf: {  	v1 =	vmax.f32 v2, v1  }
0xd0: {  	[tilespmem:$0x1FBB0] =	vst v1;
	v1 =	vperm.xlane v47, v0;
	_ =	sdelay $0x1  }
0xd1: {  	[tilespmem:$0x1FBC0] =	vst v1;
	v1 =	vld [tilespmem:$0x1FBE0];
	_ =	sdelay $0x4  }
0xd2: {  	v1 =	vmax.f32 v57, v1  }
0xd3: {  	[tilespmem:$0x1FBF0] =	vst v1;
	v1 =	vperm.xlane v53, v0;
	_ =	sdelay $0x1  }
0xd4: {  	[tilespmem:$0x1FC00] =	vst v1;
	v1 =	vperm.xlane v55, v0  }
0xd5: {  	v2 =	vld [tilespmem:$0x1FC30]  }
0xd6: {  	[tilespmem:$0x1FC10] =	vst v1;
	v1 =	vld [tilespmem:$0x1FC40];
	_ =	sdelay $0x4  }
0xd7: {  	v1 =	vmax.f32 v2, v1  }
0xd8: {  	[tilespmem:$0x1FC50] =	vst v1;
	v1 =	vperm.xlane v62, v0;
	_ =	sdelay $0x1  }
0xd9: {  	[tilespmem:$0x1FC60] =	vst v1;
	v1 =	vld [tilespmem:$0x1FC70];
	_ =	sdelay $0x4  }
0xda: {  	v1 =	vperm.xlane v1, v0  }
0xdb: {  	v2 =	vld [tilespmem:$0x1FC90]  }
0xdc: {  	[tilespmem:$0x1FC80] =	vst v1;
	v1 =	vld [tilespmem:$0x1FCA0];
	_ =	sdelay $0x4  }
0xdd: {  	v1 =	vmax.f32 v2, v1  }
0xde: {  	[tilespmem:$0x1FCB0] =	vst v1;
	v1 =	vld [tilespmem:$0x1FCC0];
	_ =	sdelay $0x3  }
0xdf: {  	v2 =	vld [tilespmem:$0x1FCD0]  }
0xe0: {  	v40 =	vmax.f32 v7, v16;
	v7 =	vperm.xlane v12, v0;
	v12 =	vperm.xlane v1, v0;
	v1 =	vld [tilespmem:$0x1FCE0];
	_ =	sdelay $0x4  }
0xe1: {  	v1 =	vmax.f32 v2, v1  }
0xe2: {  	[tilespmem:$0x1FCF0] =	vst v1;
	v1 =	vld [tilespmem:$0x1FD00];
	_ =	sdelay $0x3  }
0xe3: {  	v2 =	vld [tilespmem:$0x1FD10]  }
0xe4: {  	[tilespmem:$0x1FBD0] =	vst v57;
	v57 =	vperm.xlane v1, v0;
	v1 =	vld [tilespmem:$0x1FD20];
	_ =	sdelay $0x4  }
0xe5: {  	v1 =	vmax.f32 v2, v1  }
0xe6: {  	[tilespmem:$0x1FD30] =	vst v1;
	v1 =	vld [tilespmem:$0x1FD50];
	_ =	sdelay $0x4  }
0xe7: {  	v15 =	vperm.xlane v1, v0;
	v1 =	vld [tilespmem:$0x1FD60];
	_ =	sdelay $0x3  }
0xe8: {  	v62 =	vld [tilespmem:$0x1FD40]  }
0xe9: {  	[tilespmem:$0x1FB30] =	vst v52;
	v52 =	vperm.xlane v1, v0;
	v1 =	vld [tilespmem:$0x1FD70];
	_ =	sdelay $0x4  }
0xea: {  	v1 =	vmax.f32 v62, v1  }
0xeb: {  	[tilespmem:$0x1FD80] =	vst v1;
	v1 =	vld [tilespmem:$0x1FD90];
	_ =	sdelay $0x2  }
0xec: {  	v9 =	vperm.xlane v3, v0  }
0xed: {  	v46 =	vmax.f32 v6, v10;
	v2 =	vld [tilespmem:$0x1FDB0]  }
0xee: {  	v6 =	vperm.xlane v61, v0;
	v61 =	vmax.f32 v9, v4;
	v4 =	vperm.xlane v1, v0;
	v1 =	vld [tilespmem:$0x1FDA0];
	_ =	sdelay $0x4  }
0xef: {  	v1 =	vmax.f32 v1, v2  }
0xf0: {  	[tilespmem:$0x1FDC0] =	vst v1;
	v1 =	vld [tilespmem:$0x1FDE0];
	_ =	sdelay $0x4  }
0xf1: {  	v2 =	vperm.xlane v1, v0;
	v1 =	vld [tilespmem:$0x1FDF0];
	_ =	sdelay $0x3  }
0xf2: {  	v3 =	vld [tilespmem:$0x1FE10]  }
0xf3: {  	v9 =	vperm.xlane v1, v0;
	v1 =	vld [tilespmem:$0x1FE00];
	_ =	sdelay $0x4  }
0xf4: {  	v1 =	vmax.f32 v1, v3  }
0xf5: {  	[tilespmem:$0x1FE20] =	vst v1;
	v1 =	vld [tilespmem:$0x1FE30];
	_ =	sdelay $0x3  }
0xf6: {  	v3 =	vld [tilespmem:$0x1FE40]  }
0xf7: {  	v16 =	vperm.xlane v1, v0;
	v1 =	vld [tilespmem:$0x1FE50];
	_ =	sdelay $0x4  }
0xf8: {  	v1 =	vmax.f32 v3, v1;
	v3 =	vld [tilespmem:$0x1FE70]  }
0xf9: {  	[tilespmem:$0x1FE60] =	vst v1;
	v1 =	vld [tilespmem:$0x1FE80];
	_ =	sdelay $0x4  }
0xfa: {  	v24 =	vmax.f32 v6, v20;
	v6 =	vmax.f32 v3, v1;
	v1 =	vld [tilespmem:$0x1FE90];
	_ =	sdelay $0x3  }
0xfb: {  	v3 =	vld [tilespmem:$0x1FEB0]  }
0xfc: {  	v47 =	vperm.xlane v25, v0;
	v25 =	vperm.xlane v1, v0;
	v1 =	vld [tilespmem:$0x1FEA0];
	_ =	sdelay $0x4  }
0xfd: {  	v1 =	vmax.f32 v1, v3  }
0xfe: {  	[tilespmem:$0x1FEC0] =	vst v1;
	v1 =	vld [tilespmem:$0x1FED0];
	_ =	sdelay $0x4  }
0xff: {  	v10 =	vperm.xlane v28, v0;
	v28 =	vperm.xlane v1, v0;
	v1 =	vld [tilespmem:$0x1FEE0];
	_ =	sdelay $0x3  }
0x100: {  	v20 =	vperm.xlane v51, v0;
	v3 =	vld [tilespmem:$0x1FF00]  }
0x101: {  	v51 =	vperm.xlane v60, v0;
	v60 =	vperm.xlane v1, v0;
	v1 =	vld [tilespmem:$0x1FEF0];
	_ =	sdelay $0x3  }
0x102: {  	v55 =	vld [tilespmem:$0x1FC20]  }
0x103: {  	v1 =	vmax.f32 v1, v3;
	v3 =	vld [tilespmem:$0x1FF60];
	_ =	sdelay $0x4  }
0x104: {  	v35 =	vmax.f32 v7, v14;
	v14 =	vld [tilespmem:$0x1FF90];
	v3 =	vmax.f32 v55, v3  }
0x105: {  	[tilespmem:$0x1FF70] =	vst v3;
	v3 =	vld [tilespmem:$0x1FF80];
	_ =	sdelay $0x1  }
0x106: {  	[tilespmem:$0x1FF10] =	vst v1;
	v1 =	vld [tilespmem:$0x1FF20];
	_ =	sdelay $0x2  }
0x107: {  	v3 =	vmax.f32 v3, v14  }
0x108: {  	[tilespmem:$0x1FFA0] =	vst v3;
	v3 =	vld [tilespmem:$0x1FFB0]  }
0x109: {  	v11 =	vperm.xlane v1, v0;
	v1 =	vld [tilespmem:$0x1FF30];
	_ =	sdelay $0x3  }
0x10a: {  	[tilespmem:$0x1FAA0] =	vst v41;
	v41 =	vld [tilespmem:$0x1FDD0];
	v3 =	vperm.xlane v3, v0  }
0x10b: {  	v53 =	vperm.xlane v45, v0;
	v45 =	vperm.xlane v1, v0;
	v1 =	vld [tilespmem:$0x1FF40]  }
0x10c: {  	[tilespmem:$0x1FFC0] =	vst v3;
	v3 =	vld [tilespmem:$0x1FFD0];
	_ =	sdelay $0x2  }
0x10d: {  	[tilespmem:$0x1FA10] =	vst v38  }
0x10e: {  	[tilespmem:$0x1FA70] =	vst v37;
	v48 =	vperm.xlane v48, v0  }
0x10f: {  	v7 =	vperm.xlane v23, v0;
	[tilespmem:$0x1FFF0] =	vst v6;
	v1 =	vmax.f32 v41, v1;
	v3 =	vperm.xlane v3, v0  }
0x110: {  	v36 =	vperm.xlane v21, v0;
	v13 =	vperm.xlane v22, v0;
	[tilespmem:$0x1FF50] =	vst v1  }
0x111: {  	s24 =	simm.s32 $0x0;
	s25 =	simm.s32 $0x3C;
	v37 =	vperm.xlane v58, v0;
	v38 =	vmov v6;
	v1 =	vperm.xlane v26, v0;
	[tilespmem:$0x1FFE0] =	vst v3  }
.LBB2_3:
0x112: {  	v6 =	vld [tilespmem:$0x1FEC0];
	_ =	sdelay $0x4  }
0x113: {  	v4 =	vmax.f32 v4, v5;
	v14 =	vmax.f32 v45, v59;
	v45 =	vld [tilespmem:$0x1FF70];
	v5 =	vmov v6  }
0x114: {  	[tilespmem:$0x1F340] =	vst v5;
	v5 =	vmax.f32 v53, v27;
	v53 =	vld [tilespmem:$0x1FF50];
	_ =	sdelay $0x3  }
0x115: {  	[tilespmem:$0x1FEC0] =	vst v6;
	v6 =	vmax.f32 v1, v33;
	v1 =	vmax.f32 v7, v8;
	v8 =	vmov v45  }
0x116: {  	[tilespmem:$0x1F3B0] =	vst v8;
	v8 =	vld [tilespmem:$0x1F960];
	v7 =	vmov v53  }
0x117: {  	[tilespmem:$0x1F3D0] =	vst v7;
	v7 =	vld [tilespmem:$0x1F980];
	_ =	sdelay $0x4  }
0x118: {  	v23 =	vmax.f32 v15, v7;
	v15 =	vmax.f32 v47, v8;
	v8 =	vld [tilespmem:$0x1F9B0];
	_ =	sdelay $0x3  }
0x119: {  	[tilespmem:$0x1FC20] =	vst v55;
	v55 =	vmax.f32 v36, v39;
	v36 =	vld [tilespmem:$0x1FFA0]  }
0x11a: {  	v17 =	vmax.f32 v60, v8;
	v8 =	vld [tilespmem:$0x1F9C0];
	_ =	sdelay $0x4  }
0x11b: {  	v11 =	vmax.f32 v11, v8;
	v8 =	vmov v36  }
0x11c: {  	[tilespmem:$0x1F390] =	vst v8;
	v8 =	vld [tilespmem:$0x1F920];
	_ =	sdelay $0x4  }
0x11d: {  	v18 =	vmax.f32 v12, v8;
	v8 =	vld [tilespmem:$0x1F940];
	_ =	sdelay $0x4  }
0x11e: {  	v12 =	vmax.f32 v57, v8;
	v8 =	vld [tilespmem:$0x1F990];
	_ =	sdelay $0x4  }
0x11f: {  	v57 =	vmax.f32 v28, v8;
	v8 =	vld [tilespmem:$0x1F910];
	_ =	sdelay $0x4  }
0x120: {  	v28 =	vmax.f32 v10, v8;
	v8 =	vld [tilespmem:$0x1F950];
	_ =	sdelay $0x4  }
0x121: {  	v21 =	vmax.f32 v48, v8;
	v8 =	vld [tilespmem:$0x1F970];
	_ =	sdelay $0x3  }
0x122: {  	v3 =	vmax.f32 v13, v42;
	v13 =	vld [tilespmem:$0x1FC60]  }
0x123: {  	v10 =	vmax.f32 v25, v8;
	v8 =	vld [tilespmem:$0x1F8C0];
	_ =	sdelay $0x4  }
0x124: {  	v8 =	vmax.f32 v13, v8;
	v13 =	vld [tilespmem:$0x1FC80]  }
0x125: {  	[tilespmem:$0x1F190] =	vst v8;
	v8 =	vld [tilespmem:$0x1F8E0];
	_ =	sdelay $0x4  }
0x126: {  	v25 =	vmax.f32 v13, v8;
	v8 =	vld [tilespmem:$0x1F930];
	_ =	sdelay $0x3  }
0x127: {  	v13 =	vld [tilespmem:$0x1FC10]  }
0x128: {  	v51 =	vmax.f32 v51, v8;
	v8 =	vld [tilespmem:$0x1F8B0];
	_ =	sdelay $0x4  }
0x129: {  	v8 =	vmax.f32 v13, v8  }
0x12a: {  	[tilespmem:$0x1F310] =	vst v8;
	v8 =	vld [tilespmem:$0x1F8F0];
	_ =	sdelay $0x4  }
0x12b: {  	v8 =	vmax.f32 v37, v8  }
0x12c: {  	[tilespmem:$0x1F350] =	vst v8;
	v8 =	vld [tilespmem:$0x1F900];
	_ =	sdelay $0x3  }
0x12d: {  	v13 =	vld [tilespmem:$0x1FBC0]  }
0x12e: {  	v20 =	vmax.f32 v20, v8;
	v8 =	vld [tilespmem:$0x1F870];
	_ =	sdelay $0x4  }
0x12f: {  	v8 =	vmax.f32 v13, v8;
	v13 =	vld [tilespmem:$0x1FC00]  }
0x130: {  	[tilespmem:$0x1F380] =	vst v8;
	v8 =	vld [tilespmem:$0x1F880];
	_ =	sdelay $0x4  }
0x131: {  	v8 =	vmax.f32 v13, v8  }
0x132: {  	[tilespmem:$0x1F360] =	vst v8;
	v8 =	vld [tilespmem:$0x1F8D0];
	_ =	sdelay $0x3  }
0x133: {  	s26 =	sshrl.u32 s25, $0x3  }
0x134: {  	s23 =	sadd.s32 $0xFFFFFF00, s23;
	s26 =	smul.u32 $0xC00, s26;
	v8 =	vmax.f32 v16, v8  }
0x135: {  	s28 =	sand.u32 $0x300, s23;
	[tilespmem:$0x1F370] =	vst v8;
	v8 =	vld [tilespmem:$0x1F890]  }
0x136: {  	s26 =	sor.u32 s28, s26  }
0x137: {  	v22 =	vld [tilespmem:s26+$0x0]  }
0x138: {  	v26 =	vld [tilespmem:s26+$0x10]  }
0x139: {  	v58 =	vld [tilespmem:s26+$0x40]  }
0x13a: {  	v2 =	vmax.f32 v2, v8;
	v8 =	vld [tilespmem:$0x1FA40]  }
0x13b: {  	v59 =	vld [tilespmem:s26+$0x50]  }
0x13c: {  	[tilespmem:$0x1FDD0] =	vst v41;
	v27 =	vld [tilespmem:s26+$0x30]  }
0x13d: {  	[tilespmem:$0x1F220] =	vst v22;
	v47 =	vld [tilespmem:s26+$0x20]  }
0x13e: {  	[tilespmem:$0x1F210] =	vst v26;
	v13 =	vld [tilespmem:s26+$0x60]  }
0x13f: {  	[tilespmem:$0x1F250] =	vst v58;
	v16 =	vperm.xlane v22, v0;
	v22 =	vld [tilespmem:s26+$0x70];
	v8 =	vadd.f32 v50, v8  }
0x140: {  	[tilespmem:$0x1F3C0] =	vst v2;
	v2 =	vld [tilespmem:$0x1F8A0]  }
0x141: {  	[tilespmem:$0x1F1B0] =	vst v8;
	v8 =	vld [tilespmem:$0x1FA70]  }
0x142: {  	[tilespmem:$0x1F240] =	vst v59  }
0x143: {  	[tilespmem:$0x1F260] =	vst v27  }
0x144: {  	[tilespmem:$0x1F200] =	vst v47  }
0x145: {  	[tilespmem:$0x1F2A0] =	vst v13  }
0x146: {  	[tilespmem:$0x1F290] =	vst v22;
	v2 =	vmax.f32 v9, v2;
	v8 =	vadd.f32 v44, v8  }
0x147: {  	v7 =	vld [tilespmem:$0x1F9A0];
	[tilespmem:$0x1F3A0] =	vst v2  }
0x148: {  	[tilespmem:$0x1F1A0] =	vst v8  }
0x149: {  	(xrf0) =	vmax.scan.msk.f32 $0xffff, v16  }
0x14a: {  	v8 =	vld [tilespmem:$0x1FA10];
	_ =	sdelay $0x1  }
0x14b: {  	v7 =	vmax.f32 v52, v7;
	v52 =	vld [tilespmem:$0x1FA90];
	_ =	sdelay $0x2  }
0x14c: {  	v8 =	vadd.f32 v54, v8;
	_ =	sdelay $0x1  }
0x14d: {  	[tilespmem:$0x1F1D0] =	vst v8;
	v8 =	vadd.f32 v34, v52;
	_ =	sdelay $0x1  }
0x14e: {  	[tilespmem:$0x1F1C0] =	vst v8;
	v8 =	vld [tilespmem:$0x1FAD0];
	_ =	sdelay $0x1  }
0x14f: {  	v44 =	vld [tilespmem:$0x1FA30];
	_ =	sdelay $0x2  }
0x150: {  	v8 =	vadd.f32 v46, v8  }
0x151: {  	v2 =	vperm.xlane v26, v0  }
0x152: {  	[tilespmem:$0x1F270] =	vst v8;
	v8 =	vadd.f32 v56, v44  }
0x153: {  	(xrf0) =	vmax.scan.msk.f32 $0xffff, v2;
	v2 =	vld [tilespmem:$0x1FB00]  }
0x154: {  	[tilespmem:$0x1F230] =	vst v8;
	v8 =	vld [tilespmem:$0x1FAA0]  }
0x155: {  	v48 =	vld [tilespmem:$0x1FA60]  }
0x156: {  	v41 =	vld [tilespmem:$0x1FB20];
	_ =	sdelay $0x1  }
0x157: {  	v2 =	vadd.f32 v29, v2  }
0x158: {  	v8 =	vadd.f32 v43, v8  }
0x159: {  	[tilespmem:$0x1F1F0] =	vst v2;
	v2 =	vadd.f32 v61, v48  }
0x15a: {  	v9 =	vperm.xlane v47, v0;
	[tilespmem:$0x1F2C0] =	vst v8;
	v8 =	vadd.f32 v35, v41  }
0x15b: {  	v16 =	vperm.xlane v27, v0;
	[tilespmem:$0x1F1E0] =	vst v2  }
0x15c: {  	(xrf0) =	vmax.scan.msk.f32 $0xffff, v9;
	v2 =	vperm.xlane v58, v0;
	[tilespmem:$0x1F2B0] =	vst v8;
	v8 =	vld [tilespmem:$0x1FB60]  }
0x15d: {  	v39 =	vld [tilespmem:$0x1FAC0];
	(xrf0) =	vmax.scan.msk.f32 $0xffff, v16  }
0x15e: {  	(xrf0) =	vmax.scan.msk.f32 $0xffff, v2;
	v2 =	vld [tilespmem:$0x1FB90];
	_ =	sdelay $0x2  }
0x15f: {  	v8 =	vadd.f32 v30, v8;
	_ =	sdelay $0x1  }
0x160: {  	v2 =	vadd.f32 v40, v2;
	v40 =	vld [tilespmem:$0x1FAF0];
	[tilespmem:$0x1F300] =	vst v8;
	v8 =	vadd.f32 v24, v39;
	_ =	sdelay $0x1  }
0x161: {  	[tilespmem:$0x1F2F0] =	vst v8;
	v8 =	vld [tilespmem:$0x1FB30];
	_ =	sdelay $0x1  }
0x162: {  	v26 =	vld [tilespmem:s26+$0x400]  }
0x163: {  	v13 =	vperm.xlane v13, v0;
	v37 =	vld [tilespmem:$0x1FBB0];
	[tilespmem:$0x1F2E0] =	vst v2;
	v2 =	vadd.f32 v63, v40  }
0x164: {  	v60 =	vld [tilespmem:s26+$0x420];
	v9 =	vperm.xlane v59, v0;
	v29, _, _ =	vpop (xrf0)  }
0x165: {  	[tilespmem:$0x1F2D0] =	vst v2;
	v2 =	vperm.xlane v22, v0;
	v22 =	vadd.f32 v31, v8;
	v8, _, _ =	vpop (xrf0);
	v31 =	vld [tilespmem:$0x1FB80]  }
0x166: {  	v61 =	vld [tilespmem:s26+$0x410];
	(xrf0) =	vmax.scan.msk.f32 $0xffff, v9;
	[tilespmem:$0x1F830] =	vst v8  }
0x167: {  	(xrf0) =	vmax.scan.msk.f32 $0xffff, v13;
	v24 =	vld [tilespmem:$0x1FB50];
	v8 =	vperm.xlane v8, v49;
	v13, _, _ =	vpop (xrf0);
	[tilespmem:$0x1F330] =	vst v22  }
0x168: {  	v16 =	vadd.f32 v55, v37;
	[tilespmem:$0x1F820] =	vst v13;
	v22 =	vld [tilespmem:$0x1FCB0]  }
0x169: {  	v13 =	vperm.xlane v13, v49;
	[tilespmem:$0x1F6A0] =	vst v8;
	v8 =	vld [tilespmem:$0x1FC90]  }
0x16a: {  	[tilespmem:$0x1F320] =	vst v16;
	v9 =	vperm.xlane v26, v0;
	(xrf0) =	vmax.scan.msk.f32 $0xffff, v2;
	v2 =	vadd.f32 v32, v31  }
0x16b: {  	v16 =	vperm.xlane v29, v0;
	v55 =	vperm.xlane v61, v0;
	[tilespmem:$0x1F640] =	vst v13  }
0x16c: {  	(xrf0) =	vmax.scan.msk.f32 $0xffff, v9;
	v13 =	vadd.f32 v3, v24;
	[tilespmem:$0x1F3E0] =	vst v2;
	v2 =	vperm.xlane v60, v0  }
0x16d: {  	[tilespmem:$0x1F710] =	vst v16;
	(xrf0) =	vmax.scan.msk.f32 $0xffff, v55  }
0x16e: {  	[tilespmem:$0x1F400] =	vst v13;
	v1 =	vadd.f32 v1, v22;
	v16 =	vadd.f32 v19, v8;
	v8, _, _ =	vpop (xrf0);
	(xrf0) =	vmax.scan.msk.f32 $0xffff, v2;
	v2 =	vld [tilespmem:$0x1FC30]  }
0x16f: {  	v56 =	vld [tilespmem:s26+$0x430];
	[tilespmem:$0x1F800] =	vst v8  }
0x170: {  	s31 =	sadd.s32 $0x1, s25;
	v59 =	vld [tilespmem:s26+$0x440];
	[tilespmem:$0x1F420] =	vst v1  }
0x171: {  	s28 =	sshrl.u32 s31, $0x3;
	v50 =	vld [tilespmem:s26+$0x450];
	v3, _, _ =	vpop (xrf0);
	[tilespmem:$0x1F3F0] =	vst v16;
	v16 =	vperm.xlane v8, v49  }
0x172: {  	s29 =	sadd.s32 $0x80, s23;
	s28 =	smul.u32 $0xC00, s28;
	v47 =	vld [tilespmem:s26+$0x460];
	[tilespmem:$0x1F7F0] =	vst v3  }
0x173: {  	s29 =	sand.u32 $0x380, s29;
	[tilespmem:$0x1F610] =	vst v16;
	v16 =	vadd.f32 v4, v2;
	v4 =	vperm.xlane v3, v49;
	v3, _, _ =	vpop (xrf0)  }
0x174: {  	s28 =	sor.u32 s29, s28;
	v42 =	vld [tilespmem:s26+$0x470];
	v9 =	vperm.xlane v56, v0;
	[tilespmem:$0x1F7D0] =	vst v3  }
0x175: {  	v33 =	vld [tilespmem:s28+$0x0];
	v29 =	vperm.xlane v59, v0;
	v3 =	vperm.xlane v3, v49;
	v8, _, _ =	vpop (xrf0);
	[tilespmem:$0x1F410] =	vst v16  }
0x176: {  	v27 =	vld [tilespmem:s28+$0x10];
	v13 =	vperm.xlane v50, v0;
	(xrf0) =	vmax.scan.msk.f32 $0xffff, v9;
	[tilespmem:$0x1F7C0] =	vst v8  }
0x177: {  	v1 =	vperm.xlane v47, v0;
	(xrf0) =	vmax.scan.msk.f32 $0xffff, v29;
	v2, _, _ =	vpop (xrf0);
	[tilespmem:$0x1F5C0] =	vst v3;
	v3 =	vld [tilespmem:$0x1FBD0]  }
0x178: {  	v63 =	vld [tilespmem:s28+$0x30];
	(xrf0) =	vmax.scan.msk.f32 $0xffff, v13;
	[tilespmem:$0x1F7B0] =	vst v2;
	v9 =	vperm.xlane v2, v49;
	v2, _, _ =	vpop (xrf0)  }
0x179: {  	v16 =	vld [tilespmem:$0x1FC50];
	(xrf0) =	vmax.scan.msk.f32 $0xffff, v1;
	v1 =	vadd.f32 v7, v62;
	[tilespmem:$0x1F7A0] =	vst v2;
	v7 =	vperm.xlane v2, v49;
	v2, _, _ =	vpop (xrf0)  }
0x17a: {  	v29 =	vperm.xlane v8, v49;
	v8 =	vld [tilespmem:$0x1FBF0];
	[tilespmem:$0x1F780] =	vst v2;
	v2 =	vperm.xlane v2, v49  }
0x17b: {  	[tilespmem:$0x1F5F0] =	vst v4  }
0x17c: {  	v4 =	vperm.xlane v42, v0;
	[tilespmem:$0x1F510] =	vst v2;
	v2 =	vld [tilespmem:$0x1FD10];
	v3 =	vadd.f32 v5, v3  }
0x17d: {  	[tilespmem:$0x1F280] =	vst v26;
	v5 =	vperm.xlane v33, v0  }
0x17e: {  	[tilespmem:$0x1F470] =	vst v1;
	v1 =	vperm.xlane v27, v0;
	(xrf0) =	vmax.scan.msk.f32 $0xffff, v4;
	v4 =	vperm.xlane v63, v0  }
0x17f: {  	[tilespmem:$0x1F540] =	vst v7;
	v26 =	vadd.f32 v6, v16;
	v6 =	vadd.f32 v14, v8;
	(xrf0) =	vmax.scan.msk.f32 $0xffff, v5  }
0x180: {  	v7 =	vld [tilespmem:$0x1FD80];
	[tilespmem:$0x1F430] =	vst v3;
	v3, _, _ =	vpop (xrf0);
	(xrf0) =	vmax.scan.msk.f32 $0xffff, v1  }
0x181: {  	[tilespmem:$0x1F490] =	vst v6;
	v6 =	vadd.f32 v23, v2;
	v2, _, _ =	vpop (xrf0);
	(xrf0) =	vmax.scan.msk.f32 $0xffff, v4;
	v4 =	vld [tilespmem:$0x1FCD0]  }
0x182: {  	[tilespmem:$0x1F770] =	vst v3;
	v3 =	vperm.xlane v3, v49;
	_ =	sdelay $0x1  }
0x183: {  	[tilespmem:$0x1F4F0] =	vst v3;
	v3 =	vperm.xlane v2, v49  }
0x184: {  	v58 =	vld [tilespmem:$0x1FD30];
	v1 =	vadd.f32 v11, v7;
	[tilespmem:$0x1F760] =	vst v2  }
0x185: {  	v35 =	vld [tilespmem:s28+$0x40];
	[tilespmem:$0x1F4C0] =	vst v3;
	v3 =	vadd.f32 v15, v4  }
0x186: {  	v32 =	vld [tilespmem:s28+$0x60];
	[tilespmem:$0x1F4D0] =	vst v1;
	v2, _, _ =	vpop (xrf0)  }
0x187: {  	[tilespmem:$0x1F500] =	vst v3;
	v3 =	vperm.xlane v2, v49  }
0x188: {  	[tilespmem:$0x1F750] =	vst v2  }
0x189: {  	v2, _, _ =	vpop (xrf0);
	[tilespmem:$0x1F4A0] =	vst v3;
	v3 =	vadd.f32 v17, v58  }
0x18a: {  	v5 =	vperm.xlane v35, v0;
	[tilespmem:$0x1F740] =	vst v2  }
0x18b: {  	v11 =	vld [tilespmem:$0x1FE00];
	v1 =	vperm.xlane v32, v0;
	[tilespmem:$0x1F520] =	vst v3;
	v3 =	vperm.xlane v2, v49;
	v2, _, _ =	vpop (xrf0)  }
0x18c: {  	(xrf0) =	vmax.scan.msk.f32 $0xffff, v5;
	[tilespmem:$0x1F730] =	vst v2  }
0x18d: {  	(xrf0) =	vmax.scan.msk.f32 $0xffff, v1;
	v1 =	vld [tilespmem:$0x1FE40];
	[tilespmem:$0x1F480] =	vst v3;
	v3 =	vperm.xlane v2, v49;
	v2, _, _ =	vpop (xrf0)  }
0x18e: {  	[tilespmem:$0x1F720] =	vst v2;
	v2 =	vperm.xlane v2, v49  }
0x18f: {  	v55 =	vld [tilespmem:s28+$0x420];
	[tilespmem:$0x1F570] =	vst v9  }
0x190: {  	v19 =	vld [tilespmem:s28+$0x70];
	[tilespmem:$0x1F440] =	vst v2;
	v2 =	vadd.f32 v18, v11  }
0x191: {  	v13 =	vld [tilespmem:s28+$0x410];
	v9, _, _ =	vpop (xrf0);
	[tilespmem:$0x1F460] =	vst v3  }
0x192: {  	v17 =	vadd.f32 v12, v1;
	v3 =	vld [tilespmem:$0x1FCF0];
	v1, _, _ =	vpop (xrf0);
	[tilespmem:$0x1F5A0] =	vst v2;
	v2 =	vperm.xlane v9, v0  }
0x193: {  	[tilespmem:$0x1F700] =	vst v1  }
0x194: {  	v1 =	vperm.xlane v1, v49;
	[tilespmem:$0x1F6E0] =	vst v2;
	v2 =	vld [tilespmem:$0x1FE60]  }
0x195: {  	v4 =	vperm.xlane v19, v0  }
0x196: {  	v5 =	vperm.xlane v13, v0;
	[tilespmem:$0x1F670] =	vst v1;
	v1 =	vld [tilespmem:$0x1FDA0]  }
0x197: {  	[tilespmem:$0x1F4B0] =	vst v6;
	v6 =	vperm.xlane v55, v0;
	(xrf0) =	vmax.scan.msk.f32 $0xffff, v4;
	v4 =	vadd.f32 v57, v3;
	v57 =	vld [tilespmem:$0x1FE20]  }
0x198: {  	(xrf0) =	vmax.scan.msk.f32 $0xffff, v5  }
0x199: {  	(xrf0) =	vmax.scan.msk.f32 $0xffff, v6;
	v6 =	vadd.f32 v10, v2  }
0x19a: {  	v30 =	vld [tilespmem:s28+$0x440];
	v5, _, _ =	vpop (xrf0)  }
0x19b: {  	v14 =	vld [tilespmem:s28+$0x450];
	[tilespmem:$0x1F5D0] =	vst v6;
	v6 =	vadd.f32 v28, v1;
	v1, _, _ =	vpop (xrf0)  }
0x19c: {  	v15 =	vld [tilespmem:s28+$0x470];
	v23 =	vadd.f32 v21, v57;
	[tilespmem:$0x1F6C0] =	vst v1;
	v21 =	vperm.xlane v1, v49;
	v1, _, _ =	vpop (xrf0)  }
0x19d: {  	v62 =	vld [tilespmem:s28+$0x800];
	[tilespmem:$0x1F690] =	vst v1;
	v1 =	vperm.xlane v1, v49  }
0x19e: {  	[tilespmem:$0x1F580] =	vst v4  }
0x19f: {  	v4 =	vperm.xlane v30, v0;
	[tilespmem:$0x1F560] =	vst v1;
	v1 =	vld [tilespmem:$0x1FDC0]  }
0x1a0: {  	v11 =	vperm.xlane v14, v0  }
0x1a1: {  	v9 =	vperm.xlane v15, v0;
	(xrf0) =	vmax.scan.msk.f32 $0xffff, v4  }
0x1a2: {  	v4 =	vperm.xlane v62, v0;
	(xrf0) =	vmax.scan.msk.f32 $0xffff, v11  }
0x1a3: {  	(xrf0) =	vmax.scan.msk.f32 $0xffff, v9  }
0x1a4: {  	(xrf0) =	vmax.scan.msk.f32 $0xffff, v4;
	v4 =	vadd.f32 v51, v1  }
0x1a5: {  	[tilespmem:$0x1F6D0] =	vst v5;
	v28 =	vperm.xlane v5, v49;
	v5, _, _ =	vpop (xrf0)  }
0x1a6: {  	v12 =	vld [tilespmem:s28+$0x820];
	[tilespmem:$0x1F680] =	vst v4;
	v4 =	vperm.xlane v5, v49  }
0x1a7: {  	v9 =	vld [tilespmem:$0x1F190]  }
0x1a8: {  	[tilespmem:$0x1F530] =	vst v4;
	v4 =	vld [tilespmem:$0x1FEA0]  }
0x1a9: {  	v11 =	vld [tilespmem:$0x1FEF0]  }
0x1aa: {  	v46 =	vld [tilespmem:s28+$0x830]  }
0x1ab: {  	v43 =	vld [tilespmem:s28+$0x850];
	[tilespmem:$0x1F590] =	vst v29  }
0x1ac: {  	[tilespmem:$0x1F550] =	vst v17  }
0x1ad: {  	[tilespmem:$0x1F600] =	vst v6;
	v4 =	vadd.f32 v9, v4  }
0x1ae: {  	v17 =	vperm.xlane v12, v0;
	v6 =	vadd.f32 v25, v11;
	[tilespmem:$0x1F660] =	vst v5;
	v5, _, _ =	vpop (xrf0)  }
0x1af: {  	v25 =	vperm.xlane v46, v0;
	[tilespmem:$0x1F6B0] =	vst v4;
	v4 =	vperm.xlane v5, v49  }
0x1b0: {  	v29 =	vld [tilespmem:s28+$0x810];
	(xrf0) =	vmax.scan.msk.f32 $0xffff, v17;
	[tilespmem:$0x1F650] =	vst v6;
	v6 =	vperm.xlane v43, v0  }
0x1b1: {  	(xrf0) =	vmax.scan.msk.f32 $0xffff, v25;
	[tilespmem:$0x1F4E0] =	vst v4;
	v4 =	vld [tilespmem:$0x1FF10]  }
0x1b2: {  	v34, _, _ =	vpop (xrf0);
	(xrf0) =	vmax.scan.msk.f32 $0xffff, v6;
	v6 =	vld [tilespmem:$0x1FEC0]  }
0x1b3: {  	v10 =	vld [tilespmem:s28+$0x870]  }
0x1b4: {  	[tilespmem:$0x1F450] =	vst v26;
	v26 =	vld [tilespmem:s28+$0x840]  }
0x1b5: {  	v18 =	vld [tilespmem:s28+$0x860];
	[tilespmem:$0x1F620] =	vst v23  }
0x1b6: {  	v23 =	vld [tilespmem:s28+$0x460];
	[tilespmem:$0x1F630] =	vst v5;
	v5 =	vadd.f32 v20, v4  }
0x1b7: {  	v20 =	vmax.f32 v6, v46;
	v6 =	vmax.f32 v4, v12;
	v4 =	vmax.f32 v1, v29;
	v1 =	vld [tilespmem:$0x1F1A0]  }
0x1b8: {  	v17 =	vld [tilespmem:s28+$0x430];
	[tilespmem:$0x1F5B0] =	vst v21;
	v21 =	vperm.xlane v10, v0  }
0x1b9: {  	[tilespmem:$0x1F5E0] =	vst v28;
	v28 =	vld [tilespmem:s28+$0x400]  }
0x1ba: {  	v11 =	vmax.f32 v53, v10;
	v10 =	vmax.f32 v36, v43;
	v43, _, _ =	vpop (xrf0);
	(xrf0) =	vmax.scan.msk.f32 $0xffff, v21;
	v21 =	vld [tilespmem:s28+$0x20]  }
0x1bb: {  	v12 =	vld [tilespmem:s28+$0x50]  }
0x1bc: {  	[tilespmem:s21+$0xC000] =	vst v1;
	v1 =	vmax.f32 v3, v23;
	v3 =	vld [tilespmem:$0x1F1B0]  }
0x1bd: {  	[tilespmem:$0x1F6F0] =	vst v5;
	v5 =	vmax.f32 v38, v26  }
0x1be: {  	v38 =	vmax.f32 v16, v55;
	v55 =	vmax.f32 v22, v13;
	v13 =	vmax.f32 v48, v27;
	v48 =	vld [tilespmem:$0x1F200];
	_ =	sdelay $0x2  }
0x1bf: {  	[tilespmem:s21+$0xC010] =	vst v3;
	v3 =	vmax.f32 v8, v17;
	v8 =	vld [tilespmem:$0x1F1C0]  }
0x1c0: {  	v22 =	vmax.f32 v44, v21  }
0x1c1: {  	v30 =	vmax.f32 v7, v30;
	v7 =	vld [tilespmem:s26+$0x810];
	[tilespmem:$0x1FA10] =	vst v22;
	v22 =	vmax.f32 v22, v48  }
0x1c2: {  	[tilespmem:$0x1FA30] =	vst v22;
	v22 =	vld [tilespmem:$0x1F210]  }
0x1c3: {  	v54 =	vmax.f32 v2, v15;
	v2 =	vld [tilespmem:s26+$0x800]  }
0x1c4: {  	[tilespmem:s20+$0xC000] =	vst v8;
	v8 =	vld [tilespmem:$0x1F1D0];
	_ =	sdelay $0x2  }
0x1c5: {  	[tilespmem:$0x1FA40] =	vst v13;
	v22 =	vmax.f32 v13, v22;
	v13 =	vld [tilespmem:$0x1F220];
	_ =	sdelay $0x1  }
0x1c6: {  	[tilespmem:s21+$0xC020] =	vst v8;
	v8 =	vld [tilespmem:$0x1F1E0];
	_ =	sdelay $0x1  }
0x1c7: {  	v9 =	vmax.f32 v45, v18;
	v45 =	vmax.f32 v31, v19;
	v19 =	vld [tilespmem:$0x1F1F0];
	v27 =	vmax.f32 v52, v33  }
0x1c8: {  	[tilespmem:$0x1FA60] =	vst v22;
	v22 =	vmax.f32 v27, v13;
	v13 =	vld [tilespmem:$0x1F230]  }
0x1c9: {  	v16 =	vmax.f32 v37, v32;
	v37 =	vld [tilespmem:s26+$0x820]  }
0x1ca: {  	v36 =	vmax.f32 v58, v14;
	v14 =	vld [tilespmem:s26+$0x830];
	[tilespmem:s20+$0xC010] =	vst v8  }
0x1cb: {  	v8 =	vld [tilespmem:s26+$0x840]  }
0x1cc: {  	[tilespmem:s21+$0xC030] =	vst v19;
	v19 =	vld [tilespmem:s26+$0x850]  }
0x1cd: {  	[tilespmem:s20+$0xC020] =	vst v13;
	v13 =	vld [tilespmem:$0x1F240];
	_ =	sdelay $0x3  }
0x1ce: {  	v31 =	vmax.f32 v39, v12  }
0x1cf: {  	v13 =	vmax.f32 v31, v13  }
0x1d0: {  	[tilespmem:$0x1FAC0] =	vst v13;
	v13 =	vld [tilespmem:$0x1F250];
	_ =	sdelay $0x3  }
0x1d1: {  	v53 =	vmax.f32 v24, v28;
	v24 =	vmax.f32 v40, v35  }
0x1d2: {  	v13 =	vmax.f32 v24, v13  }
0x1d3: {  	[tilespmem:$0x1FAF0] =	vst v13;
	v13 =	vld [tilespmem:$0x1F260];
	_ =	sdelay $0x3  }
0x1d4: {  	v25 =	vmax.f32 v41, v63  }
0x1d5: {  	v13 =	vmax.f32 v25, v13  }
0x1d6: {  	[tilespmem:$0x1FB20] =	vst v13;
	v13 =	vld [tilespmem:$0x1F270];
	_ =	sdelay $0x4  }
0x1d7: {  	[tilespmem:s21+$0xC040] =	vst v13;
	v13 =	vld [tilespmem:$0x1F280];
	_ =	sdelay $0x4  }
0x1d8: {  	v13 =	vmax.f32 v53, v13  }
0x1d9: {  	[tilespmem:$0x1FB50] =	vst v13;
	v13 =	vld [tilespmem:$0x1F290];
	_ =	sdelay $0x4  }
0x1da: {  	v13 =	vmax.f32 v45, v13  }
0x1db: {  	[tilespmem:$0x1FB80] =	vst v13;
	v13 =	vld [tilespmem:$0x1F2A0];
	_ =	sdelay $0x2  }
0x1dc: {  	[tilespmem:$0x1FB00] =	vst v25  }
0x1dd: {  	[tilespmem:$0x1FCD0] =	vst v1;
	v1 =	vmax.f32 v1, v47  }
0x1de: {  	[tilespmem:$0x1FCF0] =	vst v1;
	v13 =	vmax.f32 v16, v13  }
0x1df: {  	v1 =	vmax.f32 v36, v50;
	[tilespmem:$0x1FBB0] =	vst v13;
	v13 =	vld [tilespmem:$0x1F2B0]  }
0x1e0: {  	[tilespmem:$0x1FD30] =	vst v1;
	v1 =	vmax.f32 v30, v59  }
0x1e1: {  	[tilespmem:$0x1FD80] =	vst v1;
	v1 =	vld [tilespmem:$0x1F2D0]  }
0x1e2: {  	[tilespmem:$0x1FA90] =	vst v22;
	v22 =	vld [tilespmem:s26+$0x870]  }
0x1e3: {  	[tilespmem:$0x1FBD0] =	vst v3;
	v25 =	vld [tilespmem:s26+$0x860]  }
0x1e4: {  	[tilespmem:s20+$0xC030] =	vst v13;
	v13 =	vmax.f32 v3, v56;
	v3 =	vld [tilespmem:$0x1F2C0];
	_ =	sdelay $0x2  }
0x1e5: {  	[tilespmem:$0x1FDA0] =	vst v4  }
0x1e6: {  	[tilespmem:s20+$0xC040] =	vst v1;
	v1 =	vmax.f32 v4, v7;
	v4 =	vld [tilespmem:$0x1F310]  }
0x1e7: {  	[tilespmem:s21+$0xC050] =	vst v3;
	v3 =	vld [tilespmem:$0x1FE70]  }
0x1e8: {  	v57 =	vmax.f32 v57, v62  }
0x1e9: {  	[tilespmem:$0x1FDC0] =	vst v1;
	v1 =	vmax.f32 v57, v2  }
0x1ea: {  	[tilespmem:$0x1FE20] =	vst v1;
	v1 =	vmax.f32 v54, v42  }
0x1eb: {  	[tilespmem:$0x1FE60] =	vst v1;
	v1 =	vld [tilespmem:$0x1F2E0]  }
0x1ec: {  	[tilespmem:$0x1FB90] =	vst v16;
	v16 =	vadd.f32 v4, v3;
	v3 =	vld [tilespmem:$0x1F320];
	_ =	sdelay $0x3  }
0x1ed: {  	[tilespmem:s21+$0xC060] =	vst v1  }
0x1ee: {  	v1 =	vmax.f32 v5, v8;
	[tilespmem:s20+$0xC060] =	vst v3;
	v3 =	vld [tilespmem:$0x1F330]  }
0x1ef: {  	[tilespmem:$0x1F860] =	vst v1;
	v1 =	vmax.f32 v20, v14  }
0x1f0: {  	[tilespmem:$0x1FEC0] =	vst v1;
	v1 =	vmax.f32 v6, v37  }
0x1f1: {  	[tilespmem:$0x1FF10] =	vst v1;
	v1 =	vld [tilespmem:$0x1F2F0]  }
0x1f2: {  	v4 =	vld [tilespmem:$0x1F350]  }
0x1f3: {  	[tilespmem:s21+$0xC400] =	vst v3;
	v3 =	vld [tilespmem:$0x1F340];
	_ =	sdelay $0x1  }
0x1f4: {  	[tilespmem:$0x1FE40] =	vst v54  }
0x1f5: {  	[tilespmem:$0x1F850] =	vst v5  }
0x1f6: {  	v5 =	vld [tilespmem:$0x1F370];
	[tilespmem:s20+$0xC050] =	vst v1;
	v1 =	vmax.f32 v11, v22  }
0x1f7: {  	[tilespmem:$0x1FF50] =	vst v1;
	v1 =	vmax.f32 v9, v25;
	v54 =	vadd.f32 v4, v3;
	v4 =	vld [tilespmem:$0x1FFF0]  }
0x1f8: {  	[tilespmem:$0x1FF70] =	vst v1;
	v1 =	vmax.f32 v10, v19  }
0x1f9: {  	[tilespmem:$0x1FFA0] =	vst v1;
	v1 =	vld [tilespmem:$0x1F300]  }
0x1fa: {  	v46, _, _ =	vpop (xrf0)  }
0x1fb: {  	v15, _, _ =	vpop (xrf0)  }
0x1fc: {  	v62, _, _ =	vpop (xrf0);
	v48 =	vadd.f32 v5, v4;
	v4 =	vld [tilespmem:$0x1FC20]  }
0x1fd: {  	v58, _, _ =	vpop (xrf0);
	v5 =	vld [tilespmem:$0x1F380]  }
0x1fe: {  	v51, _, _ =	vpop (xrf0);
	[tilespmem:s21+$0xC070] =	vst v1;
	v1 =	vperm.xlane v18, v0  }
0x1ff: {  	v40, _, _ =	vpop (xrf0);
	v22 =	vperm.xlane v22, v0  }
0x200: {  	[tilespmem:$0x1FAD0] =	vst v24;
	v35, _, _ =	vpop (xrf0);
	v24 =	vperm.xlane v25, v0;
	(xrf0) =	vmax.scan.msk.f32 $0xffff, v1  }
0x201: {  	(xrf0) =	vmax.scan.msk.f32 $0xffff, v22  }
0x202: {  	(xrf0) =	vmax.scan.msk.f32 $0xffff, v24;
	v24 =	vadd.f32 v5, v4;
	v4 =	vld [tilespmem:$0x1F390]  }
0x203: {  	v5 =	vld [tilespmem:$0x1F3A0];
	_ =	sdelay $0x3  }
0x204: {  	[tilespmem:$0x1FEF0] =	vst v6;
	v6 =	vld [tilespmem:$0x1FFC0]  }
0x205: {  	[tilespmem:$0x1FAA0] =	vst v31;
	v31 =	vadd.f32 v5, v4;
	v5 =	vld [tilespmem:$0x1FDD0];
	_ =	sdelay $0x2  }
0x206: {  	v19 =	vperm.xlane v19, v0;
	v1 =	vld [tilespmem:$0x1FF80]  }
0x207: {  	v3 =	vld [tilespmem:$0x1F360]  }
0x208: {  	(xrf0) =	vmax.scan.msk.f32 $0xffff, v19;
	v19 =	vadd.f32 v6, v5;
	v6 =	vld [tilespmem:$0x1F3B0]  }
0x209: {  	v5 =	vld [tilespmem:$0x1F3C0]  }
0x20a: {  	v18 =	vperm.xlane v26, v0  }
0x20b: {  	v8 =	vperm.xlane v8, v0  }
0x20c: {  	(xrf0) =	vmax.scan.msk.f32 $0xffff, v18;
	v25 =	vadd.f32 v3, v1;
	v1 =	vperm.xlane v14, v0  }
0x20d: {  	(xrf0) =	vmax.scan.msk.f32 $0xffff, v8  }
0x20e: {  	[tilespmem:$0x1F7E0] =	vst v11;
	v52, _, _ =	vpop (xrf0);
	(xrf0) =	vmax.scan.msk.f32 $0xffff, v1;
	v1 =	vld [tilespmem:$0x1FFE0];
	v5 =	vadd.f32 v5, v6  }
0x20f: {  	[tilespmem:$0x1F810] =	vst v9;
	v17 =	vperm.xlane v17, v0;
	v7 =	vperm.xlane v7, v0;
	v6 =	vld [tilespmem:$0x1F3D0]  }
0x210: {  	v2 =	vperm.xlane v2, v0;
	v3 =	vperm.xlane v37, v0;
	[tilespmem:$0x1F790] =	vst v5;
	v5 =	vld [tilespmem:$0x1F3F0]  }
0x211: {  	v11 =	vperm.xlane v29, v0;
	v22 =	vperm.xlane v40, v49;
	[tilespmem:$0x1FBF0] =	vst v13;
	v13 =	vmax.f32 v38, v60  }
0x212: {  	[tilespmem:$0x1FC50] =	vst v13;
	v13 =	vmax.f32 v55, v61;
	v63, _, _ =	vpop (xrf0);
	(xrf0) =	vmax.scan.msk.f32 $0xffff, v3;
	v4 =	vperm.xlane v35, v49  }
0x213: {  	[tilespmem:$0x1FCB0] =	vst v13;
	v14 =	vperm.xlane v23, v0;
	v23 =	vperm.xlane v28, v0;
	v28, _, _ =	vpop (xrf0);
	(xrf0) =	vmax.scan.msk.f32 $0xffff, v11  }
0x214: {  	v50, _, _ =	vpop (xrf0);
	[tilespmem:$0x1F870] =	vst v4;
	v32 =	vadd.f32 v1, v6;
	v1 =	vperm.xlane v52, v49;
	v6 =	vperm.xlane v63, v49  }
0x215: {  	v18 =	vperm.xlane v51, v49;
	v37, _, _ =	vpop (xrf0);
	v11 =	vperm.xlane v28, v49;
	(xrf0) =	vmax.scan.msk.f32 $0xffff, v7;
	[tilespmem:s21+$0xC410] =	vst v5  }
0x216: {  	(xrf0) =	vmax.scan.msk.f32 $0xffff, v2;
	v2 =	vperm.xlane v37, v49;
	v4 =	vmax.f32 v4, v1;
	[tilespmem:$0x1F890] =	vst v6  }
0x217: {  	v5 =	vperm.xlane v50, v49;
	[tilespmem:$0x1F880] =	vst v4;
	v13 =	vmax.f32 v4, v22;
	v4 =	vmax.f32 v6, v11  }
0x218: {  	v56, _, _ =	vpop (xrf0);
	(xrf0) =	vmax.scan.msk.f32 $0xffff, v14;
	v14 =	vperm.xlane v21, v0;
	[tilespmem:$0x1F8A0] =	vst v4;
	v6 =	vmax.f32 v13, v2  }
0x219: {  	v21 =	vperm.xlane v56, v49;
	(xrf0) =	vmax.scan.msk.f32 $0xffff, v17;
	v7, _, _ =	vpop (xrf0);
	v4 =	vmax.f32 v4, v5;
	v5 =	vld [tilespmem:$0x1F400];
	[tilespmem:$0x1F8C0] =	vst v6  }
0x21a: {  	v17 =	vperm.xlane v7, v49;
	v1 =	vperm.xlane v12, v0;
	v6 =	vmax.f32 v6, v18;
	[tilespmem:$0x1F8D0] =	vst v4  }
0x21b: {  	v4 =	vmax.f32 v4, v21;
	[tilespmem:$0x1F8E0] =	vst v6  }
0x21c: {  	v8 =	vperm.xlane v58, v49;
	(xrf0) =	vmax.scan.msk.f32 $0xffff, v23;
	v11, _, _ =	vpop (xrf0);
	[tilespmem:$0x1F8F0] =	vst v4;
	v4 =	vmax.f32 v4, v17  }
0x21d: {  	v39, _, _ =	vpop (xrf0);
	(xrf0) =	vmax.scan.msk.f32 $0xffff, v1;
	v18 =	vperm.xlane v11, v49;
	[tilespmem:$0x1F900] =	vst v4  }
0x21e: {  	v6 =	vmax.f32 v6, v8;
	v8 =	vperm.xlane v39, v49;
	v1, _, _ =	vpop (xrf0);
	[tilespmem:s20+$0xC400] =	vst v5;
	v5 =	vperm.xlane v40, v0  }
0x21f: {  	v9 =	vperm.xlane v1, v49;
	v60, _, _ =	vpop (xrf0);
	[tilespmem:$0x1F910] =	vst v6  }
0x220: {  	v4 =	vmax.f32 v4, v18;
	[tilespmem:$0x1FC00] =	vst v5;
	v5 =	vmax.f32 v6, v8;
	v6 =	vperm.xlane v60, v49  }
0x221: {  	[tilespmem:$0x1F930] =	vst v4;
	v4 =	vmax.f32 v4, v9  }
0x222: {  	[tilespmem:$0x1F950] =	vst v4;
	v4 =	vmax.f32 v4, v6;
	v6 =	vld [tilespmem:$0x1F430];
	_ =	sdelay $0x2  }
0x223: {  	v3 =	vld [tilespmem:$0x1F3E0]  }
0x224: {  	[tilespmem:$0x1FB30] =	vst v53  }
0x225: {  	[tilespmem:s21+$0xC430] =	vst v6;
	v6 =	vld [tilespmem:$0x1F440]  }
0x226: {  	[tilespmem:$0x1FA70] =	vst v27;
	v8 =	vld [tilespmem:$0x1F410]  }
0x227: {  	[tilespmem:$0x1FC30] =	vst v38  }
0x228: {  	[tilespmem:s20+$0xC070] =	vst v3  }
0x229: {  	v53 =	vperm.xlane v62, v49;
	[tilespmem:$0x1F920] =	vst v5  }
0x22a: {  	v3 =	vperm.xlane v15, v49;
	v44, _, _ =	vpop (xrf0);
	[tilespmem:$0x1F970] =	vst v4;
	v4 =	vmax.f32 v4, v6;
	v6 =	vld [tilespmem:$0x1F450]  }
0x22b: {  	v5 =	vmax.f32 v5, v53;
	[tilespmem:s21+$0xC420] =	vst v8;
	v8 =	vperm.xlane v44, v49  }
0x22c: {  	[tilespmem:$0x1F940] =	vst v5;
	v5 =	vmax.f32 v5, v3  }
0x22d: {  	v12 =	vperm.xlane v46, v49;
	[tilespmem:$0x1F960] =	vst v5;
	v5 =	vmax.f32 v5, v8  }
0x22e: {  	v38 =	vperm.xlane v43, v49;
	[tilespmem:$0x1F980] =	vst v5  }
0x22f: {  	v5 =	vmax.f32 v5, v12;
	[tilespmem:s20+$0xC420] =	vst v6;
	v6 =	vld [tilespmem:$0x1F460]  }
0x230: {  	[tilespmem:$0x1F9A0] =	vst v5;
	v27 =	vmax.f32 v5, v38;
	v5 =	vld [tilespmem:$0x1F480];
	_ =	sdelay $0x3  }
0x231: {  	[tilespmem:$0x1F990] =	vst v4;
	v4 =	vmax.f32 v4, v6  }
0x232: {  	[tilespmem:$0x1F9B0] =	vst v4;
	v4 =	vmax.f32 v4, v5;
	v5 =	vld [tilespmem:$0x1F490];
	_ =	sdelay $0x3  }
0x233: {  	(xrf0) =	vmax.scan.msk.f32 $0xffff, v14;
	v14, _, _ =	vpop (xrf0)  }
0x234: {  	v3 =	vperm.xlane v14, v49;
	[tilespmem:s20+$0xC430] =	vst v5;
	v5 =	vperm.xlane v37, v0;
	_ =	sdelay $0x1  }
0x235: {  	[tilespmem:$0x1FC10] =	vst v5;
	v5 =	vmax.f32 v27, v3;
	v3 =	vld [tilespmem:$0x1F4A0];
	_ =	sdelay $0x4  }
0x236: {  	v59 =	vmax.f32 v4, v3;
	v3 =	vld [tilespmem:$0x1F4B0];
	_ =	sdelay $0x4  }
0x237: {  	v2 =	vperm.xlane v34, v49;
	[tilespmem:s21+$0xC450] =	vst v3;
	v3 =	vperm.xlane v51, v0;
	_ =	sdelay $0x1  }
0x238: {  	[tilespmem:$0x1FC60] =	vst v3;
	v3 =	vmax.f32 v5, v2;
	v2 =	vld [tilespmem:$0x1F4C0];
	_ =	sdelay $0x4  }
0x239: {  	v33 =	vmax.f32 v59, v2;
	v2 =	vld [tilespmem:$0x1F4D0];
	_ =	sdelay $0x4  }
0x23a: {  	[tilespmem:s20+$0xC440] =	vst v2;
	v2 =	vperm.xlane v58, v0;
	_ =	sdelay $0x1  }
0x23b: {  	[tilespmem:$0x1FC80] =	vst v2;
	v2 =	vld [tilespmem:$0x1F4E0];
	_ =	sdelay $0x4  }
0x23c: {  	v22 =	vmax.f32 v3, v2;
	v2 =	vld [tilespmem:$0x1F4F0];
	_ =	sdelay $0x4  }
0x23d: {  	v8 =	vmax.f32 v33, v2;
	v2 =	vld [tilespmem:$0x1F500];
	_ =	sdelay $0x4  }
0x23e: {  	[tilespmem:s21+$0xC460] =	vst v2;
	v2 =	vld [tilespmem:$0x1F510];
	_ =	sdelay $0x1  }
0x23f: {  	[tilespmem:$0x1FD10] =	vst v36;
	v36, _, _ =	vpop (xrf0)  }
0x240: {  	v42 =	vperm.xlane v36, v49;
	_ =	sdelay $0x1  }
0x241: {  	v41 =	vmax.f32 v22, v42;
	v42 =	vmax.f32 v8, v2;
	v2 =	vld [tilespmem:$0x1F520];
	_ =	sdelay $0x4  }
0x242: {  	[tilespmem:s20+$0xC450] =	vst v2;
	v2 =	vld [tilespmem:$0x1F530];
	_ =	sdelay $0x4  }
0x243: {  	v12 =	vperm.xlane v62, v0;
	v62 =	vmax.f32 v41, v2;
	v2 =	vld [tilespmem:$0x1F540];
	_ =	sdelay $0x4  }
0x244: {  	v17 =	vmax.f32 v42, v2;
	v2 =	vld [tilespmem:$0x1F550];
	_ =	sdelay $0x4  }
0x245: {  	[tilespmem:s21+$0xC470] =	vst v2;
	v2 =	vld [tilespmem:$0x1F560];
	_ =	sdelay $0x4  }
0x246: {  	v18 =	vmax.f32 v62, v2;
	v2 =	vld [tilespmem:$0x1F570];
	_ =	sdelay $0x4  }
0x247: {  	[tilespmem:$0x1F840] =	vst v10;
	v10 =	vperm.xlane v39, v0;
	v39 =	vmax.f32 v17, v2;
	v2 =	vld [tilespmem:$0x1F580];
	_ =	sdelay $0x4  }
0x248: {  	[tilespmem:s20+$0xC460] =	vst v2;
	v2 =	vld [tilespmem:$0x1F590]  }
0x249: {  	[tilespmem:$0x1F9C0] =	vst v4;
	v4 =	vld [tilespmem:$0x1F5C0];
	_ =	sdelay $0x3  }
0x24a: {  	v21 =	vmax.f32 v39, v2;
	v2 =	vld [tilespmem:$0x1F5A0]  }
0x24b: {  	v38 =	vmax.f32 v21, v4;
	v4 =	vld [tilespmem:$0x1F5D0];
	_ =	sdelay $0x2  }
0x24c: {  	[tilespmem:$0x1FB60] =	vst v45;
	v6 =	vld [tilespmem:$0x1F470]  }
0x24d: {  	[tilespmem:s21+$0xC800] =	vst v2;
	v2 =	vld [tilespmem:$0x1F5B0]  }
0x24e: {  	v45, _, _ =	vpop (xrf0);
	[tilespmem:s20+$0xC470] =	vst v4;
	v4 =	vld [tilespmem:$0x1F5E0]  }
0x24f: {  	[tilespmem:$0x1F8B0] =	vst v13;
	v13 =	vperm.xlane v52, v0;
	v52 =	vperm.xlane v45, v49;
	_ =	sdelay $0x1  }
0x250: {  	[tilespmem:s21+$0xC440] =	vst v6;
	v6 =	vmax.f32 v18, v52  }
0x251: {  	v2 =	vmax.f32 v6, v2  }
0x252: {  	[tilespmem:$0x1FEA0] =	vst v20;
	v20 =	vmax.f32 v2, v4;
	v4 =	vld [tilespmem:$0x1F5F0]  }
0x253: {  	v9 =	vld [tilespmem:$0x1F420];
	_ =	sdelay $0x3  }
0x254: {  	v23 =	vmax.f32 v38, v4;
	v4 =	vld [tilespmem:$0x1F600]  }
0x255: {  	[tilespmem:s20+$0xC410] =	vst v9;
	v9 =	vld [tilespmem:$0x1F630];
	_ =	sdelay $0x3  }
0x256: {  	[tilespmem:s21+$0xC810] =	vst v4;
	v4 =	vld [tilespmem:$0x1F610]  }
0x257: {  	v26 =	vperm.xlane v9, v0;
	v9 =	vld [tilespmem:$0x1F640]  }
0x258: {  	[tilespmem:$0x1FC90] =	vst v55;
	v55, _, _ =	vpop (xrf0)  }
0x259: {  	v61 =	vperm.xlane v55, v49;
	_ =	sdelay $0x1  }
0x25a: {  	v53 =	vperm.xlane v14, v0;
	v14 =	vmax.f32 v20, v61;
	v61 =	vmax.f32 v23, v4  }
0x25b: {  	v58 =	vmax.f32 v61, v9;
	v9 =	vld [tilespmem:$0x1F650];
	_ =	sdelay $0x4  }
0x25c: {  	[tilespmem:s21+$0xC820] =	vst v9;
	v9 =	vld [tilespmem:$0x1F660];
	_ =	sdelay $0x4  }
0x25d: {  	[tilespmem:$0x1FBC0] =	vst v13;
	v13 =	vperm.xlane v9, v0;
	v9 =	vld [tilespmem:$0x1F670];
	_ =	sdelay $0x3  }
0x25e: {  	v29 =	vld [tilespmem:$0x1F6B0]  }
0x25f: {  	v51 =	vmax.f32 v14, v9;
	v9 =	vld [tilespmem:$0x1F680];
	_ =	sdelay $0x2  }
0x260: {  	[tilespmem:$0x1FE00] =	vst v57;
	v57 =	vperm.xlane v15, v0;
	v15 =	vperm.xlane v46, v0;
	v46 =	vld [tilespmem:$0x1F6E0]  }
0x261: {  	[tilespmem:s21+$0xC830] =	vst v29;
	v29 =	vld [tilespmem:$0x1F6C0]  }
0x262: {  	[tilespmem:s20+$0xC810] =	vst v9;
	v9 =	vld [tilespmem:$0x1F690]  }
0x263: {  	v37 =	vld [tilespmem:$0x1F700]  }
0x264: {  	v47 =	vperm.xlane v44, v0;
	v4 =	vld [tilespmem:$0x1F620]  }
0x265: {  	v52 =	vperm.xlane v43, v0;
	v43 =	vperm.xlane v45, v0;
	v44 =	vmax.f32 v46, v51;
	v51 =	vld [tilespmem:$0x1F6F0]  }
0x266: {  	v45 =	vperm.xlane v29, v0;
	v46 =	vperm.xlane v55, v0;
	v55 =	vld [tilespmem:$0x1F710]  }
0x267: {  	v40 =	vperm.xlane v9, v0;
	v9 =	vld [tilespmem:$0x1F6A0]  }
0x268: {  	[tilespmem:s20+$0xC830] =	vst v54;
	v54 =	vmax.f32 v46, v20;
	v46 =	vmax.f32 v45, v6;
	v6 =	vld [tilespmem:$0x1F780];
	_ =	sdelay $0x1  }
0x269: {  	[tilespmem:s21+$0xC870] =	vst v19  }
0x26a: {  	v36 =	vperm.xlane v36, v0;
	v19 =	vmax.f32 v26, v3;
	v3 =	vld [tilespmem:$0x1F7C0];
	[tilespmem:s20+$0xC800] =	vst v4  }
0x26b: {  	v4 =	vperm.xlane v34, v0;
	[tilespmem:s20+$0xC820] =	vst v51;
	v51 =	vperm.xlane v37, v0;
	v9 =	vmax.f32 v58, v9  }
0x26c: {  	v37 =	vperm.xlane v7, v0;
	v7 =	vperm.xlane v6, v0;
	v6 =	vld [tilespmem:$0x1F790];
	v34 =	vmax.f32 v55, v9  }
0x26d: {  	v9 =	vperm.xlane v50, v0;
	v50 =	vmax.f32 v51, v14;
	v51 =	vperm.xlane v1, v0;
	v1 =	vld [tilespmem:$0x1F720];
	_ =	sdelay $0x1  }
0x26e: {  	[tilespmem:s20+$0xC850] =	vst v31;
	v31 =	vmax.f32 v36, v22;
	v36 =	vperm.xlane v3, v0;
	v3 =	vld [tilespmem:$0x1F7D0]  }
0x26f: {  	v29 =	vld [tilespmem:$0x1F6D0]  }
0x270: {  	[tilespmem:s20+$0xC860] =	vst v6;
	v6 =	vld [tilespmem:$0x1F7A0]  }
0x271: {  	[tilespmem:s21+$0xC850] =	vst v25;
	v25 =	vperm.xlane v1, v0;
	v1 =	vld [tilespmem:$0x1F730];
	_ =	sdelay $0x2  }
0x272: {  	v3 =	vperm.xlane v3, v0;
	v29 =	vperm.xlane v29, v0  }
0x273: {  	v40 =	vmax.f32 v40, v62;
	v62 =	vmovc v30;
	v30 =	vmax.f32 v13, v41;
	v13 =	vperm.xlane v6, v0;
	v6 =	vld [tilespmem:$0x1F7B0]  }
0x274: {  	v29 =	vmax.f32 v29, v2;
	v2 =	vperm.xlane v28, v0;
	v28 =	vperm.xlane v1, v0;
	v1 =	vld [tilespmem:$0x1F740]  }
0x275: {  	[tilespmem:s21+$0xC860] =	vst v24;
	v24 =	vmax.f32 v3, v21;
	v21 =	vld [tilespmem:$0x1F840];
	_ =	sdelay $0x2  }
0x276: {  	[tilespmem:s20+$0xC840] =	vst v48;
	v48 =	vperm.xlane v60, v0  }
0x277: {  	v6 =	vperm.xlane v6, v0;
	v60 =	vperm.xlane v1, v0;
	v1 =	vld [tilespmem:$0x1F750]  }
0x278: {  	[tilespmem:s20+$0xC870] =	vst v32;
	v43 =	vmax.f32 v43, v18;
	v18 =	vmov v21;
	v14 =	vld [tilespmem:$0x1F7E0]  }
0x279: {  	[tilespmem:$0x1FF80] =	vst v18;
	v18 =	vperm.xlane v35, v0;
	v32 =	vmax.f32 v6, v17;
	v6 =	vld [tilespmem:$0x1F7F0]  }
0x27a: {  	v17 =	vld [tilespmem:$0x1F810]  }
0x27b: {  	v3 =	vld [tilespmem:$0x1F820];
	[tilespmem:$0x1FFC0] =	vst v18;
	v18 =	vperm.xlane v63, v0  }
0x27c: {  	v20 =	vperm.xlane v11, v0;
	v11 =	vperm.xlane v1, v0;
	v1 =	vld [tilespmem:$0x1F760]  }
0x27d: {  	[tilespmem:$0x1FFE0] =	vst v18;
	v18 =	vld [tilespmem:$0x1F850]  }
0x27e: {  	v41 =	vmov v14;
	v14 =	vld [tilespmem:$0x1F800];
	v6 =	vperm.xlane v6, v0  }
0x27f: {  	v55 =	vmov v17;
	v17 =	vld [tilespmem:$0x1F830]  }
0x280: {  	s24 =	sadd.s32 $0x2, s24;
	v63 =	vmax.f32 v6, v38;
	v6 =	vld [tilespmem:$0x1F860]  }
0x281: {  	p1 =	slt.u32 s24, $0x3E;
	v45 =	vperm.xlane v1, v0;
	v1 =	vld [tilespmem:$0x1F770]  }
.Ltmp0:
0x282: {  	_ = 	snop;
	(pc) =	sbr.rel @p1 .LBB2_3-.Ltmp0, $4  }
0x283: {  	v26 =	vperm.xlane v3, v0;
	v22 =	vperm.xlane v14, v0  }
0x284: {  	[tilespmem:s21+$0xC840] =	vst v16;
	v16 =	vperm.xlane v56, v0;
	v14 =	vmov v18;
	v17 =	vperm.xlane v17, v0  }
0x285: {  	v56 =	vmax.f32 v26, v61;
	[tilespmem:$0x1FE70] =	vst v14;
	v35 =	vmax.f32 v22, v23;
	v3 =	vmov v6  }
0x286: {  	s25 =	sadd.s32 $0xFFFFFFFE, s25;
	s21 =	smov.u32 s28;
	s20 =	smov.u32 s26;
	v61 =	vmax.f32 v17, v58;
	v38 =	vmov v6;
	[tilespmem:$0x1FFF0] =	vst v3;
	v1 =	vperm.xlane v1, v0  }
0x287: {  	v3 =	vld [tilespmem:$0x1FA70];
	_ =	sdelay $0x4  }
0x288: {  	v3 =	vadd.f32 v44, v3;
	_ =	sdelay $0x1  }
0x289: {  	v6 =	vld [tilespmem:$0x1FA40];
	[tilespmem:s21+$0xC000] =	vst v3  }
0x28a: {  	v3 =	vld [tilespmem:$0x1FA90];
	_ =	sdelay $0x3  }
0x28b: {  	v6 =	vadd.f32 v50, v6  }
0x28c: {  	v3 =	vadd.f32 v34, v3  }
0x28d: {  	v14 =	vld [tilespmem:$0x1FA10];
	[tilespmem:s21+$0xC010] =	vst v6  }
0x28e: {  	[tilespmem:s20+$0xC000] =	vst v3  }
0x28f: {  	v3 =	vld [tilespmem:$0x1FA60];
	_ =	sdelay $0x3  }
0x290: {  	v14 =	vadd.f32 v54, v14  }
0x291: {  	v3 =	vadd.f32 v61, v3  }
0x292: {  	v6 =	vld [tilespmem:$0x1FB00];
	[tilespmem:s21+$0xC020] =	vst v14  }
0x293: {  	[tilespmem:s20+$0xC010] =	vst v3  }
0x294: {  	v3 =	vld [tilespmem:$0x1FA30];
	_ =	sdelay $0x3  }
0x295: {  	v6 =	vadd.f32 v29, v6  }
0x296: {  	v3 =	vadd.f32 v56, v3  }
0x297: {  	v14 =	vld [tilespmem:$0x1FAD0];
	[tilespmem:s21+$0xC030] =	vst v6  }
0x298: {  	[tilespmem:s20+$0xC020] =	vst v3  }
0x299: {  	v29 =	vld [tilespmem:$0x1FB20];
	_ =	sdelay $0x3  }
0x29a: {  	v14 =	vadd.f32 v46, v14  }
0x29b: {  	v3 =	vadd.f32 v35, v29  }
0x29c: {  	v6 =	vld [tilespmem:$0x1FAA0];
	[tilespmem:s21+$0xC040] =	vst v14  }
0x29d: {  	[tilespmem:s20+$0xC030] =	vst v3  }
0x29e: {  	v26 =	vld [tilespmem:$0x1FAF0];
	_ =	sdelay $0x3  }
0x29f: {  	v6 =	vadd.f32 v43, v6  }
0x2a0: {  	v3 =	vadd.f32 v63, v26  }
0x2a1: {  	v14 =	vld [tilespmem:$0x1FB90];
	[tilespmem:s21+$0xC050] =	vst v6  }
0x2a2: {  	[tilespmem:s20+$0xC040] =	vst v3  }
0x2a3: {  	v35 =	vld [tilespmem:$0x1FAC0];
	_ =	sdelay $0x3  }
0x2a4: {  	v14 =	vadd.f32 v40, v14  }
0x2a5: {  	v3 =	vadd.f32 v24, v35  }
0x2a6: {  	v17 =	vld [tilespmem:$0x1FB60];
	[tilespmem:s21+$0xC060] =	vst v14  }
0x2a7: {  	[tilespmem:s20+$0xC050] =	vst v3  }
0x2a8: {  	v24 =	vld [tilespmem:$0x1FBB0];
	_ =	sdelay $0x3  }
0x2a9: {  	v61 =	vmax.f32 v36, v39;
	v17 =	vadd.f32 v30, v17  }
0x2aa: {  	v3 =	vadd.f32 v61, v24  }
0x2ab: {  	v63 =	vld [tilespmem:$0x1FB30];
	[tilespmem:s21+$0xC070] =	vst v17  }
0x2ac: {  	[tilespmem:s20+$0xC060] =	vst v3  }
0x2ad: {  	v17 =	vld [tilespmem:$0x1FB80];
	_ =	sdelay $0x3  }
0x2ae: {  	v6 =	vadd.f32 v31, v63  }
0x2af: {  	v3 =	vadd.f32 v32, v17  }
0x2b0: {  	v14 =	vld [tilespmem:$0x1FC90];
	[tilespmem:s21+$0xC400] =	vst v6  }
0x2b1: {  	[tilespmem:s20+$0xC070] =	vst v3  }
0x2b2: {  	v18 =	vmov v38;
	v38 =	vld [tilespmem:$0x1FB50];
	_ =	sdelay $0x3  }
0x2b3: {  	v13 =	vmax.f32 v13, v42;
	v14 =	vadd.f32 v19, v14  }
0x2b4: {  	v3 =	vadd.f32 v13, v38  }
0x2b5: {  	v6 =	vld [tilespmem:$0x1FC30];
	[tilespmem:s21+$0xC410] =	vst v14  }
0x2b6: {  	[tilespmem:s20+$0xC400] =	vst v3  }
0x2b7: {  	v44 =	vld [tilespmem:$0x1FCB0];
	_ =	sdelay $0x2  }
0x2b8: {  	v4 =	vmax.f32 v4, v5  }
0x2b9: {  	v13 =	vmax.f32 v7, v8;
	v4 =	vadd.f32 v4, v6  }
0x2ba: {  	v3 =	vadd.f32 v13, v44  }
0x2bb: {  	v21 =	vld [tilespmem:$0x1FBD0];
	[tilespmem:s21+$0xC420] =	vst v4  }
0x2bc: {  	v4 =	vld [tilespmem:$0x1F9A0];
	[tilespmem:s20+$0xC410] =	vst v3  }
0x2bd: {  	v22 =	vld [tilespmem:$0x1FC50];
	_ =	sdelay $0x2  }
0x2be: {  	v14 =	vmax.f32 v53, v27  }
0x2bf: {  	v1 =	vmax.f32 v1, v33;
	v5 =	vadd.f32 v14, v21  }
0x2c0: {  	v1 =	vadd.f32 v1, v22  }
0x2c1: {  	[tilespmem:s21+$0xC430] =	vst v5  }
0x2c2: {  	v5 =	vld [tilespmem:$0x1F980];
	[tilespmem:s20+$0xC420] =	vst v1  }
0x2c3: {  	v23 =	vld [tilespmem:$0x1FBF0];
	_ =	sdelay $0x2  }
0x2c4: {  	v4 =	vmax.f32 v52, v4  }
0x2c5: {  	v3 =	vmax.f32 v45, v59;
	v4 =	vadd.f32 v4, v62  }
0x2c6: {  	v32 =	vld [tilespmem:$0x1FD10];
	v1 =	vadd.f32 v3, v23  }
0x2c7: {  	v3 =	vld [tilespmem:$0x1F9C0];
	[tilespmem:s21+$0xC440] =	vst v4  }
0x2c8: {  	v4 =	vld [tilespmem:$0x1F960];
	[tilespmem:s20+$0xC430] =	vst v1  }
0x2c9: {  	v27 =	vld [tilespmem:$0x1FD80];
	_ =	sdelay $0x2  }
0x2ca: {  	v5 =	vmax.f32 v15, v5  }
0x2cb: {  	v5 =	vadd.f32 v5, v32;
	v3 =	vmax.f32 v11, v3  }
0x2cc: {  	v33 =	vld [tilespmem:$0x1FCD0];
	v1 =	vadd.f32 v3, v27  }
0x2cd: {  	v3 =	vld [tilespmem:$0x1F9B0];
	[tilespmem:s21+$0xC450] =	vst v5  }
0x2ce: {  	v5 =	vld [tilespmem:$0x1F940];
	[tilespmem:s20+$0xC440] =	vst v1  }
0x2cf: {  	v34 =	vld [tilespmem:$0x1FD30];
	_ =	sdelay $0x2  }
0x2d0: {  	v4 =	vmax.f32 v47, v4  }
0x2d1: {  	v4 =	vadd.f32 v4, v33;
	v3 =	vmax.f32 v60, v3  }
0x2d2: {  	v47 =	vld [tilespmem:$0x1FE40];
	v1 =	vadd.f32 v3, v34  }
0x2d3: {  	v3 =	vld [tilespmem:$0x1F990];
	[tilespmem:s21+$0xC460] =	vst v4  }
0x2d4: {  	v4 =	vld [tilespmem:$0x1F920];
	[tilespmem:s20+$0xC450] =	vst v1  }
0x2d5: {  	v43 =	vld [tilespmem:$0x1FCF0];
	_ =	sdelay $0x2  }
0x2d6: {  	v5 =	vmax.f32 v57, v5  }
0x2d7: {  	v5 =	vadd.f32 v5, v47;
	v3 =	vmax.f32 v28, v3  }
0x2d8: {  	v50 =	vld [tilespmem:$0x1FE00];
	v1 =	vadd.f32 v3, v43  }
0x2d9: {  	v3 =	vld [tilespmem:$0x1F970];
	[tilespmem:s21+$0xC470] =	vst v5  }
0x2da: {  	v5 =	vld [tilespmem:$0x1F910];
	[tilespmem:s20+$0xC460] =	vst v1  }
0x2db: {  	v46 =	vld [tilespmem:$0x1FE60];
	_ =	sdelay $0x1  }
0x2dc: {  	v4 =	vmax.f32 v12, v4  }
0x2dd: {  	v4 =	vadd.f32 v4, v50  }
0x2de: {  	v52 =	vld [tilespmem:$0x1FDA0];
	v3 =	vmax.f32 v25, v3  }
0x2df: {  	v1 =	vadd.f32 v3, v46;
	v3 =	vld [tilespmem:$0x1F950];
	[tilespmem:s21+$0xC800] =	vst v4  }
0x2e0: {  	v4 =	vld [tilespmem:$0x1F8E0]  }
0x2e1: {  	v53 =	vld [tilespmem:$0x1FC80];
	[tilespmem:s20+$0xC470] =	vst v1  }
0x2e2: {  	v36 =	vld [tilespmem:$0x1FE20];
	_ =	sdelay $0x1  }
0x2e3: {  	v5 =	vmax.f32 v10, v5  }
0x2e4: {  	v5 =	vadd.f32 v5, v52  }
0x2e5: {  	v54 =	vld [tilespmem:$0x1FEF0];
	v3 =	vmax.f32 v48, v3  }
0x2e6: {  	v1 =	vadd.f32 v3, v36;
	v3 =	vld [tilespmem:$0x1F930];
	[tilespmem:s21+$0xC810] =	vst v5  }
0x2e7: {  	v5 =	vld [tilespmem:$0x1F8C0]  }
0x2e8: {  	v56 =	vld [tilespmem:$0x1FC60];
	[tilespmem:s20+$0xC800] =	vst v1  }
0x2e9: {  	v47 =	vld [tilespmem:$0x1FDC0];
	_ =	sdelay $0x1  }
0x2ea: {  	v4 =	vmax.f32 v53, v4  }
0x2eb: {  	v4 =	vadd.f32 v4, v54  }
0x2ec: {  	v57 =	vld [tilespmem:$0x1FEA0];
	v3 =	vmax.f32 v51, v3  }
0x2ed: {  	v1 =	vadd.f32 v3, v47;
	v3 =	vld [tilespmem:$0x1F900];
	[tilespmem:s21+$0xC820] =	vst v4  }
0x2ee: {  	v4 =	vld [tilespmem:$0x1F8B0]  }
0x2ef: {  	v58 =	vld [tilespmem:$0x1FC10];
	[tilespmem:s20+$0xC810] =	vst v1  }
0x2f0: {  	v54 =	vld [tilespmem:$0x1FF10];
	_ =	sdelay $0x1  }
0x2f1: {  	v5 =	vmax.f32 v56, v5  }
0x2f2: {  	v5 =	vadd.f32 v5, v57  }
0x2f3: {  	v59 =	vld [tilespmem:$0x1FE70];
	v3 =	vmax.f32 v20, v3  }
0x2f4: {  	v1 =	vadd.f32 v3, v54;
	v3 =	vld [tilespmem:$0x1F8F0];
	[tilespmem:s21+$0xC830] =	vst v5  }
0x2f5: {  	v5 =	vld [tilespmem:$0x1F880]  }
0x2f6: {  	v60 =	vld [tilespmem:$0x1FC00];
	[tilespmem:s20+$0xC820] =	vst v1  }
0x2f7: {  	v51 =	vld [tilespmem:$0x1FEC0];
	_ =	sdelay $0x1  }
0x2f8: {  	v4 =	vmax.f32 v58, v4  }
0x2f9: {  	v4 =	vadd.f32 v4, v59  }
0x2fa: {  	v61 =	vld [tilespmem:$0x1FF80];
	v3 =	vmax.f32 v37, v3  }
0x2fb: {  	v1 =	vadd.f32 v3, v51;
	v3 =	vld [tilespmem:$0x1F8D0];
	[tilespmem:s21+$0xC840] =	vst v4  }
0x2fc: {  	v63 =	vld [tilespmem:$0x1FFF0];
	_ =	sdelay $0x2  }
0x2fd: {  	v5 =	vmax.f32 v60, v5  }
0x2fe: {  	v5 =	vadd.f32 v5, v61;
	v4 =	vld [tilespmem:$0x1F870];
	v3 =	vmax.f32 v16, v3  }
0x2ff: {  	v62 =	vld [tilespmem:$0x1FBC0];
	[tilespmem:s20+$0xC830] =	vst v1;
	v3 =	vadd.f32 v3, v63  }
0x300: {  	v1 =	vld [tilespmem:$0x1F8A0];
	[tilespmem:s21+$0xC850] =	vst v5  }
0x301: {  	[tilespmem:s20+$0xC840] =	vst v3  }
0x302: {  	v3 =	vld [tilespmem:$0x1F890]  }
0x303: {  	v57 =	vld [tilespmem:$0x1FFA0];
	_ =	sdelay $0x2  }
0x304: {  	v4 =	vmax.f32 v62, v4  }
0x305: {  	v4 =	vadd.f32 v4, v55;
	v1 =	vmax.f32 v9, v1;
	v2 =	vmax.f32 v2, v3;
	v3 =	vld [tilespmem:$0x1FFC0]  }
0x306: {  	v1 =	vadd.f32 v1, v57  }
0x307: {  	[tilespmem:s21+$0xC860] =	vst v4  }
0x308: {  	[tilespmem:s20+$0xC850] =	vst v1  }
0x309: {  	v52 =	vld [tilespmem:$0x1FF70]  }
0x30a: {  	v3 =	vadd.f32 v3, v41;
	_ =	sdelay $0x1  }
0x30b: {  	[tilespmem:s21+$0xC870] =	vst v3  }
0x30c: {  	v53 =	vld [tilespmem:$0x1FF50]  }
0x30d: {  	s22 =	sshll.u32 s22, $0x6;
	v1 =	vadd.f32 v2, v52;
	v2 =	vld [tilespmem:$0x1FFE0]  }
0x30e: {  	s22 =	ssub.s32 $0x140, s22  }
0x30f: {  	s22 =	sshrl.u32 s22, $0x3  }
0x310: {  	p1 =	sne.s32 s16, $0x5;
	s22 =	smul.u32 $0xC00, s22  }
.Ltmp1:
0x311: {  	_ = 	snop;
	(pc) =	sbr.rel @p1 .LBB2_6-.Ltmp1, $4  }
0x312: {  	s19 =	sadd.s32 s19, s22;
	v2 =	vadd.f32 v2, v53  }
0x313: {  	s19 =	sshrl.u32 s19, $0x3;
	[tilespmem:s20+$0xC860] =	vst v1  }
0x314: {  	s19 =	sadd.s32 s5, s19;
	v39 =	vmovc v29;
	v40 =	vmov v26;
	v31 =	vmov v24;
	v42 =	vmov v17;
	[tilespmem:s20+$0xC870] =	vst v2  }
0x315: {  	v45 =	vmovc v22;
	v59 =	vmovc v38;
	v37 =	vmov v34;
	v55 =	vmov v35;
	v41 =	vmov v23;
	[hbm4b:s19+s4] =	stream.linear.scatter [tilespmem:s10], [sflag:$0x3], $0x6000, $0x38;
	[tilespmem:$0x18000] =	vst v63  }
.Ltmp2:
0x316: {  	(pc) =	sbr.rel .LBB2_7-.Ltmp2, $4  }
0x317: {  	_ = 	snop  }
0x318: {  	_ =	swait.ge [sflag:s11], $0x6000  }
0x319: {  	[sflag:s11] =	ssyncset.done $0x0  }
0x31a: {  	v50 =	vmov v18;
	[sflag:s11] =	ssyncadd.s32 $0xFFFFA000  }
.LBB2_6:
0x31b: {  	s18 =	sadd.s32 $0x2, s18  }
0x31c: {  	s19 =	smulhi.u32 $0x2AAAAAAB, s18;
	_ =	sdelay $0x1  }
0x31d: {  	s20 =	smul.u32 $0x6, s19;
	_ =	sdelay $0x1  }
0x31e: {  	s18 =	ssub.s32 s18, s20  }
0x31f: {  	s18 =	sshll.u32 s18, $0x6  }
0x320: {  	s19 =	sadd.s32 s3, s19;
	s18 =	ssub.s32 $0x140, s18  }
0x321: {  	s19 =	smul.u32 $0x24000, s19;
	s18 =	sshrl.u32 s18, $0x3  }
0x322: {  	s18 =	smul.u32 $0xC00, s18;
	_ =	sdelay $0x1  }
0x323: {  	s18 =	sadd.s32 s19, s18  }
0x324: {  	s18 =	sshrl.u32 s18, $0x3  }
.Ltmp3:
0x325: {  	s18 =	sadd.s32 s2, s18;
	(pc) =	sbr.rel @p0 .LBB2_8-.Ltmp3, $4  }
0x326: {  	[tilespmem:s4], [sflag:$0x1] =	stream.linear.gather [hbm4b:s18+s4], $0x6000, $0x38;
	[tilespmem:$0x18000] =	vst v63  }
0x327: {  	_ =	swait.ge [sflag:s11], $0x6000  }
0x328: {  	[sflag:s11] =	ssyncset.done $0x0  }
0x329: {  	v50 =	vmov v18;
	[sflag:s11] =	ssyncadd.s32 $0xFFFFA000  }
.LBB2_7:
0x32a: {  	_ =	swait.ge [sflag:s12], $0x6000  }
0x32b: {  	[sflag:s12] =	ssyncset.done $0x0  }
0x32c: {  	[sflag:s12] =	ssyncadd.s32 $0xFFFFA000  }
.LBB2_8:
0x32d: {  	s18 =	simm.s32 $0x7  }
0x32e: {  	s20 =	simm.s32 $0x1F00;
	s18 =	smul.u32 $0xC00, s18  }
0x32f: {  	s19 =	sand.u32 $0x300, s20  }
0x330: {  	s18 =	sor.u32 s19, s18  }
0x331: {  	v1 =	vld [tilespmem:s18+$0x6000];
	_ =	sdelay $0x4  }
0x332: {  	[tilespmem:$0x1EBB0] =	vst v1  }
0x333: {  	v2 =	vld [tilespmem:s18+$0x6010];
	_ =	sdelay $0x4  }
0x334: {  	[tilespmem:$0x1EB80] =	vst v2  }
0x335: {  	v3 =	vld [tilespmem:s18+$0x6020];
	_ =	sdelay $0x4  }
0x336: {  	[tilespmem:$0x1EB50] =	vst v3  }
0x337: {  	v5 =	vld [tilespmem:s18+$0x6030];
	_ =	sdelay $0x4  }
0x338: {  	[tilespmem:$0x1EC30] =	vst v5  }
0x339: {  	v7 =	vld [tilespmem:s18+$0x6040];
	_ =	sdelay $0x4  }
0x33a: {  	[tilespmem:$0x1EC00] =	vst v7  }
0x33b: {  	v10 =	vld [tilespmem:s18+$0x6050];
	_ =	sdelay $0x4  }
0x33c: {  	[tilespmem:$0x1EBE0] =	vst v10  }
0x33d: {  	v6 =	vld [tilespmem:s18+$0x6060];
	_ =	sdelay $0x4  }
0x33e: {  	[tilespmem:$0x1ECC0] =	vst v6  }
0x33f: {  	v8 =	vld [tilespmem:s18+$0x6070];
	_ =	sdelay $0x4  }
0x340: {  	[tilespmem:$0x1EC90] =	vst v8  }
0x341: {  	v11 =	vld [tilespmem:s18+$0x6400];
	_ =	sdelay $0x4  }
0x342: {  	[tilespmem:$0x1EC60] =	vst v11  }
0x343: {  	v4 =	vld [tilespmem:s18+$0x6410];
	_ =	sdelay $0x4  }
0x344: {  	[tilespmem:$0x1EDC0] =	vst v4  }
0x345: {  	v9 =	vld [tilespmem:s18+$0x6420];
	_ =	sdelay $0x4  }
0x346: {  	[tilespmem:$0x1ED50] =	vst v9  }
0x347: {  	v15 =	vld [tilespmem:s18+$0x6430];
	_ =	sdelay $0x4  }
0x348: {  	[tilespmem:$0x1ED00] =	vst v15  }
0x349: {  	v12 =	vld [tilespmem:s18+$0x6440];
	_ =	sdelay $0x4  }
0x34a: {  	[tilespmem:$0x1EEA0] =	vst v12  }
0x34b: {  	v13 =	vld [tilespmem:s18+$0x6450];
	_ =	sdelay $0x4  }
0x34c: {  	[tilespmem:$0x1EE40] =	vst v13  }
0x34d: {  	v16 =	vld [tilespmem:s18+$0x6460];
	_ =	sdelay $0x2  }
0x34e: {  	v1 =	vperm.xlane v1, v0  }
0x34f: {  	v2 =	vperm.xlane v2, v0  }
0x350: {  	(xrf0) =	vmax.scan.msk.f32 $0xffff, v1;
	v3 =	vperm.xlane v3, v0;
	[tilespmem:$0x1EE00] =	vst v16  }
0x351: {  	(xrf0) =	vmax.scan.msk.f32 $0xffff, v2;
	v1 =	vperm.xlane v5, v0;
	v14 =	vld [tilespmem:s18+$0x6470]  }
0x352: {  	(xrf0) =	vmax.scan.msk.f32 $0xffff, v3;
	v2 =	vperm.xlane v7, v0  }
0x353: {  	s31 =	simm.s32 $0x7;
	(xrf0) =	vmax.scan.msk.f32 $0xffff, v1;
	v3 =	vperm.xlane v10, v0  }
0x354: {  	s21 =	simm.s32 $0x1F80;
	s19 =	smul.u32 $0xC00, s31;
	(xrf0) =	vmax.scan.msk.f32 $0xffff, v2;
	v1 =	vperm.xlane v6, v0;
	v2 =	vperm.xlane v8, v0  }
0x355: {  	s21 =	sand.u32 $0x380, s21;
	(xrf0) =	vmax.scan.msk.f32 $0xffff, v3;
	v3 =	vperm.xlane v11, v0  }
0x356: {  	s19 =	sor.u32 s21, s19;
	(xrf0) =	vmax.scan.msk.f32 $0xffff, v1;
	v1 =	vperm.xlane v4, v0;
	[tilespmem:$0x1EF90] =	vst v14  }
0x357: {  	v7, _, _ =	vpop (xrf0);
	v5 =	vld [tilespmem:s19+$0x6000]  }
0x358: {  	(xrf0) =	vmax.scan.msk.f32 $0xffff, v2;
	v2, _, _ =	vpop (xrf0);
	v6 =	vld [tilespmem:s19+$0x6010]  }
0x359: {  	(xrf0) =	vmax.scan.msk.f32 $0xffff, v3;
	v3, _, _ =	vpop (xrf0);
	v4 =	vperm.xlane v9, v0;
	v8 =	vld [tilespmem:s19+$0x6030];
	[tilespmem:$0x1EB40] =	vst v2  }
0x35a: {  	(xrf0) =	vmax.scan.msk.f32 $0xffff, v1;
	v1, _, _ =	vpop (xrf0);
	v9 =	vperm.xlane v15, v0;
	v2 =	vld [tilespmem:s19+$0x6040];
	[tilespmem:$0x1EB30] =	vst v3  }
0x35b: {  	(xrf0) =	vmax.scan.msk.f32 $0xffff, v4;
	v10 =	vperm.xlane v12, v0;
	v3 =	vld [tilespmem:s19+$0x6060];
	[tilespmem:$0x1EB20] =	vst v1;
	v1, _, _ =	vpop (xrf0)  }
0x35c: {  	(xrf0) =	vmax.scan.msk.f32 $0xffff, v9;
	v4 =	vperm.xlane v13, v0;
	v11 =	vld [tilespmem:s19+$0x6070];
	[tilespmem:$0x1EB10] =	vst v1;
	v1, _, _ =	vpop (xrf0)  }
0x35d: {  	v15 =	vperm.xlane v16, v0;
	(xrf0) =	vmax.scan.msk.f32 $0xffff, v10;
	v12 =	vld [tilespmem:s19+$0x6410];
	[tilespmem:$0x1EB00] =	vst v1;
	v1, _, _ =	vpop (xrf0)  }
0x35e: {  	v17 =	vperm.xlane v14, v0;
	(xrf0) =	vmax.scan.msk.f32 $0xffff, v4;
	v9 =	vld [tilespmem:s19+$0x6420];
	[tilespmem:$0x1EAF0] =	vst v1;
	v1, _, _ =	vpop (xrf0)  }
0x35f: {  	v4 =	vperm.xlane v5, v0;
	(xrf0) =	vmax.scan.msk.f32 $0xffff, v15;
	v16 =	vld [tilespmem:s19+$0x6440];
	[tilespmem:$0x1EAE0] =	vst v1;
	v10, _, _ =	vpop (xrf0)  }
0x360: {  	v15 =	vperm.xlane v6, v0;
	(xrf0) =	vmax.scan.msk.f32 $0xffff, v17;
	v18 =	vld [tilespmem:s19+$0x6450];
	[tilespmem:$0x1F100] =	vst v10;
	v14, _, _ =	vpop (xrf0)  }
0x361: {  	(xrf0) =	vmax.scan.msk.f32 $0xffff, v4;
	v4 =	vperm.xlane v8, v0;
	v19 =	vld [tilespmem:s19+$0x6470];
	[tilespmem:$0x1F0C0] =	vst v14;
	v30, _, _ =	vpop (xrf0)  }
0x362: {  	(xrf0) =	vmax.scan.msk.f32 $0xffff, v15;
	v15 =	vperm.xlane v2, v0;
	v17 =	vld [tilespmem:s19+$0x6800];
	[tilespmem:$0x1F0B0] =	vst v30;
	v58, _, _ =	vpop (xrf0)  }
0x363: {  	(xrf0) =	vmax.scan.msk.f32 $0xffff, v4;
	v4 =	vperm.xlane v3, v0;
	v20 =	vld [tilespmem:s19+$0x6820];
	[tilespmem:$0x1F080] =	vst v58;
	v35, _, _ =	vpop (xrf0)  }
0x364: {  	(xrf0) =	vmax.scan.msk.f32 $0xffff, v15;
	v15 =	vperm.xlane v11, v0;
	v21 =	vld [tilespmem:s19+$0x6830];
	[tilespmem:$0x1F070] =	vst v35;
	v13, _, _ =	vpop (xrf0)  }
0x365: {  	(xrf0) =	vmax.scan.msk.f32 $0xffff, v4;
	v4 =	vperm.xlane v12, v0;
	v22 =	vld [tilespmem:s19+$0x6850];
	[tilespmem:$0x1F030] =	vst v13;
	v62, _, _ =	vpop (xrf0)  }
0x366: {  	(xrf0) =	vmax.scan.msk.f32 $0xffff, v15;
	v15 =	vperm.xlane v9, v0;
	v23 =	vld [tilespmem:s19+$0x6870];
	[tilespmem:$0x1F020] =	vst v62;
	v38, _, _ =	vpop (xrf0)  }
0x367: {  	v25 =	vperm.xlane v16, v0;
	(xrf0) =	vmax.scan.msk.f32 $0xffff, v4;
	v24 =	vld [tilespmem:s19+$0x6860];
	[tilespmem:$0x1EFE0] =	vst v38  }
0x368: {  	v1 =	vperm.xlane v18, v0;
	(xrf0) =	vmax.scan.msk.f32 $0xffff, v15;
	v26 =	vld [tilespmem:s19+$0x6840]  }
0x369: {  	v28, _, _ =	vpop (xrf0);
	v29 =	vld [tilespmem:s19+$0x6810];
	(xrf0) =	vmax.scan.msk.f32 $0xffff, v25  }
0x36a: {  	v32, _, _ =	vpop (xrf0);
	v33 =	vld [tilespmem:s19+$0x6460];
	(xrf0) =	vmax.scan.msk.f32 $0xffff, v1;
	v1 =	vmax.f32 v36, v17  }
0x36b: {  	v34 =	vld [tilespmem:s19+$0x6430];
	[tilespmem:$0x1EF30] =	vst v1;
	v1 =	vmax.f32 v46, v19  }
0x36c: {  	v36 =	vld [tilespmem:s19+$0x6400];
	[tilespmem:$0x1EF80] =	vst v1;
	v1 =	vmax.f32 v54, v20  }
0x36d: {  	[tilespmem:$0x1F040] =	vst v1  }
0x36e: {  	v4 =	vld [tilespmem:s18+$0x6870];
	_ =	sdelay $0x1  }
0x36f: {  	v1 =	vmax.f32 v37, v18  }
0x370: {  	[tilespmem:$0x1EE30] =	vst v1;
	v1 =	vmax.f32 v51, v21  }
0x371: {  	[tilespmem:$0x1EFF0] =	vst v1  }
0x372: {  	[tilespmem:$0x1F090] =	vst v4  }
0x373: {  	v18 =	vld [tilespmem:s18+$0x6860];
	_ =	sdelay $0x1  }
0x374: {  	v25 =	vperm.xlane v19, v0;
	v1 =	vmax.f32 v27, v16  }
0x375: {  	v15, _, _ =	vpop (xrf0);
	v17 =	vperm.xlane v17, v0;
	[tilespmem:$0x1EE90] =	vst v1;
	v1 =	vmax.f32 v57, v22  }
0x376: {  	v48, _, _ =	vpop (xrf0);
	(xrf0) =	vmax.scan.msk.f32 $0xffff, v25;
	v19 =	vperm.xlane v20, v0;
	[tilespmem:$0x1EEB0] =	vst v1  }
0x377: {  	v46, _, _ =	vpop (xrf0);
	(xrf0) =	vmax.scan.msk.f32 $0xffff, v17;
	[tilespmem:$0x1F0E0] =	vst v18  }
0x378: {  	v37, _, _ =	vpop (xrf0);
	(xrf0) =	vmax.scan.msk.f32 $0xffff, v19;
	v19 =	vld [tilespmem:s18+$0x6850];
	_ =	sdelay $0x1  }
0x379: {  	v54, _, _ =	vpop (xrf0);
	v1 =	vmax.f32 v45, v9;
	v9 =	vmax.f32 v53, v23  }
0x37a: {  	v17 =	vperm.xlane v21, v0;
	v21, _, _ =	vpop (xrf0);
	[tilespmem:$0x1EE50] =	vst v9  }
0x37b: {  	[tilespmem:$0x1EED0] =	vst v21  }
0x37c: {  	v12 =	vmax.f32 v44, v12;
	[tilespmem:$0x1F110] =	vst v19  }
0x37d: {  	(xrf0) =	vmax.scan.msk.f32 $0xffff, v17;
	v16 =	vperm.xlane v22, v0;
	v22, _, _ =	vpop (xrf0);
	v17 =	vld [tilespmem:s19+$0x6050];
	[tilespmem:$0x1EDB0] =	vst v12  }
0x37e: {  	v12 =	vmax.f32 v52, v24;
	[tilespmem:$0x1EE80] =	vst v22  }
0x37f: {  	v9 =	vperm.xlane v23, v0;
	[tilespmem:$0x1F0D0] =	vst v12  }
0x380: {  	(xrf0) =	vmax.scan.msk.f32 $0xffff, v16;
	v16 =	vld [tilespmem:s18+$0x6840]  }
0x381: {  	(xrf0) =	vmax.scan.msk.f32 $0xffff, v9;
	v9 =	vmax.f32 v42, v11  }
0x382: {  	v3 =	vmax.f32 v31, v3;
	[tilespmem:$0x1EC80] =	vst v9  }
0x383: {  	v12 =	vperm.xlane v24, v0;
	v24, _, _ =	vpop (xrf0);
	[tilespmem:$0x1ECB0] =	vst v3  }
0x384: {  	[tilespmem:$0x1EE70] =	vst v24  }
0x385: {  	[tilespmem:$0x1EFD0] =	vst v16  }
0x386: {  	v20 =	vld [tilespmem:s18+$0x6830];
	_ =	sdelay $0x2  }
0x387: {  	v23, _, _ =	vpop (xrf0)  }
0x388: {  	[tilespmem:$0x1EE20] =	vst v23  }
0x389: {  	[tilespmem:$0x1F000] =	vst v20  }
0x38a: {  	v9 =	vperm.xlane v4, v0;
	v4 =	vld [tilespmem:s18+$0x6820];
	_ =	sdelay $0x1  }
0x38b: {  	v3 =	vmax.f32 v40, v2;
	v2 =	vperm.xlane v18, v0;
	(xrf0) =	vmax.scan.msk.f32 $0xffff, v12  }
0x38c: {  	v61 =	vperm.xlane v7, v0;
	v7 =	vmax.f32 v39, v8;
	(xrf0) =	vmax.scan.msk.f32 $0xffff, v9  }
0x38d: {  	v27, _, _ =	vpop (xrf0);
	(xrf0) =	vmax.scan.msk.f32 $0xffff, v2;
	v2 =	vmax.f32 v50, v26;
	[tilespmem:$0x1EC20] =	vst v7  }
0x38e: {  	v55 =	vmax.f32 v55, v17;
	v18 =	vperm.xlane v17, v0;
	v17 =	vmov v2;
	v2 =	vld [tilespmem:$0x1FA30];
	[tilespmem:$0x1F050] =	vst v4  }
0x38f: {  	v7 =	vld [tilespmem:s19+$0x6020]  }
0x390: {  	v8 =	vperm.xlane v19, v0;
	v9 =	vmax.f32 v47, v29;
	[tilespmem:$0x1EDE0] =	vst v27  }
0x391: {  	v56 =	vperm.xlane v28, v0;
	v63 =	vmax.f32 v41, v34;
	[tilespmem:$0x1EEE0] =	vst v9;
	v9 =	vperm.xlane v26, v0  }
0x392: {  	v28, _, _ =	vpop (xrf0);
	(xrf0) =	vmax.scan.msk.f32 $0xffff, v8;
	v8 =	vmax.f32 v43, v33;
	v11 =	vperm.xlane v16, v0;
	v12 =	vperm.xlane v20, v0;
	v25 =	vld [tilespmem:s18+$0x6810]  }
0x393: {  	v16 =	vperm.xlane v4, v0;
	[tilespmem:$0x1EDF0] =	vst v8;
	v8 =	vperm.xlane v29, v0;
	v29, _, _ =	vpop (xrf0);
	(xrf0) =	vmax.scan.msk.f32 $0xffff, v9  }
0x394: {  	v31, _, _ =	vpop (xrf0);
	(xrf0) =	vmax.scan.msk.f32 $0xffff, v11;
	v11 =	vperm.xlane v34, v0;
	v34 =	vmov v3;
	v3 =	vmax.f32 v2, v7;
	v2 =	vld [tilespmem:$0x1FA60]  }
0x395: {  	v4 =	vld [tilespmem:$0x1FA90];
	[tilespmem:$0x1ED90] =	vst v28  }
0x396: {  	[tilespmem:$0x1ED70] =	vst v29;
	v19, _, _ =	vpop (xrf0);
	(xrf0) =	vmax.scan.msk.f32 $0xffff, v12  }
0x397: {  	v60 =	vmax.f32 v59, v36;
	v59, _, _ =	vpop (xrf0);
	(xrf0) =	vmax.scan.msk.f32 $0xffff, v16;
	[tilespmem:$0x1EEF0] =	vst v25  }
0x398: {  	v43 =	vperm.xlane v7, v0;
	v16, _, _ =	vpop (xrf0);
	v7 =	vperm.xlane v25, v0;
	(xrf0) =	vmax.scan.msk.f32 $0xffff, v8;
	v26 =	vld [tilespmem:s18+$0x6800];
	[tilespmem:$0x1F130] =	vst v19  }
0x399: {  	v8, _, _ =	vpop (xrf0);
	[tilespmem:$0x1F150] =	vst v16;
	v53 =	vmax.f32 v2, v6;
	v2 =	vperm.xlane v19, v49;
	v6 =	vperm.xlane v59, v49  }
0x39a: {  	v9 =	vperm.xlane v33, v0;
	v42 =	vmax.f32 v4, v5;
	[tilespmem:$0x1EF10] =	vst v8;
	v19, _, _ =	vpop (xrf0)  }
0x39b: {  	(xrf0) =	vmax.scan.msk.f32 $0xffff, v7;
	v7 =	vperm.xlane v31, v49;
	v51, _, _ =	vpop (xrf0);
	[tilespmem:$0x1E9A0] =	vst v2;
	v4 =	vmax.f32 v2, v6  }
0x39c: {  	v2 =	vperm.xlane v16, v49;
	v6 =	vperm.xlane v8, v49;
	v8, _, _ =	vpop (xrf0);
	[tilespmem:$0x1E9B0] =	vst v4  }
0x39d: {  	v5 =	vperm.xlane v26, v0;
	[tilespmem:$0x1EF60] =	vst v8  }
0x39e: {  	v4 =	vmax.f32 v4, v7;
	[tilespmem:$0x1E9C0] =	vst v2  }
0x39f: {  	v7 =	vperm.xlane v51, v49;
	(xrf0) =	vmax.scan.msk.f32 $0xffff, v5;
	v2 =	vmax.f32 v2, v6;
	[tilespmem:$0x1E9E0] =	vst v4  }
0x3a0: {  	v5 =	vperm.xlane v19, v49;
	(xrf0) =	vmax.scan.msk.f32 $0xffff, v9;
	v9, _, _ =	vpop (xrf0);
	[tilespmem:$0x1E9D0] =	vst v2  }
0x3a1: {  	v6 =	vperm.xlane v29, v49;
	v4 =	vmax.f32 v4, v7;
	[tilespmem:$0x1EF70] =	vst v9  }
0x3a2: {  	v8 =	vperm.xlane v8, v49;
	v2 =	vmax.f32 v2, v5;
	[tilespmem:$0x1E9F0] =	vst v4  }
0x3a3: {  	v7 =	vperm.xlane v28, v49;
	v4 =	vmax.f32 v4, v6;
	[tilespmem:$0x1EA00] =	vst v2  }
0x3a4: {  	v2 =	vmax.f32 v2, v8;
	[tilespmem:$0x1EA10] =	vst v4  }
0x3a5: {  	v6 =	vperm.xlane v9, v49;
	v4 =	vmax.f32 v4, v7;
	v5, _, _ =	vpop (xrf0);
	[tilespmem:$0x1EA20] =	vst v2  }
0x3a6: {  	[tilespmem:$0x1EA40] =	vst v4;
	v50, _, _ =	vpop (xrf0);
	v8 =	vperm.xlane v5, v49  }
0x3a7: {  	v12 =	vperm.xlane v36, v0;
	v2 =	vmax.f32 v2, v6;
	[tilespmem:$0x1EFB0] =	vst v5;
	v9 =	vperm.xlane v50, v49;
	v5, _, _ =	vpop (xrf0)  }
0x3a8: {  	v6 =	vperm.xlane v27, v49;
	[tilespmem:$0x1EA30] =	vst v2;
	v16 =	vperm.xlane v5, v49;
	v2 =	vmax.f32 v2, v8;
	v47, _, _ =	vpop (xrf0)  }
0x3a9: {  	(xrf0) =	vmax.scan.msk.f32 $0xffff, v11;
	v4 =	vmax.f32 v4, v9;
	v9 =	vperm.xlane v23, v49;
	[tilespmem:$0x1EA60] =	vst v2;
	v44, _, _ =	vpop (xrf0)  }
0x3aa: {  	[tilespmem:$0x1EA50] =	vst v4;
	v4 =	vmax.f32 v4, v6;
	v2 =	vmax.f32 v2, v16;
	v16 =	vperm.xlane v44, v49  }
0x3ab: {  	v6 =	vperm.xlane v47, v49;
	[tilespmem:$0x1EA70] =	vst v4  }
0x3ac: {  	(xrf0) =	vmax.scan.msk.f32 $0xffff, v12;
	v4 =	vmax.f32 v4, v9;
	v9 =	vperm.xlane v38, v49;
	[tilespmem:$0x1EA80] =	vst v2  }
0x3ad: {  	v23 =	vperm.xlane v24, v49;
	v2 =	vmax.f32 v2, v6;
	v6 =	vperm.xlane v62, v49;
	[tilespmem:$0x1EA90] =	vst v4  }
0x3ae: {  	v4 =	vmax.f32 v4, v16;
	v16 =	vmovc v1;
	v1 =	vmax.f32 v2, v9;
	v9 =	vperm.xlane v22, v49  }
0x3af: {  	v62 =	vmax.f32 v4, v23;
	[tilespmem:$0x1EAC0] =	vst v1;
	v1 =	vmax.f32 v1, v6;
	v6 =	vperm.xlane v13, v49  }
0x3b0: {  	v52 =	vperm.xlane v35, v49;
	v41, _, _ =	vpop (xrf0);
	v11 =	vmax.f32 v62, v9  }
0x3b1: {  	v9 =	vperm.xlane v41, v49;
	v28 =	vmax.f32 v1, v6;
	v6 =	vperm.xlane v58, v49  }
0x3b2: {  	(xrf0) =	vmax.scan.msk.f32 $0xffff, v18;
	v18 =	vperm.xlane v21, v49;
	v58 =	vmax.f32 v28, v52  }
0x3b3: {  	v9 =	vmax.f32 v11, v9;
	v33 =	vmax.f32 v58, v6;
	v6 =	vperm.xlane v30, v49  }
0x3b4: {  	v57 =	vperm.xlane v54, v49;
	v40, _, _ =	vpop (xrf0);
	v38 =	vmax.f32 v9, v18;
	v18 =	vperm.xlane v14, v49  }
0x3b5: {  	v39 =	vperm.xlane v10, v49;
	v36 =	vperm.xlane v40, v49;
	v6 =	vmax.f32 v33, v6  }
0x3b6: {  	v30 =	vld [tilespmem:$0x1EAE0];
	v45 =	vmax.f32 v38, v57;
	v18 =	vmax.f32 v6, v18  }
0x3b7: {  	[tilespmem:$0x1EF40] =	vst v26;
	v35 =	vmax.f32 v45, v36;
	v36 =	vmax.f32 v18, v39;
	v39 =	vld [tilespmem:$0x1EAF0]  }
0x3b8: {  	v26 =	vld [tilespmem:$0x1EB00];
	(xrf0) =	vmax.scan.msk.f32 $0xffff, v43;
	[tilespmem:$0x1EAD0] =	vst v1;
	v1 =	vperm.xlane v37, v49  }
0x3b9: {  	[tilespmem:$0x1EFC0] =	vst v5;
	v5 =	vperm.xlane v15, v0;
	v12 =	vperm.xlane v32, v0;
	v14, _, _ =	vpop (xrf0)  }
0x3ba: {  	[tilespmem:$0x1EF20] =	vst v19;
	v22 =	vld [tilespmem:$0x1EB10];
	v52 =	vperm.xlane v46, v49;
	v27 =	vmax.f32 v35, v1;
	v1 =	vperm.xlane v14, v49  }
0x3bb: {  	v19 =	vld [tilespmem:$0x1EB20];
	[tilespmem:$0x1EAB0] =	vst v4;
	v4 =	vperm.xlane v32, v49;
	v57 =	vperm.xlane v30, v49  }
0x3bc: {  	[tilespmem:$0x1EAA0] =	vst v2;
	v2 =	vperm.xlane v48, v49;
	v13 =	vld [tilespmem:$0x1EB30];
	v25 =	vmax.f32 v27, v52;
	v52 =	vperm.xlane v39, v49  }
0x3bd: {  	v8 =	vld [tilespmem:$0x1EB40];
	v23 =	vmovc v3;
	v43 =	vperm.xlane v26, v49;
	v10 =	vmax.f32 v25, v1;
	v57 =	vmax.f32 v36, v57  }
0x3be: {  	[tilespmem:$0x1ED20] =	vst v31;
	v3 =	vmax.f32 v10, v2;
	v1, _, _ =	vpop (xrf0);
	v31 =	vmax.f32 v57, v52;
	v52 =	vperm.xlane v15, v49  }
0x3bf: {  	v2 =	vperm.xlane v1, v49;
	v29 =	vmax.f32 v31, v43;
	v43 =	vperm.xlane v22, v49  }
0x3c0: {  	v32 =	vmax.f32 v5, v3;
	v7 =	vmax.f32 v3, v52;
	v52 =	vperm.xlane v19, v49  }
0x3c1: {  	v24 =	vmax.f32 v29, v43;
	v43 =	vperm.xlane v13, v49;
	v2 =	vmax.f32 v7, v2  }
0x3c2: {  	v21 =	vmax.f32 v24, v52;
	v52 =	vperm.xlane v8, v49;
	v4 =	vmax.f32 v2, v4  }
0x3c3: {  	v1 =	vperm.xlane v1, v0;
	v20 =	vmax.f32 v21, v43;
	v15 =	vmax.f32 v56, v4  }
0x3c4: {  	v4 =	vmax.f32 v20, v52;
	v52 =	vmax.f32 v12, v2;
	v2 =	vperm.xlane v14, v0  }
0x3c5: {  	v3 =	vperm.xlane v48, v0;
	v48 =	vmax.f32 v1, v7;
	v1 =	vperm.xlane v37, v0  }
0x3c6: {  	v5 =	vperm.xlane v46, v0;
	v43 =	vmax.f32 v61, v4;
	v4 =	vmax.f32 v2, v25  }
0x3c7: {  	v2 =	vperm.xlane v40, v0;
	v40 =	vmax.f32 v1, v35;
	v1 =	vperm.xlane v54, v0;
	_ =	sdelay $0x1  }
0x3c8: {  	v37 =	vmax.f32 v5, v27;
	v27 =	vmax.f32 v1, v38;
	v1 =	vperm.xlane v22, v0;
	_ =	sdelay $0x1  }
0x3c9: {  	v14 =	vmax.f32 v1, v29;
	v1 =	vld [tilespmem:$0x1EB50];
	_ =	sdelay $0x4  }
0x3ca: {  	v1 =	vmax.f32 v23, v1  }
0x3cb: {  	[tilespmem:$0x1EB60] =	vst v1;
	v1 =	vld [tilespmem:$0x1EB80];
	_ =	sdelay $0x4  }
0x3cc: {  	v1 =	vmax.f32 v53, v1  }
0x3cd: {  	[tilespmem:$0x1EB90] =	vst v1;
	v1 =	vld [tilespmem:$0x1EBB0];
	_ =	sdelay $0x4  }
0x3ce: {  	v1 =	vmax.f32 v42, v1  }
0x3cf: {  	[tilespmem:$0x1EBC0] =	vst v1;
	v1 =	vld [tilespmem:$0x1EBE0];
	_ =	sdelay $0x4  }
0x3d0: {  	v1 =	vmax.f32 v55, v1  }
0x3d1: {  	[tilespmem:$0x1EBF0] =	vst v1;
	v1 =	vld [tilespmem:$0x1EC00]  }
0x3d2: {  	v45 =	vmax.f32 v2, v45;
	v2 =	vperm.xlane v30, v0;
	_ =	sdelay $0x1  }
0x3d3: {  	v30 =	vmax.f32 v2, v36;
	v2 =	vperm.xlane v13, v0;
	_ =	sdelay $0x1  }
0x3d4: {  	v56 =	vmax.f32 v2, v21;
	v2 =	vld [tilespmem:$0x1EC20];
	v1 =	vmax.f32 v34, v1  }
0x3d5: {  	[tilespmem:$0x1EC10] =	vst v1;
	v1 =	vld [tilespmem:$0x1EC30];
	_ =	sdelay $0x4  }
0x3d6: {  	v1 =	vmax.f32 v2, v1  }
0x3d7: {  	[tilespmem:$0x1EC40] =	vst v1;
	v1 =	vld [tilespmem:$0x1EC60];
	_ =	sdelay $0x4  }
0x3d8: {  	v2 =	vld [tilespmem:$0x1EC80];
	v1 =	vmax.f32 v60, v1  }
0x3d9: {  	[tilespmem:$0x1EC70] =	vst v1;
	v1 =	vld [tilespmem:$0x1EC90];
	_ =	sdelay $0x4  }
0x3da: {  	v1 =	vmax.f32 v2, v1;
	v2 =	vld [tilespmem:$0x1ECB0]  }
0x3db: {  	[tilespmem:$0x1ECA0] =	vst v1;
	v1 =	vld [tilespmem:$0x1ECC0];
	_ =	sdelay $0x4  }
0x3dc: {  	v1 =	vmax.f32 v2, v1  }
0x3dd: {  	[tilespmem:$0x1ECD0] =	vst v1;
	v1 =	vperm.xlane v59, v0;
	_ =	sdelay $0x1  }
0x3de: {  	[tilespmem:$0x1ECE0] =	vst v1;
	v1 =	vld [tilespmem:$0x1ED00];
	_ =	sdelay $0x4  }
0x3df: {  	v1 =	vmax.f32 v63, v1  }
0x3e0: {  	[tilespmem:$0x1ED10] =	vst v1;
	v1 =	vld [tilespmem:$0x1ED20];
	_ =	sdelay $0x4  }
0x3e1: {  	v1 =	vperm.xlane v1, v0;
	_ =	sdelay $0x1  }
0x3e2: {  	[tilespmem:$0x1ED30] =	vst v1;
	v1 =	vperm.xlane v51, v0;
	_ =	sdelay $0x1  }
0x3e3: {  	[tilespmem:$0x1ED40] =	vst v1;
	v1 =	vld [tilespmem:$0x1ED50];
	_ =	sdelay $0x4  }
0x3e4: {  	v1 =	vmax.f32 v16, v1  }
0x3e5: {  	[tilespmem:$0x1ED60] =	vst v1;
	v1 =	vld [tilespmem:$0x1ED70];
	_ =	sdelay $0x4  }
0x3e6: {  	v1 =	vperm.xlane v1, v0;
	_ =	sdelay $0x1  }
0x3e7: {  	[tilespmem:$0x1ED80] =	vst v1;
	v1 =	vld [tilespmem:$0x1ED90];
	_ =	sdelay $0x4  }
0x3e8: {  	v1 =	vperm.xlane v1, v0  }
0x3e9: {  	v2 =	vld [tilespmem:$0x1EDB0]  }
0x3ea: {  	[tilespmem:$0x1EDA0] =	vst v1;
	v1 =	vld [tilespmem:$0x1EDC0];
	_ =	sdelay $0x4  }
0x3eb: {  	v1 =	vmax.f32 v2, v1  }
0x3ec: {  	[tilespmem:$0x1EDD0] =	vst v1;
	v1 =	vld [tilespmem:$0x1EDE0];
	_ =	sdelay $0x3  }
0x3ed: {  	v2 =	vld [tilespmem:$0x1EDF0]  }
0x3ee: {  	[tilespmem:$0x1EBA0] =	vst v42;
	v42 =	vperm.xlane v1, v0;
	v1 =	vld [tilespmem:$0x1EE00];
	_ =	sdelay $0x4  }
0x3ef: {  	v1 =	vmax.f32 v2, v1  }
0x3f0: {  	[tilespmem:$0x1EE10] =	vst v1;
	v1 =	vld [tilespmem:$0x1EE20];
	_ =	sdelay $0x2  }
0x3f1: {  	v46 =	vmax.f32 v3, v10;
	v3 =	vperm.xlane v26, v0  }
0x3f2: {  	v2 =	vld [tilespmem:$0x1EE30]  }
0x3f3: {  	v54 =	vmax.f32 v3, v31;
	v31 =	vperm.xlane v1, v0;
	v1 =	vld [tilespmem:$0x1EE40];
	_ =	sdelay $0x4  }
0x3f4: {  	v1 =	vmax.f32 v2, v1  }
0x3f5: {  	[tilespmem:$0x1EE60] =	vst v1;
	v1 =	vld [tilespmem:$0x1EE70];
	_ =	sdelay $0x4  }
0x3f6: {  	[tilespmem:$0x1ECF0] =	vst v63;
	v63 =	vperm.xlane v1, v0;
	v1 =	vld [tilespmem:$0x1EE80];
	_ =	sdelay $0x3  }
0x3f7: {  	v2 =	vld [tilespmem:$0x1EE90]  }
0x3f8: {  	v25 =	vperm.xlane v1, v0;
	v1 =	vld [tilespmem:$0x1EEA0];
	_ =	sdelay $0x4  }
0x3f9: {  	v1 =	vmax.f32 v2, v1  }
0x3fa: {  	[tilespmem:$0x1EEC0] =	vst v1;
	v1 =	vld [tilespmem:$0x1EED0];
	_ =	sdelay $0x3  }
0x3fb: {  	v2 =	vld [tilespmem:$0x1EEF0]  }
0x3fc: {  	v3 =	vperm.xlane v1, v0;
	v1 =	vld [tilespmem:$0x1EEE0];
	_ =	sdelay $0x4  }
0x3fd: {  	v1 =	vmax.f32 v1, v2  }
0x3fe: {  	[tilespmem:$0x1EF00] =	vst v1;
	v1 =	vld [tilespmem:$0x1EF10];
	_ =	sdelay $0x4  }
0x3ff: {  	[tilespmem:$0x1EC50] =	vst v60;
	v60 =	vperm.xlane v1, v0;
	v1 =	vld [tilespmem:$0x1EF20];
	_ =	sdelay $0x3  }
0x400: {  	v2 =	vld [tilespmem:$0x1EF40]  }
0x401: {  	v38 =	vperm.xlane v1, v0;
	v1 =	vld [tilespmem:$0x1EF30];
	_ =	sdelay $0x4  }
0x402: {  	v1 =	vmax.f32 v1, v2  }
0x403: {  	[tilespmem:$0x1EF50] =	vst v1;
	v1 =	vld [tilespmem:$0x1EF60];
	_ =	sdelay $0x4  }
0x404: {  	v5 =	vperm.xlane v19, v0;
	v19 =	vperm.xlane v1, v0;
	v1 =	vld [tilespmem:$0x1EF70];
	_ =	sdelay $0x3  }
0x405: {  	v2 =	vld [tilespmem:$0x1EF80]  }
0x406: {  	v29 =	vperm.xlane v41, v0;
	v41 =	vperm.xlane v1, v0;
	v1 =	vld [tilespmem:$0x1EF90];
	_ =	sdelay $0x4  }
0x407: {  	v1 =	vmax.f32 v2, v1  }
0x408: {  	[tilespmem:$0x1EFA0] =	vst v1;
	v1 =	vld [tilespmem:$0x1EFB0];
	_ =	sdelay $0x2  }
0x409: {  	v7 =	vperm.xlane v8, v0;
	_ =	sdelay $0x1  }
0x40a: {  	v61 =	vmax.f32 v7, v20;
	v20 =	vperm.xlane v1, v0;
	v1 =	vld [tilespmem:$0x1EFC0];
	_ =	sdelay $0x4  }
0x40b: {  	v26 =	vperm.xlane v1, v0;
	v1 =	vld [tilespmem:$0x1EFD0];
	_ =	sdelay $0x4  }
0x40c: {  	v12 =	vmax.f32 v17, v1;
	v1 =	vld [tilespmem:$0x1EFE0];
	_ =	sdelay $0x3  }
0x40d: {  	v2 =	vld [tilespmem:$0x1F000]  }
0x40e: {  	v51 =	vperm.xlane v47, v0;
	v47 =	vperm.xlane v1, v0;
	v1 =	vld [tilespmem:$0x1EFF0];
	_ =	sdelay $0x4  }
0x40f: {  	v1 =	vmax.f32 v1, v2  }
0x410: {  	[tilespmem:$0x1F010] =	vst v1;
	v1 =	vld [tilespmem:$0x1F020];
	_ =	sdelay $0x4  }
0x411: {  	[tilespmem:$0x1EB70] =	vst v53;
	v53 =	vperm.xlane v1, v0;
	v1 =	vld [tilespmem:$0x1F030];
	_ =	sdelay $0x3  }
0x412: {  	v2 =	vld [tilespmem:$0x1F050]  }
0x413: {  	v35 =	vmax.f32 v5, v24;
	v5 =	vperm.xlane v1, v0;
	v1 =	vld [tilespmem:$0x1F040];
	_ =	sdelay $0x4  }
0x414: {  	v1 =	vmax.f32 v1, v2;
	v2 =	vld [tilespmem:$0x1F0C0];
	_ =	sdelay $0x3  }
0x415: {  	v7 =	vld [tilespmem:$0x1F0E0]  }
0x416: {  	v13 =	vperm.xlane v2, v0;
	v2 =	vld [tilespmem:$0x1F0D0];
	_ =	sdelay $0x4  }
0x417: {  	v2 =	vmax.f32 v2, v7  }
0x418: {  	[tilespmem:$0x1F0F0] =	vst v2;
	v2 =	vld [tilespmem:$0x1F100];
	_ =	sdelay $0x2  }
0x419: {  	[tilespmem:$0x1EBD0] =	vst v55;
	v55 =	vld [tilespmem:$0x1EEB0]  }
0x41a: {  	[tilespmem:$0x1F060] =	vst v1;
	v1 =	vld [tilespmem:$0x1F070]  }
0x41b: {  	v7 =	vperm.xlane v2, v0;
	v2 =	vld [tilespmem:$0x1F110];
	_ =	sdelay $0x3  }
0x41c: {  	v10 =	vperm.xlane v50, v0;
	v50 =	vperm.xlane v1, v0;
	v1 =	vld [tilespmem:$0x1F080]  }
0x41d: {  	v2 =	vmax.f32 v55, v2  }
0x41e: {  	[tilespmem:$0x1F120] =	vst v2;
	v2 =	vld [tilespmem:$0x1F130];
	_ =	sdelay $0x1  }
0x41f: {  	v59 =	vld [tilespmem:$0x1EE50]  }
0x420: {  	v21 =	vperm.xlane v1, v0;
	v1 =	vld [tilespmem:$0x1F090];
	_ =	sdelay $0x1  }
0x421: {  	v2 =	vperm.xlane v2, v0;
	_ =	sdelay $0x1  }
0x422: {  	[tilespmem:$0x1F140] =	vst v2;
	v2 =	vld [tilespmem:$0x1F150]  }
0x423: {  	v1 =	vmax.f32 v59, v1  }
0x424: {  	[tilespmem:$0x1F0A0] =	vst v1;
	v1 =	vld [tilespmem:$0x1F0B0];
	_ =	sdelay $0x2  }
0x425: {  	[tilespmem:$0x1F170] =	vst v12;
	v2 =	vperm.xlane v2, v0  }
0x426: {  	v44 =	vperm.xlane v44, v0;
	[tilespmem:$0x1F180] =	vst v12  }
0x427: {  	s22 =	simm.s32 $0x3C;
	s21 =	simm.s32 $0x0;
	v8 =	vperm.xlane v39, v0;
	v1 =	vperm.xlane v1, v0;
	[tilespmem:$0x1F160] =	vst v2  }
.LBB2_9:
0x428: {  	[tilespmem:$0x1EEB0] =	vst v55;
	v55 =	vld [tilespmem:$0x1F0F0];
	_ =	sdelay $0x4  }
0x429: {  	v12 =	vmov v55  }
0x42a: {  	[tilespmem:$0x1E4B0] =	vst v12;
	v12 =	vld [tilespmem:$0x1EA90];
	_ =	sdelay $0x1  }
0x42b: {  	v39 =	vld [tilespmem:$0x1F120]  }
0x42c: {  	v2 =	vmax.f32 v8, v57;
	v8 =	vld [tilespmem:$0x1F010]  }
0x42d: {  	v57 =	vld [tilespmem:$0x1F0A0]  }
0x42e: {  	[tilespmem:$0x1EE50] =	vst v59;
	v59 =	vmax.f32 v44, v12;
	v12 =	vld [tilespmem:$0x1EAD0];
	_ =	sdelay $0x2  }
0x42f: {  	[tilespmem:$0x1E400] =	vst v17;
	v9 =	vmax.f32 v3, v9;
	v3 =	vmax.f32 v7, v18  }
0x430: {  	[tilespmem:$0x1F010] =	vst v8;
	v7 =	vmovc v8;
	v8 =	vmax.f32 v1, v33;
	v1 =	vmax.f32 v13, v6;
	v6 =	vmov v57  }
0x431: {  	[tilespmem:$0x1E4D0] =	vst v6;
	v6 =	vld [tilespmem:$0x1EAB0];
	v17 =	vmax.f32 v5, v12;
	v12 =	vmov v39  }
0x432: {  	[tilespmem:$0x1E490] =	vst v12;
	v12 =	vld [tilespmem:$0x1EA50];
	_ =	sdelay $0x4  }
0x433: {  	v18 =	vmax.f32 v63, v6;
	v6 =	vmax.f32 v25, v62;
	v25 =	vmax.f32 v42, v12;
	v12 =	vld [tilespmem:$0x1EA70];
	_ =	sdelay $0x4  }
0x434: {  	v31 =	vmax.f32 v31, v12;
	v12 =	vld [tilespmem:$0x1EAC0];
	_ =	sdelay $0x4  }
0x435: {  	v22 =	vmax.f32 v53, v12;
	v12 =	vld [tilespmem:$0x1EA40];
	_ =	sdelay $0x4  }
0x436: {  	[tilespmem:$0x1E440] =	vst v7;
	v7 =	vmax.f32 v29, v11;
	v29 =	vmax.f32 v10, v12;
	v10 =	vld [tilespmem:$0x1EA80];
	_ =	sdelay $0x4  }
0x437: {  	v63 =	vmax.f32 v51, v10;
	v10 =	vld [tilespmem:$0x1EAA0];
	_ =	sdelay $0x3  }
0x438: {  	v12 =	vld [tilespmem:$0x1ED80]  }
0x439: {  	v24 =	vmax.f32 v47, v10;
	v10 =	vld [tilespmem:$0x1E9F0];
	_ =	sdelay $0x4  }
0x43a: {  	v10 =	vmax.f32 v12, v10;
	v12 =	vld [tilespmem:$0x1EDA0]  }
0x43b: {  	[tilespmem:$0x1E2B0] =	vst v10;
	v10 =	vld [tilespmem:$0x1EA10];
	_ =	sdelay $0x4  }
0x43c: {  	v10 =	vmax.f32 v12, v10  }
0x43d: {  	[tilespmem:$0x1E290] =	vst v10;
	v10 =	vld [tilespmem:$0x1EA60];
	_ =	sdelay $0x4  }
0x43e: {  	v12 =	vld [tilespmem:$0x1ED40];
	v10 =	vmax.f32 v26, v10  }
0x43f: {  	[tilespmem:$0x1E2A0] =	vst v10;
	v10 =	vld [tilespmem:$0x1E9E0];
	_ =	sdelay $0x4  }
0x440: {  	v10 =	vmax.f32 v12, v10  }
0x441: {  	[tilespmem:$0x1E410] =	vst v10;
	v10 =	vld [tilespmem:$0x1EA20];
	_ =	sdelay $0x4  }
0x442: {  	v10 =	vmax.f32 v41, v10  }
0x443: {  	[tilespmem:$0x1E450] =	vst v10;
	v10 =	vld [tilespmem:$0x1EA30];
	_ =	sdelay $0x3  }
0x444: {  	v12 =	vld [tilespmem:$0x1ECE0]  }
0x445: {  	v20 =	vmax.f32 v20, v10;
	v10 =	vld [tilespmem:$0x1E9A0];
	_ =	sdelay $0x4  }
0x446: {  	v10 =	vmax.f32 v12, v10;
	v12 =	vld [tilespmem:$0x1ED30]  }
0x447: {  	[tilespmem:$0x1E480] =	vst v10;
	v10 =	vld [tilespmem:$0x1E9B0];
	_ =	sdelay $0x4  }
0x448: {  	v10 =	vmax.f32 v12, v10  }
0x449: {  	[tilespmem:$0x1E460] =	vst v10;
	v10 =	vld [tilespmem:$0x1EA00];
	_ =	sdelay $0x4  }
0x44a: {  	v10 =	vmax.f32 v19, v10  }
0x44b: {  	[tilespmem:$0x1E470] =	vst v10;
	v10 =	vld [tilespmem:$0x1E9C0]  }
0x44c: {  	s23 =	sshrl.u32 s22, $0x3  }
0x44d: {  	s20 =	sadd.s32 $0xFFFFFF00, s20;
	s23 =	smul.u32 $0xC00, s23  }
0x44e: {  	s24 =	sand.u32 $0x300, s20  }
0x44f: {  	s23 =	sor.u32 s24, s23  }
0x450: {  	v36 =	vld [tilespmem:s23+$0x6040];
	v10 =	vmax.f32 v60, v10  }
0x451: {  	[tilespmem:$0x1E4C0] =	vst v10;
	v10 =	vld [tilespmem:$0x1E9D0]  }
0x452: {  	v13 =	vld [tilespmem:s23+$0x6000]  }
0x453: {  	v11 =	vmax.f32 v21, v58;
	v21 =	vld [tilespmem:s23+$0x6010]  }
0x454: {  	v5 =	vmax.f32 v50, v28;
	v28 =	vld [tilespmem:s23+$0x6030]  }
0x455: {  	v53 =	vld [tilespmem:s23+$0x6020]  }
0x456: {  	[tilespmem:$0x1E360] =	vst v36;
	v41 =	vld [tilespmem:s23+$0x6050];
	v10 =	vmax.f32 v38, v10  }
0x457: {  	[tilespmem:$0x1E4A0] =	vst v10;
	v10 =	vld [tilespmem:$0x1EB70]  }
0x458: {  	[tilespmem:$0x1E330] =	vst v13;
	v12 =	vld [tilespmem:s23+$0x6060]  }
0x459: {  	[tilespmem:$0x1E320] =	vst v21  }
0x45a: {  	[tilespmem:$0x1E370] =	vst v28  }
0x45b: {  	[tilespmem:$0x1E310] =	vst v53  }
0x45c: {  	[tilespmem:$0x1E350] =	vst v41;
	v10 =	vadd.f32 v52, v10  }
0x45d: {  	[tilespmem:$0x1E390] =	vst v12;
	v19 =	vperm.xlane v13, v0  }
0x45e: {  	[tilespmem:$0x1E2C0] =	vst v10;
	v10 =	vld [tilespmem:$0x1EBA0]  }
0x45f: {  	v62 =	vld [tilespmem:s23+$0x6070];
	(xrf0) =	vmax.scan.msk.f32 $0xffff, v19  }
0x460: {  	v50 =	vld [tilespmem:$0x1EBC0];
	_ =	sdelay $0x2  }
0x461: {  	v60 =	vadd.f32 v15, v10;
	v10 =	vadd.f32 v48, v23;
	_ =	sdelay $0x1  }
0x462: {  	[tilespmem:$0x1E2E0] =	vst v10;
	v10 =	vadd.f32 v43, v50;
	_ =	sdelay $0x1  }
0x463: {  	[tilespmem:$0x1E2D0] =	vst v10;
	v10 =	vld [tilespmem:$0x1EC20];
	_ =	sdelay $0x1  }
0x464: {  	v47 =	vld [tilespmem:$0x1EB90];
	_ =	sdelay $0x2  }
0x465: {  	v10 =	vadd.f32 v32, v10  }
0x466: {  	v42 =	vld [tilespmem:$0x1EB60]  }
0x467: {  	[tilespmem:$0x1E300] =	vst v10;
	v10 =	vadd.f32 v61, v47;
	_ =	sdelay $0x1  }
0x468: {  	[tilespmem:$0x1E2F0] =	vst v10;
	v10 =	vadd.f32 v46, v34;
	_ =	sdelay $0x1  }
0x469: {  	[tilespmem:$0x1E380] =	vst v10;
	v10 =	vadd.f32 v56, v42;
	_ =	sdelay $0x1  }
0x46a: {  	[tilespmem:$0x1E340] =	vst v10;
	v10 =	vld [tilespmem:$0x1EBD0];
	_ =	sdelay $0x1  }
0x46b: {  	v26 =	vperm.xlane v21, v0  }
0x46c: {  	v15 =	vperm.xlane v53, v0  }
0x46d: {  	(xrf0) =	vmax.scan.msk.f32 $0xffff, v26  }
0x46e: {  	(xrf0) =	vmax.scan.msk.f32 $0xffff, v15;
	v15 =	vadd.f32 v4, v10;
	v10 =	vld [tilespmem:$0x1ECB0];
	_ =	sdelay $0x4  }
0x46f: {  	v10 =	vadd.f32 v37, v10;
	v37 =	vld [tilespmem:$0x1EC10];
	_ =	sdelay $0x4  }
0x470: {  	[tilespmem:$0x1E3D0] =	vst v10;
	v10 =	vadd.f32 v14, v37;
	_ =	sdelay $0x1  }
0x471: {  	[tilespmem:$0x1E3C0] =	vst v10;
	v10 =	vld [tilespmem:$0x1EC80];
	_ =	sdelay $0x1  }
0x472: {  	v26 =	vperm.xlane v36, v0;
	v36 =	vld [tilespmem:$0x1EBF0];
	_ =	sdelay $0x2  }
0x473: {  	v10 =	vadd.f32 v40, v10;
	_ =	sdelay $0x1  }
0x474: {  	[tilespmem:$0x1E3F0] =	vst v10;
	v10 =	vadd.f32 v54, v36;
	_ =	sdelay $0x1  }
0x475: {  	[tilespmem:$0x1E3E0] =	vst v10;
	v10 =	vld [tilespmem:$0x1EC50];
	_ =	sdelay $0x2  }
0x476: {  	v56 =	vperm.xlane v41, v0;
	v41 =	vld [tilespmem:$0x1EC40]  }
0x477: {  	v4, _, _ =	vpop (xrf0)  }
0x478: {  	v14 =	vadd.f32 v45, v10;
	v10, _, _ =	vpop (xrf0)  }
0x479: {  	v23 =	vld [tilespmem:$0x1ECA0];
	[tilespmem:$0x1E940] =	vst v10;
	v10 =	vperm.xlane v10, v49  }
0x47a: {  	v19 =	vperm.xlane v28, v0  }
0x47b: {  	v13 =	vadd.f32 v35, v41;
	[tilespmem:$0x1E7A0] =	vst v10;
	v10 =	vld [tilespmem:$0x1EDB0]  }
0x47c: {  	v58 =	vld [tilespmem:s23+$0x6400];
	(xrf0) =	vmax.scan.msk.f32 $0xffff, v19;
	v4 =	vperm.xlane v4, v0  }
0x47d: {  	v12 =	vperm.xlane v12, v0;
	v28 =	vld [tilespmem:$0x1ECD0];
	[tilespmem:$0x1E3A0] =	vst v13  }
0x47e: {  	(xrf0) =	vmax.scan.msk.f32 $0xffff, v26;
	[tilespmem:$0x1E810] =	vst v4;
	v4 =	vadd.f32 v30, v23  }
0x47f: {  	[tilespmem:$0x1E3B0] =	vst v15  }
0x480: {  	v51 =	vld [tilespmem:s23+$0x6430];
	v19 =	vperm.xlane v62, v0;
	(xrf0) =	vmax.scan.msk.f32 $0xffff, v56;
	[tilespmem:$0x1E4E0] =	vst v4;
	v10 =	vadd.f32 v27, v10  }
0x481: {  	v26 =	vperm.xlane v58, v0;
	v61 =	vld [tilespmem:s23+$0x6410];
	(xrf0) =	vmax.scan.msk.f32 $0xffff, v12;
	v12, _, _ =	vpop (xrf0);
	[tilespmem:$0x1E430] =	vst v14  }
0x482: {  	v53 =	vld [tilespmem:s23+$0x6420];
	(xrf0) =	vmax.scan.msk.f32 $0xffff, v19;
	v14 =	vadd.f32 v2, v28;
	v2, _, _ =	vpop (xrf0);
	[tilespmem:$0x1E4F0] =	vst v10;
	v10 =	vperm.xlane v12, v49  }
0x483: {  	(xrf0) =	vmax.scan.msk.f32 $0xffff, v26;
	v26 =	vld [tilespmem:$0x1EC70];
	[tilespmem:$0x1E910] =	vst v2  }
0x484: {  	v52 =	vld [tilespmem:s23+$0x6440];
	[tilespmem:$0x1E740] =	vst v10;
	v10 =	vperm.xlane v2, v49;
	v2, _, _ =	vpop (xrf0)  }
0x485: {  	v15 =	vld [tilespmem:$0x1EDD0];
	[tilespmem:$0x1E900] =	vst v2  }
0x486: {  	v48 =	vld [tilespmem:s23+$0x6450];
	v13 =	vperm.xlane v61, v0;
	[tilespmem:$0x1E710] =	vst v10;
	v10 =	vperm.xlane v2, v49;
	v2, _, _ =	vpop (xrf0)  }
0x487: {  	v44 =	vld [tilespmem:s23+$0x6460];
	v4 =	vperm.xlane v53, v0;
	[tilespmem:$0x1E8E0] =	vst v2;
	v2 =	vperm.xlane v2, v49  }
0x488: {  	(xrf0) =	vmax.scan.msk.f32 $0xffff, v13;
	v3 =	vadd.f32 v3, v26  }
0x489: {  	v19 =	vperm.xlane v51, v0;
	(xrf0) =	vmax.scan.msk.f32 $0xffff, v4;
	v4 =	vadd.f32 v9, v16;
	[tilespmem:$0x1E6C0] =	vst v2;
	v2 =	vld [tilespmem:$0x1ECF0]  }
0x48a: {  	v1 =	vadd.f32 v1, v15;
	[tilespmem:$0x1E500] =	vst v3;
	v3 =	vperm.xlane v52, v0  }
0x48b: {  	[tilespmem:$0x1E510] =	vst v4;
	v4 =	vperm.xlane v48, v0;
	(xrf0) =	vmax.scan.msk.f32 $0xffff, v19  }
0x48c: {  	[tilespmem:$0x1E520] =	vst v1;
	v1 =	vperm.xlane v44, v0;
	(xrf0) =	vmax.scan.msk.f32 $0xffff, v3  }
0x48d: {  	v9, _, _ =	vpop (xrf0);
	(xrf0) =	vmax.scan.msk.f32 $0xffff, v4  }
0x48e: {  	[tilespmem:$0x1E6F0] =	vst v10;
	v10 =	vadd.f32 v7, v2;
	v2, _, _ =	vpop (xrf0);
	(xrf0) =	vmax.scan.msk.f32 $0xffff, v1;
	v1 =	vld [tilespmem:$0x1EE90]  }
0x48f: {  	v7 =	vperm.xlane v9, v49;
	_ =	sdelay $0x1  }
0x490: {  	[tilespmem:$0x1E690] =	vst v7;
	v7 =	vperm.xlane v2, v49  }
0x491: {  	[tilespmem:$0x1E8B0] =	vst v2;
	v2, _, _ =	vpop (xrf0)  }
0x492: {  	[tilespmem:$0x1E670] =	vst v7;
	v7 =	vadd.f32 v6, v1;
	v1, _, _ =	vpop (xrf0)  }
0x493: {  	v40 =	vld [tilespmem:$0x1ED10];
	[tilespmem:$0x1E880] =	vst v1;
	v1 =	vperm.xlane v1, v49  }
0x494: {  	[tilespmem:$0x1E420] =	vst v14;
	v14 =	vld [tilespmem:$0x1ED60]  }
0x495: {  	[tilespmem:$0x1E610] =	vst v1;
	v1 =	vld [tilespmem:$0x1EE30];
	_ =	sdelay $0x2  }
0x496: {  	[tilespmem:$0x1E570] =	vst v7;
	v7 =	vadd.f32 v11, v40  }
0x497: {  	v4 =	vadd.f32 v8, v14;
	[tilespmem:$0x1E8A0] =	vst v2;
	v8 =	vperm.xlane v2, v49;
	v2, _, _ =	vpop (xrf0)  }
0x498: {  	[tilespmem:$0x1E590] =	vst v7;
	v7 =	vadd.f32 v18, v1;
	v1, _, _ =	vpop (xrf0)  }
0x499: {  	[tilespmem:$0x1E860] =	vst v1;
	v1 =	vperm.xlane v1, v49;
	_ =	sdelay $0x1  }
0x49a: {  	[tilespmem:$0x1E5C0] =	vst v1;
	v1 =	vld [tilespmem:$0x1EDF0]  }
0x49b: {  	s31 =	sadd.s32 $0x1, s22  }
0x49c: {  	s24 =	sshrl.u32 s31, $0x3  }
0x49d: {  	s25 =	sadd.s32 $0x80, s20;
	s24 =	smul.u32 $0xC00, s24  }
0x49e: {  	s25 =	sand.u32 $0x380, s25  }
0x49f: {  	s24 =	sor.u32 s25, s24;
	[tilespmem:$0x1E640] =	vst v8;
	v1 =	vadd.f32 v59, v1  }
0x4a0: {  	v21 =	vld [tilespmem:s24+$0x6010];
	[tilespmem:$0x1E870] =	vst v2;
	v8 =	vperm.xlane v2, v49;
	v2, _, _ =	vpop (xrf0)  }
0x4a1: {  	v45 =	vld [tilespmem:s23+$0x6470];
	[tilespmem:$0x1E600] =	vst v1;
	v1 =	vperm.xlane v2, v49  }
0x4a2: {  	v30 =	vld [tilespmem:s24+$0x6000];
	[tilespmem:$0x1E850] =	vst v2  }
0x4a3: {  	v16 =	vld [tilespmem:s24+$0x6030];
	v2, _, _ =	vpop (xrf0);
	[tilespmem:$0x1E5A0] =	vst v1;
	v1 =	vimm.s32 $0xF  }
0x4a4: {  	[tilespmem:$0x1E840] =	vst v2;
	v2 =	vperm.xlane v2, v1  }
0x4a5: {  	v35 =	vld [tilespmem:s24+$0x6040]  }
0x4a6: {  	v3 =	vperm.xlane v45, v0;
	[tilespmem:$0x1E580] =	vst v2;
	v2 =	vld [tilespmem:$0x1EF80]  }
0x4a7: {  	[tilespmem:$0x1E550] =	vst v4;
	v4 =	vperm.xlane v30, v0  }
0x4a8: {  	(xrf0) =	vmax.scan.msk.f32 $0xffff, v3;
	v3 =	vperm.xlane v16, v0;
	v6 =	vperm.xlane v21, v0  }
0x4a9: {  	(xrf0) =	vmax.scan.msk.f32 $0xffff, v4  }
0x4aa: {  	(xrf0) =	vmax.scan.msk.f32 $0xffff, v6  }
0x4ab: {  	v4 =	vperm.xlane v35, v0;
	v11 =	vadd.f32 v31, v2;
	v31 =	vld [tilespmem:$0x1EE10]  }
0x4ac: {  	(xrf0) =	vmax.scan.msk.f32 $0xffff, v3;
	v3, _, _ =	vpop (xrf0)  }
0x4ad: {  	v38 =	vld [tilespmem:s24+$0x6060];
	[tilespmem:$0x1E830] =	vst v3;
	v3 =	vperm.xlane v3, v1  }
0x4ae: {  	[tilespmem:$0x1E530] =	vst v10;
	v49 =	vld [tilespmem:$0x1EE60];
	v2, _, _ =	vpop (xrf0)  }
0x4af: {  	v10 =	vld [tilespmem:$0x1EEC0];
	(xrf0) =	vmax.scan.msk.f32 $0xffff, v4;
	[tilespmem:$0x1E560] =	vst v3;
	v4, _, _ =	vpop (xrf0)  }
0x4b0: {  	v46 =	vld [tilespmem:s24+$0x6410];
	[tilespmem:$0x1E820] =	vst v2;
	v3 =	vadd.f32 v22, v31;
	v22 =	vperm.xlane v2, v1;
	v2, _, _ =	vpop (xrf0)  }
0x4b1: {  	v43 =	vld [tilespmem:s24+$0x6070];
	[tilespmem:$0x1E800] =	vst v2;
	v2 =	vperm.xlane v2, v1  }
0x4b2: {  	[tilespmem:$0x1E5F0] =	vst v8  }
0x4b3: {  	v8 =	vadd.f32 v17, v49;
	[tilespmem:$0x1E770] =	vst v2;
	v2 =	vld [tilespmem:$0x1EEE0]  }
0x4b4: {  	[tilespmem:$0x1E5B0] =	vst v7;
	v7 =	vadd.f32 v5, v10  }
0x4b5: {  	v6 =	vperm.xlane v38, v0;
	[tilespmem:$0x1E620] =	vst v8;
	v8 =	vperm.xlane v46, v0  }
0x4b6: {  	[tilespmem:$0x1E5D0] =	vst v7;
	v7 =	vperm.xlane v43, v0  }
0x4b7: {  	v13 =	vld [tilespmem:s24+$0x6420];
	[tilespmem:$0x1E930] =	vst v12;
	(xrf0) =	vmax.scan.msk.f32 $0xffff, v6  }
0x4b8: {  	v12 =	vld [tilespmem:s24+$0x6440];
	(xrf0) =	vmax.scan.msk.f32 $0xffff, v7;
	[tilespmem:$0x1E650] =	vst v11;
	v2 =	vadd.f32 v29, v2  }
0x4b9: {  	v5 =	vld [tilespmem:s24+$0x6450];
	(xrf0) =	vmax.scan.msk.f32 $0xffff, v8;
	v8, _, _ =	vpop (xrf0);
	[tilespmem:$0x1E680] =	vst v3;
	v3 =	vperm.xlane v4, v0  }
0x4ba: {  	v11 =	vld [tilespmem:$0x1EF30];
	[tilespmem:$0x1E700] =	vst v2;
	v2 =	vperm.xlane v8, v1  }
0x4bb: {  	[tilespmem:$0x1E7E0] =	vst v3;
	v3 =	vld [tilespmem:$0x1EFA0]  }
0x4bc: {  	[tilespmem:$0x1E6E0] =	vst v2;
	v2 =	vld [tilespmem:$0x1EF50]  }
0x4bd: {  	v19 =	vld [tilespmem:s24+$0x6470];
	v6 =	vperm.xlane v13, v0  }
0x4be: {  	[tilespmem:$0x1E8D0] =	vst v9;
	v9 =	vperm.xlane v12, v0  }
0x4bf: {  	(xrf0) =	vmax.scan.msk.f32 $0xffff, v6  }
0x4c0: {  	(xrf0) =	vmax.scan.msk.f32 $0xffff, v9;
	[tilespmem:$0x1E540] =	vst v22;
	v4 =	vadd.f32 v24, v3  }
0x4c1: {  	v22 =	vadd.f32 v25, v11;
	v11 =	vperm.xlane v5, v0;
	[tilespmem:$0x1E7D0] =	vst v8;
	v9 =	vadd.f32 v63, v2  }
0x4c2: {  	v8, _, _ =	vpop (xrf0);
	[tilespmem:$0x1E6D0] =	vst v4;
	v4 =	vperm.xlane v19, v0  }
0x4c3: {  	(xrf0) =	vmax.scan.msk.f32 $0xffff, v11;
	[tilespmem:$0x1E720] =	vst v9;
	v9 =	vperm.xlane v8, v1  }
0x4c4: {  	(xrf0) =	vmax.scan.msk.f32 $0xffff, v4;
	v4 =	vld [tilespmem:$0x1F040]  }
0x4c5: {  	[tilespmem:$0x1E6B0] =	vst v9;
	v9 =	vld [tilespmem:$0x1E290];
	_ =	sdelay $0x4  }
0x4c6: {  	v4 =	vadd.f32 v9, v4  }
0x4c7: {  	[tilespmem:$0x1E7C0] =	vst v8;
	v8, _, _ =	vpop (xrf0)  }
0x4c8: {  	[tilespmem:$0x1E750] =	vst v4;
	v4 =	vperm.xlane v8, v1  }
0x4c9: {  	v63 =	vld [tilespmem:$0x1EF00]  }
0x4ca: {  	[tilespmem:$0x1E660] =	vst v4;
	v4 =	vld [tilespmem:$0x1E2A0];
	_ =	sdelay $0x4  }
0x4cb: {  	v4 =	vadd.f32 v4, v63  }
0x4cc: {  	[tilespmem:$0x1E790] =	vst v8;
	v6, _, _ =	vpop (xrf0)  }
0x4cd: {  	[tilespmem:$0x1E780] =	vst v4;
	v4 =	vperm.xlane v6, v1  }
0x4ce: {  	[tilespmem:$0x1E760] =	vst v6;
	v8, _, _ =	vpop (xrf0);
	v6 =	vld [tilespmem:$0x1EFF0]  }
0x4cf: {  	v1 =	vperm.xlane v8, v1;
	[tilespmem:$0x1E630] =	vst v4;
	v4 =	vld [tilespmem:$0x1E2B0];
	_ =	sdelay $0x1  }
0x4d0: {  	[tilespmem:$0x1E5E0] =	vst v1;
	v1 =	vld [tilespmem:$0x1F060]  }
0x4d1: {  	v33 =	vld [tilespmem:s24+$0x6840]  }
0x4d2: {  	v34 =	vld [tilespmem:s24+$0x6810]  }
0x4d3: {  	v27 =	vld [tilespmem:s24+$0x6800];
	v4 =	vadd.f32 v4, v6  }
0x4d4: {  	v18 =	vld [tilespmem:s24+$0x6820]  }
0x4d5: {  	[tilespmem:$0x1E7B0] =	vst v4;
	v4 =	vadd.f32 v20, v1;
	v20 =	vld [tilespmem:$0x1F170]  }
0x4d6: {  	v59 =	vld [tilespmem:s24+$0x6870]  }
0x4d7: {  	[tilespmem:$0x1E6A0] =	vst v22;
	v22 =	vld [tilespmem:s24+$0x6860]  }
0x4d8: {  	v7 =	vld [tilespmem:s24+$0x6830]  }
0x4d9: {  	v17 =	vld [tilespmem:s24+$0x6850];
	v25 =	vperm.xlane v27, v0  }
0x4da: {  	[tilespmem:$0x1E7F0] =	vst v4;
	v4 =	vmax.f32 v20, v33;
	v20 =	vld [tilespmem:$0x1F010]  }
0x4db: {  	v32 =	vld [tilespmem:s24+$0x6460];
	v11 =	vperm.xlane v18, v0;
	(xrf0) =	vmax.scan.msk.f32 $0xffff, v25  }
0x4dc: {  	[tilespmem:$0x1E730] =	vst v8;
	v8 =	vmax.f32 v55, v22;
	v55 =	vmax.f32 v63, v34;
	v63 =	vmax.f32 v2, v27;
	v2 =	vld [tilespmem:$0x1E2C0]  }
0x4dd: {  	(xrf0) =	vmax.scan.msk.f32 $0xffff, v11;
	v11 =	vld [tilespmem:s24+$0x6430]  }
0x4de: {  	v29 =	vperm.xlane v59, v0;
	v25 =	vperm.xlane v17, v0;
	v6 =	vmax.f32 v39, v17;
	v17 =	vld [tilespmem:s24+$0x6400]  }
0x4df: {  	v9 =	vmax.f32 v57, v59;
	v59 =	vmax.f32 v20, v7;
	v20 =	vmax.f32 v1, v18;
	v18 =	vld [tilespmem:s24+$0x6050]  }
0x4e0: {  	v1 =	vmax.f32 v3, v19;
	v19 =	vld [tilespmem:s24+$0x6020]  }
0x4e1: {  	[tilespmem:s19+$0x12010] =	vst v2;
	v2 =	vld [tilespmem:$0x1E2D0];
	_ =	sdelay $0x2  }
0x4e2: {  	v24 =	vperm.xlane v7, v0;
	v7 =	vld [tilespmem:s23+$0x6800]  }
0x4e3: {  	[tilespmem:s19+$0x12000] =	vst v60;
	v60 =	vld [tilespmem:s23+$0x6810]  }
0x4e4: {  	[tilespmem:s18+$0x12000] =	vst v2;
	v2 =	vld [tilespmem:$0x1E2E0];
	_ =	sdelay $0x4  }
0x4e5: {  	v39 =	vmax.f32 v10, v12;
	v12 =	vmax.f32 v15, v46;
	[tilespmem:s19+$0x12020] =	vst v2;
	v2 =	vld [tilespmem:$0x1E2F0]  }
0x4e6: {  	v15 =	vmax.f32 v23, v43;
	v23 =	vmax.f32 v28, v38;
	v28 =	vmax.f32 v50, v30;
	v50 =	vld [tilespmem:$0x1E310];
	_ =	sdelay $0x2  }
0x4e7: {  	(xrf0) =	vmax.scan.msk.f32 $0xffff, v24;
	v24 =	vld [tilespmem:s23+$0x6820]  }
0x4e8: {  	v27 =	vld [tilespmem:s23+$0x6830];
	[tilespmem:s18+$0x12010] =	vst v2;
	v2 =	vmax.f32 v42, v19  }
0x4e9: {  	[tilespmem:$0x1E990] =	vst v2;
	v2 =	vmax.f32 v2, v50  }
0x4ea: {  	[tilespmem:$0x1EB60] =	vst v2;
	v2 =	vld [tilespmem:$0x1E320];
	_ =	sdelay $0x3  }
0x4eb: {  	v21 =	vmax.f32 v47, v21  }
0x4ec: {  	[tilespmem:$0x1EB70] =	vst v21;
	v2 =	vmax.f32 v21, v2;
	v21 =	vld [tilespmem:$0x1E350];
	_ =	sdelay $0x2  }
0x4ed: {  	v13 =	vmax.f32 v14, v13;
	[tilespmem:$0x1EF80] =	vst v1;
	v14 =	vmax.f32 v36, v18  }
0x4ee: {  	v30 =	vld [tilespmem:$0x1E300];
	[tilespmem:$0x1EBD0] =	vst v14  }
0x4ef: {  	[tilespmem:$0x1EB90] =	vst v2;
	v2 =	vld [tilespmem:$0x1E330];
	v14 =	vmax.f32 v14, v21  }
0x4f0: {  	v1 =	vmax.f32 v1, v45;
	[tilespmem:$0x1EBF0] =	vst v14;
	v14 =	vld [tilespmem:$0x1E360]  }
0x4f1: {  	[tilespmem:$0x1EFA0] =	vst v1;
	v1 =	vld [tilespmem:$0x1E3D0]  }
0x4f2: {  	v10 =	vld [tilespmem:s23+$0x6840];
	_ =	sdelay $0x1  }
0x4f3: {  	v35 =	vmax.f32 v37, v35;
	[tilespmem:s19+$0x12030] =	vst v30;
	v2 =	vmax.f32 v28, v2  }
0x4f4: {  	[tilespmem:$0x1EBC0] =	vst v2;
	v2 =	vld [tilespmem:$0x1E340];
	v14 =	vmax.f32 v35, v14  }
0x4f5: {  	[tilespmem:$0x1EC10] =	vst v14;
	v14 =	vld [tilespmem:$0x1E370]  }
0x4f6: {  	[tilespmem:s19+$0x12060] =	vst v1;
	v1 =	vmax.f32 v4, v10  }
0x4f7: {  	[tilespmem:$0x1F170] =	vst v1;
	v1 =	vmax.f32 v59, v27  }
0x4f8: {  	[tilespmem:$0x1F010] =	vst v1;
	v1 =	vmax.f32 v20, v24  }
0x4f9: {  	v16 =	vmax.f32 v41, v16;
	v30 =	vld [tilespmem:s23+$0x6850];
	[tilespmem:$0x1F060] =	vst v1  }
0x4fa: {  	v1 =	vld [tilespmem:$0x1E3E0];
	[tilespmem:s18+$0x12020] =	vst v2;
	v14 =	vmax.f32 v16, v14  }
0x4fb: {  	[tilespmem:$0x1EC40] =	vst v14;
	v14 =	vld [tilespmem:$0x1E380]  }
0x4fc: {  	v2 =	vld [tilespmem:s23+$0x6870]  }
0x4fd: {  	[tilespmem:$0x1EC20] =	vst v16;
	v16 =	vld [tilespmem:s23+$0x6860];
	_ =	sdelay $0x1  }
0x4fe: {  	[tilespmem:s18+$0x12050] =	vst v1  }
0x4ff: {  	[tilespmem:s19+$0x12040] =	vst v14;
	v14 =	vmax.f32 v15, v62  }
0x500: {  	v1 =	vmax.f32 v9, v2;
	[tilespmem:$0x1ECA0] =	vst v14;
	v14 =	vld [tilespmem:$0x1E390]  }
0x501: {  	[tilespmem:$0x1F0A0] =	vst v1;
	v1 =	vmax.f32 v8, v16  }
0x502: {  	[tilespmem:$0x1F0F0] =	vst v1;
	v1 =	vmax.f32 v6, v30  }
0x503: {  	v3 =	vmax.f32 v49, v5;
	v5 =	vmax.f32 v40, v11;
	[tilespmem:$0x1F120] =	vst v1;
	v1 =	vld [tilespmem:$0x1E3F0]  }
0x504: {  	[tilespmem:$0x1EC80] =	vst v15;
	v15 =	vmax.f32 v5, v51  }
0x505: {  	v57 =	vmax.f32 v31, v32;
	[tilespmem:$0x1ED10] =	vst v15;
	v14 =	vmax.f32 v23, v14  }
0x506: {  	v15 =	vmax.f32 v57, v44;
	[tilespmem:$0x1ECD0] =	vst v14;
	v14 =	vld [tilespmem:$0x1E3A0]  }
0x507: {  	[tilespmem:$0x1EE10] =	vst v15;
	v15 =	vperm.xlane v2, v0;
	v2 =	vld [tilespmem:$0x1E410]  }
0x508: {  	[tilespmem:s19+$0x12070] =	vst v1;
	v1 =	vld [tilespmem:$0x1E400];
	_ =	sdelay $0x2  }
0x509: {  	[tilespmem:s18+$0x12030] =	vst v14;
	v14 =	vmax.f32 v13, v53  }
0x50a: {  	[tilespmem:$0x1ED60] =	vst v14;
	v14 =	vmax.f32 v12, v61  }
0x50b: {  	[tilespmem:$0x1EDD0] =	vst v14;
	v14 =	vmax.f32 v3, v48;
	v48 =	vadd.f32 v2, v1;
	v1 =	vld [tilespmem:$0x1E420];
	_ =	sdelay $0x4  }
0x50c: {  	[tilespmem:s18+$0x12060] =	vst v1;
	v1 =	vld [tilespmem:$0x1E430];
	_ =	sdelay $0x3  }
0x50d: {  	v2 =	vld [tilespmem:$0x1E450]  }
0x50e: {  	[tilespmem:s19+$0x12400] =	vst v1;
	v1 =	vld [tilespmem:$0x1E440];
	_ =	sdelay $0x4  }
0x50f: {  	[tilespmem:$0x1EE60] =	vst v14;
	v14 =	vmax.f32 v39, v52;
	v52 =	vadd.f32 v2, v1;
	v1 =	vld [tilespmem:$0x1EEB0]  }
0x510: {  	v2 =	vld [tilespmem:$0x1E460];
	_ =	sdelay $0x3  }
0x511: {  	v26 =	vmax.f32 v26, v17;
	[tilespmem:$0x1EE30] =	vst v3;
	v3 =	vld [tilespmem:$0x1E3C0]  }
0x512: {  	[tilespmem:$0x1EC50] =	vst v26;
	v21 =	vmax.f32 v26, v58;
	v26 =	vadd.f32 v2, v1;
	v1 =	vld [tilespmem:$0x1F180]  }
0x513: {  	v2 =	vld [tilespmem:$0x1E470];
	_ =	sdelay $0x3  }
0x514: {  	[tilespmem:s18+$0x12040] =	vst v3;
	v3 =	vld [tilespmem:$0x1E480]  }
0x515: {  	v51 =	vadd.f32 v2, v1;
	v2 =	vld [tilespmem:$0x1F0D0];
	_ =	sdelay $0x4  }
0x516: {  	[tilespmem:$0x1EC70] =	vst v21;
	v21 =	vperm.xlane v30, v0;
	v30 =	vadd.f32 v3, v2;
	v2 =	vld [tilespmem:$0x1E490]  }
0x517: {  	v3 =	vld [tilespmem:$0x1E4A0];
	_ =	sdelay $0x1  }
0x518: {  	v56, _, _ =	vpop (xrf0)  }
0x519: {  	(xrf0) =	vmax.scan.msk.f32 $0xffff, v25;
	v54, _, _ =	vpop (xrf0)  }
0x51a: {  	(xrf0) =	vmax.scan.msk.f32 $0xffff, v29;
	v29, _, _ =	vpop (xrf0);
	[tilespmem:$0x1E970] =	vst v4;
	v4 =	vld [tilespmem:$0x1EE50]  }
0x51b: {  	v25, _, _ =	vpop (xrf0);
	v45 =	vadd.f32 v3, v2;
	v3 =	vld [tilespmem:$0x1F140]  }
0x51c: {  	v31, _, _ =	vpop (xrf0);
	[tilespmem:$0x1EEC0] =	vst v14;
	v14 =	vmax.f32 v55, v60  }
0x51d: {  	v46, _, _ =	vpop (xrf0);
	[tilespmem:$0x1EF00] =	vst v14;
	v14 =	vmax.f32 v63, v7  }
0x51e: {  	v40, _, _ =	vpop (xrf0);
	[tilespmem:$0x1EF50] =	vst v14;
	v14 =	vperm.xlane v22, v0  }
0x51f: {  	v36, _, _ =	vpop (xrf0)  }
0x520: {  	v43, _, _ =	vpop (xrf0);
	(xrf0) =	vmax.scan.msk.f32 $0xffff, v14;
	v14 =	vperm.xlane v27, v0;
	v27 =	vadd.f32 v3, v4;
	v3 =	vld [tilespmem:$0x1E4B0]  }
0x521: {  	v4 =	vld [tilespmem:$0x1E4C0];
	_ =	sdelay $0x4  }
0x522: {  	v3 =	vadd.f32 v4, v3  }
0x523: {  	v4 =	vld [tilespmem:$0x1E4D0]  }
0x524: {  	v16 =	vperm.xlane v16, v0;
	[tilespmem:$0x1E890] =	vst v3;
	v3 =	vld [tilespmem:$0x1F160]  }
0x525: {  	[tilespmem:$0x1ECF0] =	vst v5;
	v5 =	vld [tilespmem:$0x1E3B0];
	(xrf0) =	vmax.scan.msk.f32 $0xffff, v15  }
0x526: {  	[tilespmem:$0x1EDB0] =	vst v12;
	v12 =	vperm.xlane v33, v0;
	(xrf0) =	vmax.scan.msk.f32 $0xffff, v16  }
0x527: {  	(xrf0) =	vmax.scan.msk.f32 $0xffff, v21  }
0x528: {  	v10 =	vperm.xlane v10, v0;
	(xrf0) =	vmax.scan.msk.f32 $0xffff, v12  }
0x529: {  	v3 =	vadd.f32 v3, v4  }
0x52a: {  	v49 =	vimm.s32 $0xF;
	[tilespmem:s19+$0x12050] =	vst v5;
	v16 =	vperm.xlane v17, v0;
	(xrf0) =	vmax.scan.msk.f32 $0xffff, v10;
	v17, _, _ =	vpop (xrf0);
	v4 =	vld [tilespmem:$0x1E4F0]  }
0x52b: {  	(xrf0) =	vmax.scan.msk.f32 $0xffff, v14;
	v5 =	vperm.xlane v17, v49;
	v14, _, _ =	vpop (xrf0);
	v2 =	vperm.xlane v43, v49;
	[tilespmem:$0x1E8C0] =	vst v3;
	v3 =	vld [tilespmem:$0x1E4E0]  }
0x52c: {  	[tilespmem:$0x1E950] =	vst v6;
	v47, _, _ =	vpop (xrf0)  }
0x52d: {  	v38, _, _ =	vpop (xrf0);
	[tilespmem:$0x1E9A0] =	vst v2;
	v2 =	vmax.f32 v2, v5  }
0x52e: {  	v15 =	vperm.xlane v36, v49;
	v21, _, _ =	vpop (xrf0);
	[tilespmem:$0x1E9B0] =	vst v2  }
0x52f: {  	v6 =	vperm.xlane v21, v49;
	[tilespmem:s19+$0x12410] =	vst v4  }
0x530: {  	v5 =	vperm.xlane v47, v49;
	v4 =	vmax.f32 v2, v15;
	[tilespmem:s18+$0x12070] =	vst v3;
	v3 =	vperm.xlane v14, v49  }
0x531: {  	[tilespmem:$0x1E9E0] =	vst v4  }
0x532: {  	[tilespmem:$0x1E9C0] =	vst v3;
	v2 =	vmax.f32 v3, v5;
	v3 =	vmax.f32 v4, v6;
	v4 =	vperm.xlane v17, v0;
	_ =	sdelay $0x1  }
0x533: {  	[tilespmem:$0x1ECE0] =	vst v4;
	v4 =	vld [tilespmem:$0x1E500];
	_ =	sdelay $0x4  }
0x534: {  	[tilespmem:s18+$0x12400] =	vst v4;
	v4 =	vperm.xlane v36, v0;
	_ =	sdelay $0x1  }
0x535: {  	[tilespmem:$0x1ED30] =	vst v4;
	v4 =	vld [tilespmem:$0x1E510];
	_ =	sdelay $0x3  }
0x536: {  	[tilespmem:$0x1E980] =	vst v13  }
0x537: {  	v22 =	vperm.xlane v24, v0;
	[tilespmem:s19+$0x12420] =	vst v4;
	v4 =	vld [tilespmem:$0x1E520]  }
0x538: {  	[tilespmem:$0x1E8F0] =	vst v9;
	v9 =	vperm.xlane v34, v0  }
0x539: {  	[tilespmem:$0x1E920] =	vst v8;
	(xrf0) =	vmax.scan.msk.f32 $0xffff, v22;
	v1 =	vperm.xlane v60, v0  }
0x53a: {  	[tilespmem:$0x1ECB0] =	vst v23;
	v8 =	vperm.xlane v7, v0;
	(xrf0) =	vmax.scan.msk.f32 $0xffff, v9  }
0x53b: {  	(xrf0) =	vmax.scan.msk.f32 $0xffff, v1;
	v1 =	vperm.xlane v38, v49;
	[tilespmem:$0x1E9D0] =	vst v2  }
0x53c: {  	v12 =	vperm.xlane v40, v49;
	(xrf0) =	vmax.scan.msk.f32 $0xffff, v8;
	[tilespmem:s18+$0x12410] =	vst v4;
	v4 =	vld [tilespmem:$0x1E530]  }
0x53d: {  	v13 =	vperm.xlane v32, v0;
	v10 =	vperm.xlane v46, v49;
	v7, _, _ =	vpop (xrf0);
	v2 =	vmax.f32 v2, v1;
	[tilespmem:$0x1E9F0] =	vst v3  }
0x53e: {  	v11 =	vperm.xlane v11, v0;
	v53, _, _ =	vpop (xrf0);
	v1 =	vperm.xlane v7, v49;
	v3 =	vmax.f32 v3, v12;
	[tilespmem:$0x1EA00] =	vst v2  }
0x53f: {  	v8, _, _ =	vpop (xrf0);
	(xrf0) =	vmax.scan.msk.f32 $0xffff, v13;
	[tilespmem:$0x1EA10] =	vst v3;
	v3 =	vmax.f32 v3, v10  }
0x540: {  	v41, _, _ =	vpop (xrf0);
	(xrf0) =	vmax.scan.msk.f32 $0xffff, v11;
	v11 =	vperm.xlane v53, v49;
	[tilespmem:$0x1EA40] =	vst v3  }
0x541: {  	v13, _, _ =	vpop (xrf0);
	v6 =	vperm.xlane v8, v49;
	v2 =	vmax.f32 v2, v1;
	[tilespmem:s19+$0x12430] =	vst v4;
	v4 =	vld [tilespmem:$0x1E540]  }
0x542: {  	v9 =	vperm.xlane v18, v0;
	v10 =	vperm.xlane v13, v49;
	[tilespmem:$0x1EA20] =	vst v2;
	v2 =	vmax.f32 v2, v11;
	v1, _, _ =	vpop (xrf0)  }
0x543: {  	(xrf0) =	vmax.scan.msk.f32 $0xffff, v16;
	[tilespmem:$0x1EA30] =	vst v2;
	v2 =	vmax.f32 v2, v6;
	v6 =	vperm.xlane v1, v49  }
0x544: {  	(xrf0) =	vmax.scan.msk.f32 $0xffff, v9;
	v9 =	vperm.xlane v41, v49;
	[tilespmem:$0x1EA60] =	vst v2;
	v2 =	vmax.f32 v2, v10  }
0x545: {  	v23 =	vperm.xlane v31, v49;
	[tilespmem:$0x1EA80] =	vst v2;
	v2 =	vmax.f32 v2, v6  }
0x546: {  	v22 =	vperm.xlane v25, v49;
	v3 =	vmax.f32 v3, v9;
	v37, _, _ =	vpop (xrf0);
	[tilespmem:$0x1EAA0] =	vst v2;
	v2 =	vmax.f32 v2, v4;
	v4 =	vld [tilespmem:$0x1E550]  }
0x547: {  	[tilespmem:$0x1EA50] =	vst v3;
	v3 =	vmax.f32 v3, v23;
	v9 =	vperm.xlane v37, v49  }
0x548: {  	v15 =	vperm.xlane v29, v49;
	[tilespmem:$0x1EA70] =	vst v3;
	v3 =	vmax.f32 v3, v22  }
0x549: {  	[tilespmem:$0x1EA90] =	vst v3;
	v3 =	vmax.f32 v3, v9  }
0x54a: {  	[tilespmem:$0x1EAB0] =	vst v3;
	v62 =	vmax.f32 v3, v15;
	v3 =	vld [tilespmem:$0x1E560]  }
0x54b: {  	[tilespmem:s18+$0x12420] =	vst v4;
	v4 =	vld [tilespmem:$0x1E580];
	_ =	sdelay $0x2  }
0x54c: {  	[tilespmem:$0x1EBA0] =	vst v28;
	v28 =	vperm.xlane v54, v49  }
0x54d: {  	[tilespmem:$0x1EAC0] =	vst v2;
	v2 =	vmax.f32 v2, v3  }
0x54e: {  	v11 =	vmax.f32 v62, v28;
	[tilespmem:$0x1EAD0] =	vst v2;
	v28 =	vmax.f32 v2, v4;
	v2 =	vld [tilespmem:$0x1E590];
	_ =	sdelay $0x4  }
0x54f: {  	[tilespmem:s18+$0x12430] =	vst v2;
	v2 =	vperm.xlane v21, v0;
	_ =	sdelay $0x1  }
0x550: {  	[tilespmem:$0x1ED40] =	vst v2;
	v2 =	vld [tilespmem:$0x1E5A0];
	_ =	sdelay $0x4  }
0x551: {  	v58 =	vmax.f32 v28, v2;
	v2 =	vld [tilespmem:$0x1E5B0];
	_ =	sdelay $0x4  }
0x552: {  	[tilespmem:s19+$0x12450] =	vst v2;
	v2 =	vperm.xlane v40, v0;
	_ =	sdelay $0x1  }
0x553: {  	[tilespmem:$0x1ED80] =	vst v2;
	v2 =	vld [tilespmem:$0x1E5C0]  }
0x554: {  	v4 =	vld [tilespmem:$0x1E5F0];
	_ =	sdelay $0x3  }
0x555: {  	v33 =	vmax.f32 v58, v2  }
0x556: {  	v6 =	vmax.f32 v33, v4;
	v4 =	vld [tilespmem:$0x1E600];
	_ =	sdelay $0x4  }
0x557: {  	[tilespmem:s19+$0x12460] =	vst v4;
	v4 =	vld [tilespmem:$0x1E610]  }
0x558: {  	[tilespmem:$0x1EE90] =	vst v39;
	v39, _, _ =	vpop (xrf0);
	v2 =	vld [tilespmem:$0x1E5D0]  }
0x559: {  	v10 =	vperm.xlane v39, v49  }
0x55a: {  	v18 =	vperm.xlane v56, v49  }
0x55b: {  	v9 =	vmax.f32 v11, v10  }
0x55c: {  	v61 =	vmax.f32 v9, v18;
	v18 =	vmax.f32 v6, v4;
	v4 =	vld [tilespmem:$0x1E620]  }
0x55d: {  	[tilespmem:s18+$0x12440] =	vst v2;
	v2 =	vperm.xlane v46, v0  }
0x55e: {  	v5 =	vperm.xlane v19, v0  }
0x55f: {  	[tilespmem:$0x1EDA0] =	vst v2;
	v2 =	vld [tilespmem:$0x1E5E0];
	_ =	sdelay $0x1  }
0x560: {  	[tilespmem:s18+$0x12450] =	vst v4;
	v4 =	vld [tilespmem:$0x1E630]  }
0x561: {  	(xrf0) =	vmax.scan.msk.f32 $0xffff, v5;
	v5, _, _ =	vpop (xrf0)  }
0x562: {  	[tilespmem:$0x1EEE0] =	vst v55;
	v55 =	vperm.xlane v5, v49  }
0x563: {  	v2 =	vmax.f32 v61, v2  }
0x564: {  	v34 =	vmax.f32 v2, v55  }
0x565: {  	v21 =	vmax.f32 v34, v4;
	v4 =	vld [tilespmem:$0x1E640];
	_ =	sdelay $0x4  }
0x566: {  	v24 =	vmax.f32 v18, v4;
	v4 =	vld [tilespmem:$0x1E650];
	_ =	sdelay $0x4  }
0x567: {  	[tilespmem:s19+$0x12470] =	vst v4;
	v4 =	vld [tilespmem:$0x1E660];
	_ =	sdelay $0x4  }
0x568: {  	v12 =	vmax.f32 v21, v4;
	v4 =	vld [tilespmem:$0x1E670];
	_ =	sdelay $0x4  }
0x569: {  	[tilespmem:$0x1EDF0] =	vst v57;
	v57 =	vmax.f32 v24, v4;
	v4 =	vld [tilespmem:$0x1E680];
	_ =	sdelay $0x4  }
0x56a: {  	[tilespmem:s18+$0x12460] =	vst v4;
	v4 =	vld [tilespmem:$0x1E690];
	_ =	sdelay $0x4  }
0x56b: {  	v55 =	vmax.f32 v57, v4;
	v4 =	vld [tilespmem:$0x1E6A0];
	_ =	sdelay $0x4  }
0x56c: {  	[tilespmem:s19+$0x12800] =	vst v4;
	v4 =	vld [tilespmem:$0x1E6B0]  }
0x56d: {  	[tilespmem:$0x1EFF0] =	vst v59;
	v59, _, _ =	vpop (xrf0)  }
0x56e: {  	v15 =	vperm.xlane v59, v49;
	_ =	sdelay $0x1  }
0x56f: {  	v46 =	vmax.f32 v12, v15  }
0x570: {  	v19 =	vmax.f32 v46, v4;
	v4 =	vld [tilespmem:$0x1E6C0];
	_ =	sdelay $0x4  }
0x571: {  	v16 =	vmax.f32 v55, v4;
	v4 =	vld [tilespmem:$0x1E6D0];
	_ =	sdelay $0x4  }
0x572: {  	[tilespmem:s18+$0x12470] =	vst v4;
	v4 =	vld [tilespmem:$0x1E6E0];
	_ =	sdelay $0x4  }
0x573: {  	[tilespmem:$0x1F040] =	vst v20;
	v20 =	vmax.f32 v19, v4;
	v4 =	vld [tilespmem:$0x1E6F0];
	_ =	sdelay $0x4  }
0x574: {  	v17 =	vmax.f32 v16, v4;
	v4 =	vld [tilespmem:$0x1E700];
	_ =	sdelay $0x1  }
0x575: {  	v3 =	vld [tilespmem:$0x1E570];
	_ =	sdelay $0x2  }
0x576: {  	[tilespmem:s19+$0x12810] =	vst v4;
	v4 =	vld [tilespmem:$0x1E730]  }
0x577: {  	v60, _, _ =	vpop (xrf0)  }
0x578: {  	[tilespmem:s19+$0x12440] =	vst v3;
	v3 =	vperm.xlane v60, v49;
	_ =	sdelay $0x1  }
0x579: {  	v10 =	vperm.xlane v41, v0;
	v41 =	vmax.f32 v20, v3;
	v3 =	vld [tilespmem:$0x1E710]  }
0x57a: {  	v23 =	vperm.xlane v4, v0;
	v4 =	vld [tilespmem:$0x1E740]  }
0x57b: {  	v15 =	vld [tilespmem:$0x1E7A0];
	_ =	sdelay $0x2  }
0x57c: {  	v36 =	vmax.f32 v17, v3  }
0x57d: {  	[tilespmem:$0x1EF30] =	vst v63;
	v63 =	vperm.xlane v29, v0;
	v29 =	vperm.xlane v39, v0;
	v39 =	vmax.f32 v36, v4  }
0x57e: {  	v32 =	vmax.f32 v39, v15;
	v15 =	vld [tilespmem:$0x1E7B0];
	_ =	sdelay $0x3  }
0x57f: {  	v4 =	vld [tilespmem:$0x1E750]  }
0x580: {  	[tilespmem:s19+$0x12830] =	vst v15;
	v15 =	vld [tilespmem:$0x1E7C0];
	_ =	sdelay $0x2  }
0x581: {  	v3 =	vld [tilespmem:$0x1E720]  }
0x582: {  	[tilespmem:s19+$0x12820] =	vst v4;
	v4 =	vld [tilespmem:$0x1E760]  }
0x583: {  	v50 =	vperm.xlane v15, v0;
	v15 =	vld [tilespmem:$0x1E7D0];
	_ =	sdelay $0x3  }
0x584: {  	v40 =	vperm.xlane v4, v0;
	v4 =	vld [tilespmem:$0x1E770]  }
0x585: {  	[tilespmem:s18+$0x12800] =	vst v3;
	v3 =	vperm.xlane v56, v0;
	v56 =	vperm.xlane v15, v0;
	v15 =	vld [tilespmem:$0x1E7E0];
	_ =	sdelay $0x3  }
0x586: {  	v4 =	vmax.f32 v41, v4  }
0x587: {  	v15 =	vmax.f32 v15, v4;
	v4 =	vld [tilespmem:$0x1E7F0];
	_ =	sdelay $0x4  }
0x588: {  	[tilespmem:s18+$0x12820] =	vst v4;
	v4 =	vperm.xlane v60, v0;
	v60 =	vld [tilespmem:$0x1E800];
	_ =	sdelay $0x3  }
0x589: {  	v42 =	vperm.xlane v31, v0;
	v31 =	vperm.xlane v25, v0  }
0x58a: {  	v25 =	vperm.xlane v54, v0;
	v54 =	vperm.xlane v60, v0;
	v60 =	vld [tilespmem:$0x1E810];
	_ =	sdelay $0x2  }
0x58b: {  	v22 =	vperm.xlane v5, v0;
	v5 =	vld [tilespmem:$0x1E780];
	_ =	sdelay $0x1  }
0x58c: {  	[tilespmem:$0x1E960] =	vst v43;
	v43 =	vmax.f32 v60, v32;
	v32 =	vmax.f32 v56, v19;
	v19 =	vperm.xlane v7, v0;
	v7 =	vld [tilespmem:$0x1E880];
	_ =	sdelay $0x1  }
0x58d: {  	[tilespmem:s18+$0x12840] =	vst v51;
	v51 =	vperm.xlane v1, v0;
	v1 =	vld [tilespmem:$0x1E820]  }
0x58e: {  	[tilespmem:s18+$0x12810] =	vst v5;
	v5 =	vld [tilespmem:$0x1E790]  }
0x58f: {  	[tilespmem:s18+$0x12850] =	vst v45;
	v45 =	vmax.f32 v22, v2;
	v2 =	vld [tilespmem:$0x1E8A0]  }
0x590: {  	[tilespmem:s19+$0x12850] =	vst v26;
	v26 =	vperm.xlane v13, v0;
	v13 =	vperm.xlane v7, v0;
	v7 =	vld [tilespmem:$0x1E890];
	_ =	sdelay $0x1  }
0x591: {  	v44 =	vperm.xlane v37, v0  }
0x592: {  	v37 =	vperm.xlane v5, v0;
	v5 =	vperm.xlane v59, v0  }
0x593: {  	v60 =	vperm.xlane v47, v0;
	v47 =	vperm.xlane v1, v0;
	v1 =	vld [tilespmem:$0x1E830]  }
0x594: {  	[tilespmem:s18+$0x12860] =	vst v7;
	v7 =	vperm.xlane v2, v0;
	v2 =	vld [tilespmem:$0x1E8B0]  }
0x595: {  	[tilespmem:s19+$0x12840] =	vst v48;
	v48 =	vmax.f32 v4, v20;
	v4 =	vmax.f32 v5, v12;
	v12 =	vld [tilespmem:$0x1E8E0];
	_ =	sdelay $0x1  }
0x596: {  	v14 =	vperm.xlane v14, v0  }
0x597: {  	[tilespmem:s18+$0x12830] =	vst v52;
	v52 =	vmax.f32 v54, v41;
	v41 =	vperm.xlane v53, v0;
	v53 =	vperm.xlane v1, v0;
	v1 =	vld [tilespmem:$0x1E840]  }
0x598: {  	v22 =	vld [tilespmem:$0x1E8F0];
	v2 =	vperm.xlane v2, v0  }
0x599: {  	[tilespmem:$0x1F160] =	vst v14;
	v14 =	vld [tilespmem:$0x1E970];
	v12 =	vperm.xlane v12, v0  }
0x59a: {  	[tilespmem:s19+$0x12860] =	vst v30;
	v30 =	vmax.f32 v2, v24;
	v24 =	vld [tilespmem:$0x1E920]  }
0x59b: {  	v54 =	vmax.f32 v12, v55;
	v12 =	vld [tilespmem:$0x1E930]  }
0x59c: {  	v5 =	vperm.xlane v1, v0;
	v1 =	vld [tilespmem:$0x1E850]  }
0x59d: {  	v59 =	vmov v22;
	v22 =	vld [tilespmem:$0x1E910]  }
0x59e: {  	v20 =	vperm.xlane v8, v0;
	v8 =	vld [tilespmem:$0x1E8C0]  }
0x59f: {  	[tilespmem:s19+$0x12870] =	vst v27;
	v27 =	vmax.f32 v23, v61;
	v23 =	vmov v24;
	v24 =	vld [tilespmem:$0x1E950]  }
0x5a0: {  	v12 =	vperm.xlane v12, v0;
	v2 =	vld [tilespmem:$0x1E900]  }
0x5a1: {  	v46 =	vmax.f32 v50, v46;
	v50 =	vperm.xlane v1, v0;
	v1 =	vld [tilespmem:$0x1E860]  }
0x5a2: {  	v56 =	vmax.f32 v12, v36;
	v12 =	vld [tilespmem:$0x1F170]  }
0x5a3: {  	[tilespmem:$0x1F0D0] =	vst v23;
	v23 =	vld [tilespmem:$0x1E940]  }
0x5a4: {  	v55 =	vmov v24;
	v24 =	vld [tilespmem:$0x1E960]  }
0x5a5: {  	s21 =	sadd.s32 $0x2, s21;
	[tilespmem:s18+$0x12870] =	vst v8;
	v8 =	vld [tilespmem:$0x1E8D0];
	v2 =	vperm.xlane v2, v0  }
0x5a6: {  	p0 =	slt.u32 s21, $0x3E;
	v37 =	vmax.f32 v37, v21;
	v22 =	vperm.xlane v22, v0;
	v21 =	vperm.xlane v1, v0;
	v1 =	vld [tilespmem:$0x1E870]  }
.Ltmp4:
0x5a7: {  	_ = 	snop;
	(pc) =	sbr.rel @p0 .LBB2_9-.Ltmp4, $4  }
0x5a8: {  	v40 =	vmax.f32 v40, v34;
	v34 =	vmovc v35;
	v35 =	vmax.f32 v22, v17;
	v17 =	vmov v14  }
0x5a9: {  	v14 =	vmax.f32 v2, v16;
	v2 =	vmovc v12;
	v23 =	vperm.xlane v23, v0;
	v24 =	vperm.xlane v24, v0  }
0x5aa: {  	v38 =	vperm.xlane v38, v0;
	v16 =	vld [tilespmem:$0x1E980];
	[tilespmem:$0x1F180] =	vst v2  }
0x5ab: {  	s22 =	sadd.s32 $0xFFFFFFFE, s22;
	s19 =	smov.u32 s24;
	v8 =	vperm.xlane v8, v0;
	s18 =	smov.u32 s23;
	v1 =	vperm.xlane v1, v0;
	v61 =	vmax.f32 v23, v39;
	v23 =	vld [tilespmem:$0x1E990];
	[tilespmem:$0x1F140] =	vst v24  }
0x5ac: {  	v2 =	vld [tilespmem:$0x1EBA0];
	_ =	sdelay $0x4  }
0x5ad: {  	v2 =	vadd.f32 v15, v2;
	_ =	sdelay $0x1  }
0x5ae: {  	v12 =	vld [tilespmem:$0x1EB70];
	[tilespmem:s19+$0x12000] =	vst v2  }
0x5af: {  	v39 =	vld [tilespmem:$0x1EBC0];
	_ =	sdelay $0x3  }
0x5b0: {  	v12 =	vadd.f32 v52, v12  }
0x5b1: {  	v2 =	vadd.f32 v43, v39  }
0x5b2: {  	[tilespmem:s19+$0x12010] =	vst v12  }
0x5b3: {  	[tilespmem:s18+$0x12000] =	vst v2  }
0x5b4: {  	v15 =	vadd.f32 v48, v23;
	v23 =	vld [tilespmem:$0x1EB90];
	_ =	sdelay $0x4  }
0x5b5: {  	v2 =	vadd.f32 v61, v23  }
0x5b6: {  	v12 =	vld [tilespmem:$0x1EC20];
	[tilespmem:s19+$0x12020] =	vst v15  }
0x5b7: {  	[tilespmem:s18+$0x12010] =	vst v2  }
0x5b8: {  	v22 =	vld [tilespmem:$0x1EB60];
	_ =	sdelay $0x3  }
0x5b9: {  	v12 =	vadd.f32 v32, v12  }
0x5ba: {  	v2 =	vadd.f32 v56, v22  }
0x5bb: {  	[tilespmem:s19+$0x12030] =	vst v12  }
0x5bc: {  	[tilespmem:s18+$0x12020] =	vst v2  }
0x5bd: {  	v12 =	vld [tilespmem:$0x1EC40];
	_ =	sdelay $0x3  }
0x5be: {  	v15 =	vadd.f32 v46, v34  }
0x5bf: {  	v2 =	vadd.f32 v35, v12  }
0x5c0: {  	v35 =	vmov v12;
	v12 =	vld [tilespmem:$0x1EBD0];
	[tilespmem:s19+$0x12040] =	vst v15  }
0x5c1: {  	[tilespmem:s18+$0x12030] =	vst v2  }
0x5c2: {  	v24 =	vld [tilespmem:$0x1EC10];
	_ =	sdelay $0x3  }
0x5c3: {  	v4 =	vadd.f32 v4, v12  }
0x5c4: {  	v2 =	vadd.f32 v14, v24  }
0x5c5: {  	v12 =	vld [tilespmem:$0x1ECB0];
	[tilespmem:s19+$0x12050] =	vst v4  }
0x5c6: {  	[tilespmem:s18+$0x12040] =	vst v2  }
0x5c7: {  	v32 =	vld [tilespmem:$0x1EBF0];
	_ =	sdelay $0x3  }
0x5c8: {  	v12 =	vadd.f32 v37, v12  }
0x5c9: {  	v2 =	vadd.f32 v54, v32  }
0x5ca: {  	v56 =	vmax.f32 v8, v57;
	v8 =	vld [tilespmem:$0x1EC80];
	[tilespmem:s19+$0x12060] =	vst v12  }
0x5cb: {  	[tilespmem:s18+$0x12050] =	vst v2  }
0x5cc: {  	v36 =	vld [tilespmem:$0x1ECD0];
	_ =	sdelay $0x3  }
0x5cd: {  	v8 =	vadd.f32 v40, v8  }
0x5ce: {  	v2 =	vadd.f32 v56, v36  }
0x5cf: {  	v57 =	vld [tilespmem:$0x1EC50];
	[tilespmem:s19+$0x12070] =	vst v8  }
0x5d0: {  	[tilespmem:s18+$0x12060] =	vst v2  }
0x5d1: {  	v8 =	vld [tilespmem:$0x1ECA0];
	_ =	sdelay $0x3  }
0x5d2: {  	v4 =	vadd.f32 v45, v57  }
0x5d3: {  	v2 =	vadd.f32 v30, v8  }
0x5d4: {  	v30 =	vmov v8;
	v8 =	vld [tilespmem:$0x1EDB0];
	[tilespmem:s19+$0x12400] =	vst v4  }
0x5d5: {  	[tilespmem:s18+$0x12070] =	vst v2  }
0x5d6: {  	v12 =	vld [tilespmem:$0x1EC70];
	_ =	sdelay $0x3  }
0x5d7: {  	v7 =	vmax.f32 v7, v18;
	v8 =	vadd.f32 v27, v8  }
0x5d8: {  	v2 =	vadd.f32 v7, v12  }
0x5d9: {  	[tilespmem:s19+$0x12410] =	vst v8  }
0x5da: {  	[tilespmem:s18+$0x12400] =	vst v2  }
0x5db: {  	v34 =	vld [tilespmem:$0x1EDD0];
	_ =	sdelay $0x2  }
0x5dc: {  	v3 =	vmax.f32 v3, v9  }
0x5dd: {  	v3 =	vadd.f32 v3, v16;
	v61 =	vmax.f32 v13, v6  }
0x5de: {  	v2 =	vadd.f32 v61, v34  }
0x5df: {  	v40 =	vld [tilespmem:$0x1ECF0];
	[tilespmem:s19+$0x12420] =	vst v3  }
0x5e0: {  	[tilespmem:s18+$0x12410] =	vst v2  }
0x5e1: {  	v37 =	vmax.f32 v29, v11;
	v29 =	vld [tilespmem:$0x1ED60];
	_ =	sdelay $0x3  }
0x5e2: {  	v1 =	vmax.f32 v1, v33;
	v4 =	vadd.f32 v37, v40  }
0x5e3: {  	v1 =	vadd.f32 v1, v29  }
0x5e4: {  	v43 =	vld [tilespmem:$0x1EE90];
	[tilespmem:s19+$0x12430] =	vst v4  }
0x5e5: {  	v4 =	vld [tilespmem:$0x1EAB0];
	[tilespmem:s18+$0x12420] =	vst v1  }
0x5e6: {  	v27 =	vld [tilespmem:$0x1ED10];
	_ =	sdelay $0x2  }
0x5e7: {  	v3 =	vmax.f32 v25, v62  }
0x5e8: {  	v2 =	vmax.f32 v21, v58;
	v3 =	vadd.f32 v3, v43  }
0x5e9: {  	v1 =	vadd.f32 v2, v27  }
0x5ea: {  	v45 =	vld [tilespmem:$0x1EE30];
	[tilespmem:s19+$0x12440] =	vst v3  }
0x5eb: {  	v3 =	vld [tilespmem:$0x1EA90];
	[tilespmem:s18+$0x12430] =	vst v1  }
0x5ec: {  	v37 =	vld [tilespmem:$0x1EEC0];
	_ =	sdelay $0x1  }
0x5ed: {  	v4 =	vmax.f32 v63, v4  }
0x5ee: {  	v4 =	vadd.f32 v4, v45  }
0x5ef: {  	v2 =	vmax.f32 v50, v28;
	v46 =	vld [tilespmem:$0x1EDF0]  }
0x5f0: {  	v1 =	vadd.f32 v2, v37;
	v2 =	vld [tilespmem:$0x1EAD0];
	[tilespmem:s19+$0x12450] =	vst v4  }
0x5f1: {  	v4 =	vld [tilespmem:$0x1EA70];
	_ =	sdelay $0x3  }
0x5f2: {  	[tilespmem:s18+$0x12440] =	vst v1  }
0x5f3: {  	v4 =	vmax.f32 v31, v4;
	v31 =	vld [tilespmem:$0x1EE60];
	_ =	sdelay $0x2  }
0x5f4: {  	v3 =	vmax.f32 v44, v3  }
0x5f5: {  	v3 =	vadd.f32 v3, v46;
	v2 =	vmax.f32 v5, v2  }
0x5f6: {  	v48 =	vld [tilespmem:$0x1EF80];
	v1 =	vadd.f32 v2, v31  }
0x5f7: {  	v2 =	vld [tilespmem:$0x1EAC0];
	[tilespmem:s19+$0x12460] =	vst v3  }
0x5f8: {  	v3 =	vld [tilespmem:$0x1EA50];
	[tilespmem:s18+$0x12450] =	vst v1  }
0x5f9: {  	v28 =	vld [tilespmem:$0x1EE10];
	_ =	sdelay $0x3  }
0x5fa: {  	v4 =	vadd.f32 v4, v48;
	v2 =	vmax.f32 v53, v2  }
0x5fb: {  	v50 =	vld [tilespmem:$0x1EF30];
	v1 =	vadd.f32 v2, v28  }
0x5fc: {  	v2 =	vld [tilespmem:$0x1EAA0];
	[tilespmem:s19+$0x12470] =	vst v4  }
0x5fd: {  	v4 =	vld [tilespmem:$0x1EA40];
	[tilespmem:s18+$0x12460] =	vst v1  }
0x5fe: {  	v3 =	vmax.f32 v42, v3;
	v42 =	vld [tilespmem:$0x1EFA0];
	_ =	sdelay $0x3  }
0x5ff: {  	v2 =	vmax.f32 v47, v2  }
0x600: {  	v1 =	vadd.f32 v2, v42;
	v2 =	vld [tilespmem:$0x1EA80];
	_ =	sdelay $0x2  }
0x601: {  	v3 =	vadd.f32 v3, v50;
	_ =	sdelay $0x1  }
0x602: {  	v2 =	vmax.f32 v51, v2;
	v51 =	vld [tilespmem:$0x1EEE0];
	[tilespmem:s19+$0x12800] =	vst v3  }
0x603: {  	v3 =	vld [tilespmem:$0x1EA10]  }
0x604: {  	v52 =	vld [tilespmem:$0x1EDA0];
	[tilespmem:s18+$0x12470] =	vst v1  }
0x605: {  	v33 =	vld [tilespmem:$0x1EF50];
	_ =	sdelay $0x1  }
0x606: {  	v4 =	vmax.f32 v10, v4  }
0x607: {  	v4 =	vadd.f32 v4, v51  }
0x608: {  	v53 =	vld [tilespmem:$0x1F040]  }
0x609: {  	v1 =	vadd.f32 v2, v33;
	v2 =	vld [tilespmem:$0x1EA60];
	[tilespmem:s19+$0x12810] =	vst v4  }
0x60a: {  	v4 =	vld [tilespmem:$0x1E9F0]  }
0x60b: {  	v54 =	vld [tilespmem:$0x1ED80];
	[tilespmem:s18+$0x12800] =	vst v1  }
0x60c: {  	v10 =	vld [tilespmem:$0x1EF00];
	_ =	sdelay $0x1  }
0x60d: {  	v3 =	vmax.f32 v52, v3  }
0x60e: {  	v3 =	vadd.f32 v3, v53  }
0x60f: {  	v56 =	vld [tilespmem:$0x1EFF0];
	v2 =	vmax.f32 v26, v2  }
0x610: {  	v1 =	vadd.f32 v2, v10;
	v2 =	vld [tilespmem:$0x1EA30];
	[tilespmem:s19+$0x12820] =	vst v3  }
0x611: {  	v3 =	vld [tilespmem:$0x1E9E0]  }
0x612: {  	v57 =	vld [tilespmem:$0x1ED40];
	[tilespmem:s18+$0x12810] =	vst v1  }
0x613: {  	v43 =	vld [tilespmem:$0x1F060];
	_ =	sdelay $0x1  }
0x614: {  	v4 =	vmax.f32 v54, v4  }
0x615: {  	v4 =	vadd.f32 v4, v56  }
0x616: {  	v2 =	vmax.f32 v20, v2  }
0x617: {  	v1 =	vadd.f32 v2, v43;
	v2 =	vld [tilespmem:$0x1EA20];
	[tilespmem:s19+$0x12830] =	vst v4  }
0x618: {  	v4 =	vld [tilespmem:$0x1E9B0]  }
0x619: {  	v58 =	vld [tilespmem:$0x1ED30];
	[tilespmem:s18+$0x12820] =	vst v1  }
0x61a: {  	v40 =	vld [tilespmem:$0x1F010];
	_ =	sdelay $0x1  }
0x61b: {  	v3 =	vmax.f32 v57, v3  }
0x61c: {  	v3 =	vadd.f32 v3, v17  }
0x61d: {  	v2 =	vmax.f32 v41, v2  }
0x61e: {  	v1 =	vadd.f32 v2, v40;
	v2 =	vld [tilespmem:$0x1EA00];
	[tilespmem:s19+$0x12840] =	vst v3  }
0x61f: {  	v62 =	vld [tilespmem:$0x1F180];
	_ =	sdelay $0x2  }
0x620: {  	v4 =	vmax.f32 v58, v4;
	v3 =	vld [tilespmem:$0x1E9A0]  }
0x621: {  	v4 =	vadd.f32 v4, v55;
	v61 =	vld [tilespmem:$0x1ECE0];
	[tilespmem:s18+$0x12830] =	vst v1;
	v2 =	vmax.f32 v19, v2  }
0x622: {  	v1 =	vld [tilespmem:$0x1E9D0];
	v2 =	vadd.f32 v2, v62  }
0x623: {  	v63 =	vld [tilespmem:$0x1F0D0];
	[tilespmem:s19+$0x12850] =	vst v4  }
0x624: {  	[tilespmem:s18+$0x12840] =	vst v2  }
0x625: {  	v41 =	vld [tilespmem:$0x1F120];
	_ =	sdelay $0x2  }
0x626: {  	v3 =	vmax.f32 v61, v3  }
0x627: {  	v1 =	vmax.f32 v38, v1;
	v3 =	vadd.f32 v3, v63;
	v4 =	vld [tilespmem:$0x1F140]  }
0x628: {  	v1 =	vadd.f32 v1, v41  }
0x629: {  	v2 =	vld [tilespmem:$0x1E9C0];
	[tilespmem:s19+$0x12860] =	vst v3  }
0x62a: {  	[tilespmem:s18+$0x12850] =	vst v1  }
0x62b: {  	v19 =	vld [tilespmem:$0x1F0F0]  }
0x62c: {  	v4 =	vadd.f32 v4, v59;
	_ =	sdelay $0x1  }
0x62d: {  	[tilespmem:s19+$0x12870] =	vst v4  }
0x62e: {  	v2 =	vmax.f32 v60, v2;
	v38 =	vld [tilespmem:$0x1F0A0]  }
0x62f: {  	v1 =	vadd.f32 v2, v19;
	v2 =	vld [tilespmem:$0x1F160];
	_ =	sdelay $0x1  }
0x630: {  	s16 =	sadd.s32 $0x1, s16  }
0x631: {  	p0 =	sne.s32 s16, $0x6  }
.Ltmp5:
0x632: {  	_ = 	snop;
	(pc) =	sbr.rel @p0 .LBB2_2-.Ltmp5, $4  }
0x633: {  	v2 =	vadd.f32 v2, v38  }
0x634: {  	[tilespmem:s18+$0x12860] =	vst v1  }
0x635: {  	s17 =	sadd.s32 s5, s17;
	[tilespmem:s18+$0x12870] =	vst v2  }
0x636: {  	[hbm4b:s17+s4] =	stream.linear.scatter [tilespmem:s13], [sflag:$0x4], $0x6000, $0x38;
	v1 =	vld [tilespmem:$0x1F170]  }
0x637: {  	s15 =	sadd.s32 $0x1, s15  }
0x638: {  	_ =	swait.ge [sflag:s14], $0x6000;
	p0 =	sne.s32 s15, s7  }
.Ltmp6:
0x639: {  	[sflag:s14] =	ssyncset.done $0x0;
	(pc) =	sbr.rel @p0 .LBB2_1-.Ltmp6, $4  }
0x63a: {  	[sflag:s14] =	ssyncadd.s32 $0xFFFFA000  }
0x63b: {  	_ =	swait.ge [sflag:s12], $0x6000  }
0x63c: {  	[sflag:s12] =	ssyncset.done $0x0  }
0x63d: {  	[sflag:s12] =	ssyncadd.s32 $0xFFFFA000  }
0x63e: {  	_ =	sfence.sel $0x180000  }
0x63f: {  	[bflag:$0x0] =	sbarrier.arrive $0xFFFF  }
0x640: {  	p0 =	sne.s32 s0, $0x0;
	_ =	strace $0x90000047  }
0x641: {  	s0 =	sadd.s32 @!p0 $0x100000, s1;
	[bflag:$0x2] =	sbarrier.arrive $0xFFFF  }
0x642: {  	[sflag:s0] =	ssyncadd.tile.s32 @!p0 $0x1;
	_ =	shalt  }
.Lfunc_end2:
_tile_overlayer_lowered:
.L_overlay_start_2:
0x643: {  	(tag) =	ssettag $0x2  }
0x644: {  	s0 =	rddreg [dreg:$0x0];
	s2 =	stileid.u32  }
0x645: {  	s1 =	rddreg [dreg:$0x1];
	p0 =	sne.s32 s2, $0x0  }
0x646: {  	s3 =	rddreg [dreg:$0x2];
	[bflag:$0x3] =	sbarrier.arrive $0xFFFF;
	s2 =	simm.s32 @!p0 $0x1C05  }
0x647: {  	[timem:s3], [sflag:s2] =	dma.local @!p0 [hbm:s0], s1  }
0x648: {  	s0 =	simm.s32 @!p0 $0x5  }
0x649: {  	_ =	swait.ge @!p0 [sflag:s0], s1  }
0x64a: {  	s1 =	ssub.s32 @!p0 $0x0, s1;
	[sflag:s0] =	ssyncset.done @!p0 $0x0  }
0x64b: {  	[sflag:s0] =	ssyncadd.s32 @!p0 s1  }
0x64c: {  	[bflag:$0x3] =	sbarrier.arrive $0xFFFF  }
0x64d: {  	_ =	shalt  }

</sc_bundles>
